<compile_context>
chip_gen: v7x
topology: tpu7x:2x2x1
jax: 0.10.2.dev20260603
libtpu: 0.0.44.dev20260713+nightly
codegen_flags: <defaults>
</compile_context>

<pallas_src>
import functools
import jax
import jax.numpy as jnp
from jax import lax
from jax.experimental import pallas as pl
from jax.experimental.pallas import tpu as pltpu
from jax.experimental.pallas import tpu_sc as plsc

_N = 10000
_E = 320000
_NC = 2
_NS = 16
_NW = _NC * _NS
_CH = 128
_CPT = 80
_EPAD = _NW * _CPT * _CH
_PAD = _EPAD - _E
_EROWS = _E // _CH
_AR = 10240
_F32 = jnp.float32

def _deg_body(src_hbm, dst_hbm, zeros_hbm, dparts_hbm, ho, hi, srcst, dstst):
  cid = lax.axis_index("c")
  sid = lax.axis_index("s")
  wid = cid * _NS + sid
  row_base = wid * _CPT

  def z(i, _):
    for j in range(_CH // 16):
      ho[i, pl.ds(j * 16, 16)] = jnp.zeros((16,), _F32)
      hi[i, pl.ds(j * 16, 16)] = jnp.zeros((16,), _F32)
    return _
  lax.fori_loop(0, _AR // 128, z, None)

  pltpu.sync_copy(src_hbm.at[pl.ds(row_base, _CPT)], srcst)
  pltpu.sync_copy(dst_hbm.at[pl.ds(row_base, _CPT)], dstst)

  one = jnp.ones((16,), _F32)

  def body(g, _):
    @pl.when(row_base + g < _EROWS)
    def _real():
      for j in range(_CH // 16):
        iv_s = srcst[g, pl.ds(j * 16, 16)]
        iv_d = dstst[g, pl.ds(j * 16, 16)]
        plsc.addupdate_scatter(
            ho, [lax.shift_right_logical(iv_s, 7),
                 lax.bitwise_and(iv_s, 127)], one)
        plsc.addupdate_scatter(
            hi, [lax.shift_right_logical(iv_d, 7),
                 lax.bitwise_and(iv_d, 127)], one)
    return _
  lax.fori_loop(0, _CPT, body, None)

  pltpu.sync_copy(ho, dparts_hbm.at[wid, 0])
  pltpu.sync_copy(hi, dparts_hbm.at[wid, 1])


def _prop_body(x_hbm, src_hbm, dst_hbm, zeros_hbm,
               parts_hbm,
               acc, srcst, dstst, rows0, rows1, sem0, sem1):
  cid = lax.axis_index("c")
  sid = lax.axis_index("s")
  wid = cid * _NS + sid
  row_base = wid * _CPT

  pltpu.sync_copy(zeros_hbm, rows0)
  for k in range(_AR // (128 * _NS)):
    pltpu.sync_copy(rows0, acc.at[pl.ds((sid + _NS * k) * 128, 128)])
  plsc.subcore_barrier()

  half = _CPT // 2
  for p in range(2):
    base = row_base + p * half

    def real(g):
      return base + g < _EROWS

    pltpu.sync_copy(src_hbm.at[pl.ds(base, half)], srcst)
    pltpu.sync_copy(dst_hbm.at[pl.ds(base, half)], dstst)

    @pl.when(real(0))
    def _pro0():
      pltpu.async_copy(x_hbm.at[srcst.at[0]], rows0, sem0)

    @pl.when(real(1))
    def _pro1():
      pltpu.async_copy(x_hbm.at[srcst.at[1]], rows1, sem1)

    def body(i, _):
      g0 = 2 * i
      g1 = 2 * i + 1

      @pl.when(real(g0))
      def _w0():
        pltpu.make_async_copy(x_hbm.at[srcst.at[g0]], rows0, sem0).wait()
        pltpu.sync_copy(rows0, acc.at[dstst.at[g0]], add=True)

      @pl.when((i < half // 2 - 1) & real(g0 + 2))
      def _n0():
        pltpu.async_copy(x_hbm.at[srcst.at[g0 + 2]], rows0, sem0)

      @pl.when(real(g1))
      def _w1():
        pltpu.make_async_copy(x_hbm.at[srcst.at[g1]], rows1, sem1).wait()
        pltpu.sync_copy(rows1, acc.at[dstst.at[g1]], add=True)

      @pl.when((i < half // 2 - 1) & real(g1 + 2))
      def _n1():
        pltpu.async_copy(x_hbm.at[srcst.at[g1 + 2]], rows1, sem1)

      return _
    lax.fori_loop(0, half // 2, body, None)

  plsc.subcore_barrier()
  for k in range(5):
    h = sid + _NS * k

    @pl.when(h < _N // 128)
    def _copy_full(h=h):
      pltpu.sync_copy(acc.at[pl.ds(h * 128, 128)], rows0)
      pltpu.sync_copy(rows0, parts_hbm.at[cid, pl.ds(h * 128, 128)])

    @pl.when(h == _N // 128)
    def _copy_rem():
      r = (_N // 128) * 128
      pltpu.sync_copy(acc.at[pl.ds(r, _N - r)], rows0.at[pl.ds(0, _N - r)])
      pltpu.sync_copy(rows0.at[pl.ds(0, _N - r)],
                      parts_hbm.at[cid, pl.ds(r, _N - r)])


def _scales_xs_body(dparts_ref, feats_ref, xs_ref, scales_ref):
  d = jnp.sum(dparts_ref[...], axis=0).reshape(2, _AR)
  d_o = d[0, 0:_N]
  d_i = d[1, 0:_N]
  so = lax.rsqrt(jnp.maximum(d_o, 1.0))
  si = lax.rsqrt(jnp.maximum(d_i, 1.0))
  xs_ref[...] = feats_ref[...] * so[:, None]
  scales_ref[...] = jnp.stack([so, si], axis=1)


def _layer1_body(parts_ref, scales_ref, w1_ref, b1_ref, w2_ref,
                 h1_ref, ts_ref):
  si = scales_ref[:, 1:2]
  so = scales_ref[:, 0:1]
  p1 = (parts_ref[0] + parts_ref[1]) * si
  h1 = jnp.maximum(
      jnp.dot(p1, w1_ref[...], preferred_element_type=_F32) + b1_ref[...],
      0.0)
  h1_ref[...] = h1
  t = jnp.dot(h1, w2_ref[...], preferred_element_type=_F32)
  ts_ref[...] = t * so


def _layer2_body(parts_ref, scales_ref, b2_ref, h2_ref):
  si = scales_ref[:, 1:2]
  h2_ref[...] = (parts_ref[0] + parts_ref[1]) * si + b2_ref[...]


@functools.lru_cache(maxsize=1)
def _sc_kernels():
  mesh = plsc.VectorSubcoreMesh(
      core_axis_name="c", subcore_axis_name="s",
      num_cores=_NC, num_subcores=_NS)
  deg_kernel = pl.kernel(
      _deg_body,
      out_type=jax.ShapeDtypeStruct((_NW, 2, _AR // 128, 128), _F32),
      mesh=mesh,
      compiler_params=pltpu.CompilerParams(needs_layout_passes=False),
      scratch_types=[
          pltpu.VMEM((_AR // 128, 128), _F32),
          pltpu.VMEM((_AR // 128, 128), _F32),
          pltpu.VMEM((_CPT, _CH), jnp.int32),
          pltpu.VMEM((_CPT, _CH), jnp.int32),
      ],
  )
  prop_kernel = pl.kernel(
      _prop_body,
      out_type=jax.ShapeDtypeStruct((_NC, _N, 128), _F32),
      mesh=mesh,
      scratch_types=[
          pltpu.VMEM_SHARED((_AR, 128), _F32),
          pltpu.VMEM((_CPT // 2, _CH), jnp.int32),
          pltpu.VMEM((_CPT // 2, _CH), jnp.int32),
          pltpu.VMEM((_CH, 128), _F32),
          pltpu.VMEM((_CH, 128), _F32),
          pltpu.SemaphoreType.DMA,
          pltpu.SemaphoreType.DMA,
      ],
  )
  return deg_kernel, prop_kernel


def kernel(feats, edge_index, W1, b1, W2, b2):
  deg_kernel, prop_kernel = _sc_kernels()
  fill = jnp.full((_PAD,), _N, dtype=jnp.int32)
  src2d = jnp.concatenate([edge_index[0], fill]).reshape(_NW * _CPT, _CH)
  dst2d = jnp.concatenate([edge_index[1], fill]).reshape(_NW * _CPT, _CH)
  zeros128 = jnp.zeros((_CH, 128), dtype=_F32)

  dparts = deg_kernel(src2d, dst2d, zeros128)

  xs, scales = pl.pallas_call(
      _scales_xs_body,
      out_shape=[
          jax.ShapeDtypeStruct((_N, 128), _F32),
          jax.ShapeDtypeStruct((_N, 2), _F32),
      ],
  )(dparts, feats)

  parts1 = prop_kernel(xs, src2d, dst2d, zeros128)

  h1, ts = pl.pallas_call(
      _layer1_body,
      out_shape=[
          jax.ShapeDtypeStruct((_N, 256), _F32),
          jax.ShapeDtypeStruct((_N, 128), _F32),
      ],
  )(parts1, scales, W1, b1, W2)

  parts2 = prop_kernel(ts, src2d, dst2d, zeros128)

  h2 = pl.pallas_call(
      _layer2_body,
      out_shape=jax.ShapeDtypeStruct((_N, 128), _F32),
  )(parts2, scales, b2)

  return (h1, h2)

# --- scband reference (transcript-rebuilt; emitter-appended) ---
"""Pipeline reference for scband-model-14491219657412 (READ-ONLY COPY).

The authoritative reference and input builder live on the scoring server;
editing this copy changes nothing except your own understanding.
"""

import jax, jax.numpy as jnp
import numpy as np

N = 10000
E = 320000
D_IN = 128
D_H = 256
D_OUT = 128


def setup_inputs(seed: int = 0) -> dict:
    key = jax.random.key(seed)
    ks = jax.random.split(key, 6)
    feats = jax.random.normal(ks[0], (N, D_IN), dtype=jnp.float32)
    edge_index = jax.random.randint(ks[1], (2, E), 0, N, dtype=jnp.int32)
    W1 = jax.random.normal(ks[2], (D_IN, D_H), dtype=jnp.float32) * (1.0 / np.sqrt(D_IN))
    b1 = jnp.zeros((D_H,), dtype=jnp.float32)
    W2 = jax.random.normal(ks[3], (D_H, D_OUT), dtype=jnp.float32) * (1.0 / np.sqrt(D_H))
    b2 = jnp.zeros((D_OUT,), dtype=jnp.float32)
    return {"feats": feats, "edge_index": edge_index, "W1": W1, "b1": b1, "W2": W2, "b2": b2}


def _gcn_layer(x, src, dst, W, b, apply_act):
    # DGL GraphConv with norm='both': D_out^{-1/2} on source, sum-aggregate, D_in^{-1/2} on dst
    ones = jnp.ones((src.shape[0],), dtype=jnp.float32)
    deg_out = jax.ops.segment_sum(ones, src, num_segments=N)
    deg_in = jax.ops.segment_sum(ones, dst, num_segments=N)
    h = x @ W
    h = h * jax.lax.rsqrt(jnp.clip(deg_out, 1.0, None))[:, None]
    msg = jnp.take(h, src, axis=0)
    agg = jax.ops.segment_sum(msg, dst, num_segments=N)
    agg = agg * jax.lax.rsqrt(jnp.clip(deg_in, 1.0, None))[:, None]
    out = agg + b
    if apply_act:
        out = jax.nn.relu(out)
    return out


def reference(feats, edge_index, W1, b1, W2, b2):
    # GCN.forward(g, feats): layer0 (GraphConv+relu, dropout=identity in eval),
    # h_list collects intermediate h, final GraphConv without activation.
    src = edge_index[0]
    dst = edge_index[1]
    h1 = _gcn_layer(feats, src, dst, W1, b1, True)
    h = _gcn_layer(h1, src, dst, W2, b2, False)
    return (h1, h)

if __name__ == "__main__":
    import jax
    _d = setup_inputs()
    print(jax.jit(kernel)(*tuple(_d.values())))

</pallas_src>

<mosaic_0001>
#map = affine_map<(d0, d1) -> (0, 0)>
#map1 = affine_map<(d0, d1) -> (0, 0, 0, 0)>
module attributes {stable_mosaic.version = 14 : i64} {
  func.func @_deg_body(%arg0: i32, %arg1: i32, %arg2: memref<2560x128xi32, #tpu.memory_space<hbm>>, %arg3: memref<2560x128xi32, #tpu.memory_space<hbm>>, %arg4: memref<128x128xf32, #tpu.memory_space<hbm>>, %arg5: memref<32x2x80x128xf32, #tpu.memory_space<hbm>>, %arg6: memref<80x128xf32, #tpu.memory_space<vmem>>, %arg7: memref<80x128xf32, #tpu.memory_space<vmem>>, %arg8: memref<80x128xi32, #tpu.memory_space<vmem>>, %arg9: memref<80x128xi32, #tpu.memory_space<vmem>>) attributes {dimension_semantics = [#tpu.dimension_semantics<core_parallel>, #tpu.dimension_semantics<subcore_parallel>], iteration_bounds = array<i64: 2, 16>, scalar_prefetch = 0 : i64, scratch_operands = 4 : i64, tpu.core_type = #tpu.core_type<sc_vector_subcore>, window_params = [{transform_indices = #map}, {transform_indices = #map}, {transform_indices = #map}, {transform_indices = #map1}]} {
    %mul3A = arith.constant 16 : i32
    %mul3A_0 = arith.muli %arg0, %mul3A : i32
    %add3A = arith.addi %mul3A_0, %arg1 : i32
    %mul3A_1 = arith.constant 80 : i32
    %mul3A_2 = arith.muli %add3A, %mul3A_1 : i32
    %scan3A = arith.constant 0 : i32
    %scan3A_3 = arith.constant 80 : i32
    %scan3A_4 = arith.addi %scan3A, %scan3A_3 : i32
    %scan3A_5 = arith.constant 1 : i32
    scf.for %scan3A_14 = %scan3A to %scan3A_4 step %scan3A_5  : i32 {
      %broadcast_in_dim3A_15 = arith.constant 0.000000e+00 : f32
      %broadcast_in_dim3A_16 = vector.broadcast %broadcast_in_dim3A_15 : f32 to vector<16xf32>
      %swap3A = arith.index_cast %scan3A_14 : i32 to index
      %swap3A_17 = arith.constant 0 : index
      %swap3A_18 = tpu.vector_load %arg6[%swap3A, %swap3A_17] {strides = array<i32>} : memref<80x128xf32, #tpu.memory_space<vmem>>, vector<16xf32>,
      tpu.vector_store %arg6[%swap3A, %swap3A_17], %broadcast_in_dim3A_16 {strides = array<i32>} : memref<80x128xf32, #tpu.memory_space<vmem>>, vector<16xf32>,
      %broadcast_in_dim3A_19 = arith.constant 0.000000e+00 : f32
      %broadcast_in_dim3A_20 = vector.broadcast %broadcast_in_dim3A_19 : f32 to vector<16xf32>
      %swap3A_21 = arith.index_cast %scan3A_14 : i32 to index
      %swap3A_22 = arith.constant 0 : index
      %swap3A_23 = tpu.vector_load %arg7[%swap3A_21, %swap3A_22] {strides = array<i32>} : memref<80x128xf32, #tpu.memory_space<vmem>>, vector<16xf32>,
      tpu.vector_store %arg7[%swap3A_21, %swap3A_22], %broadcast_in_dim3A_20 {strides = array<i32>} : memref<80x128xf32, #tpu.memory_space<vmem>>, vector<16xf32>,
      %broadcast_in_dim3A_24 = arith.constant 0.000000e+00 : f32
      %broadcast_in_dim3A_25 = vector.broadcast %broadcast_in_dim3A_24 : f32 to vector<16xf32>
      %swap3A_26 = arith.index_cast %scan3A_14 : i32 to index
      %swap3A_27 = arith.constant 16 : index
      %swap3A_28 = tpu.vector_load %arg6[%swap3A_26, %swap3A_27] {strides = array<i32>} : memref<80x128xf32, #tpu.memory_space<vmem>>, vector<16xf32>,
      tpu.vector_store %arg6[%swap3A_26, %swap3A_27], %broadcast_in_dim3A_25 {strides = array<i32>} : memref<80x128xf32, #tpu.memory_space<vmem>>, vector<16xf32>,
      %broadcast_in_dim3A_29 = arith.constant 0.000000e+00 : f32
      %broadcast_in_dim3A_30 = vector.broadcast %broadcast_in_dim3A_29 : f32 to vector<16xf32>
      %swap3A_31 = arith.index_cast %scan3A_14 : i32 to index
      %swap3A_32 = arith.constant 16 : index
      %swap3A_33 = tpu.vector_load %arg7[%swap3A_31, %swap3A_32] {strides = array<i32>} : memref<80x128xf32, #tpu.memory_space<vmem>>, vector<16xf32>,
      tpu.vector_store %arg7[%swap3A_31, %swap3A_32], %broadcast_in_dim3A_30 {strides = array<i32>} : memref<80x128xf32, #tpu.memory_space<vmem>>, vector<16xf32>,
      %broadcast_in_dim3A_34 = arith.constant 0.000000e+00 : f32
      %broadcast_in_dim3A_35 = vector.broadcast %broadcast_in_dim3A_34 : f32 to vector<16xf32>
      %swap3A_36 = arith.index_cast %scan3A_14 : i32 to index
      %swap3A_37 = arith.constant 32 : index
      %swap3A_38 = tpu.vector_load %arg6[%swap3A_36, %swap3A_37] {strides = array<i32>} : memref<80x128xf32, #tpu.memory_space<vmem>>, vector<16xf32>,
      tpu.vector_store %arg6[%swap3A_36, %swap3A_37], %broadcast_in_dim3A_35 {strides = array<i32>} : memref<80x128xf32, #tpu.memory_space<vmem>>, vector<16xf32>,
      %broadcast_in_dim3A_39 = arith.constant 0.000000e+00 : f32
      %broadcast_in_dim3A_40 = vector.broadcast %broadcast_in_dim3A_39 : f32 to vector<16xf32>
      %swap3A_41 = arith.index_cast %scan3A_14 : i32 to index
      %swap3A_42 = arith.constant 32 : index
      %swap3A_43 = tpu.vector_load %arg7[%swap3A_41, %swap3A_42] {strides = array<i32>} : memref<80x128xf32, #tpu.memory_space<vmem>>, vector<16xf32>,
      tpu.vector_store %arg7[%swap3A_41, %swap3A_42], %broadcast_in_dim3A_40 {strides = array<i32>} : memref<80x128xf32, #tpu.memory_space<vmem>>, vector<16xf32>,
      %broadcast_in_dim3A_44 = arith.constant 0.000000e+00 : f32
      %broadcast_in_dim3A_45 = vector.broadcast %broadcast_in_dim3A_44 : f32 to vector<16xf32>
      %swap3A_46 = arith.index_cast %scan3A_14 : i32 to index
      %swap3A_47 = arith.constant 48 : index
      %swap3A_48 = tpu.vector_load %arg6[%swap3A_46, %swap3A_47] {strides = array<i32>} : memref<80x128xf32, #tpu.memory_space<vmem>>, vector<16xf32>,
      tpu.vector_store %arg6[%swap3A_46, %swap3A_47], %broadcast_in_dim3A_45 {strides = array<i32>} : memref<80x128xf32, #tpu.memory_space<vmem>>, vector<16xf32>,
      %broadcast_in_dim3A_49 = arith.constant 0.000000e+00 : f32
      %broadcast_in_dim3A_50 = vector.broadcast %broadcast_in_dim3A_49 : f32 to vector<16xf32>
      %swap3A_51 = arith.index_cast %scan3A_14 : i32 to index
      %swap3A_52 = arith.constant 48 : index
      %swap3A_53 = tpu.vector_load %arg7[%swap3A_51, %swap3A_52] {strides = array<i32>} : memref<80x128xf32, #tpu.memory_space<vmem>>, vector<16xf32>,
      tpu.vector_store %arg7[%swap3A_51, %swap3A_52], %broadcast_in_dim3A_50 {strides = array<i32>} : memref<80x128xf32, #tpu.memory_space<vmem>>, vector<16xf32>,
      %broadcast_in_dim3A_54 = arith.constant 0.000000e+00 : f32
      %broadcast_in_dim3A_55 = vector.broadcast %broadcast_in_dim3A_54 : f32 to vector<16xf32>
      %swap3A_56 = arith.index_cast %scan3A_14 : i32 to index
      %swap3A_57 = arith.constant 64 : index
      %swap3A_58 = tpu.vector_load %arg6[%swap3A_56, %swap3A_57] {strides = array<i32>} : memref<80x128xf32, #tpu.memory_space<vmem>>, vector<16xf32>,
      tpu.vector_store %arg6[%swap3A_56, %swap3A_57], %broadcast_in_dim3A_55 {strides = array<i32>} : memref<80x128xf32, #tpu.memory_space<vmem>>, vector<16xf32>,
      %broadcast_in_dim3A_59 = arith.constant 0.000000e+00 : f32
      %broadcast_in_dim3A_60 = vector.broadcast %broadcast_in_dim3A_59 : f32 to vector<16xf32>
      %swap3A_61 = arith.index_cast %scan3A_14 : i32 to index
      %swap3A_62 = arith.constant 64 : index
      %swap3A_63 = tpu.vector_load %arg7[%swap3A_61, %swap3A_62] {strides = array<i32>} : memref<80x128xf32, #tpu.memory_space<vmem>>, vector<16xf32>,
      tpu.vector_store %arg7[%swap3A_61, %swap3A_62], %broadcast_in_dim3A_60 {strides = array<i32>} : memref<80x128xf32, #tpu.memory_space<vmem>>, vector<16xf32>,
      %broadcast_in_dim3A_64 = arith.constant 0.000000e+00 : f32
      %broadcast_in_dim3A_65 = vector.broadcast %broadcast_in_dim3A_64 : f32 to vector<16xf32>
      %swap3A_66 = arith.index_cast %scan3A_14 : i32 to index
      %swap3A_67 = arith.constant 80 : index
      %swap3A_68 = tpu.vector_load %arg6[%swap3A_66, %swap3A_67] {strides = array<i32>} : memref<80x128xf32, #tpu.memory_space<vmem>>, vector<16xf32>,
      tpu.vector_store %arg6[%swap3A_66, %swap3A_67], %broadcast_in_dim3A_65 {strides = array<i32>} : memref<80x128xf32, #tpu.memory_space<vmem>>, vector<16xf32>,
      %broadcast_in_dim3A_69 = arith.constant 0.000000e+00 : f32
      %broadcast_in_dim3A_70 = vector.broadcast %broadcast_in_dim3A_69 : f32 to vector<16xf32>
      %swap3A_71 = arith.index_cast %scan3A_14 : i32 to index
      %swap3A_72 = arith.constant 80 : index
      %swap3A_73 = tpu.vector_load %arg7[%swap3A_71, %swap3A_72] {strides = array<i32>} : memref<80x128xf32, #tpu.memory_space<vmem>>, vector<16xf32>,
      tpu.vector_store %arg7[%swap3A_71, %swap3A_72], %broadcast_in_dim3A_70 {strides = array<i32>} : memref<80x128xf32, #tpu.memory_space<vmem>>, vector<16xf32>,
      %broadcast_in_dim3A_74 = arith.constant 0.000000e+00 : f32
      %broadcast_in_dim3A_75 = vector.broadcast %broadcast_in_dim3A_74 : f32 to vector<16xf32>
      %swap3A_76 = arith.index_cast %scan3A_14 : i32 to index
      %swap3A_77 = arith.constant 96 : index
      %swap3A_78 = tpu.vector_load %arg6[%swap3A_76, %swap3A_77] {strides = array<i32>} : memref<80x128xf32, #tpu.memory_space<vmem>>, vector<16xf32>,
      tpu.vector_store %arg6[%swap3A_76, %swap3A_77], %broadcast_in_dim3A_75 {strides = array<i32>} : memref<80x128xf32, #tpu.memory_space<vmem>>, vector<16xf32>,
      %broadcast_in_dim3A_79 = arith.constant 0.000000e+00 : f32
      %broadcast_in_dim3A_80 = vector.broadcast %broadcast_in_dim3A_79 : f32 to vector<16xf32>
      %swap3A_81 = arith.index_cast %scan3A_14 : i32 to index
      %swap3A_82 = arith.constant 96 : index
      %swap3A_83 = tpu.vector_load %arg7[%swap3A_81, %swap3A_82] {strides = array<i32>} : memref<80x128xf32, #tpu.memory_space<vmem>>, vector<16xf32>,
      tpu.vector_store %arg7[%swap3A_81, %swap3A_82], %broadcast_in_dim3A_80 {strides = array<i32>} : memref<80x128xf32, #tpu.memory_space<vmem>>, vector<16xf32>,
      %broadcast_in_dim3A_84 = arith.constant 0.000000e+00 : f32
      %broadcast_in_dim3A_85 = vector.broadcast %broadcast_in_dim3A_84 : f32 to vector<16xf32>
      %swap3A_86 = arith.index_cast %scan3A_14 : i32 to index
      %swap3A_87 = arith.constant 112 : index
      %swap3A_88 = tpu.vector_load %arg6[%swap3A_86, %swap3A_87] {strides = array<i32>} : memref<80x128xf32, #tpu.memory_space<vmem>>, vector<16xf32>,
      tpu.vector_store %arg6[%swap3A_86, %swap3A_87], %broadcast_in_dim3A_85 {strides = array<i32>} : memref<80x128xf32, #tpu.memory_space<vmem>>, vector<16xf32>,
      %broadcast_in_dim3A_89 = arith.constant 0.000000e+00 : f32
      %broadcast_in_dim3A_90 = vector.broadcast %broadcast_in_dim3A_89 : f32 to vector<16xf32>
      %swap3A_91 = arith.index_cast %scan3A_14 : i32 to index
      %swap3A_92 = arith.constant 112 : index
      %swap3A_93 = tpu.vector_load %arg7[%swap3A_91, %swap3A_92] {strides = array<i32>} : memref<80x128xf32, #tpu.memory_space<vmem>>, vector<16xf32>,
      tpu.vector_store %arg7[%swap3A_91, %swap3A_92], %broadcast_in_dim3A_90 {strides = array<i32>} : memref<80x128xf32, #tpu.memory_space<vmem>>, vector<16xf32>,
    }
    %scan3A_6 = arith.constant 80 : i32
    "tpu.region"() ({
      %run_scoped3A_14 = tpu.sem_alloc : memref<!tpu.dma_semaphore, #tpu.memory_space<semaphore_mem>>
      %dma_start3A = arith.constant 0 : i32
      %dma_start3A_15 = tpu.memref_slice %arg2[%mul3A_2, %dma_start3A] : memref<2560x128xi32, #tpu.memory_space<hbm>> -> memref<80x128xi32, #tpu.memory_space<hbm>>
      %dma_start3A_16 = arith.constant 0 : i32
      %dma_start3A_17 = tpu.memref_slice %arg2[%mul3A_2, %dma_start3A_16] : memref<2560x128xi32, #tpu.memory_space<hbm>> -> memref<80x128xi32, #tpu.memory_space<hbm>>
      tpu.enqueue_dma source(%dma_start3A_17 : memref<80x128xi32, #tpu.memory_space<hbm>>) target(%arg8 : memref<80x128xi32, #tpu.memory_space<vmem>>) target_semaphore(%run_scoped3A_14 : memref<!tpu.dma_semaphore, #tpu.memory_space<semaphore_mem>>)
      %dma_wait3A = arith.constant 0 : i32
      %dma_wait3A_18 = tpu.memref_slice %arg2[%mul3A_2, %dma_wait3A] : memref<2560x128xi32, #tpu.memory_space<hbm>> -> memref<80x128xi32, #tpu.memory_space<hbm>>
      %dma_wait3A_19 = arith.constant 0 : i32
      %dma_wait3A_20 = tpu.memref_slice %arg2[%mul3A_2, %dma_wait3A_19] : memref<2560x128xi32, #tpu.memory_space<hbm>> -> memref<80x128xi32, #tpu.memory_space<hbm>>
      tpu.wait_dma2 semaphore(%run_scoped3A_14 : memref<!tpu.dma_semaphore, #tpu.memory_space<semaphore_mem>>) src(%dma_wait3A_20 : memref<80x128xi32, #tpu.memory_space<hbm>>) dst(%arg8 : memref<80x128xi32, #tpu.memory_space<vmem>>)
      tpu.yield
    }) : () -> ()
    "tpu.region"() ({
      %run_scoped3A_14 = tpu.sem_alloc : memref<!tpu.dma_semaphore, #tpu.memory_space<semaphore_mem>>
      %dma_start3A = arith.constant 0 : i32
      %dma_start3A_15 = tpu.memref_slice %arg3[%mul3A_2, %dma_start3A] : memref<2560x128xi32, #tpu.memory_space<hbm>> -> memref<80x128xi32, #tpu.memory_space<hbm>>
      %dma_start3A_16 = arith.constant 0 : i32
      %dma_start3A_17 = tpu.memref_slice %arg3[%mul3A_2, %dma_start3A_16] : memref<2560x128xi32, #tpu.memory_space<hbm>> -> memref<80x128xi32, #tpu.memory_space<hbm>>
      tpu.enqueue_dma source(%dma_start3A_17 : memref<80x128xi32, #tpu.memory_space<hbm>>) target(%arg9 : memref<80x128xi32, #tpu.memory_space<vmem>>) target_semaphore(%run_scoped3A_14 : memref<!tpu.dma_semaphore, #tpu.memory_space<semaphore_mem>>)
      %dma_wait3A = arith.constant 0 : i32
      %dma_wait3A_18 = tpu.memref_slice %arg3[%mul3A_2, %dma_wait3A] : memref<2560x128xi32, #tpu.memory_space<hbm>> -> memref<80x128xi32, #tpu.memory_space<hbm>>
      %dma_wait3A_19 = arith.constant 0 : i32
      %dma_wait3A_20 = tpu.memref_slice %arg3[%mul3A_2, %dma_wait3A_19] : memref<2560x128xi32, #tpu.memory_space<hbm>> -> memref<80x128xi32, #tpu.memory_space<hbm>>
      tpu.wait_dma2 semaphore(%run_scoped3A_14 : memref<!tpu.dma_semaphore, #tpu.memory_space<semaphore_mem>>) src(%dma_wait3A_20 : memref<80x128xi32, #tpu.memory_space<hbm>>) dst(%arg9 : memref<80x128xi32, #tpu.memory_space<vmem>>)
      tpu.yield
    }) : () -> ()
    %broadcast_in_dim3A = arith.constant 1.000000e+00 : f32
    %broadcast_in_dim3A_7 = vector.broadcast %broadcast_in_dim3A : f32 to vector<16xf32>
    %scan3A_8 = arith.constant 0 : i32
    %scan3A_9 = arith.constant 80 : i32
    %scan3A_10 = arith.addi %scan3A_8, %scan3A_9 : i32
    %scan3A_11 = arith.constant 1 : i32
    scf.for %scan3A_14 = %scan3A_8 to %scan3A_10 step %scan3A_11  : i32 {
      %add3A_15 = arith.addi %mul3A_2, %scan3A_14 : i32
      %lt3A = arith.constant 2500 : i32
      %lt3A_16 = arith.cmpi slt, %add3A_15, %lt3A : i32
      %convert_element_type3A = arith.extui %lt3A_16 : i1 to i32
      %cond3A = arith.constant 0 : i32
      %cond3A_17 = arith.cmpi ne, %convert_element_type3A, %cond3A : i32
      scf.if %cond3A_17 {
        %get3A = arith.index_cast %scan3A_14 : i32 to index
        %get3A_18 = arith.constant 0 : index
        %get3A_19 = tpu.vector_load %arg8[%get3A, %get3A_18] {strides = array<i32>} : memref<80x128xi32, #tpu.memory_space<vmem>>, vector<16xi32>,
        %get3A_20 = arith.index_cast %scan3A_14 : i32 to index
        %get3A_21 = arith.constant 0 : index
        %get3A_22 = tpu.vector_load %arg9[%get3A_20, %get3A_21] {strides = array<i32>} : memref<80x128xi32, #tpu.memory_space<vmem>>, vector<16xi32>,
        %shift_right_logical3A = arith.constant 7 : i32
        %shift_right_logical3A_23 = vector.broadcast %shift_right_logical3A : i32 to vector<16xi32>
        %shift_right_logical3A_24 = arith.shrui %get3A_19, %shift_right_logical3A_23 : vector<16xi32>
        %and3A = arith.constant 127 : i32
        %and3A_25 = vector.broadcast %and3A : i32 to vector<16xi32>
        %and3A_26 = arith.andi %get3A_19, %and3A_25 : vector<16xi32>
        tpu.vector_store_idx %arg6[%shift_right_logical3A_24, %and3A_26], %broadcast_in_dim3A_7 {add = true} : memref<80x128xf32, #tpu.memory_space<vmem>>[vector<16xi32>, vector<16xi32>], vector<16xf32>,
        %shift_right_logical3A_27 = arith.constant 7 : i32
        %shift_right_logical3A_28 = vector.broadcast %shift_right_logical3A_27 : i32 to vector<16xi32>
        %shift_right_logical3A_29 = arith.shrui %get3A_22, %shift_right_logical3A_28 : vector<16xi32>
        %and3A_30 = arith.constant 127 : i32
        %and3A_31 = vector.broadcast %and3A_30 : i32 to vector<16xi32>
        %and3A_32 = arith.andi %get3A_22, %and3A_31 : vector<16xi32>
        tpu.vector_store_idx %arg7[%shift_right_logical3A_29, %and3A_32], %broadcast_in_dim3A_7 {add = true} : memref<80x128xf32, #tpu.memory_space<vmem>>[vector<16xi32>, vector<16xi32>], vector<16xf32>,
        %get3A_33 = arith.index_cast %scan3A_14 : i32 to index
        %get3A_34 = arith.constant 16 : index
        %get3A_35 = tpu.vector_load %arg8[%get3A_33, %get3A_34] {strides = array<i32>} : memref<80x128xi32, #tpu.memory_space<vmem>>, vector<16xi32>,
        %get3A_36 = arith.index_cast %scan3A_14 : i32 to index
        %get3A_37 = arith.constant 16 : index
        %get3A_38 = tpu.vector_load %arg9[%get3A_36, %get3A_37] {strides = array<i32>} : memref<80x128xi32, #tpu.memory_space<vmem>>, vector<16xi32>,
        %shift_right_logical3A_39 = arith.constant 7 : i32
        %shift_right_logical3A_40 = vector.broadcast %shift_right_logical3A_39 : i32 to vector<16xi32>
        %shift_right_logical3A_41 = arith.shrui %get3A_35, %shift_right_logical3A_40 : vector<16xi32>
        %and3A_42 = arith.constant 127 : i32
        %and3A_43 = vector.broadcast %and3A_42 : i32 to vector<16xi32>
        %and3A_44 = arith.andi %get3A_35, %and3A_43 : vector<16xi32>
        tpu.vector_store_idx %arg6[%shift_right_logical3A_41, %and3A_44], %broadcast_in_dim3A_7 {add = true} : memref<80x128xf32, #tpu.memory_space<vmem>>[vector<16xi32>, vector<16xi32>], vector<16xf32>,
        %shift_right_logical3A_45 = arith.constant 7 : i32
        %shift_right_logical3A_46 = vector.broadcast %shift_right_logical3A_45 : i32 to vector<16xi32>
        %shift_right_logical3A_47 = arith.shrui %get3A_38, %shift_right_logical3A_46 : vector<16xi32>
        %and3A_48 = arith.constant 127 : i32
        %and3A_49 = vector.broadcast %and3A_48 : i32 to vector<16xi32>
        %and3A_50 = arith.andi %get3A_38, %and3A_49 : vector<16xi32>
        tpu.vector_store_idx %arg7[%shift_right_logical3A_47, %and3A_50], %broadcast_in_dim3A_7 {add = true} : memref<80x128xf32, #tpu.memory_space<vmem>>[vector<16xi32>, vector<16xi32>], vector<16xf32>,
        %get3A_51 = arith.index_cast %scan3A_14 : i32 to index
        %get3A_52 = arith.constant 32 : index
        %get3A_53 = tpu.vector_load %arg8[%get3A_51, %get3A_52] {strides = array<i32>} : memref<80x128xi32, #tpu.memory_space<vmem>>, vector<16xi32>,
        %get3A_54 = arith.index_cast %scan3A_14 : i32 to index
        %get3A_55 = arith.constant 32 : index
        %get3A_56 = tpu.vector_load %arg9[%get3A_54, %get3A_55] {strides = array<i32>} : memref<80x128xi32, #tpu.memory_space<vmem>>, vector<16xi32>,
        %shift_right_logical3A_57 = arith.constant 7 : i32
        %shift_right_logical3A_58 = vector.broadcast %shift_right_logical3A_57 : i32 to vector<16xi32>
        %shift_right_logical3A_59 = arith.shrui %get3A_53, %shift_right_logical3A_58 : vector<16xi32>
        %and3A_60 = arith.constant 127 : i32
        %and3A_61 = vector.broadcast %and3A_60 : i32 to vector<16xi32>
        %and3A_62 = arith.andi %get3A_53, %and3A_61 : vector<16xi32>
        tpu.vector_store_idx %arg6[%shift_right_logical3A_59, %and3A_62], %broadcast_in_dim3A_7 {add = true} : memref<80x128xf32, #tpu.memory_space<vmem>>[vector<16xi32>, vector<16xi32>], vector<16xf32>,
        %shift_right_logical3A_63 = arith.constant 7 : i32
        %shift_right_logical3A_64 = vector.broadcast %shift_right_logical3A_63 : i32 to vector<16xi32>
        %shift_right_logical3A_65 = arith.shrui %get3A_56, %shift_right_logical3A_64 : vector<16xi32>
        %and3A_66 = arith.constant 127 : i32
        %and3A_67 = vector.broadcast %and3A_66 : i32 to vector<16xi32>
        %and3A_68 = arith.andi %get3A_56, %and3A_67 : vector<16xi32>
        tpu.vector_store_idx %arg7[%shift_right_logical3A_65, %and3A_68], %broadcast_in_dim3A_7 {add = true} : memref<80x128xf32, #tpu.memory_space<vmem>>[vector<16xi32>, vector<16xi32>], vector<16xf32>,
        %get3A_69 = arith.index_cast %scan3A_14 : i32 to index
        %get3A_70 = arith.constant 48 : index
        %get3A_71 = tpu.vector_load %arg8[%get3A_69, %get3A_70] {strides = array<i32>} : memref<80x128xi32, #tpu.memory_space<vmem>>, vector<16xi32>,
        %get3A_72 = arith.index_cast %scan3A_14 : i32 to index
        %get3A_73 = arith.constant 48 : index
        %get3A_74 = tpu.vector_load %arg9[%get3A_72, %get3A_73] {strides = array<i32>} : memref<80x128xi32, #tpu.memory_space<vmem>>, vector<16xi32>,
        %shift_right_logical3A_75 = arith.constant 7 : i32
        %shift_right_logical3A_76 = vector.broadcast %shift_right_logical3A_75 : i32 to vector<16xi32>
        %shift_right_logical3A_77 = arith.shrui %get3A_71, %shift_right_logical3A_76 : vector<16xi32>
        %and3A_78 = arith.constant 127 : i32
        %and3A_79 = vector.broadcast %and3A_78 : i32 to vector<16xi32>
        %and3A_80 = arith.andi %get3A_71, %and3A_79 : vector<16xi32>
        tpu.vector_store_idx %arg6[%shift_right_logical3A_77, %and3A_80], %broadcast_in_dim3A_7 {add = true} : memref<80x128xf32, #tpu.memory_space<vmem>>[vector<16xi32>, vector<16xi32>], vector<16xf32>,
        %shift_right_logical3A_81 = arith.constant 7 : i32
        %shift_right_logical3A_82 = vector.broadcast %shift_right_logical3A_81 : i32 to vector<16xi32>
        %shift_right_logical3A_83 = arith.shrui %get3A_74, %shift_right_logical3A_82 : vector<16xi32>
        %and3A_84 = arith.constant 127 : i32
        %and3A_85 = vector.broadcast %and3A_84 : i32 to vector<16xi32>
        %and3A_86 = arith.andi %get3A_74, %and3A_85 : vector<16xi32>
        tpu.vector_store_idx %arg7[%shift_right_logical3A_83, %and3A_86], %broadcast_in_dim3A_7 {add = true} : memref<80x128xf32, #tpu.memory_space<vmem>>[vector<16xi32>, vector<16xi32>], vector<16xf32>,
        %get3A_87 = arith.index_cast %scan3A_14 : i32 to index
        %get3A_88 = arith.constant 64 : index
        %get3A_89 = tpu.vector_load %arg8[%get3A_87, %get3A_88] {strides = array<i32>} : memref<80x128xi32, #tpu.memory_space<vmem>>, vector<16xi32>,
        %get3A_90 = arith.index_cast %scan3A_14 : i32 to index
        %get3A_91 = arith.constant 64 : index
        %get3A_92 = tpu.vector_load %arg9[%get3A_90, %get3A_91] {strides = array<i32>} : memref<80x128xi32, #tpu.memory_space<vmem>>, vector<16xi32>,
        %shift_right_logical3A_93 = arith.constant 7 : i32
        %shift_right_logical3A_94 = vector.broadcast %shift_right_logical3A_93 : i32 to vector<16xi32>
        %shift_right_logical3A_95 = arith.shrui %get3A_89, %shift_right_logical3A_94 : vector<16xi32>
        %and3A_96 = arith.constant 127 : i32
        %and3A_97 = vector.broadcast %and3A_96 : i32 to vector<16xi32>
        %and3A_98 = arith.andi %get3A_89, %and3A_97 : vector<16xi32>
        tpu.vector_store_idx %arg6[%shift_right_logical3A_95, %and3A_98], %broadcast_in_dim3A_7 {add = true} : memref<80x128xf32, #tpu.memory_space<vmem>>[vector<16xi32>, vector<16xi32>], vector<16xf32>,
        %shift_right_logical3A_99 = arith.constant 7 : i32
        %shift_right_logical3A_100 = vector.broadcast %shift_right_logical3A_99 : i32 to vector<16xi32>
        %shift_right_logical3A_101 = arith.shrui %get3A_92, %shift_right_logical3A_100 : vector<16xi32>
        %and3A_102 = arith.constant 127 : i32
        %and3A_103 = vector.broadcast %and3A_102 : i32 to vector<16xi32>
        %and3A_104 = arith.andi %get3A_92, %and3A_103 : vector<16xi32>
        tpu.vector_store_idx %arg7[%shift_right_logical3A_101, %and3A_104], %broadcast_in_dim3A_7 {add = true} : memref<80x128xf32, #tpu.memory_space<vmem>>[vector<16xi32>, vector<16xi32>], vector<16xf32>,
        %get3A_105 = arith.index_cast %scan3A_14 : i32 to index
        %get3A_106 = arith.constant 80 : index
        %get3A_107 = tpu.vector_load %arg8[%get3A_105, %get3A_106] {strides = array<i32>} : memref<80x128xi32, #tpu.memory_space<vmem>>, vector<16xi32>,
        %get3A_108 = arith.index_cast %scan3A_14 : i32 to index
        %get3A_109 = arith.constant 80 : index
        %get3A_110 = tpu.vector_load %arg9[%get3A_108, %get3A_109] {strides = array<i32>} : memref<80x128xi32, #tpu.memory_space<vmem>>, vector<16xi32>,
        %shift_right_logical3A_111 = arith.constant 7 : i32
        %shift_right_logical3A_112 = vector.broadcast %shift_right_logical3A_111 : i32 to vector<16xi32>
        %shift_right_logical3A_113 = arith.shrui %get3A_107, %shift_right_logical3A_112 : vector<16xi32>
        %and3A_114 = arith.constant 127 : i32
        %and3A_115 = vector.broadcast %and3A_114 : i32 to vector<16xi32>
        %and3A_116 = arith.andi %get3A_107, %and3A_115 : vector<16xi32>
        tpu.vector_store_idx %arg6[%shift_right_logical3A_113, %and3A_116], %broadcast_in_dim3A_7 {add = true} : memref<80x128xf32, #tpu.memory_space<vmem>>[vector<16xi32>, vector<16xi32>], vector<16xf32>,
        %shift_right_logical3A_117 = arith.constant 7 : i32
        %shift_right_logical3A_118 = vector.broadcast %shift_right_logical3A_117 : i32 to vector<16xi32>
        %shift_right_logical3A_119 = arith.shrui %get3A_110, %shift_right_logical3A_118 : vector<16xi32>
        %and3A_120 = arith.constant 127 : i32
        %and3A_121 = vector.broadcast %and3A_120 : i32 to vector<16xi32>
        %and3A_122 = arith.andi %get3A_110, %and3A_121 : vector<16xi32>
        tpu.vector_store_idx %arg7[%shift_right_logical3A_119, %and3A_122], %broadcast_in_dim3A_7 {add = true} : memref<80x128xf32, #tpu.memory_space<vmem>>[vector<16xi32>, vector<16xi32>], vector<16xf32>,
        %get3A_123 = arith.index_cast %scan3A_14 : i32 to index
        %get3A_124 = arith.constant 96 : index
        %get3A_125 = tpu.vector_load %arg8[%get3A_123, %get3A_124] {strides = array<i32>} : memref<80x128xi32, #tpu.memory_space<vmem>>, vector<16xi32>,
        %get3A_126 = arith.index_cast %scan3A_14 : i32 to index
        %get3A_127 = arith.constant 96 : index
        %get3A_128 = tpu.vector_load %arg9[%get3A_126, %get3A_127] {strides = array<i32>} : memref<80x128xi32, #tpu.memory_space<vmem>>, vector<16xi32>,
        %shift_right_logical3A_129 = arith.constant 7 : i32
        %shift_right_logical3A_130 = vector.broadcast %shift_right_logical3A_129 : i32 to vector<16xi32>
        %shift_right_logical3A_131 = arith.shrui %get3A_125, %shift_right_logical3A_130 : vector<16xi32>
        %and3A_132 = arith.constant 127 : i32
        %and3A_133 = vector.broadcast %and3A_132 : i32 to vector<16xi32>
        %and3A_134 = arith.andi %get3A_125, %and3A_133 : vector<16xi32>
        tpu.vector_store_idx %arg6[%shift_right_logical3A_131, %and3A_134], %broadcast_in_dim3A_7 {add = true} : memref<80x128xf32, #tpu.memory_space<vmem>>[vector<16xi32>, vector<16xi32>], vector<16xf32>,
        %shift_right_logical3A_135 = arith.constant 7 : i32
        %shift_right_logical3A_136 = vector.broadcast %shift_right_logical3A_135 : i32 to vector<16xi32>
        %shift_right_logical3A_137 = arith.shrui %get3A_128, %shift_right_logical3A_136 : vector<16xi32>
        %and3A_138 = arith.constant 127 : i32
        %and3A_139 = vector.broadcast %and3A_138 : i32 to vector<16xi32>
        %and3A_140 = arith.andi %get3A_128, %and3A_139 : vector<16xi32>
        tpu.vector_store_idx %arg7[%shift_right_logical3A_137, %and3A_140], %broadcast_in_dim3A_7 {add = true} : memref<80x128xf32, #tpu.memory_space<vmem>>[vector<16xi32>, vector<16xi32>], vector<16xf32>,
        %get3A_141 = arith.index_cast %scan3A_14 : i32 to index
        %get3A_142 = arith.constant 112 : index
        %get3A_143 = tpu.vector_load %arg8[%get3A_141, %get3A_142] {strides = array<i32>} : memref<80x128xi32, #tpu.memory_space<vmem>>, vector<16xi32>,
        %get3A_144 = arith.index_cast %scan3A_14 : i32 to index
        %get3A_145 = arith.constant 112 : index
        %get3A_146 = tpu.vector_load %arg9[%get3A_144, %get3A_145] {strides = array<i32>} : memref<80x128xi32, #tpu.memory_space<vmem>>, vector<16xi32>,
        %shift_right_logical3A_147 = arith.constant 7 : i32
        %shift_right_logical3A_148 = vector.broadcast %shift_right_logical3A_147 : i32 to vector<16xi32>
        %shift_right_logical3A_149 = arith.shrui %get3A_143, %shift_right_logical3A_148 : vector<16xi32>
        %and3A_150 = arith.constant 127 : i32
        %and3A_151 = vector.broadcast %and3A_150 : i32 to vector<16xi32>
        %and3A_152 = arith.andi %get3A_143, %and3A_151 : vector<16xi32>
        tpu.vector_store_idx %arg6[%shift_right_logical3A_149, %and3A_152], %broadcast_in_dim3A_7 {add = true} : memref<80x128xf32, #tpu.memory_space<vmem>>[vector<16xi32>, vector<16xi32>], vector<16xf32>,
        %shift_right_logical3A_153 = arith.constant 7 : i32
        %shift_right_logical3A_154 = vector.broadcast %shift_right_logical3A_153 : i32 to vector<16xi32>
        %shift_right_logical3A_155 = arith.shrui %get3A_146, %shift_right_logical3A_154 : vector<16xi32>
        %and3A_156 = arith.constant 127 : i32
        %and3A_157 = vector.broadcast %and3A_156 : i32 to vector<16xi32>
        %and3A_158 = arith.andi %get3A_146, %and3A_157 : vector<16xi32>
        tpu.vector_store_idx %arg7[%shift_right_logical3A_155, %and3A_158], %broadcast_in_dim3A_7 {add = true} : memref<80x128xf32, #tpu.memory_space<vmem>>[vector<16xi32>, vector<16xi32>], vector<16xf32>,
      } else {
      }
    }
    %scan3A_12 = arith.constant 80 : i32
    %run_scoped3A = arith.constant 0 : i32
    "tpu.region"() ({
      %run_scoped3A_14 = tpu.sem_alloc : memref<!tpu.dma_semaphore, #tpu.memory_space<semaphore_mem>>
      %dma_start3A = arith.constant 0 : i32
      %dma_start3A_15 = arith.constant 0 : i32
      %dma_start3A_16 = tpu.memref_slice %arg5[%add3A, %run_scoped3A, %dma_start3A, %dma_start3A_15] : memref<32x2x80x128xf32, #tpu.memory_space<hbm>> -> memref<1x1x80x128xf32, #tpu.memory_space<hbm>>
      %dma_start3A_17 = tpu.memref_squeeze %dma_start3A_16 : memref<1x1x80x128xf32, #tpu.memory_space<hbm>> -> memref<80x128xf32, #tpu.memory_space<hbm>>
      %dma_start3A_18 = arith.constant 0 : i32
      %dma_start3A_19 = arith.constant 0 : i32
      %dma_start3A_20 = tpu.memref_slice %arg5[%add3A, %run_scoped3A, %dma_start3A_18, %dma_start3A_19] : memref<32x2x80x128xf32, #tpu.memory_space<hbm>> -> memref<1x1x80x128xf32, #tpu.memory_space<hbm>>
      %dma_start3A_21 = tpu.memref_squeeze %dma_start3A_20 : memref<1x1x80x128xf32, #tpu.memory_space<hbm>> -> memref<80x128xf32, #tpu.memory_space<hbm>>
      tpu.enqueue_dma source(%arg6 : memref<80x128xf32, #tpu.memory_space<vmem>>) target(%dma_start3A_21 : memref<80x128xf32, #tpu.memory_space<hbm>>) target_semaphore(%run_scoped3A_14 : memref<!tpu.dma_semaphore, #tpu.memory_space<semaphore_mem>>)
      %dma_wait3A = arith.constant 0 : i32
      %dma_wait3A_22 = arith.constant 0 : i32
      %dma_wait3A_23 = tpu.memref_slice %arg5[%add3A, %run_scoped3A, %dma_wait3A, %dma_wait3A_22] : memref<32x2x80x128xf32, #tpu.memory_space<hbm>> -> memref<1x1x80x128xf32, #tpu.memory_space<hbm>>
      %dma_wait3A_24 = tpu.memref_squeeze %dma_wait3A_23 : memref<1x1x80x128xf32, #tpu.memory_space<hbm>> -> memref<80x128xf32, #tpu.memory_space<hbm>>
      %dma_wait3A_25 = arith.constant 0 : i32
      %dma_wait3A_26 = arith.constant 0 : i32
      %dma_wait3A_27 = tpu.memref_slice %arg5[%add3A, %run_scoped3A, %dma_wait3A_25, %dma_wait3A_26] : memref<32x2x80x128xf32, #tpu.memory_space<hbm>> -> memref<1x1x80x128xf32, #tpu.memory_space<hbm>>
      %dma_wait3A_28 = tpu.memref_squeeze %dma_wait3A_27 : memref<1x1x80x128xf32, #tpu.memory_space<hbm>> -> memref<80x128xf32, #tpu.memory_space<hbm>>
      tpu.wait_dma2 semaphore(%run_scoped3A_14 : memref<!tpu.dma_semaphore, #tpu.memory_space<semaphore_mem>>) src(%arg6 : memref<80x128xf32, #tpu.memory_space<vmem>>) dst(%dma_wait3A_28 : memref<80x128xf32, #tpu.memory_space<hbm>>)
      tpu.yield
    }) : () -> ()
    %run_scoped3A_13 = arith.constant 1 : i32
    "tpu.region"() ({
      %run_scoped3A_14 = tpu.sem_alloc : memref<!tpu.dma_semaphore, #tpu.memory_space<semaphore_mem>>
      %dma_start3A = arith.constant 0 : i32
      %dma_start3A_15 = arith.constant 0 : i32
      %dma_start3A_16 = tpu.memref_slice %arg5[%add3A, %run_scoped3A_13, %dma_start3A, %dma_start3A_15] : memref<32x2x80x128xf32, #tpu.memory_space<hbm>> -> memref<1x1x80x128xf32, #tpu.memory_space<hbm>>
      %dma_start3A_17 = tpu.memref_squeeze %dma_start3A_16 : memref<1x1x80x128xf32, #tpu.memory_space<hbm>> -> memref<80x128xf32, #tpu.memory_space<hbm>>
      %dma_start3A_18 = arith.constant 0 : i32
      %dma_start3A_19 = arith.constant 0 : i32
      %dma_start3A_20 = tpu.memref_slice %arg5[%add3A, %run_scoped3A_13, %dma_start3A_18, %dma_start3A_19] : memref<32x2x80x128xf32, #tpu.memory_space<hbm>> -> memref<1x1x80x128xf32, #tpu.memory_space<hbm>>
      %dma_start3A_21 = tpu.memref_squeeze %dma_start3A_20 : memref<1x1x80x128xf32, #tpu.memory_space<hbm>> -> memref<80x128xf32, #tpu.memory_space<hbm>>
      tpu.enqueue_dma source(%arg7 : memref<80x128xf32, #tpu.memory_space<vmem>>) target(%dma_start3A_21 : memref<80x128xf32, #tpu.memory_space<hbm>>) target_semaphore(%run_scoped3A_14 : memref<!tpu.dma_semaphore, #tpu.memory_space<semaphore_mem>>)
      %dma_wait3A = arith.constant 0 : i32
      %dma_wait3A_22 = arith.constant 0 : i32
      %dma_wait3A_23 = tpu.memref_slice %arg5[%add3A, %run_scoped3A_13, %dma_wait3A, %dma_wait3A_22] : memref<32x2x80x128xf32, #tpu.memory_space<hbm>> -> memref<1x1x80x128xf32, #tpu.memory_space<hbm>>
      %dma_wait3A_24 = tpu.memref_squeeze %dma_wait3A_23 : memref<1x1x80x128xf32, #tpu.memory_space<hbm>> -> memref<80x128xf32, #tpu.memory_space<hbm>>
      %dma_wait3A_25 = arith.constant 0 : i32
      %dma_wait3A_26 = arith.constant 0 : i32
      %dma_wait3A_27 = tpu.memref_slice %arg5[%add3A, %run_scoped3A_13, %dma_wait3A_25, %dma_wait3A_26] : memref<32x2x80x128xf32, #tpu.memory_space<hbm>> -> memref<1x1x80x128xf32, #tpu.memory_space<hbm>>
      %dma_wait3A_28 = tpu.memref_squeeze %dma_wait3A_27 : memref<1x1x80x128xf32, #tpu.memory_space<hbm>> -> memref<80x128xf32, #tpu.memory_space<hbm>>
      tpu.wait_dma2 semaphore(%run_scoped3A_14 : memref<!tpu.dma_semaphore, #tpu.memory_space<semaphore_mem>>) src(%arg7 : memref<80x128xf32, #tpu.memory_space<vmem>>) dst(%dma_wait3A_28 : memref<80x128xf32, #tpu.memory_space<hbm>>)
      tpu.yield
    }) : () -> ()
    return
  }
}

#map = affine_map<(d0, d1) -> (0, 0)>
#map1 = affine_map<(d0, d1) -> (0, 0, 0)>
module attributes {stable_mosaic.version = 14 : i64} {
  func.func @_prop_body(%arg0: i32, %arg1: i32, %arg2: memref<10000x128xf32, #tpu.memory_space<hbm>>, %arg3: memref<2560x128xi32, #tpu.memory_space<hbm>>, %arg4: memref<2560x128xi32, #tpu.memory_space<hbm>>, %arg5: memref<128x128xf32, #tpu.memory_space<hbm>>, %arg6: memref<2x10000x128xf32, #tpu.memory_space<hbm>>, %arg7: memref<10240x128xf32, #tpu.memory_space<vmem_shared>>, %arg8: memref<40x128xi32, #tpu.memory_space<vmem>>, %arg9: memref<40x128xi32, #tpu.memory_space<vmem>>, %arg10: memref<128x128xf32, #tpu.memory_space<vmem>>, %arg11: memref<128x128xf32, #tpu.memory_space<vmem>>, %arg12: memref<!tpu.dma_semaphore, #tpu.memory_space<semaphore_mem>>, %arg13: memref<!tpu.dma_semaphore, #tpu.memory_space<semaphore_mem>>) attributes {dimension_semantics = [#tpu.dimension_semantics<core_parallel>, #tpu.dimension_semantics<subcore_parallel>], iteration_bounds = array<i64: 2, 16>, scalar_prefetch = 0 : i64, scratch_operands = 7 : i64, tpu.core_type = #tpu.core_type<sc_vector_subcore>, window_params = [{transform_indices = #map}, {transform_indices = #map}, {transform_indices = #map}, {transform_indices = #map}, {transform_indices = #map1}]} {
    %mul3A = arith.constant 16 : i32
    %mul3A_0 = arith.muli %arg0, %mul3A : i32
    %add3A = arith.addi %mul3A_0, %arg1 : i32
    %mul3A_1 = arith.constant 80 : i32
    %mul3A_2 = arith.muli %add3A, %mul3A_1 : i32
    "tpu.region"() ({
      %run_scoped3A = tpu.sem_alloc : memref<!tpu.dma_semaphore, #tpu.memory_space<semaphore_mem>>
      tpu.enqueue_dma source(%arg5 : memref<128x128xf32, #tpu.memory_space<hbm>>) target(%arg10 : memref<128x128xf32, #tpu.memory_space<vmem>>) target_semaphore(%run_scoped3A : memref<!tpu.dma_semaphore, #tpu.memory_space<semaphore_mem>>)
      tpu.wait_dma2 semaphore(%run_scoped3A : memref<!tpu.dma_semaphore, #tpu.memory_space<semaphore_mem>>) src(%arg5 : memref<128x128xf32, #tpu.memory_space<hbm>>) dst(%arg10 : memref<128x128xf32, #tpu.memory_space<vmem>>)
      tpu.yield
    }) : () -> ()
    %add3A_3 = arith.constant 0 : i32
    %add3A_4 = arith.addi %arg1, %add3A_3 : i32
    %mul3A_5 = arith.constant 128 : i32
    %mul3A_6 = arith.muli %add3A_4, %mul3A_5 : i32
    "tpu.region"() ({
      %run_scoped3A = tpu.sem_alloc : memref<!tpu.dma_semaphore, #tpu.memory_space<semaphore_mem>>
      %dma_start3A = arith.constant 0 : i32
      %dma_start3A_121 = tpu.memref_slice %arg7[%mul3A_6, %dma_start3A] : memref<10240x128xf32, #tpu.memory_space<vmem_shared>> -> memref<128x128xf32, #tpu.memory_space<vmem_shared>>
      %dma_start3A_122 = arith.constant 0 : i32
      %dma_start3A_123 = tpu.memref_slice %arg7[%mul3A_6, %dma_start3A_122] : memref<10240x128xf32, #tpu.memory_space<vmem_shared>> -> memref<128x128xf32, #tpu.memory_space<vmem_shared>>
      tpu.enqueue_dma source(%arg10 : memref<128x128xf32, #tpu.memory_space<vmem>>) target(%dma_start3A_123 : memref<128x128xf32, #tpu.memory_space<vmem_shared>>) target_semaphore(%run_scoped3A : memref<!tpu.dma_semaphore, #tpu.memory_space<semaphore_mem>>)
      %dma_wait3A = arith.constant 0 : i32
      %dma_wait3A_124 = tpu.memref_slice %arg7[%mul3A_6, %dma_wait3A] : memref<10240x128xf32, #tpu.memory_space<vmem_shared>> -> memref<128x128xf32, #tpu.memory_space<vmem_shared>>
      %dma_wait3A_125 = arith.constant 0 : i32
      %dma_wait3A_126 = tpu.memref_slice %arg7[%mul3A_6, %dma_wait3A_125] : memref<10240x128xf32, #tpu.memory_space<vmem_shared>> -> memref<128x128xf32, #tpu.memory_space<vmem_shared>>
      tpu.wait_dma2 semaphore(%run_scoped3A : memref<!tpu.dma_semaphore, #tpu.memory_space<semaphore_mem>>) src(%arg10 : memref<128x128xf32, #tpu.memory_space<vmem>>) dst(%dma_wait3A_126 : memref<128x128xf32, #tpu.memory_space<vmem_shared>>)
      tpu.yield
    }) : () -> ()
    %add3A_7 = arith.constant 16 : i32
    %add3A_8 = arith.addi %arg1, %add3A_7 : i32
    %mul3A_9 = arith.constant 128 : i32
    %mul3A_10 = arith.muli %add3A_8, %mul3A_9 : i32
    "tpu.region"() ({
      %run_scoped3A = tpu.sem_alloc : memref<!tpu.dma_semaphore, #tpu.memory_space<semaphore_mem>>
      %dma_start3A = arith.constant 0 : i32
      %dma_start3A_121 = tpu.memref_slice %arg7[%mul3A_10, %dma_start3A] : memref<10240x128xf32, #tpu.memory_space<vmem_shared>> -> memref<128x128xf32, #tpu.memory_space<vmem_shared>>
      %dma_start3A_122 = arith.constant 0 : i32
      %dma_start3A_123 = tpu.memref_slice %arg7[%mul3A_10, %dma_start3A_122] : memref<10240x128xf32, #tpu.memory_space<vmem_shared>> -> memref<128x128xf32, #tpu.memory_space<vmem_shared>>
      tpu.enqueue_dma source(%arg10 : memref<128x128xf32, #tpu.memory_space<vmem>>) target(%dma_start3A_123 : memref<128x128xf32, #tpu.memory_space<vmem_shared>>) target_semaphore(%run_scoped3A : memref<!tpu.dma_semaphore, #tpu.memory_space<semaphore_mem>>)
      %dma_wait3A = arith.constant 0 : i32
      %dma_wait3A_124 = tpu.memref_slice %arg7[%mul3A_10, %dma_wait3A] : memref<10240x128xf32, #tpu.memory_space<vmem_shared>> -> memref<128x128xf32, #tpu.memory_space<vmem_shared>>
      %dma_wait3A_125 = arith.constant 0 : i32
      %dma_wait3A_126 = tpu.memref_slice %arg7[%mul3A_10, %dma_wait3A_125] : memref<10240x128xf32, #tpu.memory_space<vmem_shared>> -> memref<128x128xf32, #tpu.memory_space<vmem_shared>>
      tpu.wait_dma2 semaphore(%run_scoped3A : memref<!tpu.dma_semaphore, #tpu.memory_space<semaphore_mem>>) src(%arg10 : memref<128x128xf32, #tpu.memory_space<vmem>>) dst(%dma_wait3A_126 : memref<128x128xf32, #tpu.memory_space<vmem_shared>>)
      tpu.yield
    }) : () -> ()
    %add3A_11 = arith.constant 32 : i32
    %add3A_12 = arith.addi %arg1, %add3A_11 : i32
    %mul3A_13 = arith.constant 128 : i32
    %mul3A_14 = arith.muli %add3A_12, %mul3A_13 : i32
    "tpu.region"() ({
      %run_scoped3A = tpu.sem_alloc : memref<!tpu.dma_semaphore, #tpu.memory_space<semaphore_mem>>
      %dma_start3A = arith.constant 0 : i32
      %dma_start3A_121 = tpu.memref_slice %arg7[%mul3A_14, %dma_start3A] : memref<10240x128xf32, #tpu.memory_space<vmem_shared>> -> memref<128x128xf32, #tpu.memory_space<vmem_shared>>
      %dma_start3A_122 = arith.constant 0 : i32
      %dma_start3A_123 = tpu.memref_slice %arg7[%mul3A_14, %dma_start3A_122] : memref<10240x128xf32, #tpu.memory_space<vmem_shared>> -> memref<128x128xf32, #tpu.memory_space<vmem_shared>>
      tpu.enqueue_dma source(%arg10 : memref<128x128xf32, #tpu.memory_space<vmem>>) target(%dma_start3A_123 : memref<128x128xf32, #tpu.memory_space<vmem_shared>>) target_semaphore(%run_scoped3A : memref<!tpu.dma_semaphore, #tpu.memory_space<semaphore_mem>>)
      %dma_wait3A = arith.constant 0 : i32
      %dma_wait3A_124 = tpu.memref_slice %arg7[%mul3A_14, %dma_wait3A] : memref<10240x128xf32, #tpu.memory_space<vmem_shared>> -> memref<128x128xf32, #tpu.memory_space<vmem_shared>>
      %dma_wait3A_125 = arith.constant 0 : i32
      %dma_wait3A_126 = tpu.memref_slice %arg7[%mul3A_14, %dma_wait3A_125] : memref<10240x128xf32, #tpu.memory_space<vmem_shared>> -> memref<128x128xf32, #tpu.memory_space<vmem_shared>>
      tpu.wait_dma2 semaphore(%run_scoped3A : memref<!tpu.dma_semaphore, #tpu.memory_space<semaphore_mem>>) src(%arg10 : memref<128x128xf32, #tpu.memory_space<vmem>>) dst(%dma_wait3A_126 : memref<128x128xf32, #tpu.memory_space<vmem_shared>>)
      tpu.yield
    }) : () -> ()
    %add3A_15 = arith.constant 48 : i32
    %add3A_16 = arith.addi %arg1, %add3A_15 : i32
    %mul3A_17 = arith.constant 128 : i32
    %mul3A_18 = arith.muli %add3A_16, %mul3A_17 : i32
    "tpu.region"() ({
      %run_scoped3A = tpu.sem_alloc : memref<!tpu.dma_semaphore, #tpu.memory_space<semaphore_mem>>
      %dma_start3A = arith.constant 0 : i32
      %dma_start3A_121 = tpu.memref_slice %arg7[%mul3A_18, %dma_start3A] : memref<10240x128xf32, #tpu.memory_space<vmem_shared>> -> memref<128x128xf32, #tpu.memory_space<vmem_shared>>
      %dma_start3A_122 = arith.constant 0 : i32
      %dma_start3A_123 = tpu.memref_slice %arg7[%mul3A_18, %dma_start3A_122] : memref<10240x128xf32, #tpu.memory_space<vmem_shared>> -> memref<128x128xf32, #tpu.memory_space<vmem_shared>>
      tpu.enqueue_dma source(%arg10 : memref<128x128xf32, #tpu.memory_space<vmem>>) target(%dma_start3A_123 : memref<128x128xf32, #tpu.memory_space<vmem_shared>>) target_semaphore(%run_scoped3A : memref<!tpu.dma_semaphore, #tpu.memory_space<semaphore_mem>>)
      %dma_wait3A = arith.constant 0 : i32
      %dma_wait3A_124 = tpu.memref_slice %arg7[%mul3A_18, %dma_wait3A] : memref<10240x128xf32, #tpu.memory_space<vmem_shared>> -> memref<128x128xf32, #tpu.memory_space<vmem_shared>>
      %dma_wait3A_125 = arith.constant 0 : i32
      %dma_wait3A_126 = tpu.memref_slice %arg7[%mul3A_18, %dma_wait3A_125] : memref<10240x128xf32, #tpu.memory_space<vmem_shared>> -> memref<128x128xf32, #tpu.memory_space<vmem_shared>>
      tpu.wait_dma2 semaphore(%run_scoped3A : memref<!tpu.dma_semaphore, #tpu.memory_space<semaphore_mem>>) src(%arg10 : memref<128x128xf32, #tpu.memory_space<vmem>>) dst(%dma_wait3A_126 : memref<128x128xf32, #tpu.memory_space<vmem_shared>>)
      tpu.yield
    }) : () -> ()
    %add3A_19 = arith.constant 64 : i32
    %add3A_20 = arith.addi %arg1, %add3A_19 : i32
    %mul3A_21 = arith.constant 128 : i32
    %mul3A_22 = arith.muli %add3A_20, %mul3A_21 : i32
    "tpu.region"() ({
      %run_scoped3A = tpu.sem_alloc : memref<!tpu.dma_semaphore, #tpu.memory_space<semaphore_mem>>
      %dma_start3A = arith.constant 0 : i32
      %dma_start3A_121 = tpu.memref_slice %arg7[%mul3A_22, %dma_start3A] : memref<10240x128xf32, #tpu.memory_space<vmem_shared>> -> memref<128x128xf32, #tpu.memory_space<vmem_shared>>
      %dma_start3A_122 = arith.constant 0 : i32
      %dma_start3A_123 = tpu.memref_slice %arg7[%mul3A_22, %dma_start3A_122] : memref<10240x128xf32, #tpu.memory_space<vmem_shared>> -> memref<128x128xf32, #tpu.memory_space<vmem_shared>>
      tpu.enqueue_dma source(%arg10 : memref<128x128xf32, #tpu.memory_space<vmem>>) target(%dma_start3A_123 : memref<128x128xf32, #tpu.memory_space<vmem_shared>>) target_semaphore(%run_scoped3A : memref<!tpu.dma_semaphore, #tpu.memory_space<semaphore_mem>>)
      %dma_wait3A = arith.constant 0 : i32
      %dma_wait3A_124 = tpu.memref_slice %arg7[%mul3A_22, %dma_wait3A] : memref<10240x128xf32, #tpu.memory_space<vmem_shared>> -> memref<128x128xf32, #tpu.memory_space<vmem_shared>>
      %dma_wait3A_125 = arith.constant 0 : i32
      %dma_wait3A_126 = tpu.memref_slice %arg7[%mul3A_22, %dma_wait3A_125] : memref<10240x128xf32, #tpu.memory_space<vmem_shared>> -> memref<128x128xf32, #tpu.memory_space<vmem_shared>>
      tpu.wait_dma2 semaphore(%run_scoped3A : memref<!tpu.dma_semaphore, #tpu.memory_space<semaphore_mem>>) src(%arg10 : memref<128x128xf32, #tpu.memory_space<vmem>>) dst(%dma_wait3A_126 : memref<128x128xf32, #tpu.memory_space<vmem_shared>>)
      tpu.yield
    }) : () -> ()
    %barrier3A = arith.constant 0 : index
    tpu.barrier barrier_id(%barrier3A)
    %add3A_23 = arith.constant 0 : i32
    %add3A_24 = arith.addi %mul3A_2, %add3A_23 : i32
    "tpu.region"() ({
      %run_scoped3A = tpu.sem_alloc : memref<!tpu.dma_semaphore, #tpu.memory_space<semaphore_mem>>
      %dma_start3A = arith.constant 0 : i32
      %dma_start3A_121 = tpu.memref_slice %arg3[%add3A_24, %dma_start3A] : memref<2560x128xi32, #tpu.memory_space<hbm>> -> memref<40x128xi32, #tpu.memory_space<hbm>>
      %dma_start3A_122 = arith.constant 0 : i32
      %dma_start3A_123 = tpu.memref_slice %arg3[%add3A_24, %dma_start3A_122] : memref<2560x128xi32, #tpu.memory_space<hbm>> -> memref<40x128xi32, #tpu.memory_space<hbm>>
      tpu.enqueue_dma source(%dma_start3A_123 : memref<40x128xi32, #tpu.memory_space<hbm>>) target(%arg8 : memref<40x128xi32, #tpu.memory_space<vmem>>) target_semaphore(%run_scoped3A : memref<!tpu.dma_semaphore, #tpu.memory_space<semaphore_mem>>)
      %dma_wait3A = arith.constant 0 : i32
      %dma_wait3A_124 = tpu.memref_slice %arg3[%add3A_24, %dma_wait3A] : memref<2560x128xi32, #tpu.memory_space<hbm>> -> memref<40x128xi32, #tpu.memory_space<hbm>>
      %dma_wait3A_125 = arith.constant 0 : i32
      %dma_wait3A_126 = tpu.memref_slice %arg3[%add3A_24, %dma_wait3A_125] : memref<2560x128xi32, #tpu.memory_space<hbm>> -> memref<40x128xi32, #tpu.memory_space<hbm>>
      tpu.wait_dma2 semaphore(%run_scoped3A : memref<!tpu.dma_semaphore, #tpu.memory_space<semaphore_mem>>) src(%dma_wait3A_126 : memref<40x128xi32, #tpu.memory_space<hbm>>) dst(%arg8 : memref<40x128xi32, #tpu.memory_space<vmem>>)
      tpu.yield
    }) : () -> ()
    "tpu.region"() ({
      %run_scoped3A = tpu.sem_alloc : memref<!tpu.dma_semaphore, #tpu.memory_space<semaphore_mem>>
      %dma_start3A = arith.constant 0 : i32
      %dma_start3A_121 = tpu.memref_slice %arg4[%add3A_24, %dma_start3A] : memref<2560x128xi32, #tpu.memory_space<hbm>> -> memref<40x128xi32, #tpu.memory_space<hbm>>
      %dma_start3A_122 = arith.constant 0 : i32
      %dma_start3A_123 = tpu.memref_slice %arg4[%add3A_24, %dma_start3A_122] : memref<2560x128xi32, #tpu.memory_space<hbm>> -> memref<40x128xi32, #tpu.memory_space<hbm>>
      tpu.enqueue_dma source(%dma_start3A_123 : memref<40x128xi32, #tpu.memory_space<hbm>>) target(%arg9 : memref<40x128xi32, #tpu.memory_space<vmem>>) target_semaphore(%run_scoped3A : memref<!tpu.dma_semaphore, #tpu.memory_space<semaphore_mem>>)
      %dma_wait3A = arith.constant 0 : i32
      %dma_wait3A_124 = tpu.memref_slice %arg4[%add3A_24, %dma_wait3A] : memref<2560x128xi32, #tpu.memory_space<hbm>> -> memref<40x128xi32, #tpu.memory_space<hbm>>
      %dma_wait3A_125 = arith.constant 0 : i32
      %dma_wait3A_126 = tpu.memref_slice %arg4[%add3A_24, %dma_wait3A_125] : memref<2560x128xi32, #tpu.memory_space<hbm>> -> memref<40x128xi32, #tpu.memory_space<hbm>>
      tpu.wait_dma2 semaphore(%run_scoped3A : memref<!tpu.dma_semaphore, #tpu.memory_space<semaphore_mem>>) src(%dma_wait3A_126 : memref<40x128xi32, #tpu.memory_space<hbm>>) dst(%arg9 : memref<40x128xi32, #tpu.memory_space<vmem>>)
      tpu.yield
    }) : () -> ()
    %add3A_25 = arith.constant 0 : i32
    %add3A_26 = arith.addi %add3A_24, %add3A_25 : i32
    %lt3A = arith.constant 2500 : i32
    %lt3A_27 = arith.cmpi slt, %add3A_26, %lt3A : i32
    %convert_element_type3A = arith.extui %lt3A_27 : i1 to i32
    %cond3A = arith.constant 0 : i32
    %cond3A_28 = arith.cmpi ne, %convert_element_type3A, %cond3A : i32
    scf.if %cond3A_28 {
      %dma_start3A = arith.constant 0 : i32
      %dma_start3A_121 = arith.constant 0 : i32
      %dma_start3A_122 = tpu.memref_slice %arg8[%dma_start3A, %dma_start3A_121] : memref<40x128xi32, #tpu.memory_space<vmem>> -> memref<1x128xi32, #tpu.memory_space<vmem>>
      %dma_start3A_123 = tpu.memref_squeeze %dma_start3A_122 : memref<1x128xi32, #tpu.memory_space<vmem>> -> memref<128xi32, #tpu.memory_space<vmem>>
      %dma_start3A_124 = arith.constant 0 : i32
      %dma_start3A_125 = arith.constant 0 : i32
      %dma_start3A_126 = tpu.memref_slice %arg2[%dma_start3A_124, %dma_start3A_125] : memref<10000x128xf32, #tpu.memory_space<hbm>> -> memref<10000x128xf32, #tpu.memory_space<hbm>>
      tpu.enqueue_indirect_dma source(%dma_start3A_126 : memref<10000x128xf32, #tpu.memory_space<hbm>>) target(%arg10 : memref<128x128xf32, #tpu.memory_space<vmem>>) offsets(%dma_start3A_123 : memref<128xi32, #tpu.memory_space<vmem>>) semaphore(%arg12 : memref<!tpu.dma_semaphore, #tpu.memory_space<semaphore_mem>>)
    } else {
    }
    %add3A_29 = arith.constant 1 : i32
    %add3A_30 = arith.addi %add3A_24, %add3A_29 : i32
    %lt3A_31 = arith.constant 2500 : i32
    %lt3A_32 = arith.cmpi slt, %add3A_30, %lt3A_31 : i32
    %convert_element_type3A_33 = arith.extui %lt3A_32 : i1 to i32
    %cond3A_34 = arith.constant 0 : i32
    %cond3A_35 = arith.cmpi ne, %convert_element_type3A_33, %cond3A_34 : i32
    scf.if %cond3A_35 {
      %dma_start3A = arith.constant 1 : i32
      %dma_start3A_121 = arith.constant 0 : i32
      %dma_start3A_122 = tpu.memref_slice %arg8[%dma_start3A, %dma_start3A_121] : memref<40x128xi32, #tpu.memory_space<vmem>> -> memref<1x128xi32, #tpu.memory_space<vmem>>
      %dma_start3A_123 = tpu.memref_squeeze %dma_start3A_122 : memref<1x128xi32, #tpu.memory_space<vmem>> -> memref<128xi32, #tpu.memory_space<vmem>>
      %dma_start3A_124 = arith.constant 0 : i32
      %dma_start3A_125 = arith.constant 0 : i32
      %dma_start3A_126 = tpu.memref_slice %arg2[%dma_start3A_124, %dma_start3A_125] : memref<10000x128xf32, #tpu.memory_space<hbm>> -> memref<10000x128xf32, #tpu.memory_space<hbm>>
      tpu.enqueue_indirect_dma source(%dma_start3A_126 : memref<10000x128xf32, #tpu.memory_space<hbm>>) target(%arg11 : memref<128x128xf32, #tpu.memory_space<vmem>>) offsets(%dma_start3A_123 : memref<128xi32, #tpu.memory_space<vmem>>) semaphore(%arg13 : memref<!tpu.dma_semaphore, #tpu.memory_space<semaphore_mem>>)
    } else {
    }
    %scan3A = arith.constant 0 : i32
    %scan3A_36 = arith.constant 20 : i32
    %scan3A_37 = arith.addi %scan3A, %scan3A_36 : i32
    %scan3A_38 = arith.constant 1 : i32
    scf.for %scan3A_121 = %scan3A to %scan3A_37 step %scan3A_38  : i32 {
      %mul3A_122 = arith.constant 2 : i32
      %mul3A_123 = arith.muli %mul3A_122, %scan3A_121 : i32
      %mul3A_124 = arith.constant 2 : i32
      %mul3A_125 = arith.muli %mul3A_124, %scan3A_121 : i32
      %add3A_126 = arith.constant 1 : i32
      %add3A_127 = arith.addi %mul3A_125, %add3A_126 : i32
      %add3A_128 = arith.addi %add3A_24, %mul3A_123 : i32
      %lt3A_129 = arith.constant 2500 : i32
      %lt3A_130 = arith.cmpi slt, %add3A_128, %lt3A_129 : i32
      %convert_element_type3A_131 = arith.extui %lt3A_130 : i1 to i32
      %cond3A_132 = arith.constant 0 : i32
      %cond3A_133 = arith.cmpi ne, %convert_element_type3A_131, %cond3A_132 : i32
      scf.if %cond3A_133 {
        %dma_wait3A = arith.constant 0 : i32
        %dma_wait3A_161 = tpu.memref_slice %arg8[%mul3A_123, %dma_wait3A] : memref<40x128xi32, #tpu.memory_space<vmem>> -> memref<1x128xi32, #tpu.memory_space<vmem>>
        %dma_wait3A_162 = tpu.memref_squeeze %dma_wait3A_161 : memref<1x128xi32, #tpu.memory_space<vmem>> -> memref<128xi32, #tpu.memory_space<vmem>>
        %dma_wait3A_163 = arith.constant 0 : i32
        %dma_wait3A_164 = arith.constant 0 : i32
        %dma_wait3A_165 = tpu.memref_slice %arg2[%dma_wait3A_163, %dma_wait3A_164] : memref<10000x128xf32, #tpu.memory_space<hbm>> -> memref<10000x128xf32, #tpu.memory_space<hbm>>
        tpu.wait_indirect_dma semaphore(%arg12 : memref<!tpu.dma_semaphore, #tpu.memory_space<semaphore_mem>>) src(%dma_wait3A_165 : memref<10000x128xf32, #tpu.memory_space<hbm>>) dst(%arg10 : memref<128x128xf32, #tpu.memory_space<vmem>>)
        "tpu.region"() ({
          %run_scoped3A = tpu.sem_alloc : memref<!tpu.dma_semaphore, #tpu.memory_space<semaphore_mem>>
          %dma_start3A = arith.constant 0 : i32
          %dma_start3A_166 = tpu.memref_slice %arg9[%mul3A_123, %dma_start3A] : memref<40x128xi32, #tpu.memory_space<vmem>> -> memref<1x128xi32, #tpu.memory_space<vmem>>
          %dma_start3A_167 = tpu.memref_squeeze %dma_start3A_166 : memref<1x128xi32, #tpu.memory_space<vmem>> -> memref<128xi32, #tpu.memory_space<vmem>>
          %dma_start3A_168 = arith.constant 0 : i32
          %dma_start3A_169 = arith.constant 0 : i32
          %dma_start3A_170 = tpu.memref_slice %arg7[%dma_start3A_168, %dma_start3A_169] : memref<10240x128xf32, #tpu.memory_space<vmem_shared>> -> memref<10240x128xf32, #tpu.memory_space<vmem_shared>>
          tpu.enqueue_indirect_dma source(%arg10 : memref<128x128xf32, #tpu.memory_space<vmem>>) target(%dma_start3A_170 : memref<10240x128xf32, #tpu.memory_space<vmem_shared>>) offsets(%dma_start3A_167 : memref<128xi32, #tpu.memory_space<vmem>>) semaphore(%run_scoped3A : memref<!tpu.dma_semaphore, #tpu.memory_space<semaphore_mem>>) {add = true}
          %dma_wait3A_171 = arith.constant 0 : i32
          %dma_wait3A_172 = tpu.memref_slice %arg9[%mul3A_123, %dma_wait3A_171] : memref<40x128xi32, #tpu.memory_space<vmem>> -> memref<1x128xi32, #tpu.memory_space<vmem>>
          %dma_wait3A_173 = tpu.memref_squeeze %dma_wait3A_172 : memref<1x128xi32, #tpu.memory_space<vmem>> -> memref<128xi32, #tpu.memory_space<vmem>>
          %dma_wait3A_174 = arith.constant 0 : i32
          %dma_wait3A_175 = arith.constant 0 : i32
          %dma_wait3A_176 = tpu.memref_slice %arg7[%dma_wait3A_174, %dma_wait3A_175] : memref<10240x128xf32, #tpu.memory_space<vmem_shared>> -> memref<10240x128xf32, #tpu.memory_space<vmem_shared>>
          tpu.wait_indirect_dma semaphore(%run_scoped3A : memref<!tpu.dma_semaphore, #tpu.memory_space<semaphore_mem>>) src(%arg10 : memref<128x128xf32, #tpu.memory_space<vmem>>) dst(%dma_wait3A_176 : memref<10240x128xf32, #tpu.memory_space<vmem_shared>>)
          tpu.yield
        }) : () -> ()
      } else {
      }
      %lt3A_134 = arith.constant 19 : i32
      %lt3A_135 = arith.cmpi slt, %scan3A_121, %lt3A_134 : i32
      %add3A_136 = arith.constant 2 : i32
      %add3A_137 = arith.addi %mul3A_123, %add3A_136 : i32
      %add3A_138 = arith.addi %add3A_24, %add3A_137 : i32
      %lt3A_139 = arith.constant 2500 : i32
      %lt3A_140 = arith.cmpi slt, %add3A_138, %lt3A_139 : i32
      %and3A = arith.andi %lt3A_135, %lt3A_140 : i1
      %convert_element_type3A_141 = arith.extui %and3A : i1 to i32
      %cond3A_142 = arith.constant 0 : i32
      %cond3A_143 = arith.cmpi ne, %convert_element_type3A_141, %cond3A_142 : i32
      scf.if %cond3A_143 {
        %add3A_161 = arith.constant 2 : i32
        %add3A_162 = arith.addi %mul3A_123, %add3A_161 : i32
        %dma_start3A = arith.constant 0 : i32
        %dma_start3A_163 = tpu.memref_slice %arg8[%add3A_162, %dma_start3A] : memref<40x128xi32, #tpu.memory_space<vmem>> -> memref<1x128xi32, #tpu.memory_space<vmem>>
        %dma_start3A_164 = tpu.memref_squeeze %dma_start3A_163 : memref<1x128xi32, #tpu.memory_space<vmem>> -> memref<128xi32, #tpu.memory_space<vmem>>
        %dma_start3A_165 = arith.constant 0 : i32
        %dma_start3A_166 = arith.constant 0 : i32
        %dma_start3A_167 = tpu.memref_slice %arg2[%dma_start3A_165, %dma_start3A_166] : memref<10000x128xf32, #tpu.memory_space<hbm>> -> memref<10000x128xf32, #tpu.memory_space<hbm>>
        tpu.enqueue_indirect_dma source(%dma_start3A_167 : memref<10000x128xf32, #tpu.memory_space<hbm>>) target(%arg10 : memref<128x128xf32, #tpu.memory_space<vmem>>) offsets(%dma_start3A_164 : memref<128xi32, #tpu.memory_space<vmem>>) semaphore(%arg12 : memref<!tpu.dma_semaphore, #tpu.memory_space<semaphore_mem>>)
      } else {
      }
      %add3A_144 = arith.addi %add3A_24, %add3A_127 : i32
      %lt3A_145 = arith.constant 2500 : i32
      %lt3A_146 = arith.cmpi slt, %add3A_144, %lt3A_145 : i32
      %convert_element_type3A_147 = arith.extui %lt3A_146 : i1 to i32
      %cond3A_148 = arith.constant 0 : i32
      %cond3A_149 = arith.cmpi ne, %convert_element_type3A_147, %cond3A_148 : i32
      scf.if %cond3A_149 {
        %dma_wait3A = arith.constant 0 : i32
        %dma_wait3A_161 = tpu.memref_slice %arg8[%add3A_127, %dma_wait3A] : memref<40x128xi32, #tpu.memory_space<vmem>> -> memref<1x128xi32, #tpu.memory_space<vmem>>
        %dma_wait3A_162 = tpu.memref_squeeze %dma_wait3A_161 : memref<1x128xi32, #tpu.memory_space<vmem>> -> memref<128xi32, #tpu.memory_space<vmem>>
        %dma_wait3A_163 = arith.constant 0 : i32
        %dma_wait3A_164 = arith.constant 0 : i32
        %dma_wait3A_165 = tpu.memref_slice %arg2[%dma_wait3A_163, %dma_wait3A_164] : memref<10000x128xf32, #tpu.memory_space<hbm>> -> memref<10000x128xf32, #tpu.memory_space<hbm>>
        tpu.wait_indirect_dma semaphore(%arg13 : memref<!tpu.dma_semaphore, #tpu.memory_space<semaphore_mem>>) src(%dma_wait3A_165 : memref<10000x128xf32, #tpu.memory_space<hbm>>) dst(%arg11 : memref<128x128xf32, #tpu.memory_space<vmem>>)
        "tpu.region"() ({
          %run_scoped3A = tpu.sem_alloc : memref<!tpu.dma_semaphore, #tpu.memory_space<semaphore_mem>>
          %dma_start3A = arith.constant 0 : i32
          %dma_start3A_166 = tpu.memref_slice %arg9[%add3A_127, %dma_start3A] : memref<40x128xi32, #tpu.memory_space<vmem>> -> memref<1x128xi32, #tpu.memory_space<vmem>>
          %dma_start3A_167 = tpu.memref_squeeze %dma_start3A_166 : memref<1x128xi32, #tpu.memory_space<vmem>> -> memref<128xi32, #tpu.memory_space<vmem>>
          %dma_start3A_168 = arith.constant 0 : i32
          %dma_start3A_169 = arith.constant 0 : i32
          %dma_start3A_170 = tpu.memref_slice %arg7[%dma_start3A_168, %dma_start3A_169] : memref<10240x128xf32, #tpu.memory_space<vmem_shared>> -> memref<10240x128xf32, #tpu.memory_space<vmem_shared>>
          tpu.enqueue_indirect_dma source(%arg11 : memref<128x128xf32, #tpu.memory_space<vmem>>) target(%dma_start3A_170 : memref<10240x128xf32, #tpu.memory_space<vmem_shared>>) offsets(%dma_start3A_167 : memref<128xi32, #tpu.memory_space<vmem>>) semaphore(%run_scoped3A : memref<!tpu.dma_semaphore, #tpu.memory_space<semaphore_mem>>) {add = true}
          %dma_wait3A_171 = arith.constant 0 : i32
          %dma_wait3A_172 = tpu.memref_slice %arg9[%add3A_127, %dma_wait3A_171] : memref<40x128xi32, #tpu.memory_space<vmem>> -> memref<1x128xi32, #tpu.memory_space<vmem>>
          %dma_wait3A_173 = tpu.memref_squeeze %dma_wait3A_172 : memref<1x128xi32, #tpu.memory_space<vmem>> -> memref<128xi32, #tpu.memory_space<vmem>>
          %dma_wait3A_174 = arith.constant 0 : i32
          %dma_wait3A_175 = arith.constant 0 : i32
          %dma_wait3A_176 = tpu.memref_slice %arg7[%dma_wait3A_174, %dma_wait3A_175] : memref<10240x128xf32, #tpu.memory_space<vmem_shared>> -> memref<10240x128xf32, #tpu.memory_space<vmem_shared>>
          tpu.wait_indirect_dma semaphore(%run_scoped3A : memref<!tpu.dma_semaphore, #tpu.memory_space<semaphore_mem>>) src(%arg11 : memref<128x128xf32, #tpu.memory_space<vmem>>) dst(%dma_wait3A_176 : memref<10240x128xf32, #tpu.memory_space<vmem_shared>>)
          tpu.yield
        }) : () -> ()
      } else {
      }
      %lt3A_150 = arith.constant 19 : i32
      %lt3A_151 = arith.cmpi slt, %scan3A_121, %lt3A_150 : i32
      %add3A_152 = arith.constant 2 : i32
      %add3A_153 = arith.addi %add3A_127, %add3A_152 : i32
      %add3A_154 = arith.addi %add3A_24, %add3A_153 : i32
      %lt3A_155 = arith.constant 2500 : i32
      %lt3A_156 = arith.cmpi slt, %add3A_154, %lt3A_155 : i32
      %and3A_157 = arith.andi %lt3A_151, %lt3A_156 : i1
      %convert_element_type3A_158 = arith.extui %and3A_157 : i1 to i32
      %cond3A_159 = arith.constant 0 : i32
      %cond3A_160 = arith.cmpi ne, %convert_element_type3A_158, %cond3A_159 : i32
      scf.if %cond3A_160 {
        %add3A_161 = arith.constant 2 : i32
        %add3A_162 = arith.addi %add3A_127, %add3A_161 : i32
        %dma_start3A = arith.constant 0 : i32
        %dma_start3A_163 = tpu.memref_slice %arg8[%add3A_162, %dma_start3A] : memref<40x128xi32, #tpu.memory_space<vmem>> -> memref<1x128xi32, #tpu.memory_space<vmem>>
        %dma_start3A_164 = tpu.memref_squeeze %dma_start3A_163 : memref<1x128xi32, #tpu.memory_space<vmem>> -> memref<128xi32, #tpu.memory_space<vmem>>
        %dma_start3A_165 = arith.constant 0 : i32
        %dma_start3A_166 = arith.constant 0 : i32
        %dma_start3A_167 = tpu.memref_slice %arg2[%dma_start3A_165, %dma_start3A_166] : memref<10000x128xf32, #tpu.memory_space<hbm>> -> memref<10000x128xf32, #tpu.memory_space<hbm>>
        tpu.enqueue_indirect_dma source(%dma_start3A_167 : memref<10000x128xf32, #tpu.memory_space<hbm>>) target(%arg11 : memref<128x128xf32, #tpu.memory_space<vmem>>) offsets(%dma_start3A_164 : memref<128xi32, #tpu.memory_space<vmem>>) semaphore(%arg13 : memref<!tpu.dma_semaphore, #tpu.memory_space<semaphore_mem>>)
      } else {
      }
    }
    %scan3A_39 = arith.constant 20 : i32
    %add3A_40 = arith.constant 40 : i32
    %add3A_41 = arith.addi %mul3A_2, %add3A_40 : i32
    "tpu.region"() ({
      %run_scoped3A = tpu.sem_alloc : memref<!tpu.dma_semaphore, #tpu.memory_space<semaphore_mem>>
      %dma_start3A = arith.constant 0 : i32
      %dma_start3A_121 = tpu.memref_slice %arg3[%add3A_41, %dma_start3A] : memref<2560x128xi32, #tpu.memory_space<hbm>> -> memref<40x128xi32, #tpu.memory_space<hbm>>
      %dma_start3A_122 = arith.constant 0 : i32
      %dma_start3A_123 = tpu.memref_slice %arg3[%add3A_41, %dma_start3A_122] : memref<2560x128xi32, #tpu.memory_space<hbm>> -> memref<40x128xi32, #tpu.memory_space<hbm>>
      tpu.enqueue_dma source(%dma_start3A_123 : memref<40x128xi32, #tpu.memory_space<hbm>>) target(%arg8 : memref<40x128xi32, #tpu.memory_space<vmem>>) target_semaphore(%run_scoped3A : memref<!tpu.dma_semaphore, #tpu.memory_space<semaphore_mem>>)
      %dma_wait3A = arith.constant 0 : i32
      %dma_wait3A_124 = tpu.memref_slice %arg3[%add3A_41, %dma_wait3A] : memref<2560x128xi32, #tpu.memory_space<hbm>> -> memref<40x128xi32, #tpu.memory_space<hbm>>
      %dma_wait3A_125 = arith.constant 0 : i32
      %dma_wait3A_126 = tpu.memref_slice %arg3[%add3A_41, %dma_wait3A_125] : memref<2560x128xi32, #tpu.memory_space<hbm>> -> memref<40x128xi32, #tpu.memory_space<hbm>>
      tpu.wait_dma2 semaphore(%run_scoped3A : memref<!tpu.dma_semaphore, #tpu.memory_space<semaphore_mem>>) src(%dma_wait3A_126 : memref<40x128xi32, #tpu.memory_space<hbm>>) dst(%arg8 : memref<40x128xi32, #tpu.memory_space<vmem>>)
      tpu.yield
    }) : () -> ()
    "tpu.region"() ({
      %run_scoped3A = tpu.sem_alloc : memref<!tpu.dma_semaphore, #tpu.memory_space<semaphore_mem>>
      %dma_start3A = arith.constant 0 : i32
      %dma_start3A_121 = tpu.memref_slice %arg4[%add3A_41, %dma_start3A] : memref<2560x128xi32, #tpu.memory_space<hbm>> -> memref<40x128xi32, #tpu.memory_space<hbm>>
      %dma_start3A_122 = arith.constant 0 : i32
      %dma_start3A_123 = tpu.memref_slice %arg4[%add3A_41, %dma_start3A_122] : memref<2560x128xi32, #tpu.memory_space<hbm>> -> memref<40x128xi32, #tpu.memory_space<hbm>>
      tpu.enqueue_dma source(%dma_start3A_123 : memref<40x128xi32, #tpu.memory_space<hbm>>) target(%arg9 : memref<40x128xi32, #tpu.memory_space<vmem>>) target_semaphore(%run_scoped3A : memref<!tpu.dma_semaphore, #tpu.memory_space<semaphore_mem>>)
      %dma_wait3A = arith.constant 0 : i32
      %dma_wait3A_124 = tpu.memref_slice %arg4[%add3A_41, %dma_wait3A] : memref<2560x128xi32, #tpu.memory_space<hbm>> -> memref<40x128xi32, #tpu.memory_space<hbm>>
      %dma_wait3A_125 = arith.constant 0 : i32
      %dma_wait3A_126 = tpu.memref_slice %arg4[%add3A_41, %dma_wait3A_125] : memref<2560x128xi32, #tpu.memory_space<hbm>> -> memref<40x128xi32, #tpu.memory_space<hbm>>
      tpu.wait_dma2 semaphore(%run_scoped3A : memref<!tpu.dma_semaphore, #tpu.memory_space<semaphore_mem>>) src(%dma_wait3A_126 : memref<40x128xi32, #tpu.memory_space<hbm>>) dst(%arg9 : memref<40x128xi32, #tpu.memory_space<vmem>>)
      tpu.yield
    }) : () -> ()
    %add3A_42 = arith.constant 0 : i32
    %add3A_43 = arith.addi %add3A_41, %add3A_42 : i32
    %lt3A_44 = arith.constant 2500 : i32
    %lt3A_45 = arith.cmpi slt, %add3A_43, %lt3A_44 : i32
    %convert_element_type3A_46 = arith.extui %lt3A_45 : i1 to i32
    %cond3A_47 = arith.constant 0 : i32
    %cond3A_48 = arith.cmpi ne, %convert_element_type3A_46, %cond3A_47 : i32
    scf.if %cond3A_48 {
      %dma_start3A = arith.constant 0 : i32
      %dma_start3A_121 = arith.constant 0 : i32
      %dma_start3A_122 = tpu.memref_slice %arg8[%dma_start3A, %dma_start3A_121] : memref<40x128xi32, #tpu.memory_space<vmem>> -> memref<1x128xi32, #tpu.memory_space<vmem>>
      %dma_start3A_123 = tpu.memref_squeeze %dma_start3A_122 : memref<1x128xi32, #tpu.memory_space<vmem>> -> memref<128xi32, #tpu.memory_space<vmem>>
      %dma_start3A_124 = arith.constant 0 : i32
      %dma_start3A_125 = arith.constant 0 : i32
      %dma_start3A_126 = tpu.memref_slice %arg2[%dma_start3A_124, %dma_start3A_125] : memref<10000x128xf32, #tpu.memory_space<hbm>> -> memref<10000x128xf32, #tpu.memory_space<hbm>>
      tpu.enqueue_indirect_dma source(%dma_start3A_126 : memref<10000x128xf32, #tpu.memory_space<hbm>>) target(%arg10 : memref<128x128xf32, #tpu.memory_space<vmem>>) offsets(%dma_start3A_123 : memref<128xi32, #tpu.memory_space<vmem>>) semaphore(%arg12 : memref<!tpu.dma_semaphore, #tpu.memory_space<semaphore_mem>>)
    } else {
    }
    %add3A_49 = arith.constant 1 : i32
    %add3A_50 = arith.addi %add3A_41, %add3A_49 : i32
    %lt3A_51 = arith.constant 2500 : i32
    %lt3A_52 = arith.cmpi slt, %add3A_50, %lt3A_51 : i32
    %convert_element_type3A_53 = arith.extui %lt3A_52 : i1 to i32
    %cond3A_54 = arith.constant 0 : i32
    %cond3A_55 = arith.cmpi ne, %convert_element_type3A_53, %cond3A_54 : i32
    scf.if %cond3A_55 {
      %dma_start3A = arith.constant 1 : i32
      %dma_start3A_121 = arith.constant 0 : i32
      %dma_start3A_122 = tpu.memref_slice %arg8[%dma_start3A, %dma_start3A_121] : memref<40x128xi32, #tpu.memory_space<vmem>> -> memref<1x128xi32, #tpu.memory_space<vmem>>
      %dma_start3A_123 = tpu.memref_squeeze %dma_start3A_122 : memref<1x128xi32, #tpu.memory_space<vmem>> -> memref<128xi32, #tpu.memory_space<vmem>>
      %dma_start3A_124 = arith.constant 0 : i32
      %dma_start3A_125 = arith.constant 0 : i32
      %dma_start3A_126 = tpu.memref_slice %arg2[%dma_start3A_124, %dma_start3A_125] : memref<10000x128xf32, #tpu.memory_space<hbm>> -> memref<10000x128xf32, #tpu.memory_space<hbm>>
      tpu.enqueue_indirect_dma source(%dma_start3A_126 : memref<10000x128xf32, #tpu.memory_space<hbm>>) target(%arg11 : memref<128x128xf32, #tpu.memory_space<vmem>>) offsets(%dma_start3A_123 : memref<128xi32, #tpu.memory_space<vmem>>) semaphore(%arg13 : memref<!tpu.dma_semaphore, #tpu.memory_space<semaphore_mem>>)
    } else {
    }
    %scan3A_56 = arith.constant 0 : i32
    %scan3A_57 = arith.constant 20 : i32
    %scan3A_58 = arith.addi %scan3A_56, %scan3A_57 : i32
    %scan3A_59 = arith.constant 1 : i32
    scf.for %scan3A_121 = %scan3A_56 to %scan3A_58 step %scan3A_59  : i32 {
      %mul3A_122 = arith.constant 2 : i32
      %mul3A_123 = arith.muli %mul3A_122, %scan3A_121 : i32
      %mul3A_124 = arith.constant 2 : i32
      %mul3A_125 = arith.muli %mul3A_124, %scan3A_121 : i32
      %add3A_126 = arith.constant 1 : i32
      %add3A_127 = arith.addi %mul3A_125, %add3A_126 : i32
      %add3A_128 = arith.addi %add3A_41, %mul3A_123 : i32
      %lt3A_129 = arith.constant 2500 : i32
      %lt3A_130 = arith.cmpi slt, %add3A_128, %lt3A_129 : i32
      %convert_element_type3A_131 = arith.extui %lt3A_130 : i1 to i32
      %cond3A_132 = arith.constant 0 : i32
      %cond3A_133 = arith.cmpi ne, %convert_element_type3A_131, %cond3A_132 : i32
      scf.if %cond3A_133 {
        %dma_wait3A = arith.constant 0 : i32
        %dma_wait3A_161 = tpu.memref_slice %arg8[%mul3A_123, %dma_wait3A] : memref<40x128xi32, #tpu.memory_space<vmem>> -> memref<1x128xi32, #tpu.memory_space<vmem>>
        %dma_wait3A_162 = tpu.memref_squeeze %dma_wait3A_161 : memref<1x128xi32, #tpu.memory_space<vmem>> -> memref<128xi32, #tpu.memory_space<vmem>>
        %dma_wait3A_163 = arith.constant 0 : i32
        %dma_wait3A_164 = arith.constant 0 : i32
        %dma_wait3A_165 = tpu.memref_slice %arg2[%dma_wait3A_163, %dma_wait3A_164] : memref<10000x128xf32, #tpu.memory_space<hbm>> -> memref<10000x128xf32, #tpu.memory_space<hbm>>
        tpu.wait_indirect_dma semaphore(%arg12 : memref<!tpu.dma_semaphore, #tpu.memory_space<semaphore_mem>>) src(%dma_wait3A_165 : memref<10000x128xf32, #tpu.memory_space<hbm>>) dst(%arg10 : memref<128x128xf32, #tpu.memory_space<vmem>>)
        "tpu.region"() ({
          %run_scoped3A = tpu.sem_alloc : memref<!tpu.dma_semaphore, #tpu.memory_space<semaphore_mem>>
          %dma_start3A = arith.constant 0 : i32
          %dma_start3A_166 = tpu.memref_slice %arg9[%mul3A_123, %dma_start3A] : memref<40x128xi32, #tpu.memory_space<vmem>> -> memref<1x128xi32, #tpu.memory_space<vmem>>
          %dma_start3A_167 = tpu.memref_squeeze %dma_start3A_166 : memref<1x128xi32, #tpu.memory_space<vmem>> -> memref<128xi32, #tpu.memory_space<vmem>>
          %dma_start3A_168 = arith.constant 0 : i32
          %dma_start3A_169 = arith.constant 0 : i32
          %dma_start3A_170 = tpu.memref_slice %arg7[%dma_start3A_168, %dma_start3A_169] : memref<10240x128xf32, #tpu.memory_space<vmem_shared>> -> memref<10240x128xf32, #tpu.memory_space<vmem_shared>>
          tpu.enqueue_indirect_dma source(%arg10 : memref<128x128xf32, #tpu.memory_space<vmem>>) target(%dma_start3A_170 : memref<10240x128xf32, #tpu.memory_space<vmem_shared>>) offsets(%dma_start3A_167 : memref<128xi32, #tpu.memory_space<vmem>>) semaphore(%run_scoped3A : memref<!tpu.dma_semaphore, #tpu.memory_space<semaphore_mem>>) {add = true}
          %dma_wait3A_171 = arith.constant 0 : i32
          %dma_wait3A_172 = tpu.memref_slice %arg9[%mul3A_123, %dma_wait3A_171] : memref<40x128xi32, #tpu.memory_space<vmem>> -> memref<1x128xi32, #tpu.memory_space<vmem>>
          %dma_wait3A_173 = tpu.memref_squeeze %dma_wait3A_172 : memref<1x128xi32, #tpu.memory_space<vmem>> -> memref<128xi32, #tpu.memory_space<vmem>>
          %dma_wait3A_174 = arith.constant 0 : i32
          %dma_wait3A_175 = arith.constant 0 : i32
          %dma_wait3A_176 = tpu.memref_slice %arg7[%dma_wait3A_174, %dma_wait3A_175] : memref<10240x128xf32, #tpu.memory_space<vmem_shared>> -> memref<10240x128xf32, #tpu.memory_space<vmem_shared>>
          tpu.wait_indirect_dma semaphore(%run_scoped3A : memref<!tpu.dma_semaphore, #tpu.memory_space<semaphore_mem>>) src(%arg10 : memref<128x128xf32, #tpu.memory_space<vmem>>) dst(%dma_wait3A_176 : memref<10240x128xf32, #tpu.memory_space<vmem_shared>>)
          tpu.yield
        }) : () -> ()
      } else {
      }
      %lt3A_134 = arith.constant 19 : i32
      %lt3A_135 = arith.cmpi slt, %scan3A_121, %lt3A_134 : i32
      %add3A_136 = arith.constant 2 : i32
      %add3A_137 = arith.addi %mul3A_123, %add3A_136 : i32
      %add3A_138 = arith.addi %add3A_41, %add3A_137 : i32
      %lt3A_139 = arith.constant 2500 : i32
      %lt3A_140 = arith.cmpi slt, %add3A_138, %lt3A_139 : i32
      %and3A = arith.andi %lt3A_135, %lt3A_140 : i1
      %convert_element_type3A_141 = arith.extui %and3A : i1 to i32
      %cond3A_142 = arith.constant 0 : i32
      %cond3A_143 = arith.cmpi ne, %convert_element_type3A_141, %cond3A_142 : i32
      scf.if %cond3A_143 {
        %add3A_161 = arith.constant 2 : i32
        %add3A_162 = arith.addi %mul3A_123, %add3A_161 : i32
        %dma_start3A = arith.constant 0 : i32
        %dma_start3A_163 = tpu.memref_slice %arg8[%add3A_162, %dma_start3A] : memref<40x128xi32, #tpu.memory_space<vmem>> -> memref<1x128xi32, #tpu.memory_space<vmem>>
        %dma_start3A_164 = tpu.memref_squeeze %dma_start3A_163 : memref<1x128xi32, #tpu.memory_space<vmem>> -> memref<128xi32, #tpu.memory_space<vmem>>
        %dma_start3A_165 = arith.constant 0 : i32
        %dma_start3A_166 = arith.constant 0 : i32
        %dma_start3A_167 = tpu.memref_slice %arg2[%dma_start3A_165, %dma_start3A_166] : memref<10000x128xf32, #tpu.memory_space<hbm>> -> memref<10000x128xf32, #tpu.memory_space<hbm>>
        tpu.enqueue_indirect_dma source(%dma_start3A_167 : memref<10000x128xf32, #tpu.memory_space<hbm>>) target(%arg10 : memref<128x128xf32, #tpu.memory_space<vmem>>) offsets(%dma_start3A_164 : memref<128xi32, #tpu.memory_space<vmem>>) semaphore(%arg12 : memref<!tpu.dma_semaphore, #tpu.memory_space<semaphore_mem>>)
      } else {
      }
      %add3A_144 = arith.addi %add3A_41, %add3A_127 : i32
      %lt3A_145 = arith.constant 2500 : i32
      %lt3A_146 = arith.cmpi slt, %add3A_144, %lt3A_145 : i32
      %convert_element_type3A_147 = arith.extui %lt3A_146 : i1 to i32
      %cond3A_148 = arith.constant 0 : i32
      %cond3A_149 = arith.cmpi ne, %convert_element_type3A_147, %cond3A_148 : i32
      scf.if %cond3A_149 {
        %dma_wait3A = arith.constant 0 : i32
        %dma_wait3A_161 = tpu.memref_slice %arg8[%add3A_127, %dma_wait3A] : memref<40x128xi32, #tpu.memory_space<vmem>> -> memref<1x128xi32, #tpu.memory_space<vmem>>
        %dma_wait3A_162 = tpu.memref_squeeze %dma_wait3A_161 : memref<1x128xi32, #tpu.memory_space<vmem>> -> memref<128xi32, #tpu.memory_space<vmem>>
        %dma_wait3A_163 = arith.constant 0 : i32
        %dma_wait3A_164 = arith.constant 0 : i32
        %dma_wait3A_165 = tpu.memref_slice %arg2[%dma_wait3A_163, %dma_wait3A_164] : memref<10000x128xf32, #tpu.memory_space<hbm>> -> memref<10000x128xf32, #tpu.memory_space<hbm>>
        tpu.wait_indirect_dma semaphore(%arg13 : memref<!tpu.dma_semaphore, #tpu.memory_space<semaphore_mem>>) src(%dma_wait3A_165 : memref<10000x128xf32, #tpu.memory_space<hbm>>) dst(%arg11 : memref<128x128xf32, #tpu.memory_space<vmem>>)
        "tpu.region"() ({
          %run_scoped3A = tpu.sem_alloc : memref<!tpu.dma_semaphore, #tpu.memory_space<semaphore_mem>>
          %dma_start3A = arith.constant 0 : i32
          %dma_start3A_166 = tpu.memref_slice %arg9[%add3A_127, %dma_start3A] : memref<40x128xi32, #tpu.memory_space<vmem>> -> memref<1x128xi32, #tpu.memory_space<vmem>>
          %dma_start3A_167 = tpu.memref_squeeze %dma_start3A_166 : memref<1x128xi32, #tpu.memory_space<vmem>> -> memref<128xi32, #tpu.memory_space<vmem>>
          %dma_start3A_168 = arith.constant 0 : i32
          %dma_start3A_169 = arith.constant 0 : i32
          %dma_start3A_170 = tpu.memref_slice %arg7[%dma_start3A_168, %dma_start3A_169] : memref<10240x128xf32, #tpu.memory_space<vmem_shared>> -> memref<10240x128xf32, #tpu.memory_space<vmem_shared>>
          tpu.enqueue_indirect_dma source(%arg11 : memref<128x128xf32, #tpu.memory_space<vmem>>) target(%dma_start3A_170 : memref<10240x128xf32, #tpu.memory_space<vmem_shared>>) offsets(%dma_start3A_167 : memref<128xi32, #tpu.memory_space<vmem>>) semaphore(%run_scoped3A : memref<!tpu.dma_semaphore, #tpu.memory_space<semaphore_mem>>) {add = true}
          %dma_wait3A_171 = arith.constant 0 : i32
          %dma_wait3A_172 = tpu.memref_slice %arg9[%add3A_127, %dma_wait3A_171] : memref<40x128xi32, #tpu.memory_space<vmem>> -> memref<1x128xi32, #tpu.memory_space<vmem>>
          %dma_wait3A_173 = tpu.memref_squeeze %dma_wait3A_172 : memref<1x128xi32, #tpu.memory_space<vmem>> -> memref<128xi32, #tpu.memory_space<vmem>>
          %dma_wait3A_174 = arith.constant 0 : i32
          %dma_wait3A_175 = arith.constant 0 : i32
          %dma_wait3A_176 = tpu.memref_slice %arg7[%dma_wait3A_174, %dma_wait3A_175] : memref<10240x128xf32, #tpu.memory_space<vmem_shared>> -> memref<10240x128xf32, #tpu.memory_space<vmem_shared>>
          tpu.wait_indirect_dma semaphore(%run_scoped3A : memref<!tpu.dma_semaphore, #tpu.memory_space<semaphore_mem>>) src(%arg11 : memref<128x128xf32, #tpu.memory_space<vmem>>) dst(%dma_wait3A_176 : memref<10240x128xf32, #tpu.memory_space<vmem_shared>>)
          tpu.yield
        }) : () -> ()
      } else {
      }
      %lt3A_150 = arith.constant 19 : i32
      %lt3A_151 = arith.cmpi slt, %scan3A_121, %lt3A_150 : i32
      %add3A_152 = arith.constant 2 : i32
      %add3A_153 = arith.addi %add3A_127, %add3A_152 : i32
      %add3A_154 = arith.addi %add3A_41, %add3A_153 : i32
      %lt3A_155 = arith.constant 2500 : i32
      %lt3A_156 = arith.cmpi slt, %add3A_154, %lt3A_155 : i32
      %and3A_157 = arith.andi %lt3A_151, %lt3A_156 : i1
      %convert_element_type3A_158 = arith.extui %and3A_157 : i1 to i32
      %cond3A_159 = arith.constant 0 : i32
      %cond3A_160 = arith.cmpi ne, %convert_element_type3A_158, %cond3A_159 : i32
      scf.if %cond3A_160 {
        %add3A_161 = arith.constant 2 : i32
        %add3A_162 = arith.addi %add3A_127, %add3A_161 : i32
        %dma_start3A = arith.constant 0 : i32
        %dma_start3A_163 = tpu.memref_slice %arg8[%add3A_162, %dma_start3A] : memref<40x128xi32, #tpu.memory_space<vmem>> -> memref<1x128xi32, #tpu.memory_space<vmem>>
        %dma_start3A_164 = tpu.memref_squeeze %dma_start3A_163 : memref<1x128xi32, #tpu.memory_space<vmem>> -> memref<128xi32, #tpu.memory_space<vmem>>
        %dma_start3A_165 = arith.constant 0 : i32
        %dma_start3A_166 = arith.constant 0 : i32
        %dma_start3A_167 = tpu.memref_slice %arg2[%dma_start3A_165, %dma_start3A_166] : memref<10000x128xf32, #tpu.memory_space<hbm>> -> memref<10000x128xf32, #tpu.memory_space<hbm>>
        tpu.enqueue_indirect_dma source(%dma_start3A_167 : memref<10000x128xf32, #tpu.memory_space<hbm>>) target(%arg11 : memref<128x128xf32, #tpu.memory_space<vmem>>) offsets(%dma_start3A_164 : memref<128xi32, #tpu.memory_space<vmem>>) semaphore(%arg13 : memref<!tpu.dma_semaphore, #tpu.memory_space<semaphore_mem>>)
      } else {
      }
    }
    %scan3A_60 = arith.constant 20 : i32
    %barrier3A_61 = arith.constant 0 : index
    tpu.barrier barrier_id(%barrier3A_61)
    %add3A_62 = arith.constant 0 : i32
    %add3A_63 = arith.addi %arg1, %add3A_62 : i32
    %lt3A_64 = arith.constant 78 : i32
    %lt3A_65 = arith.cmpi slt, %add3A_63, %lt3A_64 : i32
    %convert_element_type3A_66 = arith.extui %lt3A_65 : i1 to i32
    %cond3A_67 = arith.constant 0 : i32
    %cond3A_68 = arith.cmpi ne, %convert_element_type3A_66, %cond3A_67 : i32
    scf.if %cond3A_68 {
      %mul3A_121 = arith.constant 128 : i32
      %mul3A_122 = arith.muli %add3A_63, %mul3A_121 : i32
      "tpu.region"() ({
        %run_scoped3A = tpu.sem_alloc : memref<!tpu.dma_semaphore, #tpu.memory_space<semaphore_mem>>
        %dma_start3A = arith.constant 0 : i32
        %dma_start3A_125 = tpu.memref_slice %arg7[%mul3A_122, %dma_start3A] : memref<10240x128xf32, #tpu.memory_space<vmem_shared>> -> memref<128x128xf32, #tpu.memory_space<vmem_shared>>
        %dma_start3A_126 = arith.constant 0 : i32
        %dma_start3A_127 = tpu.memref_slice %arg7[%mul3A_122, %dma_start3A_126] : memref<10240x128xf32, #tpu.memory_space<vmem_shared>> -> memref<128x128xf32, #tpu.memory_space<vmem_shared>>
        tpu.enqueue_dma source(%dma_start3A_127 : memref<128x128xf32, #tpu.memory_space<vmem_shared>>) target(%arg10 : memref<128x128xf32, #tpu.memory_space<vmem>>) target_semaphore(%run_scoped3A : memref<!tpu.dma_semaphore, #tpu.memory_space<semaphore_mem>>)
        %dma_wait3A = arith.constant 0 : i32
        %dma_wait3A_128 = tpu.memref_slice %arg7[%mul3A_122, %dma_wait3A] : memref<10240x128xf32, #tpu.memory_space<vmem_shared>> -> memref<128x128xf32, #tpu.memory_space<vmem_shared>>
        %dma_wait3A_129 = arith.constant 0 : i32
        %dma_wait3A_130 = tpu.memref_slice %arg7[%mul3A_122, %dma_wait3A_129] : memref<10240x128xf32, #tpu.memory_space<vmem_shared>> -> memref<128x128xf32, #tpu.memory_space<vmem_shared>>
        tpu.wait_dma2 semaphore(%run_scoped3A : memref<!tpu.dma_semaphore, #tpu.memory_space<semaphore_mem>>) src(%dma_wait3A_130 : memref<128x128xf32, #tpu.memory_space<vmem_shared>>) dst(%arg10 : memref<128x128xf32, #tpu.memory_space<vmem>>)
        tpu.yield
      }) : () -> ()
      %mul3A_123 = arith.constant 128 : i32
      %mul3A_124 = arith.muli %add3A_63, %mul3A_123 : i32
      "tpu.region"() ({
        %run_scoped3A = tpu.sem_alloc : memref<!tpu.dma_semaphore, #tpu.memory_space<semaphore_mem>>
        %dma_start3A = arith.constant 0 : i32
        %dma_start3A_125 = tpu.memref_slice %arg6[%arg0, %mul3A_124, %dma_start3A] : memref<2x10000x128xf32, #tpu.memory_space<hbm>> -> memref<1x128x128xf32, #tpu.memory_space<hbm>>
        %dma_start3A_126 = tpu.memref_squeeze %dma_start3A_125 : memref<1x128x128xf32, #tpu.memory_space<hbm>> -> memref<128x128xf32, #tpu.memory_space<hbm>>
        %dma_start3A_127 = arith.constant 0 : i32
        %dma_start3A_128 = tpu.memref_slice %arg6[%arg0, %mul3A_124, %dma_start3A_127] : memref<2x10000x128xf32, #tpu.memory_space<hbm>> -> memref<1x128x128xf32, #tpu.memory_space<hbm>>
        %dma_start3A_129 = tpu.memref_squeeze %dma_start3A_128 : memref<1x128x128xf32, #tpu.memory_space<hbm>> -> memref<128x128xf32, #tpu.memory_space<hbm>>
        tpu.enqueue_dma source(%arg10 : memref<128x128xf32, #tpu.memory_space<vmem>>) target(%dma_start3A_129 : memref<128x128xf32, #tpu.memory_space<hbm>>) target_semaphore(%run_scoped3A : memref<!tpu.dma_semaphore, #tpu.memory_space<semaphore_mem>>)
        %dma_wait3A = arith.constant 0 : i32
        %dma_wait3A_130 = tpu.memref_slice %arg6[%arg0, %mul3A_124, %dma_wait3A] : memref<2x10000x128xf32, #tpu.memory_space<hbm>> -> memref<1x128x128xf32, #tpu.memory_space<hbm>>
        %dma_wait3A_131 = tpu.memref_squeeze %dma_wait3A_130 : memref<1x128x128xf32, #tpu.memory_space<hbm>> -> memref<128x128xf32, #tpu.memory_space<hbm>>
        %dma_wait3A_132 = arith.constant 0 : i32
        %dma_wait3A_133 = tpu.memref_slice %arg6[%arg0, %mul3A_124, %dma_wait3A_132] : memref<2x10000x128xf32, #tpu.memory_space<hbm>> -> memref<1x128x128xf32, #tpu.memory_space<hbm>>
        %dma_wait3A_134 = tpu.memref_squeeze %dma_wait3A_133 : memref<1x128x128xf32, #tpu.memory_space<hbm>> -> memref<128x128xf32, #tpu.memory_space<hbm>>
        tpu.wait_dma2 semaphore(%run_scoped3A : memref<!tpu.dma_semaphore, #tpu.memory_space<semaphore_mem>>) src(%arg10 : memref<128x128xf32, #tpu.memory_space<vmem>>) dst(%dma_wait3A_134 : memref<128x128xf32, #tpu.memory_space<hbm>>)
        tpu.yield
      }) : () -> ()
    } else {
    }
    %eq3A = arith.constant 78 : i32
    %eq3A_69 = arith.cmpi eq, %add3A_63, %eq3A : i32
    %convert_element_type3A_70 = arith.extui %eq3A_69 : i1 to i32
    %cond3A_71 = arith.constant 0 : i32
    %cond3A_72 = arith.cmpi ne, %convert_element_type3A_70, %cond3A_71 : i32
    scf.if %cond3A_72 {
      "tpu.region"() ({
        %run_scoped3A = tpu.sem_alloc : memref<!tpu.dma_semaphore, #tpu.memory_space<semaphore_mem>>
        %dma_start3A = arith.constant 0 : i32
        %dma_start3A_121 = arith.constant 0 : i32
        %dma_start3A_122 = tpu.memref_slice %arg10[%dma_start3A, %dma_start3A_121] : memref<128x128xf32, #tpu.memory_space<vmem>> -> memref<16x128xf32, #tpu.memory_space<vmem>>
        %dma_start3A_123 = arith.constant 9984 : i32
        %dma_start3A_124 = arith.constant 0 : i32
        %dma_start3A_125 = tpu.memref_slice %arg7[%dma_start3A_123, %dma_start3A_124] : memref<10240x128xf32, #tpu.memory_space<vmem_shared>> -> memref<16x128xf32, #tpu.memory_space<vmem_shared>>
        %dma_start3A_126 = arith.constant 0 : i32
        %dma_start3A_127 = arith.constant 0 : i32
        %dma_start3A_128 = tpu.memref_slice %arg10[%dma_start3A_126, %dma_start3A_127] : memref<128x128xf32, #tpu.memory_space<vmem>> -> memref<16x128xf32, #tpu.memory_space<vmem>>
        %dma_start3A_129 = arith.constant 9984 : i32
        %dma_start3A_130 = arith.constant 0 : i32
        %dma_start3A_131 = tpu.memref_slice %arg7[%dma_start3A_129, %dma_start3A_130] : memref<10240x128xf32, #tpu.memory_space<vmem_shared>> -> memref<16x128xf32, #tpu.memory_space<vmem_shared>>
        tpu.enqueue_dma source(%dma_start3A_131 : memref<16x128xf32, #tpu.memory_space<vmem_shared>>) target(%dma_start3A_128 : memref<16x128xf32, #tpu.memory_space<vmem>>) target_semaphore(%run_scoped3A : memref<!tpu.dma_semaphore, #tpu.memory_space<semaphore_mem>>)
        %dma_wait3A = arith.constant 0 : i32
        %dma_wait3A_132 = arith.constant 0 : i32
        %dma_wait3A_133 = tpu.memref_slice %arg10[%dma_wait3A, %dma_wait3A_132] : memref<128x128xf32, #tpu.memory_space<vmem>> -> memref<16x128xf32, #tpu.memory_space<vmem>>
        %dma_wait3A_134 = arith.constant 9984 : i32
        %dma_wait3A_135 = arith.constant 0 : i32
        %dma_wait3A_136 = tpu.memref_slice %arg7[%dma_wait3A_134, %dma_wait3A_135] : memref<10240x128xf32, #tpu.memory_space<vmem_shared>> -> memref<16x128xf32, #tpu.memory_space<vmem_shared>>
        %dma_wait3A_137 = arith.constant 0 : i32
        %dma_wait3A_138 = arith.constant 0 : i32
        %dma_wait3A_139 = tpu.memref_slice %arg10[%dma_wait3A_137, %dma_wait3A_138] : memref<128x128xf32, #tpu.memory_space<vmem>> -> memref<16x128xf32, #tpu.memory_space<vmem>>
        %dma_wait3A_140 = arith.constant 9984 : i32
        %dma_wait3A_141 = arith.constant 0 : i32
        %dma_wait3A_142 = tpu.memref_slice %arg7[%dma_wait3A_140, %dma_wait3A_141] : memref<10240x128xf32, #tpu.memory_space<vmem_shared>> -> memref<16x128xf32, #tpu.memory_space<vmem_shared>>
        tpu.wait_dma2 semaphore(%run_scoped3A : memref<!tpu.dma_semaphore, #tpu.memory_space<semaphore_mem>>) src(%dma_wait3A_142 : memref<16x128xf32, #tpu.memory_space<vmem_shared>>) dst(%dma_wait3A_139 : memref<16x128xf32, #tpu.memory_space<vmem>>)
        tpu.yield
      }) : () -> ()
      "tpu.region"() ({
        %run_scoped3A = tpu.sem_alloc : memref<!tpu.dma_semaphore, #tpu.memory_space<semaphore_mem>>
        %dma_start3A = arith.constant 0 : i32
        %dma_start3A_121 = arith.constant 0 : i32
        %dma_start3A_122 = tpu.memref_slice %arg10[%dma_start3A, %dma_start3A_121] : memref<128x128xf32, #tpu.memory_space<vmem>> -> memref<16x128xf32, #tpu.memory_space<vmem>>
        %dma_start3A_123 = arith.constant 9984 : i32
        %dma_start3A_124 = arith.constant 0 : i32
        %dma_start3A_125 = tpu.memref_slice %arg6[%arg0, %dma_start3A_123, %dma_start3A_124] : memref<2x10000x128xf32, #tpu.memory_space<hbm>> -> memref<1x16x128xf32, #tpu.memory_space<hbm>>
        %dma_start3A_126 = tpu.memref_squeeze %dma_start3A_125 : memref<1x16x128xf32, #tpu.memory_space<hbm>> -> memref<16x128xf32, #tpu.memory_space<hbm>>
        %dma_start3A_127 = arith.constant 9984 : i32
        %dma_start3A_128 = arith.constant 0 : i32
        %dma_start3A_129 = tpu.memref_slice %arg6[%arg0, %dma_start3A_127, %dma_start3A_128] : memref<2x10000x128xf32, #tpu.memory_space<hbm>> -> memref<1x16x128xf32, #tpu.memory_space<hbm>>
        %dma_start3A_130 = tpu.memref_squeeze %dma_start3A_129 : memref<1x16x128xf32, #tpu.memory_space<hbm>> -> memref<16x128xf32, #tpu.memory_space<hbm>>
        %dma_start3A_131 = arith.constant 0 : i32
        %dma_start3A_132 = arith.constant 0 : i32
        %dma_start3A_133 = tpu.memref_slice %arg10[%dma_start3A_131, %dma_start3A_132] : memref<128x128xf32, #tpu.memory_space<vmem>> -> memref<16x128xf32, #tpu.memory_space<vmem>>
        tpu.enqueue_dma source(%dma_start3A_133 : memref<16x128xf32, #tpu.memory_space<vmem>>) target(%dma_start3A_130 : memref<16x128xf32, #tpu.memory_space<hbm>>) target_semaphore(%run_scoped3A : memref<!tpu.dma_semaphore, #tpu.memory_space<semaphore_mem>>)
        %dma_wait3A = arith.constant 0 : i32
        %dma_wait3A_134 = arith.constant 0 : i32
        %dma_wait3A_135 = tpu.memref_slice %arg10[%dma_wait3A, %dma_wait3A_134] : memref<128x128xf32, #tpu.memory_space<vmem>> -> memref<16x128xf32, #tpu.memory_space<vmem>>
        %dma_wait3A_136 = arith.constant 9984 : i32
        %dma_wait3A_137 = arith.constant 0 : i32
        %dma_wait3A_138 = tpu.memref_slice %arg6[%arg0, %dma_wait3A_136, %dma_wait3A_137] : memref<2x10000x128xf32, #tpu.memory_space<hbm>> -> memref<1x16x128xf32, #tpu.memory_space<hbm>>
        %dma_wait3A_139 = tpu.memref_squeeze %dma_wait3A_138 : memref<1x16x128xf32, #tpu.memory_space<hbm>> -> memref<16x128xf32, #tpu.memory_space<hbm>>
        %dma_wait3A_140 = arith.constant 9984 : i32
        %dma_wait3A_141 = arith.constant 0 : i32
        %dma_wait3A_142 = tpu.memref_slice %arg6[%arg0, %dma_wait3A_140, %dma_wait3A_141] : memref<2x10000x128xf32, #tpu.memory_space<hbm>> -> memref<1x16x128xf32, #tpu.memory_space<hbm>>
        %dma_wait3A_143 = tpu.memref_squeeze %dma_wait3A_142 : memref<1x16x128xf32, #tpu.memory_space<hbm>> -> memref<16x128xf32, #tpu.memory_space<hbm>>
        %dma_wait3A_144 = arith.constant 0 : i32
        %dma_wait3A_145 = arith.constant 0 : i32
        %dma_wait3A_146 = tpu.memref_slice %arg10[%dma_wait3A_144, %dma_wait3A_145] : memref<128x128xf32, #tpu.memory_space<vmem>> -> memref<16x128xf32, #tpu.memory_space<vmem>>
        tpu.wait_dma2 semaphore(%run_scoped3A : memref<!tpu.dma_semaphore, #tpu.memory_space<semaphore_mem>>) src(%dma_wait3A_146 : memref<16x128xf32, #tpu.memory_space<vmem>>) dst(%dma_wait3A_143 : memref<16x128xf32, #tpu.memory_space<hbm>>)
        tpu.yield
      }) : () -> ()
    } else {
    }
    %add3A_73 = arith.constant 16 : i32
    %add3A_74 = arith.addi %arg1, %add3A_73 : i32
    %lt3A_75 = arith.constant 78 : i32
    %lt3A_76 = arith.cmpi slt, %add3A_74, %lt3A_75 : i32
    %convert_element_type3A_77 = arith.extui %lt3A_76 : i1 to i32
    %cond3A_78 = arith.constant 0 : i32
    %cond3A_79 = arith.cmpi ne, %convert_element_type3A_77, %cond3A_78 : i32
    scf.if %cond3A_79 {
      %mul3A_121 = arith.constant 128 : i32
      %mul3A_122 = arith.muli %add3A_74, %mul3A_121 : i32
      "tpu.region"() ({
        %run_scoped3A = tpu.sem_alloc : memref<!tpu.dma_semaphore, #tpu.memory_space<semaphore_mem>>
        %dma_start3A = arith.constant 0 : i32
        %dma_start3A_125 = tpu.memref_slice %arg7[%mul3A_122, %dma_start3A] : memref<10240x128xf32, #tpu.memory_space<vmem_shared>> -> memref<128x128xf32, #tpu.memory_space<vmem_shared>>
        %dma_start3A_126 = arith.constant 0 : i32
        %dma_start3A_127 = tpu.memref_slice %arg7[%mul3A_122, %dma_start3A_126] : memref<10240x128xf32, #tpu.memory_space<vmem_shared>> -> memref<128x128xf32, #tpu.memory_space<vmem_shared>>
        tpu.enqueue_dma source(%dma_start3A_127 : memref<128x128xf32, #tpu.memory_space<vmem_shared>>) target(%arg10 : memref<128x128xf32, #tpu.memory_space<vmem>>) target_semaphore(%run_scoped3A : memref<!tpu.dma_semaphore, #tpu.memory_space<semaphore_mem>>)
        %dma_wait3A = arith.constant 0 : i32
        %dma_wait3A_128 = tpu.memref_slice %arg7[%mul3A_122, %dma_wait3A] : memref<10240x128xf32, #tpu.memory_space<vmem_shared>> -> memref<128x128xf32, #tpu.memory_space<vmem_shared>>
        %dma_wait3A_129 = arith.constant 0 : i32
        %dma_wait3A_130 = tpu.memref_slice %arg7[%mul3A_122, %dma_wait3A_129] : memref<10240x128xf32, #tpu.memory_space<vmem_shared>> -> memref<128x128xf32, #tpu.memory_space<vmem_shared>>
        tpu.wait_dma2 semaphore(%run_scoped3A : memref<!tpu.dma_semaphore, #tpu.memory_space<semaphore_mem>>) src(%dma_wait3A_130 : memref<128x128xf32, #tpu.memory_space<vmem_shared>>) dst(%arg10 : memref<128x128xf32, #tpu.memory_space<vmem>>)
        tpu.yield
      }) : () -> ()
      %mul3A_123 = arith.constant 128 : i32
      %mul3A_124 = arith.muli %add3A_74, %mul3A_123 : i32
      "tpu.region"() ({
        %run_scoped3A = tpu.sem_alloc : memref<!tpu.dma_semaphore, #tpu.memory_space<semaphore_mem>>
        %dma_start3A = arith.constant 0 : i32
        %dma_start3A_125 = tpu.memref_slice %arg6[%arg0, %mul3A_124, %dma_start3A] : memref<2x10000x128xf32, #tpu.memory_space<hbm>> -> memref<1x128x128xf32, #tpu.memory_space<hbm>>
        %dma_start3A_126 = tpu.memref_squeeze %dma_start3A_125 : memref<1x128x128xf32, #tpu.memory_space<hbm>> -> memref<128x128xf32, #tpu.memory_space<hbm>>
        %dma_start3A_127 = arith.constant 0 : i32
        %dma_start3A_128 = tpu.memref_slice %arg6[%arg0, %mul3A_124, %dma_start3A_127] : memref<2x10000x128xf32, #tpu.memory_space<hbm>> -> memref<1x128x128xf32, #tpu.memory_space<hbm>>
        %dma_start3A_129 = tpu.memref_squeeze %dma_start3A_128 : memref<1x128x128xf32, #tpu.memory_space<hbm>> -> memref<128x128xf32, #tpu.memory_space<hbm>>
        tpu.enqueue_dma source(%arg10 : memref<128x128xf32, #tpu.memory_space<vmem>>) target(%dma_start3A_129 : memref<128x128xf32, #tpu.memory_space<hbm>>) target_semaphore(%run_scoped3A : memref<!tpu.dma_semaphore, #tpu.memory_space<semaphore_mem>>)
        %dma_wait3A = arith.constant 0 : i32
        %dma_wait3A_130 = tpu.memref_slice %arg6[%arg0, %mul3A_124, %dma_wait3A] : memref<2x10000x128xf32, #tpu.memory_space<hbm>> -> memref<1x128x128xf32, #tpu.memory_space<hbm>>
        %dma_wait3A_131 = tpu.memref_squeeze %dma_wait3A_130 : memref<1x128x128xf32, #tpu.memory_space<hbm>> -> memref<128x128xf32, #tpu.memory_space<hbm>>
        %dma_wait3A_132 = arith.constant 0 : i32
        %dma_wait3A_133 = tpu.memref_slice %arg6[%arg0, %mul3A_124, %dma_wait3A_132] : memref<2x10000x128xf32, #tpu.memory_space<hbm>> -> memref<1x128x128xf32, #tpu.memory_space<hbm>>
        %dma_wait3A_134 = tpu.memref_squeeze %dma_wait3A_133 : memref<1x128x128xf32, #tpu.memory_space<hbm>> -> memref<128x128xf32, #tpu.memory_space<hbm>>
        tpu.wait_dma2 semaphore(%run_scoped3A : memref<!tpu.dma_semaphore, #tpu.memory_space<semaphore_mem>>) src(%arg10 : memref<128x128xf32, #tpu.memory_space<vmem>>) dst(%dma_wait3A_134 : memref<128x128xf32, #tpu.memory_space<hbm>>)
        tpu.yield
      }) : () -> ()
    } else {
    }
    %eq3A_80 = arith.constant 78 : i32
    %eq3A_81 = arith.cmpi eq, %add3A_74, %eq3A_80 : i32
    %convert_element_type3A_82 = arith.extui %eq3A_81 : i1 to i32
    %cond3A_83 = arith.constant 0 : i32
    %cond3A_84 = arith.cmpi ne, %convert_element_type3A_82, %cond3A_83 : i32
    scf.if %cond3A_84 {
      "tpu.region"() ({
        %run_scoped3A = tpu.sem_alloc : memref<!tpu.dma_semaphore, #tpu.memory_space<semaphore_mem>>
        %dma_start3A = arith.constant 0 : i32
        %dma_start3A_121 = arith.constant 0 : i32
        %dma_start3A_122 = tpu.memref_slice %arg10[%dma_start3A, %dma_start3A_121] : memref<128x128xf32, #tpu.memory_space<vmem>> -> memref<16x128xf32, #tpu.memory_space<vmem>>
        %dma_start3A_123 = arith.constant 9984 : i32
        %dma_start3A_124 = arith.constant 0 : i32
        %dma_start3A_125 = tpu.memref_slice %arg7[%dma_start3A_123, %dma_start3A_124] : memref<10240x128xf32, #tpu.memory_space<vmem_shared>> -> memref<16x128xf32, #tpu.memory_space<vmem_shared>>
        %dma_start3A_126 = arith.constant 0 : i32
        %dma_start3A_127 = arith.constant 0 : i32
        %dma_start3A_128 = tpu.memref_slice %arg10[%dma_start3A_126, %dma_start3A_127] : memref<128x128xf32, #tpu.memory_space<vmem>> -> memref<16x128xf32, #tpu.memory_space<vmem>>
        %dma_start3A_129 = arith.constant 9984 : i32
        %dma_start3A_130 = arith.constant 0 : i32
        %dma_start3A_131 = tpu.memref_slice %arg7[%dma_start3A_129, %dma_start3A_130] : memref<10240x128xf32, #tpu.memory_space<vmem_shared>> -> memref<16x128xf32, #tpu.memory_space<vmem_shared>>
        tpu.enqueue_dma source(%dma_start3A_131 : memref<16x128xf32, #tpu.memory_space<vmem_shared>>) target(%dma_start3A_128 : memref<16x128xf32, #tpu.memory_space<vmem>>) target_semaphore(%run_scoped3A : memref<!tpu.dma_semaphore, #tpu.memory_space<semaphore_mem>>)
        %dma_wait3A = arith.constant 0 : i32
        %dma_wait3A_132 = arith.constant 0 : i32
        %dma_wait3A_133 = tpu.memref_slice %arg10[%dma_wait3A, %dma_wait3A_132] : memref<128x128xf32, #tpu.memory_space<vmem>> -> memref<16x128xf32, #tpu.memory_space<vmem>>
        %dma_wait3A_134 = arith.constant 9984 : i32
        %dma_wait3A_135 = arith.constant 0 : i32
        %dma_wait3A_136 = tpu.memref_slice %arg7[%dma_wait3A_134, %dma_wait3A_135] : memref<10240x128xf32, #tpu.memory_space<vmem_shared>> -> memref<16x128xf32, #tpu.memory_space<vmem_shared>>
        %dma_wait3A_137 = arith.constant 0 : i32
        %dma_wait3A_138 = arith.constant 0 : i32
        %dma_wait3A_139 = tpu.memref_slice %arg10[%dma_wait3A_137, %dma_wait3A_138] : memref<128x128xf32, #tpu.memory_space<vmem>> -> memref<16x128xf32, #tpu.memory_space<vmem>>
        %dma_wait3A_140 = arith.constant 9984 : i32
        %dma_wait3A_141 = arith.constant 0 : i32
        %dma_wait3A_142 = tpu.memref_slice %arg7[%dma_wait3A_140, %dma_wait3A_141] : memref<10240x128xf32, #tpu.memory_space<vmem_shared>> -> memref<16x128xf32, #tpu.memory_space<vmem_shared>>
        tpu.wait_dma2 semaphore(%run_scoped3A : memref<!tpu.dma_semaphore, #tpu.memory_space<semaphore_mem>>) src(%dma_wait3A_142 : memref<16x128xf32, #tpu.memory_space<vmem_shared>>) dst(%dma_wait3A_139 : memref<16x128xf32, #tpu.memory_space<vmem>>)
        tpu.yield
      }) : () -> ()
      "tpu.region"() ({
        %run_scoped3A = tpu.sem_alloc : memref<!tpu.dma_semaphore, #tpu.memory_space<semaphore_mem>>
        %dma_start3A = arith.constant 0 : i32
        %dma_start3A_121 = arith.constant 0 : i32
        %dma_start3A_122 = tpu.memref_slice %arg10[%dma_start3A, %dma_start3A_121] : memref<128x128xf32, #tpu.memory_space<vmem>> -> memref<16x128xf32, #tpu.memory_space<vmem>>
        %dma_start3A_123 = arith.constant 9984 : i32
        %dma_start3A_124 = arith.constant 0 : i32
        %dma_start3A_125 = tpu.memref_slice %arg6[%arg0, %dma_start3A_123, %dma_start3A_124] : memref<2x10000x128xf32, #tpu.memory_space<hbm>> -> memref<1x16x128xf32, #tpu.memory_space<hbm>>
        %dma_start3A_126 = tpu.memref_squeeze %dma_start3A_125 : memref<1x16x128xf32, #tpu.memory_space<hbm>> -> memref<16x128xf32, #tpu.memory_space<hbm>>
        %dma_start3A_127 = arith.constant 9984 : i32
        %dma_start3A_128 = arith.constant 0 : i32
        %dma_start3A_129 = tpu.memref_slice %arg6[%arg0, %dma_start3A_127, %dma_start3A_128] : memref<2x10000x128xf32, #tpu.memory_space<hbm>> -> memref<1x16x128xf32, #tpu.memory_space<hbm>>
        %dma_start3A_130 = tpu.memref_squeeze %dma_start3A_129 : memref<1x16x128xf32, #tpu.memory_space<hbm>> -> memref<16x128xf32, #tpu.memory_space<hbm>>
        %dma_start3A_131 = arith.constant 0 : i32
        %dma_start3A_132 = arith.constant 0 : i32
        %dma_start3A_133 = tpu.memref_slice %arg10[%dma_start3A_131, %dma_start3A_132] : memref<128x128xf32, #tpu.memory_space<vmem>> -> memref<16x128xf32, #tpu.memory_space<vmem>>
        tpu.enqueue_dma source(%dma_start3A_133 : memref<16x128xf32, #tpu.memory_space<vmem>>) target(%dma_start3A_130 : memref<16x128xf32, #tpu.memory_space<hbm>>) target_semaphore(%run_scoped3A : memref<!tpu.dma_semaphore, #tpu.memory_space<semaphore_mem>>)
        %dma_wait3A = arith.constant 0 : i32
        %dma_wait3A_134 = arith.constant 0 : i32
        %dma_wait3A_135 = tpu.memref_slice %arg10[%dma_wait3A, %dma_wait3A_134] : memref<128x128xf32, #tpu.memory_space<vmem>> -> memref<16x128xf32, #tpu.memory_space<vmem>>
        %dma_wait3A_136 = arith.constant 9984 : i32
        %dma_wait3A_137 = arith.constant 0 : i32
        %dma_wait3A_138 = tpu.memref_slice %arg6[%arg0, %dma_wait3A_136, %dma_wait3A_137] : memref<2x10000x128xf32, #tpu.memory_space<hbm>> -> memref<1x16x128xf32, #tpu.memory_space<hbm>>
        %dma_wait3A_139 = tpu.memref_squeeze %dma_wait3A_138 : memref<1x16x128xf32, #tpu.memory_space<hbm>> -> memref<16x128xf32, #tpu.memory_space<hbm>>
        %dma_wait3A_140 = arith.constant 9984 : i32
        %dma_wait3A_141 = arith.constant 0 : i32
        %dma_wait3A_142 = tpu.memref_slice %arg6[%arg0, %dma_wait3A_140, %dma_wait3A_141] : memref<2x10000x128xf32, #tpu.memory_space<hbm>> -> memref<1x16x128xf32, #tpu.memory_space<hbm>>
        %dma_wait3A_143 = tpu.memref_squeeze %dma_wait3A_142 : memref<1x16x128xf32, #tpu.memory_space<hbm>> -> memref<16x128xf32, #tpu.memory_space<hbm>>
        %dma_wait3A_144 = arith.constant 0 : i32
        %dma_wait3A_145 = arith.constant 0 : i32
        %dma_wait3A_146 = tpu.memref_slice %arg10[%dma_wait3A_144, %dma_wait3A_145] : memref<128x128xf32, #tpu.memory_space<vmem>> -> memref<16x128xf32, #tpu.memory_space<vmem>>
        tpu.wait_dma2 semaphore(%run_scoped3A : memref<!tpu.dma_semaphore, #tpu.memory_space<semaphore_mem>>) src(%dma_wait3A_146 : memref<16x128xf32, #tpu.memory_space<vmem>>) dst(%dma_wait3A_143 : memref<16x128xf32, #tpu.memory_space<hbm>>)
        tpu.yield
      }) : () -> ()
    } else {
    }
    %add3A_85 = arith.constant 32 : i32
    %add3A_86 = arith.addi %arg1, %add3A_85 : i32
    %lt3A_87 = arith.constant 78 : i32
    %lt3A_88 = arith.cmpi slt, %add3A_86, %lt3A_87 : i32
    %convert_element_type3A_89 = arith.extui %lt3A_88 : i1 to i32
    %cond3A_90 = arith.constant 0 : i32
    %cond3A_91 = arith.cmpi ne, %convert_element_type3A_89, %cond3A_90 : i32
    scf.if %cond3A_91 {
      %mul3A_121 = arith.constant 128 : i32
      %mul3A_122 = arith.muli %add3A_86, %mul3A_121 : i32
      "tpu.region"() ({
        %run_scoped3A = tpu.sem_alloc : memref<!tpu.dma_semaphore, #tpu.memory_space<semaphore_mem>>
        %dma_start3A = arith.constant 0 : i32
        %dma_start3A_125 = tpu.memref_slice %arg7[%mul3A_122, %dma_start3A] : memref<10240x128xf32, #tpu.memory_space<vmem_shared>> -> memref<128x128xf32, #tpu.memory_space<vmem_shared>>
        %dma_start3A_126 = arith.constant 0 : i32
        %dma_start3A_127 = tpu.memref_slice %arg7[%mul3A_122, %dma_start3A_126] : memref<10240x128xf32, #tpu.memory_space<vmem_shared>> -> memref<128x128xf32, #tpu.memory_space<vmem_shared>>
        tpu.enqueue_dma source(%dma_start3A_127 : memref<128x128xf32, #tpu.memory_space<vmem_shared>>) target(%arg10 : memref<128x128xf32, #tpu.memory_space<vmem>>) target_semaphore(%run_scoped3A : memref<!tpu.dma_semaphore, #tpu.memory_space<semaphore_mem>>)
        %dma_wait3A = arith.constant 0 : i32
        %dma_wait3A_128 = tpu.memref_slice %arg7[%mul3A_122, %dma_wait3A] : memref<10240x128xf32, #tpu.memory_space<vmem_shared>> -> memref<128x128xf32, #tpu.memory_space<vmem_shared>>
        %dma_wait3A_129 = arith.constant 0 : i32
        %dma_wait3A_130 = tpu.memref_slice %arg7[%mul3A_122, %dma_wait3A_129] : memref<10240x128xf32, #tpu.memory_space<vmem_shared>> -> memref<128x128xf32, #tpu.memory_space<vmem_shared>>
        tpu.wait_dma2 semaphore(%run_scoped3A : memref<!tpu.dma_semaphore, #tpu.memory_space<semaphore_mem>>) src(%dma_wait3A_130 : memref<128x128xf32, #tpu.memory_space<vmem_shared>>) dst(%arg10 : memref<128x128xf32, #tpu.memory_space<vmem>>)
        tpu.yield
      }) : () -> ()
      %mul3A_123 = arith.constant 128 : i32
      %mul3A_124 = arith.muli %add3A_86, %mul3A_123 : i32
      "tpu.region"() ({
        %run_scoped3A = tpu.sem_alloc : memref<!tpu.dma_semaphore, #tpu.memory_space<semaphore_mem>>
        %dma_start3A = arith.constant 0 : i32
        %dma_start3A_125 = tpu.memref_slice %arg6[%arg0, %mul3A_124, %dma_start3A] : memref<2x10000x128xf32, #tpu.memory_space<hbm>> -> memref<1x128x128xf32, #tpu.memory_space<hbm>>
        %dma_start3A_126 = tpu.memref_squeeze %dma_start3A_125 : memref<1x128x128xf32, #tpu.memory_space<hbm>> -> memref<128x128xf32, #tpu.memory_space<hbm>>
        %dma_start3A_127 = arith.constant 0 : i32
        %dma_start3A_128 = tpu.memref_slice %arg6[%arg0, %mul3A_124, %dma_start3A_127] : memref<2x10000x128xf32, #tpu.memory_space<hbm>> -> memref<1x128x128xf32, #tpu.memory_space<hbm>>
        %dma_start3A_129 = tpu.memref_squeeze %dma_start3A_128 : memref<1x128x128xf32, #tpu.memory_space<hbm>> -> memref<128x128xf32, #tpu.memory_space<hbm>>
        tpu.enqueue_dma source(%arg10 : memref<128x128xf32, #tpu.memory_space<vmem>>) target(%dma_start3A_129 : memref<128x128xf32, #tpu.memory_space<hbm>>) target_semaphore(%run_scoped3A : memref<!tpu.dma_semaphore, #tpu.memory_space<semaphore_mem>>)
        %dma_wait3A = arith.constant 0 : i32
        %dma_wait3A_130 = tpu.memref_slice %arg6[%arg0, %mul3A_124, %dma_wait3A] : memref<2x10000x128xf32, #tpu.memory_space<hbm>> -> memref<1x128x128xf32, #tpu.memory_space<hbm>>
        %dma_wait3A_131 = tpu.memref_squeeze %dma_wait3A_130 : memref<1x128x128xf32, #tpu.memory_space<hbm>> -> memref<128x128xf32, #tpu.memory_space<hbm>>
        %dma_wait3A_132 = arith.constant 0 : i32
        %dma_wait3A_133 = tpu.memref_slice %arg6[%arg0, %mul3A_124, %dma_wait3A_132] : memref<2x10000x128xf32, #tpu.memory_space<hbm>> -> memref<1x128x128xf32, #tpu.memory_space<hbm>>
        %dma_wait3A_134 = tpu.memref_squeeze %dma_wait3A_133 : memref<1x128x128xf32, #tpu.memory_space<hbm>> -> memref<128x128xf32, #tpu.memory_space<hbm>>
        tpu.wait_dma2 semaphore(%run_scoped3A : memref<!tpu.dma_semaphore, #tpu.memory_space<semaphore_mem>>) src(%arg10 : memref<128x128xf32, #tpu.memory_space<vmem>>) dst(%dma_wait3A_134 : memref<128x128xf32, #tpu.memory_space<hbm>>)
        tpu.yield
      }) : () -> ()
    } else {
    }
    %eq3A_92 = arith.constant 78 : i32
    %eq3A_93 = arith.cmpi eq, %add3A_86, %eq3A_92 : i32
    %convert_element_type3A_94 = arith.extui %eq3A_93 : i1 to i32
    %cond3A_95 = arith.constant 0 : i32
    %cond3A_96 = arith.cmpi ne, %convert_element_type3A_94, %cond3A_95 : i32
    scf.if %cond3A_96 {
      "tpu.region"() ({
        %run_scoped3A = tpu.sem_alloc : memref<!tpu.dma_semaphore, #tpu.memory_space<semaphore_mem>>
        %dma_start3A = arith.constant 0 : i32
        %dma_start3A_121 = arith.constant 0 : i32
        %dma_start3A_122 = tpu.memref_slice %arg10[%dma_start3A, %dma_start3A_121] : memref<128x128xf32, #tpu.memory_space<vmem>> -> memref<16x128xf32, #tpu.memory_space<vmem>>
        %dma_start3A_123 = arith.constant 9984 : i32
        %dma_start3A_124 = arith.constant 0 : i32
        %dma_start3A_125 = tpu.memref_slice %arg7[%dma_start3A_123, %dma_start3A_124] : memref<10240x128xf32, #tpu.memory_space<vmem_shared>> -> memref<16x128xf32, #tpu.memory_space<vmem_shared>>
        %dma_start3A_126 = arith.constant 0 : i32
        %dma_start3A_127 = arith.constant 0 : i32
        %dma_start3A_128 = tpu.memref_slice %arg10[%dma_start3A_126, %dma_start3A_127] : memref<128x128xf32, #tpu.memory_space<vmem>> -> memref<16x128xf32, #tpu.memory_space<vmem>>
        %dma_start3A_129 = arith.constant 9984 : i32
        %dma_start3A_130 = arith.constant 0 : i32
        %dma_start3A_131 = tpu.memref_slice %arg7[%dma_start3A_129, %dma_start3A_130] : memref<10240x128xf32, #tpu.memory_space<vmem_shared>> -> memref<16x128xf32, #tpu.memory_space<vmem_shared>>
        tpu.enqueue_dma source(%dma_start3A_131 : memref<16x128xf32, #tpu.memory_space<vmem_shared>>) target(%dma_start3A_128 : memref<16x128xf32, #tpu.memory_space<vmem>>) target_semaphore(%run_scoped3A : memref<!tpu.dma_semaphore, #tpu.memory_space<semaphore_mem>>)
        %dma_wait3A = arith.constant 0 : i32
        %dma_wait3A_132 = arith.constant 0 : i32
        %dma_wait3A_133 = tpu.memref_slice %arg10[%dma_wait3A, %dma_wait3A_132] : memref<128x128xf32, #tpu.memory_space<vmem>> -> memref<16x128xf32, #tpu.memory_space<vmem>>
        %dma_wait3A_134 = arith.constant 9984 : i32
        %dma_wait3A_135 = arith.constant 0 : i32
        %dma_wait3A_136 = tpu.memref_slice %arg7[%dma_wait3A_134, %dma_wait3A_135] : memref<10240x128xf32, #tpu.memory_space<vmem_shared>> -> memref<16x128xf32, #tpu.memory_space<vmem_shared>>
        %dma_wait3A_137 = arith.constant 0 : i32
        %dma_wait3A_138 = arith.constant 0 : i32
        %dma_wait3A_139 = tpu.memref_slice %arg10[%dma_wait3A_137, %dma_wait3A_138] : memref<128x128xf32, #tpu.memory_space<vmem>> -> memref<16x128xf32, #tpu.memory_space<vmem>>
        %dma_wait3A_140 = arith.constant 9984 : i32
        %dma_wait3A_141 = arith.constant 0 : i32
        %dma_wait3A_142 = tpu.memref_slice %arg7[%dma_wait3A_140, %dma_wait3A_141] : memref<10240x128xf32, #tpu.memory_space<vmem_shared>> -> memref<16x128xf32, #tpu.memory_space<vmem_shared>>
        tpu.wait_dma2 semaphore(%run_scoped3A : memref<!tpu.dma_semaphore, #tpu.memory_space<semaphore_mem>>) src(%dma_wait3A_142 : memref<16x128xf32, #tpu.memory_space<vmem_shared>>) dst(%dma_wait3A_139 : memref<16x128xf32, #tpu.memory_space<vmem>>)
        tpu.yield
      }) : () -> ()
      "tpu.region"() ({
        %run_scoped3A = tpu.sem_alloc : memref<!tpu.dma_semaphore, #tpu.memory_space<semaphore_mem>>
        %dma_start3A = arith.constant 0 : i32
        %dma_start3A_121 = arith.constant 0 : i32
        %dma_start3A_122 = tpu.memref_slice %arg10[%dma_start3A, %dma_start3A_121] : memref<128x128xf32, #tpu.memory_space<vmem>> -> memref<16x128xf32, #tpu.memory_space<vmem>>
        %dma_start3A_123 = arith.constant 9984 : i32
        %dma_start3A_124 = arith.constant 0 : i32
        %dma_start3A_125 = tpu.memref_slice %arg6[%arg0, %dma_start3A_123, %dma_start3A_124] : memref<2x10000x128xf32, #tpu.memory_space<hbm>> -> memref<1x16x128xf32, #tpu.memory_space<hbm>>
        %dma_start3A_126 = tpu.memref_squeeze %dma_start3A_125 : memref<1x16x128xf32, #tpu.memory_space<hbm>> -> memref<16x128xf32, #tpu.memory_space<hbm>>
        %dma_start3A_127 = arith.constant 9984 : i32
        %dma_start3A_128 = arith.constant 0 : i32
        %dma_start3A_129 = tpu.memref_slice %arg6[%arg0, %dma_start3A_127, %dma_start3A_128] : memref<2x10000x128xf32, #tpu.memory_space<hbm>> -> memref<1x16x128xf32, #tpu.memory_space<hbm>>
        %dma_start3A_130 = tpu.memref_squeeze %dma_start3A_129 : memref<1x16x128xf32, #tpu.memory_space<hbm>> -> memref<16x128xf32, #tpu.memory_space<hbm>>
        %dma_start3A_131 = arith.constant 0 : i32
        %dma_start3A_132 = arith.constant 0 : i32
        %dma_start3A_133 = tpu.memref_slice %arg10[%dma_start3A_131, %dma_start3A_132] : memref<128x128xf32, #tpu.memory_space<vmem>> -> memref<16x128xf32, #tpu.memory_space<vmem>>
        tpu.enqueue_dma source(%dma_start3A_133 : memref<16x128xf32, #tpu.memory_space<vmem>>) target(%dma_start3A_130 : memref<16x128xf32, #tpu.memory_space<hbm>>) target_semaphore(%run_scoped3A : memref<!tpu.dma_semaphore, #tpu.memory_space<semaphore_mem>>)
        %dma_wait3A = arith.constant 0 : i32
        %dma_wait3A_134 = arith.constant 0 : i32
        %dma_wait3A_135 = tpu.memref_slice %arg10[%dma_wait3A, %dma_wait3A_134] : memref<128x128xf32, #tpu.memory_space<vmem>> -> memref<16x128xf32, #tpu.memory_space<vmem>>
        %dma_wait3A_136 = arith.constant 9984 : i32
        %dma_wait3A_137 = arith.constant 0 : i32
        %dma_wait3A_138 = tpu.memref_slice %arg6[%arg0, %dma_wait3A_136, %dma_wait3A_137] : memref<2x10000x128xf32, #tpu.memory_space<hbm>> -> memref<1x16x128xf32, #tpu.memory_space<hbm>>
        %dma_wait3A_139 = tpu.memref_squeeze %dma_wait3A_138 : memref<1x16x128xf32, #tpu.memory_space<hbm>> -> memref<16x128xf32, #tpu.memory_space<hbm>>
        %dma_wait3A_140 = arith.constant 9984 : i32
        %dma_wait3A_141 = arith.constant 0 : i32
        %dma_wait3A_142 = tpu.memref_slice %arg6[%arg0, %dma_wait3A_140, %dma_wait3A_141] : memref<2x10000x128xf32, #tpu.memory_space<hbm>> -> memref<1x16x128xf32, #tpu.memory_space<hbm>>
        %dma_wait3A_143 = tpu.memref_squeeze %dma_wait3A_142 : memref<1x16x128xf32, #tpu.memory_space<hbm>> -> memref<16x128xf32, #tpu.memory_space<hbm>>
        %dma_wait3A_144 = arith.constant 0 : i32
        %dma_wait3A_145 = arith.constant 0 : i32
        %dma_wait3A_146 = tpu.memref_slice %arg10[%dma_wait3A_144, %dma_wait3A_145] : memref<128x128xf32, #tpu.memory_space<vmem>> -> memref<16x128xf32, #tpu.memory_space<vmem>>
        tpu.wait_dma2 semaphore(%run_scoped3A : memref<!tpu.dma_semaphore, #tpu.memory_space<semaphore_mem>>) src(%dma_wait3A_146 : memref<16x128xf32, #tpu.memory_space<vmem>>) dst(%dma_wait3A_143 : memref<16x128xf32, #tpu.memory_space<hbm>>)
        tpu.yield
      }) : () -> ()
    } else {
    }
    %add3A_97 = arith.constant 48 : i32
    %add3A_98 = arith.addi %arg1, %add3A_97 : i32
    %lt3A_99 = arith.constant 78 : i32
    %lt3A_100 = arith.cmpi slt, %add3A_98, %lt3A_99 : i32
    %convert_element_type3A_101 = arith.extui %lt3A_100 : i1 to i32
    %cond3A_102 = arith.constant 0 : i32
    %cond3A_103 = arith.cmpi ne, %convert_element_type3A_101, %cond3A_102 : i32
    scf.if %cond3A_103 {
      %mul3A_121 = arith.constant 128 : i32
      %mul3A_122 = arith.muli %add3A_98, %mul3A_121 : i32
      "tpu.region"() ({
        %run_scoped3A = tpu.sem_alloc : memref<!tpu.dma_semaphore, #tpu.memory_space<semaphore_mem>>
        %dma_start3A = arith.constant 0 : i32
        %dma_start3A_125 = tpu.memref_slice %arg7[%mul3A_122, %dma_start3A] : memref<10240x128xf32, #tpu.memory_space<vmem_shared>> -> memref<128x128xf32, #tpu.memory_space<vmem_shared>>
        %dma_start3A_126 = arith.constant 0 : i32
        %dma_start3A_127 = tpu.memref_slice %arg7[%mul3A_122, %dma_start3A_126] : memref<10240x128xf32, #tpu.memory_space<vmem_shared>> -> memref<128x128xf32, #tpu.memory_space<vmem_shared>>
        tpu.enqueue_dma source(%dma_start3A_127 : memref<128x128xf32, #tpu.memory_space<vmem_shared>>) target(%arg10 : memref<128x128xf32, #tpu.memory_space<vmem>>) target_semaphore(%run_scoped3A : memref<!tpu.dma_semaphore, #tpu.memory_space<semaphore_mem>>)
        %dma_wait3A = arith.constant 0 : i32
        %dma_wait3A_128 = tpu.memref_slice %arg7[%mul3A_122, %dma_wait3A] : memref<10240x128xf32, #tpu.memory_space<vmem_shared>> -> memref<128x128xf32, #tpu.memory_space<vmem_shared>>
        %dma_wait3A_129 = arith.constant 0 : i32
        %dma_wait3A_130 = tpu.memref_slice %arg7[%mul3A_122, %dma_wait3A_129] : memref<10240x128xf32, #tpu.memory_space<vmem_shared>> -> memref<128x128xf32, #tpu.memory_space<vmem_shared>>
        tpu.wait_dma2 semaphore(%run_scoped3A : memref<!tpu.dma_semaphore, #tpu.memory_space<semaphore_mem>>) src(%dma_wait3A_130 : memref<128x128xf32, #tpu.memory_space<vmem_shared>>) dst(%arg10 : memref<128x128xf32, #tpu.memory_space<vmem>>)
        tpu.yield
      }) : () -> ()
      %mul3A_123 = arith.constant 128 : i32
      %mul3A_124 = arith.muli %add3A_98, %mul3A_123 : i32
      "tpu.region"() ({
        %run_scoped3A = tpu.sem_alloc : memref<!tpu.dma_semaphore, #tpu.memory_space<semaphore_mem>>
        %dma_start3A = arith.constant 0 : i32
        %dma_start3A_125 = tpu.memref_slice %arg6[%arg0, %mul3A_124, %dma_start3A] : memref<2x10000x128xf32, #tpu.memory_space<hbm>> -> memref<1x128x128xf32, #tpu.memory_space<hbm>>
        %dma_start3A_126 = tpu.memref_squeeze %dma_start3A_125 : memref<1x128x128xf32, #tpu.memory_space<hbm>> -> memref<128x128xf32, #tpu.memory_space<hbm>>
        %dma_start3A_127 = arith.constant 0 : i32
        %dma_start3A_128 = tpu.memref_slice %arg6[%arg0, %mul3A_124, %dma_start3A_127] : memref<2x10000x128xf32, #tpu.memory_space<hbm>> -> memref<1x128x128xf32, #tpu.memory_space<hbm>>
        %dma_start3A_129 = tpu.memref_squeeze %dma_start3A_128 : memref<1x128x128xf32, #tpu.memory_space<hbm>> -> memref<128x128xf32, #tpu.memory_space<hbm>>
        tpu.enqueue_dma source(%arg10 : memref<128x128xf32, #tpu.memory_space<vmem>>) target(%dma_start3A_129 : memref<128x128xf32, #tpu.memory_space<hbm>>) target_semaphore(%run_scoped3A : memref<!tpu.dma_semaphore, #tpu.memory_space<semaphore_mem>>)
        %dma_wait3A = arith.constant 0 : i32
        %dma_wait3A_130 = tpu.memref_slice %arg6[%arg0, %mul3A_124, %dma_wait3A] : memref<2x10000x128xf32, #tpu.memory_space<hbm>> -> memref<1x128x128xf32, #tpu.memory_space<hbm>>
        %dma_wait3A_131 = tpu.memref_squeeze %dma_wait3A_130 : memref<1x128x128xf32, #tpu.memory_space<hbm>> -> memref<128x128xf32, #tpu.memory_space<hbm>>
        %dma_wait3A_132 = arith.constant 0 : i32
        %dma_wait3A_133 = tpu.memref_slice %arg6[%arg0, %mul3A_124, %dma_wait3A_132] : memref<2x10000x128xf32, #tpu.memory_space<hbm>> -> memref<1x128x128xf32, #tpu.memory_space<hbm>>
        %dma_wait3A_134 = tpu.memref_squeeze %dma_wait3A_133 : memref<1x128x128xf32, #tpu.memory_space<hbm>> -> memref<128x128xf32, #tpu.memory_space<hbm>>
        tpu.wait_dma2 semaphore(%run_scoped3A : memref<!tpu.dma_semaphore, #tpu.memory_space<semaphore_mem>>) src(%arg10 : memref<128x128xf32, #tpu.memory_space<vmem>>) dst(%dma_wait3A_134 : memref<128x128xf32, #tpu.memory_space<hbm>>)
        tpu.yield
      }) : () -> ()
    } else {
    }
    %eq3A_104 = arith.constant 78 : i32
    %eq3A_105 = arith.cmpi eq, %add3A_98, %eq3A_104 : i32
    %convert_element_type3A_106 = arith.extui %eq3A_105 : i1 to i32
    %cond3A_107 = arith.constant 0 : i32
    %cond3A_108 = arith.cmpi ne, %convert_element_type3A_106, %cond3A_107 : i32
    scf.if %cond3A_108 {
      "tpu.region"() ({
        %run_scoped3A = tpu.sem_alloc : memref<!tpu.dma_semaphore, #tpu.memory_space<semaphore_mem>>
        %dma_start3A = arith.constant 0 : i32
        %dma_start3A_121 = arith.constant 0 : i32
        %dma_start3A_122 = tpu.memref_slice %arg10[%dma_start3A, %dma_start3A_121] : memref<128x128xf32, #tpu.memory_space<vmem>> -> memref<16x128xf32, #tpu.memory_space<vmem>>
        %dma_start3A_123 = arith.constant 9984 : i32
        %dma_start3A_124 = arith.constant 0 : i32
        %dma_start3A_125 = tpu.memref_slice %arg7[%dma_start3A_123, %dma_start3A_124] : memref<10240x128xf32, #tpu.memory_space<vmem_shared>> -> memref<16x128xf32, #tpu.memory_space<vmem_shared>>
        %dma_start3A_126 = arith.constant 0 : i32
        %dma_start3A_127 = arith.constant 0 : i32
        %dma_start3A_128 = tpu.memref_slice %arg10[%dma_start3A_126, %dma_start3A_127] : memref<128x128xf32, #tpu.memory_space<vmem>> -> memref<16x128xf32, #tpu.memory_space<vmem>>
        %dma_start3A_129 = arith.constant 9984 : i32
        %dma_start3A_130 = arith.constant 0 : i32
        %dma_start3A_131 = tpu.memref_slice %arg7[%dma_start3A_129, %dma_start3A_130] : memref<10240x128xf32, #tpu.memory_space<vmem_shared>> -> memref<16x128xf32, #tpu.memory_space<vmem_shared>>
        tpu.enqueue_dma source(%dma_start3A_131 : memref<16x128xf32, #tpu.memory_space<vmem_shared>>) target(%dma_start3A_128 : memref<16x128xf32, #tpu.memory_space<vmem>>) target_semaphore(%run_scoped3A : memref<!tpu.dma_semaphore, #tpu.memory_space<semaphore_mem>>)
        %dma_wait3A = arith.constant 0 : i32
        %dma_wait3A_132 = arith.constant 0 : i32
        %dma_wait3A_133 = tpu.memref_slice %arg10[%dma_wait3A, %dma_wait3A_132] : memref<128x128xf32, #tpu.memory_space<vmem>> -> memref<16x128xf32, #tpu.memory_space<vmem>>
        %dma_wait3A_134 = arith.constant 9984 : i32
        %dma_wait3A_135 = arith.constant 0 : i32
        %dma_wait3A_136 = tpu.memref_slice %arg7[%dma_wait3A_134, %dma_wait3A_135] : memref<10240x128xf32, #tpu.memory_space<vmem_shared>> -> memref<16x128xf32, #tpu.memory_space<vmem_shared>>
        %dma_wait3A_137 = arith.constant 0 : i32
        %dma_wait3A_138 = arith.constant 0 : i32
        %dma_wait3A_139 = tpu.memref_slice %arg10[%dma_wait3A_137, %dma_wait3A_138] : memref<128x128xf32, #tpu.memory_space<vmem>> -> memref<16x128xf32, #tpu.memory_space<vmem>>
        %dma_wait3A_140 = arith.constant 9984 : i32
        %dma_wait3A_141 = arith.constant 0 : i32
        %dma_wait3A_142 = tpu.memref_slice %arg7[%dma_wait3A_140, %dma_wait3A_141] : memref<10240x128xf32, #tpu.memory_space<vmem_shared>> -> memref<16x128xf32, #tpu.memory_space<vmem_shared>>
        tpu.wait_dma2 semaphore(%run_scoped3A : memref<!tpu.dma_semaphore, #tpu.memory_space<semaphore_mem>>) src(%dma_wait3A_142 : memref<16x128xf32, #tpu.memory_space<vmem_shared>>) dst(%dma_wait3A_139 : memref<16x128xf32, #tpu.memory_space<vmem>>)
        tpu.yield
      }) : () -> ()
      "tpu.region"() ({
        %run_scoped3A = tpu.sem_alloc : memref<!tpu.dma_semaphore, #tpu.memory_space<semaphore_mem>>
        %dma_start3A = arith.constant 0 : i32
        %dma_start3A_121 = arith.constant 0 : i32
        %dma_start3A_122 = tpu.memref_slice %arg10[%dma_start3A, %dma_start3A_121] : memref<128x128xf32, #tpu.memory_space<vmem>> -> memref<16x128xf32, #tpu.memory_space<vmem>>
        %dma_start3A_123 = arith.constant 9984 : i32
        %dma_start3A_124 = arith.constant 0 : i32
        %dma_start3A_125 = tpu.memref_slice %arg6[%arg0, %dma_start3A_123, %dma_start3A_124] : memref<2x10000x128xf32, #tpu.memory_space<hbm>> -> memref<1x16x128xf32, #tpu.memory_space<hbm>>
        %dma_start3A_126 = tpu.memref_squeeze %dma_start3A_125 : memref<1x16x128xf32, #tpu.memory_space<hbm>> -> memref<16x128xf32, #tpu.memory_space<hbm>>
        %dma_start3A_127 = arith.constant 9984 : i32
        %dma_start3A_128 = arith.constant 0 : i32
        %dma_start3A_129 = tpu.memref_slice %arg6[%arg0, %dma_start3A_127, %dma_start3A_128] : memref<2x10000x128xf32, #tpu.memory_space<hbm>> -> memref<1x16x128xf32, #tpu.memory_space<hbm>>
        %dma_start3A_130 = tpu.memref_squeeze %dma_start3A_129 : memref<1x16x128xf32, #tpu.memory_space<hbm>> -> memref<16x128xf32, #tpu.memory_space<hbm>>
        %dma_start3A_131 = arith.constant 0 : i32
        %dma_start3A_132 = arith.constant 0 : i32
        %dma_start3A_133 = tpu.memref_slice %arg10[%dma_start3A_131, %dma_start3A_132] : memref<128x128xf32, #tpu.memory_space<vmem>> -> memref<16x128xf32, #tpu.memory_space<vmem>>
        tpu.enqueue_dma source(%dma_start3A_133 : memref<16x128xf32, #tpu.memory_space<vmem>>) target(%dma_start3A_130 : memref<16x128xf32, #tpu.memory_space<hbm>>) target_semaphore(%run_scoped3A : memref<!tpu.dma_semaphore, #tpu.memory_space<semaphore_mem>>)
        %dma_wait3A = arith.constant 0 : i32
        %dma_wait3A_134 = arith.constant 0 : i32
        %dma_wait3A_135 = tpu.memref_slice %arg10[%dma_wait3A, %dma_wait3A_134] : memref<128x128xf32, #tpu.memory_space<vmem>> -> memref<16x128xf32, #tpu.memory_space<vmem>>
        %dma_wait3A_136 = arith.constant 9984 : i32
        %dma_wait3A_137 = arith.constant 0 : i32
        %dma_wait3A_138 = tpu.memref_slice %arg6[%arg0, %dma_wait3A_136, %dma_wait3A_137] : memref<2x10000x128xf32, #tpu.memory_space<hbm>> -> memref<1x16x128xf32, #tpu.memory_space<hbm>>
        %dma_wait3A_139 = tpu.memref_squeeze %dma_wait3A_138 : memref<1x16x128xf32, #tpu.memory_space<hbm>> -> memref<16x128xf32, #tpu.memory_space<hbm>>
        %dma_wait3A_140 = arith.constant 9984 : i32
        %dma_wait3A_141 = arith.constant 0 : i32
        %dma_wait3A_142 = tpu.memref_slice %arg6[%arg0, %dma_wait3A_140, %dma_wait3A_141] : memref<2x10000x128xf32, #tpu.memory_space<hbm>> -> memref<1x16x128xf32, #tpu.memory_space<hbm>>
        %dma_wait3A_143 = tpu.memref_squeeze %dma_wait3A_142 : memref<1x16x128xf32, #tpu.memory_space<hbm>> -> memref<16x128xf32, #tpu.memory_space<hbm>>
        %dma_wait3A_144 = arith.constant 0 : i32
        %dma_wait3A_145 = arith.constant 0 : i32
        %dma_wait3A_146 = tpu.memref_slice %arg10[%dma_wait3A_144, %dma_wait3A_145] : memref<128x128xf32, #tpu.memory_space<vmem>> -> memref<16x128xf32, #tpu.memory_space<vmem>>
        tpu.wait_dma2 semaphore(%run_scoped3A : memref<!tpu.dma_semaphore, #tpu.memory_space<semaphore_mem>>) src(%dma_wait3A_146 : memref<16x128xf32, #tpu.memory_space<vmem>>) dst(%dma_wait3A_143 : memref<16x128xf32, #tpu.memory_space<hbm>>)
        tpu.yield
      }) : () -> ()
    } else {
    }
    %add3A_109 = arith.constant 64 : i32
    %add3A_110 = arith.addi %arg1, %add3A_109 : i32
    %lt3A_111 = arith.constant 78 : i32
    %lt3A_112 = arith.cmpi slt, %add3A_110, %lt3A_111 : i32
    %convert_element_type3A_113 = arith.extui %lt3A_112 : i1 to i32
    %cond3A_114 = arith.constant 0 : i32
    %cond3A_115 = arith.cmpi ne, %convert_element_type3A_113, %cond3A_114 : i32
    scf.if %cond3A_115 {
      %mul3A_121 = arith.constant 128 : i32
      %mul3A_122 = arith.muli %add3A_110, %mul3A_121 : i32
      "tpu.region"() ({
        %run_scoped3A = tpu.sem_alloc : memref<!tpu.dma_semaphore, #tpu.memory_space<semaphore_mem>>
        %dma_start3A = arith.constant 0 : i32
        %dma_start3A_125 = tpu.memref_slice %arg7[%mul3A_122, %dma_start3A] : memref<10240x128xf32, #tpu.memory_space<vmem_shared>> -> memref<128x128xf32, #tpu.memory_space<vmem_shared>>
        %dma_start3A_126 = arith.constant 0 : i32
        %dma_start3A_127 = tpu.memref_slice %arg7[%mul3A_122, %dma_start3A_126] : memref<10240x128xf32, #tpu.memory_space<vmem_shared>> -> memref<128x128xf32, #tpu.memory_space<vmem_shared>>
        tpu.enqueue_dma source(%dma_start3A_127 : memref<128x128xf32, #tpu.memory_space<vmem_shared>>) target(%arg10 : memref<128x128xf32, #tpu.memory_space<vmem>>) target_semaphore(%run_scoped3A : memref<!tpu.dma_semaphore, #tpu.memory_space<semaphore_mem>>)
        %dma_wait3A = arith.constant 0 : i32
        %dma_wait3A_128 = tpu.memref_slice %arg7[%mul3A_122, %dma_wait3A] : memref<10240x128xf32, #tpu.memory_space<vmem_shared>> -> memref<128x128xf32, #tpu.memory_space<vmem_shared>>
        %dma_wait3A_129 = arith.constant 0 : i32
        %dma_wait3A_130 = tpu.memref_slice %arg7[%mul3A_122, %dma_wait3A_129] : memref<10240x128xf32, #tpu.memory_space<vmem_shared>> -> memref<128x128xf32, #tpu.memory_space<vmem_shared>>
        tpu.wait_dma2 semaphore(%run_scoped3A : memref<!tpu.dma_semaphore, #tpu.memory_space<semaphore_mem>>) src(%dma_wait3A_130 : memref<128x128xf32, #tpu.memory_space<vmem_shared>>) dst(%arg10 : memref<128x128xf32, #tpu.memory_space<vmem>>)
        tpu.yield
      }) : () -> ()
      %mul3A_123 = arith.constant 128 : i32
      %mul3A_124 = arith.muli %add3A_110, %mul3A_123 : i32
      "tpu.region"() ({
        %run_scoped3A = tpu.sem_alloc : memref<!tpu.dma_semaphore, #tpu.memory_space<semaphore_mem>>
        %dma_start3A = arith.constant 0 : i32
        %dma_start3A_125 = tpu.memref_slice %arg6[%arg0, %mul3A_124, %dma_start3A] : memref<2x10000x128xf32, #tpu.memory_space<hbm>> -> memref<1x128x128xf32, #tpu.memory_space<hbm>>
        %dma_start3A_126 = tpu.memref_squeeze %dma_start3A_125 : memref<1x128x128xf32, #tpu.memory_space<hbm>> -> memref<128x128xf32, #tpu.memory_space<hbm>>
        %dma_start3A_127 = arith.constant 0 : i32
        %dma_start3A_128 = tpu.memref_slice %arg6[%arg0, %mul3A_124, %dma_start3A_127] : memref<2x10000x128xf32, #tpu.memory_space<hbm>> -> memref<1x128x128xf32, #tpu.memory_space<hbm>>
        %dma_start3A_129 = tpu.memref_squeeze %dma_start3A_128 : memref<1x128x128xf32, #tpu.memory_space<hbm>> -> memref<128x128xf32, #tpu.memory_space<hbm>>
        tpu.enqueue_dma source(%arg10 : memref<128x128xf32, #tpu.memory_space<vmem>>) target(%dma_start3A_129 : memref<128x128xf32, #tpu.memory_space<hbm>>) target_semaphore(%run_scoped3A : memref<!tpu.dma_semaphore, #tpu.memory_space<semaphore_mem>>)
        %dma_wait3A = arith.constant 0 : i32
        %dma_wait3A_130 = tpu.memref_slice %arg6[%arg0, %mul3A_124, %dma_wait3A] : memref<2x10000x128xf32, #tpu.memory_space<hbm>> -> memref<1x128x128xf32, #tpu.memory_space<hbm>>
        %dma_wait3A_131 = tpu.memref_squeeze %dma_wait3A_130 : memref<1x128x128xf32, #tpu.memory_space<hbm>> -> memref<128x128xf32, #tpu.memory_space<hbm>>
        %dma_wait3A_132 = arith.constant 0 : i32
        %dma_wait3A_133 = tpu.memref_slice %arg6[%arg0, %mul3A_124, %dma_wait3A_132] : memref<2x10000x128xf32, #tpu.memory_space<hbm>> -> memref<1x128x128xf32, #tpu.memory_space<hbm>>
        %dma_wait3A_134 = tpu.memref_squeeze %dma_wait3A_133 : memref<1x128x128xf32, #tpu.memory_space<hbm>> -> memref<128x128xf32, #tpu.memory_space<hbm>>
        tpu.wait_dma2 semaphore(%run_scoped3A : memref<!tpu.dma_semaphore, #tpu.memory_space<semaphore_mem>>) src(%arg10 : memref<128x128xf32, #tpu.memory_space<vmem>>) dst(%dma_wait3A_134 : memref<128x128xf32, #tpu.memory_space<hbm>>)
        tpu.yield
      }) : () -> ()
    } else {
    }
    %eq3A_116 = arith.constant 78 : i32
    %eq3A_117 = arith.cmpi eq, %add3A_110, %eq3A_116 : i32
    %convert_element_type3A_118 = arith.extui %eq3A_117 : i1 to i32
    %cond3A_119 = arith.constant 0 : i32
    %cond3A_120 = arith.cmpi ne, %convert_element_type3A_118, %cond3A_119 : i32
    scf.if %cond3A_120 {
      "tpu.region"() ({
        %run_scoped3A = tpu.sem_alloc : memref<!tpu.dma_semaphore, #tpu.memory_space<semaphore_mem>>
        %dma_start3A = arith.constant 0 : i32
        %dma_start3A_121 = arith.constant 0 : i32
        %dma_start3A_122 = tpu.memref_slice %arg10[%dma_start3A, %dma_start3A_121] : memref<128x128xf32, #tpu.memory_space<vmem>> -> memref<16x128xf32, #tpu.memory_space<vmem>>
        %dma_start3A_123 = arith.constant 9984 : i32
        %dma_start3A_124 = arith.constant 0 : i32
        %dma_start3A_125 = tpu.memref_slice %arg7[%dma_start3A_123, %dma_start3A_124] : memref<10240x128xf32, #tpu.memory_space<vmem_shared>> -> memref<16x128xf32, #tpu.memory_space<vmem_shared>>
        %dma_start3A_126 = arith.constant 0 : i32
        %dma_start3A_127 = arith.constant 0 : i32
        %dma_start3A_128 = tpu.memref_slice %arg10[%dma_start3A_126, %dma_start3A_127] : memref<128x128xf32, #tpu.memory_space<vmem>> -> memref<16x128xf32, #tpu.memory_space<vmem>>
        %dma_start3A_129 = arith.constant 9984 : i32
        %dma_start3A_130 = arith.constant 0 : i32
        %dma_start3A_131 = tpu.memref_slice %arg7[%dma_start3A_129, %dma_start3A_130] : memref<10240x128xf32, #tpu.memory_space<vmem_shared>> -> memref<16x128xf32, #tpu.memory_space<vmem_shared>>
        tpu.enqueue_dma source(%dma_start3A_131 : memref<16x128xf32, #tpu.memory_space<vmem_shared>>) target(%dma_start3A_128 : memref<16x128xf32, #tpu.memory_space<vmem>>) target_semaphore(%run_scoped3A : memref<!tpu.dma_semaphore, #tpu.memory_space<semaphore_mem>>)
        %dma_wait3A = arith.constant 0 : i32
        %dma_wait3A_132 = arith.constant 0 : i32
        %dma_wait3A_133 = tpu.memref_slice %arg10[%dma_wait3A, %dma_wait3A_132] : memref<128x128xf32, #tpu.memory_space<vmem>> -> memref<16x128xf32, #tpu.memory_space<vmem>>
        %dma_wait3A_134 = arith.constant 9984 : i32
        %dma_wait3A_135 = arith.constant 0 : i32
        %dma_wait3A_136 = tpu.memref_slice %arg7[%dma_wait3A_134, %dma_wait3A_135] : memref<10240x128xf32, #tpu.memory_space<vmem_shared>> -> memref<16x128xf32, #tpu.memory_space<vmem_shared>>
        %dma_wait3A_137 = arith.constant 0 : i32
        %dma_wait3A_138 = arith.constant 0 : i32
        %dma_wait3A_139 = tpu.memref_slice %arg10[%dma_wait3A_137, %dma_wait3A_138] : memref<128x128xf32, #tpu.memory_space<vmem>> -> memref<16x128xf32, #tpu.memory_space<vmem>>
        %dma_wait3A_140 = arith.constant 9984 : i32
        %dma_wait3A_141 = arith.constant 0 : i32
        %dma_wait3A_142 = tpu.memref_slice %arg7[%dma_wait3A_140, %dma_wait3A_141] : memref<10240x128xf32, #tpu.memory_space<vmem_shared>> -> memref<16x128xf32, #tpu.memory_space<vmem_shared>>
        tpu.wait_dma2 semaphore(%run_scoped3A : memref<!tpu.dma_semaphore, #tpu.memory_space<semaphore_mem>>) src(%dma_wait3A_142 : memref<16x128xf32, #tpu.memory_space<vmem_shared>>) dst(%dma_wait3A_139 : memref<16x128xf32, #tpu.memory_space<vmem>>)
        tpu.yield
      }) : () -> ()
      "tpu.region"() ({
        %run_scoped3A = tpu.sem_alloc : memref<!tpu.dma_semaphore, #tpu.memory_space<semaphore_mem>>
        %dma_start3A = arith.constant 0 : i32
        %dma_start3A_121 = arith.constant 0 : i32
        %dma_start3A_122 = tpu.memref_slice %arg10[%dma_start3A, %dma_start3A_121] : memref<128x128xf32, #tpu.memory_space<vmem>> -> memref<16x128xf32, #tpu.memory_space<vmem>>
        %dma_start3A_123 = arith.constant 9984 : i32
        %dma_start3A_124 = arith.constant 0 : i32
        %dma_start3A_125 = tpu.memref_slice %arg6[%arg0, %dma_start3A_123, %dma_start3A_124] : memref<2x10000x128xf32, #tpu.memory_space<hbm>> -> memref<1x16x128xf32, #tpu.memory_space<hbm>>
        %dma_start3A_126 = tpu.memref_squeeze %dma_start3A_125 : memref<1x16x128xf32, #tpu.memory_space<hbm>> -> memref<16x128xf32, #tpu.memory_space<hbm>>
        %dma_start3A_127 = arith.constant 9984 : i32
        %dma_start3A_128 = arith.constant 0 : i32
        %dma_start3A_129 = tpu.memref_slice %arg6[%arg0, %dma_start3A_127, %dma_start3A_128] : memref<2x10000x128xf32, #tpu.memory_space<hbm>> -> memref<1x16x128xf32, #tpu.memory_space<hbm>>
        %dma_start3A_130 = tpu.memref_squeeze %dma_start3A_129 : memref<1x16x128xf32, #tpu.memory_space<hbm>> -> memref<16x128xf32, #tpu.memory_space<hbm>>
        %dma_start3A_131 = arith.constant 0 : i32
        %dma_start3A_132 = arith.constant 0 : i32
        %dma_start3A_133 = tpu.memref_slice %arg10[%dma_start3A_131, %dma_start3A_132] : memref<128x128xf32, #tpu.memory_space<vmem>> -> memref<16x128xf32, #tpu.memory_space<vmem>>
        tpu.enqueue_dma source(%dma_start3A_133 : memref<16x128xf32, #tpu.memory_space<vmem>>) target(%dma_start3A_130 : memref<16x128xf32, #tpu.memory_space<hbm>>) target_semaphore(%run_scoped3A : memref<!tpu.dma_semaphore, #tpu.memory_space<semaphore_mem>>)
        %dma_wait3A = arith.constant 0 : i32
        %dma_wait3A_134 = arith.constant 0 : i32
        %dma_wait3A_135 = tpu.memref_slice %arg10[%dma_wait3A, %dma_wait3A_134] : memref<128x128xf32, #tpu.memory_space<vmem>> -> memref<16x128xf32, #tpu.memory_space<vmem>>
        %dma_wait3A_136 = arith.constant 9984 : i32
        %dma_wait3A_137 = arith.constant 0 : i32
        %dma_wait3A_138 = tpu.memref_slice %arg6[%arg0, %dma_wait3A_136, %dma_wait3A_137] : memref<2x10000x128xf32, #tpu.memory_space<hbm>> -> memref<1x16x128xf32, #tpu.memory_space<hbm>>
        %dma_wait3A_139 = tpu.memref_squeeze %dma_wait3A_138 : memref<1x16x128xf32, #tpu.memory_space<hbm>> -> memref<16x128xf32, #tpu.memory_space<hbm>>
        %dma_wait3A_140 = arith.constant 9984 : i32
        %dma_wait3A_141 = arith.constant 0 : i32
        %dma_wait3A_142 = tpu.memref_slice %arg6[%arg0, %dma_wait3A_140, %dma_wait3A_141] : memref<2x10000x128xf32, #tpu.memory_space<hbm>> -> memref<1x16x128xf32, #tpu.memory_space<hbm>>
        %dma_wait3A_143 = tpu.memref_squeeze %dma_wait3A_142 : memref<1x16x128xf32, #tpu.memory_space<hbm>> -> memref<16x128xf32, #tpu.memory_space<hbm>>
        %dma_wait3A_144 = arith.constant 0 : i32
        %dma_wait3A_145 = arith.constant 0 : i32
        %dma_wait3A_146 = tpu.memref_slice %arg10[%dma_wait3A_144, %dma_wait3A_145] : memref<128x128xf32, #tpu.memory_space<vmem>> -> memref<16x128xf32, #tpu.memory_space<vmem>>
        tpu.wait_dma2 semaphore(%run_scoped3A : memref<!tpu.dma_semaphore, #tpu.memory_space<semaphore_mem>>) src(%dma_wait3A_146 : memref<16x128xf32, #tpu.memory_space<vmem>>) dst(%dma_wait3A_143 : memref<16x128xf32, #tpu.memory_space<hbm>>)
        tpu.yield
      }) : () -> ()
    } else {
    }
    return
  }
}

#map = affine_map<(d0, d1) -> (0, 0)>
#map1 = affine_map<(d0, d1) -> (0, 0, 0)>
module attributes {stable_mosaic.version = 14 : i64} {
  func.func @_prop_body(%arg0: i32, %arg1: i32, %arg2: memref<10000x128xf32, #tpu.memory_space<hbm>>, %arg3: memref<2560x128xi32, #tpu.memory_space<hbm>>, %arg4: memref<2560x128xi32, #tpu.memory_space<hbm>>, %arg5: memref<128x128xf32, #tpu.memory_space<hbm>>, %arg6: memref<2x10000x128xf32, #tpu.memory_space<hbm>>, %arg7: memref<10240x128xf32, #tpu.memory_space<vmem_shared>>, %arg8: memref<40x128xi32, #tpu.memory_space<vmem>>, %arg9: memref<40x128xi32, #tpu.memory_space<vmem>>, %arg10: memref<128x128xf32, #tpu.memory_space<vmem>>, %arg11: memref<128x128xf32, #tpu.memory_space<vmem>>, %arg12: memref<!tpu.dma_semaphore, #tpu.memory_space<semaphore_mem>>, %arg13: memref<!tpu.dma_semaphore, #tpu.memory_space<semaphore_mem>>) attributes {dimension_semantics = [#tpu.dimension_semantics<core_parallel>, #tpu.dimension_semantics<subcore_parallel>], iteration_bounds = array<i64: 2, 16>, scalar_prefetch = 0 : i64, scratch_operands = 7 : i64, tpu.core_type = #tpu.core_type<sc_vector_subcore>, window_params = [{transform_indices = #map}, {transform_indices = #map}, {transform_indices = #map}, {transform_indices = #map}, {transform_indices = #map1}]} {
    %mul3A = arith.constant 16 : i32
    %mul3A_0 = arith.muli %arg0, %mul3A : i32
    %add3A = arith.addi %mul3A_0, %arg1 : i32
    %mul3A_1 = arith.constant 80 : i32
    %mul3A_2 = arith.muli %add3A, %mul3A_1 : i32
    "tpu.region"() ({
      %run_scoped3A = tpu.sem_alloc : memref<!tpu.dma_semaphore, #tpu.memory_space<semaphore_mem>>
      tpu.enqueue_dma source(%arg5 : memref<128x128xf32, #tpu.memory_space<hbm>>) target(%arg10 : memref<128x128xf32, #tpu.memory_space<vmem>>) target_semaphore(%run_scoped3A : memref<!tpu.dma_semaphore, #tpu.memory_space<semaphore_mem>>)
      tpu.wait_dma2 semaphore(%run_scoped3A : memref<!tpu.dma_semaphore, #tpu.memory_space<semaphore_mem>>) src(%arg5 : memref<128x128xf32, #tpu.memory_space<hbm>>) dst(%arg10 : memref<128x128xf32, #tpu.memory_space<vmem>>)
      tpu.yield
    }) : () -> ()
    %add3A_3 = arith.constant 0 : i32
    %add3A_4 = arith.addi %arg1, %add3A_3 : i32
    %mul3A_5 = arith.constant 128 : i32
    %mul3A_6 = arith.muli %add3A_4, %mul3A_5 : i32
    "tpu.region"() ({
      %run_scoped3A = tpu.sem_alloc : memref<!tpu.dma_semaphore, #tpu.memory_space<semaphore_mem>>
      %dma_start3A = arith.constant 0 : i32
      %dma_start3A_121 = tpu.memref_slice %arg7[%mul3A_6, %dma_start3A] : memref<10240x128xf32, #tpu.memory_space<vmem_shared>> -> memref<128x128xf32, #tpu.memory_space<vmem_shared>>
      %dma_start3A_122 = arith.constant 0 : i32
      %dma_start3A_123 = tpu.memref_slice %arg7[%mul3A_6, %dma_start3A_122] : memref<10240x128xf32, #tpu.memory_space<vmem_shared>> -> memref<128x128xf32, #tpu.memory_space<vmem_shared>>
      tpu.enqueue_dma source(%arg10 : memref<128x128xf32, #tpu.memory_space<vmem>>) target(%dma_start3A_123 : memref<128x128xf32, #tpu.memory_space<vmem_shared>>) target_semaphore(%run_scoped3A : memref<!tpu.dma_semaphore, #tpu.memory_space<semaphore_mem>>)
      %dma_wait3A = arith.constant 0 : i32
      %dma_wait3A_124 = tpu.memref_slice %arg7[%mul3A_6, %dma_wait3A] : memref<10240x128xf32, #tpu.memory_space<vmem_shared>> -> memref<128x128xf32, #tpu.memory_space<vmem_shared>>
      %dma_wait3A_125 = arith.constant 0 : i32
      %dma_wait3A_126 = tpu.memref_slice %arg7[%mul3A_6, %dma_wait3A_125] : memref<10240x128xf32, #tpu.memory_space<vmem_shared>> -> memref<128x128xf32, #tpu.memory_space<vmem_shared>>
      tpu.wait_dma2 semaphore(%run_scoped3A : memref<!tpu.dma_semaphore, #tpu.memory_space<semaphore_mem>>) src(%arg10 : memref<128x128xf32, #tpu.memory_space<vmem>>) dst(%dma_wait3A_126 : memref<128x128xf32, #tpu.memory_space<vmem_shared>>)
      tpu.yield
    }) : () -> ()
    %add3A_7 = arith.constant 16 : i32
    %add3A_8 = arith.addi %arg1, %add3A_7 : i32
    %mul3A_9 = arith.constant 128 : i32
    %mul3A_10 = arith.muli %add3A_8, %mul3A_9 : i32
    "tpu.region"() ({
      %run_scoped3A = tpu.sem_alloc : memref<!tpu.dma_semaphore, #tpu.memory_space<semaphore_mem>>
      %dma_start3A = arith.constant 0 : i32
      %dma_start3A_121 = tpu.memref_slice %arg7[%mul3A_10, %dma_start3A] : memref<10240x128xf32, #tpu.memory_space<vmem_shared>> -> memref<128x128xf32, #tpu.memory_space<vmem_shared>>
      %dma_start3A_122 = arith.constant 0 : i32
      %dma_start3A_123 = tpu.memref_slice %arg7[%mul3A_10, %dma_start3A_122] : memref<10240x128xf32, #tpu.memory_space<vmem_shared>> -> memref<128x128xf32, #tpu.memory_space<vmem_shared>>
      tpu.enqueue_dma source(%arg10 : memref<128x128xf32, #tpu.memory_space<vmem>>) target(%dma_start3A_123 : memref<128x128xf32, #tpu.memory_space<vmem_shared>>) target_semaphore(%run_scoped3A : memref<!tpu.dma_semaphore, #tpu.memory_space<semaphore_mem>>)
      %dma_wait3A = arith.constant 0 : i32
      %dma_wait3A_124 = tpu.memref_slice %arg7[%mul3A_10, %dma_wait3A] : memref<10240x128xf32, #tpu.memory_space<vmem_shared>> -> memref<128x128xf32, #tpu.memory_space<vmem_shared>>
      %dma_wait3A_125 = arith.constant 0 : i32
      %dma_wait3A_126 = tpu.memref_slice %arg7[%mul3A_10, %dma_wait3A_125] : memref<10240x128xf32, #tpu.memory_space<vmem_shared>> -> memref<128x128xf32, #tpu.memory_space<vmem_shared>>
      tpu.wait_dma2 semaphore(%run_scoped3A : memref<!tpu.dma_semaphore, #tpu.memory_space<semaphore_mem>>) src(%arg10 : memref<128x128xf32, #tpu.memory_space<vmem>>) dst(%dma_wait3A_126 : memref<128x128xf32, #tpu.memory_space<vmem_shared>>)
      tpu.yield
    }) : () -> ()
    %add3A_11 = arith.constant 32 : i32
    %add3A_12 = arith.addi %arg1, %add3A_11 : i32
    %mul3A_13 = arith.constant 128 : i32
    %mul3A_14 = arith.muli %add3A_12, %mul3A_13 : i32
    "tpu.region"() ({
      %run_scoped3A = tpu.sem_alloc : memref<!tpu.dma_semaphore, #tpu.memory_space<semaphore_mem>>
      %dma_start3A = arith.constant 0 : i32
      %dma_start3A_121 = tpu.memref_slice %arg7[%mul3A_14, %dma_start3A] : memref<10240x128xf32, #tpu.memory_space<vmem_shared>> -> memref<128x128xf32, #tpu.memory_space<vmem_shared>>
      %dma_start3A_122 = arith.constant 0 : i32
      %dma_start3A_123 = tpu.memref_slice %arg7[%mul3A_14, %dma_start3A_122] : memref<10240x128xf32, #tpu.memory_space<vmem_shared>> -> memref<128x128xf32, #tpu.memory_space<vmem_shared>>
      tpu.enqueue_dma source(%arg10 : memref<128x128xf32, #tpu.memory_space<vmem>>) target(%dma_start3A_123 : memref<128x128xf32, #tpu.memory_space<vmem_shared>>) target_semaphore(%run_scoped3A : memref<!tpu.dma_semaphore, #tpu.memory_space<semaphore_mem>>)
      %dma_wait3A = arith.constant 0 : i32
      %dma_wait3A_124 = tpu.memref_slice %arg7[%mul3A_14, %dma_wait3A] : memref<10240x128xf32, #tpu.memory_space<vmem_shared>> -> memref<128x128xf32, #tpu.memory_space<vmem_shared>>
      %dma_wait3A_125 = arith.constant 0 : i32
      %dma_wait3A_126 = tpu.memref_slice %arg7[%mul3A_14, %dma_wait3A_125] : memref<10240x128xf32, #tpu.memory_space<vmem_shared>> -> memref<128x128xf32, #tpu.memory_space<vmem_shared>>
      tpu.wait_dma2 semaphore(%run_scoped3A : memref<!tpu.dma_semaphore, #tpu.memory_space<semaphore_mem>>) src(%arg10 : memref<128x128xf32, #tpu.memory_space<vmem>>) dst(%dma_wait3A_126 : memref<128x128xf32, #tpu.memory_space<vmem_shared>>)
      tpu.yield
    }) : () -> ()
    %add3A_15 = arith.constant 48 : i32
    %add3A_16 = arith.addi %arg1, %add3A_15 : i32
    %mul3A_17 = arith.constant 128 : i32
    %mul3A_18 = arith.muli %add3A_16, %mul3A_17 : i32
    "tpu.region"() ({
      %run_scoped3A = tpu.sem_alloc : memref<!tpu.dma_semaphore, #tpu.memory_space<semaphore_mem>>
      %dma_start3A = arith.constant 0 : i32
      %dma_start3A_121 = tpu.memref_slice %arg7[%mul3A_18, %dma_start3A] : memref<10240x128xf32, #tpu.memory_space<vmem_shared>> -> memref<128x128xf32, #tpu.memory_space<vmem_shared>>
      %dma_start3A_122 = arith.constant 0 : i32
      %dma_start3A_123 = tpu.memref_slice %arg7[%mul3A_18, %dma_start3A_122] : memref<10240x128xf32, #tpu.memory_space<vmem_shared>> -> memref<128x128xf32, #tpu.memory_space<vmem_shared>>
      tpu.enqueue_dma source(%arg10 : memref<128x128xf32, #tpu.memory_space<vmem>>) target(%dma_start3A_123 : memref<128x128xf32, #tpu.memory_space<vmem_shared>>) target_semaphore(%run_scoped3A : memref<!tpu.dma_semaphore, #tpu.memory_space<semaphore_mem>>)
      %dma_wait3A = arith.constant 0 : i32
      %dma_wait3A_124 = tpu.memref_slice %arg7[%mul3A_18, %dma_wait3A] : memref<10240x128xf32, #tpu.memory_space<vmem_shared>> -> memref<128x128xf32, #tpu.memory_space<vmem_shared>>
      %dma_wait3A_125 = arith.constant 0 : i32
      %dma_wait3A_126 = tpu.memref_slice %arg7[%mul3A_18, %dma_wait3A_125] : memref<10240x128xf32, #tpu.memory_space<vmem_shared>> -> memref<128x128xf32, #tpu.memory_space<vmem_shared>>
      tpu.wait_dma2 semaphore(%run_scoped3A : memref<!tpu.dma_semaphore, #tpu.memory_space<semaphore_mem>>) src(%arg10 : memref<128x128xf32, #tpu.memory_space<vmem>>) dst(%dma_wait3A_126 : memref<128x128xf32, #tpu.memory_space<vmem_shared>>)
      tpu.yield
    }) : () -> ()
    %add3A_19 = arith.constant 64 : i32
    %add3A_20 = arith.addi %arg1, %add3A_19 : i32
    %mul3A_21 = arith.constant 128 : i32
    %mul3A_22 = arith.muli %add3A_20, %mul3A_21 : i32
    "tpu.region"() ({
      %run_scoped3A = tpu.sem_alloc : memref<!tpu.dma_semaphore, #tpu.memory_space<semaphore_mem>>
      %dma_start3A = arith.constant 0 : i32
      %dma_start3A_121 = tpu.memref_slice %arg7[%mul3A_22, %dma_start3A] : memref<10240x128xf32, #tpu.memory_space<vmem_shared>> -> memref<128x128xf32, #tpu.memory_space<vmem_shared>>
      %dma_start3A_122 = arith.constant 0 : i32
      %dma_start3A_123 = tpu.memref_slice %arg7[%mul3A_22, %dma_start3A_122] : memref<10240x128xf32, #tpu.memory_space<vmem_shared>> -> memref<128x128xf32, #tpu.memory_space<vmem_shared>>
      tpu.enqueue_dma source(%arg10 : memref<128x128xf32, #tpu.memory_space<vmem>>) target(%dma_start3A_123 : memref<128x128xf32, #tpu.memory_space<vmem_shared>>) target_semaphore(%run_scoped3A : memref<!tpu.dma_semaphore, #tpu.memory_space<semaphore_mem>>)
      %dma_wait3A = arith.constant 0 : i32
      %dma_wait3A_124 = tpu.memref_slice %arg7[%mul3A_22, %dma_wait3A] : memref<10240x128xf32, #tpu.memory_space<vmem_shared>> -> memref<128x128xf32, #tpu.memory_space<vmem_shared>>
      %dma_wait3A_125 = arith.constant 0 : i32
      %dma_wait3A_126 = tpu.memref_slice %arg7[%mul3A_22, %dma_wait3A_125] : memref<10240x128xf32, #tpu.memory_space<vmem_shared>> -> memref<128x128xf32, #tpu.memory_space<vmem_shared>>
      tpu.wait_dma2 semaphore(%run_scoped3A : memref<!tpu.dma_semaphore, #tpu.memory_space<semaphore_mem>>) src(%arg10 : memref<128x128xf32, #tpu.memory_space<vmem>>) dst(%dma_wait3A_126 : memref<128x128xf32, #tpu.memory_space<vmem_shared>>)
      tpu.yield
    }) : () -> ()
    %barrier3A = arith.constant 0 : index
    tpu.barrier barrier_id(%barrier3A)
    %add3A_23 = arith.constant 0 : i32
    %add3A_24 = arith.addi %mul3A_2, %add3A_23 : i32
    "tpu.region"() ({
      %run_scoped3A = tpu.sem_alloc : memref<!tpu.dma_semaphore, #tpu.memory_space<semaphore_mem>>
      %dma_start3A = arith.constant 0 : i32
      %dma_start3A_121 = tpu.memref_slice %arg3[%add3A_24, %dma_start3A] : memref<2560x128xi32, #tpu.memory_space<hbm>> -> memref<40x128xi32, #tpu.memory_space<hbm>>
      %dma_start3A_122 = arith.constant 0 : i32
      %dma_start3A_123 = tpu.memref_slice %arg3[%add3A_24, %dma_start3A_122] : memref<2560x128xi32, #tpu.memory_space<hbm>> -> memref<40x128xi32, #tpu.memory_space<hbm>>
      tpu.enqueue_dma source(%dma_start3A_123 : memref<40x128xi32, #tpu.memory_space<hbm>>) target(%arg8 : memref<40x128xi32, #tpu.memory_space<vmem>>) target_semaphore(%run_scoped3A : memref<!tpu.dma_semaphore, #tpu.memory_space<semaphore_mem>>)
      %dma_wait3A = arith.constant 0 : i32
      %dma_wait3A_124 = tpu.memref_slice %arg3[%add3A_24, %dma_wait3A] : memref<2560x128xi32, #tpu.memory_space<hbm>> -> memref<40x128xi32, #tpu.memory_space<hbm>>
      %dma_wait3A_125 = arith.constant 0 : i32
      %dma_wait3A_126 = tpu.memref_slice %arg3[%add3A_24, %dma_wait3A_125] : memref<2560x128xi32, #tpu.memory_space<hbm>> -> memref<40x128xi32, #tpu.memory_space<hbm>>
      tpu.wait_dma2 semaphore(%run_scoped3A : memref<!tpu.dma_semaphore, #tpu.memory_space<semaphore_mem>>) src(%dma_wait3A_126 : memref<40x128xi32, #tpu.memory_space<hbm>>) dst(%arg8 : memref<40x128xi32, #tpu.memory_space<vmem>>)
      tpu.yield
    }) : () -> ()
    "tpu.region"() ({
      %run_scoped3A = tpu.sem_alloc : memref<!tpu.dma_semaphore, #tpu.memory_space<semaphore_mem>>
      %dma_start3A = arith.constant 0 : i32
      %dma_start3A_121 = tpu.memref_slice %arg4[%add3A_24, %dma_start3A] : memref<2560x128xi32, #tpu.memory_space<hbm>> -> memref<40x128xi32, #tpu.memory_space<hbm>>
      %dma_start3A_122 = arith.constant 0 : i32
      %dma_start3A_123 = tpu.memref_slice %arg4[%add3A_24, %dma_start3A_122] : memref<2560x128xi32, #tpu.memory_space<hbm>> -> memref<40x128xi32, #tpu.memory_space<hbm>>
      tpu.enqueue_dma source(%dma_start3A_123 : memref<40x128xi32, #tpu.memory_space<hbm>>) target(%arg9 : memref<40x128xi32, #tpu.memory_space<vmem>>) target_semaphore(%run_scoped3A : memref<!tpu.dma_semaphore, #tpu.memory_space<semaphore_mem>>)
      %dma_wait3A = arith.constant 0 : i32
      %dma_wait3A_124 = tpu.memref_slice %arg4[%add3A_24, %dma_wait3A] : memref<2560x128xi32, #tpu.memory_space<hbm>> -> memref<40x128xi32, #tpu.memory_space<hbm>>
      %dma_wait3A_125 = arith.constant 0 : i32
      %dma_wait3A_126 = tpu.memref_slice %arg4[%add3A_24, %dma_wait3A_125] : memref<2560x128xi32, #tpu.memory_space<hbm>> -> memref<40x128xi32, #tpu.memory_space<hbm>>
      tpu.wait_dma2 semaphore(%run_scoped3A : memref<!tpu.dma_semaphore, #tpu.memory_space<semaphore_mem>>) src(%dma_wait3A_126 : memref<40x128xi32, #tpu.memory_space<hbm>>) dst(%arg9 : memref<40x128xi32, #tpu.memory_space<vmem>>)
      tpu.yield
    }) : () -> ()
    %add3A_25 = arith.constant 0 : i32
    %add3A_26 = arith.addi %add3A_24, %add3A_25 : i32
    %lt3A = arith.constant 2500 : i32
    %lt3A_27 = arith.cmpi slt, %add3A_26, %lt3A : i32
    %convert_element_type3A = arith.extui %lt3A_27 : i1 to i32
    %cond3A = arith.constant 0 : i32
    %cond3A_28 = arith.cmpi ne, %convert_element_type3A, %cond3A : i32
    scf.if %cond3A_28 {
      %dma_start3A = arith.constant 0 : i32
      %dma_start3A_121 = arith.constant 0 : i32
      %dma_start3A_122 = tpu.memref_slice %arg8[%dma_start3A, %dma_start3A_121] : memref<40x128xi32, #tpu.memory_space<vmem>> -> memref<1x128xi32, #tpu.memory_space<vmem>>
      %dma_start3A_123 = tpu.memref_squeeze %dma_start3A_122 : memref<1x128xi32, #tpu.memory_space<vmem>> -> memref<128xi32, #tpu.memory_space<vmem>>
      %dma_start3A_124 = arith.constant 0 : i32
      %dma_start3A_125 = arith.constant 0 : i32
      %dma_start3A_126 = tpu.memref_slice %arg2[%dma_start3A_124, %dma_start3A_125] : memref<10000x128xf32, #tpu.memory_space<hbm>> -> memref<10000x128xf32, #tpu.memory_space<hbm>>
      tpu.enqueue_indirect_dma source(%dma_start3A_126 : memref<10000x128xf32, #tpu.memory_space<hbm>>) target(%arg10 : memref<128x128xf32, #tpu.memory_space<vmem>>) offsets(%dma_start3A_123 : memref<128xi32, #tpu.memory_space<vmem>>) semaphore(%arg12 : memref<!tpu.dma_semaphore, #tpu.memory_space<semaphore_mem>>)
    } else {
    }
    %add3A_29 = arith.constant 1 : i32
    %add3A_30 = arith.addi %add3A_24, %add3A_29 : i32
    %lt3A_31 = arith.constant 2500 : i32
    %lt3A_32 = arith.cmpi slt, %add3A_30, %lt3A_31 : i32
    %convert_element_type3A_33 = arith.extui %lt3A_32 : i1 to i32
    %cond3A_34 = arith.constant 0 : i32
    %cond3A_35 = arith.cmpi ne, %convert_element_type3A_33, %cond3A_34 : i32
    scf.if %cond3A_35 {
      %dma_start3A = arith.constant 1 : i32
      %dma_start3A_121 = arith.constant 0 : i32
      %dma_start3A_122 = tpu.memref_slice %arg8[%dma_start3A, %dma_start3A_121] : memref<40x128xi32, #tpu.memory_space<vmem>> -> memref<1x128xi32, #tpu.memory_space<vmem>>
      %dma_start3A_123 = tpu.memref_squeeze %dma_start3A_122 : memref<1x128xi32, #tpu.memory_space<vmem>> -> memref<128xi32, #tpu.memory_space<vmem>>
      %dma_start3A_124 = arith.constant 0 : i32
      %dma_start3A_125 = arith.constant 0 : i32
      %dma_start3A_126 = tpu.memref_slice %arg2[%dma_start3A_124, %dma_start3A_125] : memref<10000x128xf32, #tpu.memory_space<hbm>> -> memref<10000x128xf32, #tpu.memory_space<hbm>>
      tpu.enqueue_indirect_dma source(%dma_start3A_126 : memref<10000x128xf32, #tpu.memory_space<hbm>>) target(%arg11 : memref<128x128xf32, #tpu.memory_space<vmem>>) offsets(%dma_start3A_123 : memref<128xi32, #tpu.memory_space<vmem>>) semaphore(%arg13 : memref<!tpu.dma_semaphore, #tpu.memory_space<semaphore_mem>>)
    } else {
    }
    %scan3A = arith.constant 0 : i32
    %scan3A_36 = arith.constant 20 : i32
    %scan3A_37 = arith.addi %scan3A, %scan3A_36 : i32
    %scan3A_38 = arith.constant 1 : i32
    scf.for %scan3A_121 = %scan3A to %scan3A_37 step %scan3A_38  : i32 {
      %mul3A_122 = arith.constant 2 : i32
      %mul3A_123 = arith.muli %mul3A_122, %scan3A_121 : i32
      %mul3A_124 = arith.constant 2 : i32
      %mul3A_125 = arith.muli %mul3A_124, %scan3A_121 : i32
      %add3A_126 = arith.constant 1 : i32
      %add3A_127 = arith.addi %mul3A_125, %add3A_126 : i32
      %add3A_128 = arith.addi %add3A_24, %mul3A_123 : i32
      %lt3A_129 = arith.constant 2500 : i32
      %lt3A_130 = arith.cmpi slt, %add3A_128, %lt3A_129 : i32
      %convert_element_type3A_131 = arith.extui %lt3A_130 : i1 to i32
      %cond3A_132 = arith.constant 0 : i32
      %cond3A_133 = arith.cmpi ne, %convert_element_type3A_131, %cond3A_132 : i32
      scf.if %cond3A_133 {
        %dma_wait3A = arith.constant 0 : i32
        %dma_wait3A_161 = tpu.memref_slice %arg8[%mul3A_123, %dma_wait3A] : memref<40x128xi32, #tpu.memory_space<vmem>> -> memref<1x128xi32, #tpu.memory_space<vmem>>
        %dma_wait3A_162 = tpu.memref_squeeze %dma_wait3A_161 : memref<1x128xi32, #tpu.memory_space<vmem>> -> memref<128xi32, #tpu.memory_space<vmem>>
        %dma_wait3A_163 = arith.constant 0 : i32
        %dma_wait3A_164 = arith.constant 0 : i32
        %dma_wait3A_165 = tpu.memref_slice %arg2[%dma_wait3A_163, %dma_wait3A_164] : memref<10000x128xf32, #tpu.memory_space<hbm>> -> memref<10000x128xf32, #tpu.memory_space<hbm>>
        tpu.wait_indirect_dma semaphore(%arg12 : memref<!tpu.dma_semaphore, #tpu.memory_space<semaphore_mem>>) src(%dma_wait3A_165 : memref<10000x128xf32, #tpu.memory_space<hbm>>) dst(%arg10 : memref<128x128xf32, #tpu.memory_space<vmem>>)
        "tpu.region"() ({
          %run_scoped3A = tpu.sem_alloc : memref<!tpu.dma_semaphore, #tpu.memory_space<semaphore_mem>>
          %dma_start3A = arith.constant 0 : i32
          %dma_start3A_166 = tpu.memref_slice %arg9[%mul3A_123, %dma_start3A] : memref<40x128xi32, #tpu.memory_space<vmem>> -> memref<1x128xi32, #tpu.memory_space<vmem>>
          %dma_start3A_167 = tpu.memref_squeeze %dma_start3A_166 : memref<1x128xi32, #tpu.memory_space<vmem>> -> memref<128xi32, #tpu.memory_space<vmem>>
          %dma_start3A_168 = arith.constant 0 : i32
          %dma_start3A_169 = arith.constant 0 : i32
          %dma_start3A_170 = tpu.memref_slice %arg7[%dma_start3A_168, %dma_start3A_169] : memref<10240x128xf32, #tpu.memory_space<vmem_shared>> -> memref<10240x128xf32, #tpu.memory_space<vmem_shared>>
          tpu.enqueue_indirect_dma source(%arg10 : memref<128x128xf32, #tpu.memory_space<vmem>>) target(%dma_start3A_170 : memref<10240x128xf32, #tpu.memory_space<vmem_shared>>) offsets(%dma_start3A_167 : memref<128xi32, #tpu.memory_space<vmem>>) semaphore(%run_scoped3A : memref<!tpu.dma_semaphore, #tpu.memory_space<semaphore_mem>>) {add = true}
          %dma_wait3A_171 = arith.constant 0 : i32
          %dma_wait3A_172 = tpu.memref_slice %arg9[%mul3A_123, %dma_wait3A_171] : memref<40x128xi32, #tpu.memory_space<vmem>> -> memref<1x128xi32, #tpu.memory_space<vmem>>
          %dma_wait3A_173 = tpu.memref_squeeze %dma_wait3A_172 : memref<1x128xi32, #tpu.memory_space<vmem>> -> memref<128xi32, #tpu.memory_space<vmem>>
          %dma_wait3A_174 = arith.constant 0 : i32
          %dma_wait3A_175 = arith.constant 0 : i32
          %dma_wait3A_176 = tpu.memref_slice %arg7[%dma_wait3A_174, %dma_wait3A_175] : memref<10240x128xf32, #tpu.memory_space<vmem_shared>> -> memref<10240x128xf32, #tpu.memory_space<vmem_shared>>
          tpu.wait_indirect_dma semaphore(%run_scoped3A : memref<!tpu.dma_semaphore, #tpu.memory_space<semaphore_mem>>) src(%arg10 : memref<128x128xf32, #tpu.memory_space<vmem>>) dst(%dma_wait3A_176 : memref<10240x128xf32, #tpu.memory_space<vmem_shared>>)
          tpu.yield
        }) : () -> ()
      } else {
      }
      %lt3A_134 = arith.constant 19 : i32
      %lt3A_135 = arith.cmpi slt, %scan3A_121, %lt3A_134 : i32
      %add3A_136 = arith.constant 2 : i32
      %add3A_137 = arith.addi %mul3A_123, %add3A_136 : i32
      %add3A_138 = arith.addi %add3A_24, %add3A_137 : i32
      %lt3A_139 = arith.constant 2500 : i32
      %lt3A_140 = arith.cmpi slt, %add3A_138, %lt3A_139 : i32
      %and3A = arith.andi %lt3A_135, %lt3A_140 : i1
      %convert_element_type3A_141 = arith.extui %and3A : i1 to i32
      %cond3A_142 = arith.constant 0 : i32
      %cond3A_143 = arith.cmpi ne, %convert_element_type3A_141, %cond3A_142 : i32
      scf.if %cond3A_143 {
        %add3A_161 = arith.constant 2 : i32
        %add3A_162 = arith.addi %mul3A_123, %add3A_161 : i32
        %dma_start3A = arith.constant 0 : i32
        %dma_start3A_163 = tpu.memref_slice %arg8[%add3A_162, %dma_start3A] : memref<40x128xi32, #tpu.memory_space<vmem>> -> memref<1x128xi32, #tpu.memory_space<vmem>>
        %dma_start3A_164 = tpu.memref_squeeze %dma_start3A_163 : memref<1x128xi32, #tpu.memory_space<vmem>> -> memref<128xi32, #tpu.memory_space<vmem>>
        %dma_start3A_165 = arith.constant 0 : i32
        %dma_start3A_166 = arith.constant 0 : i32
        %dma_start3A_167 = tpu.memref_slice %arg2[%dma_start3A_165, %dma_start3A_166] : memref<10000x128xf32, #tpu.memory_space<hbm>> -> memref<10000x128xf32, #tpu.memory_space<hbm>>
        tpu.enqueue_indirect_dma source(%dma_start3A_167 : memref<10000x128xf32, #tpu.memory_space<hbm>>) target(%arg10 : memref<128x128xf32, #tpu.memory_space<vmem>>) offsets(%dma_start3A_164 : memref<128xi32, #tpu.memory_space<vmem>>) semaphore(%arg12 : memref<!tpu.dma_semaphore, #tpu.memory_space<semaphore_mem>>)
      } else {
      }
      %add3A_144 = arith.addi %add3A_24, %add3A_127 : i32
      %lt3A_145 = arith.constant 2500 : i32
      %lt3A_146 = arith.cmpi slt, %add3A_144, %lt3A_145 : i32
      %convert_element_type3A_147 = arith.extui %lt3A_146 : i1 to i32
      %cond3A_148 = arith.constant 0 : i32
      %cond3A_149 = arith.cmpi ne, %convert_element_type3A_147, %cond3A_148 : i32
      scf.if %cond3A_149 {
        %dma_wait3A = arith.constant 0 : i32
        %dma_wait3A_161 = tpu.memref_slice %arg8[%add3A_127, %dma_wait3A] : memref<40x128xi32, #tpu.memory_space<vmem>> -> memref<1x128xi32, #tpu.memory_space<vmem>>
        %dma_wait3A_162 = tpu.memref_squeeze %dma_wait3A_161 : memref<1x128xi32, #tpu.memory_space<vmem>> -> memref<128xi32, #tpu.memory_space<vmem>>
        %dma_wait3A_163 = arith.constant 0 : i32
        %dma_wait3A_164 = arith.constant 0 : i32
        %dma_wait3A_165 = tpu.memref_slice %arg2[%dma_wait3A_163, %dma_wait3A_164] : memref<10000x128xf32, #tpu.memory_space<hbm>> -> memref<10000x128xf32, #tpu.memory_space<hbm>>
        tpu.wait_indirect_dma semaphore(%arg13 : memref<!tpu.dma_semaphore, #tpu.memory_space<semaphore_mem>>) src(%dma_wait3A_165 : memref<10000x128xf32, #tpu.memory_space<hbm>>) dst(%arg11 : memref<128x128xf32, #tpu.memory_space<vmem>>)
        "tpu.region"() ({
          %run_scoped3A = tpu.sem_alloc : memref<!tpu.dma_semaphore, #tpu.memory_space<semaphore_mem>>
          %dma_start3A = arith.constant 0 : i32
          %dma_start3A_166 = tpu.memref_slice %arg9[%add3A_127, %dma_start3A] : memref<40x128xi32, #tpu.memory_space<vmem>> -> memref<1x128xi32, #tpu.memory_space<vmem>>
          %dma_start3A_167 = tpu.memref_squeeze %dma_start3A_166 : memref<1x128xi32, #tpu.memory_space<vmem>> -> memref<128xi32, #tpu.memory_space<vmem>>
          %dma_start3A_168 = arith.constant 0 : i32
          %dma_start3A_169 = arith.constant 0 : i32
          %dma_start3A_170 = tpu.memref_slice %arg7[%dma_start3A_168, %dma_start3A_169] : memref<10240x128xf32, #tpu.memory_space<vmem_shared>> -> memref<10240x128xf32, #tpu.memory_space<vmem_shared>>
          tpu.enqueue_indirect_dma source(%arg11 : memref<128x128xf32, #tpu.memory_space<vmem>>) target(%dma_start3A_170 : memref<10240x128xf32, #tpu.memory_space<vmem_shared>>) offsets(%dma_start3A_167 : memref<128xi32, #tpu.memory_space<vmem>>) semaphore(%run_scoped3A : memref<!tpu.dma_semaphore, #tpu.memory_space<semaphore_mem>>) {add = true}
          %dma_wait3A_171 = arith.constant 0 : i32
          %dma_wait3A_172 = tpu.memref_slice %arg9[%add3A_127, %dma_wait3A_171] : memref<40x128xi32, #tpu.memory_space<vmem>> -> memref<1x128xi32, #tpu.memory_space<vmem>>
          %dma_wait3A_173 = tpu.memref_squeeze %dma_wait3A_172 : memref<1x128xi32, #tpu.memory_space<vmem>> -> memref<128xi32, #tpu.memory_space<vmem>>
          %dma_wait3A_174 = arith.constant 0 : i32
          %dma_wait3A_175 = arith.constant 0 : i32
          %dma_wait3A_176 = tpu.memref_slice %arg7[%dma_wait3A_174, %dma_wait3A_175] : memref<10240x128xf32, #tpu.memory_space<vmem_shared>> -> memref<10240x128xf32, #tpu.memory_space<vmem_shared>>
          tpu.wait_indirect_dma semaphore(%run_scoped3A : memref<!tpu.dma_semaphore, #tpu.memory_space<semaphore_mem>>) src(%arg11 : memref<128x128xf32, #tpu.memory_space<vmem>>) dst(%dma_wait3A_176 : memref<10240x128xf32, #tpu.memory_space<vmem_shared>>)
          tpu.yield
        }) : () -> ()
      } else {
      }
      %lt3A_150 = arith.constant 19 : i32
      %lt3A_151 = arith.cmpi slt, %scan3A_121, %lt3A_150 : i32
      %add3A_152 = arith.constant 2 : i32
      %add3A_153 = arith.addi %add3A_127, %add3A_152 : i32
      %add3A_154 = arith.addi %add3A_24, %add3A_153 : i32
      %lt3A_155 = arith.constant 2500 : i32
      %lt3A_156 = arith.cmpi slt, %add3A_154, %lt3A_155 : i32
      %and3A_157 = arith.andi %lt3A_151, %lt3A_156 : i1
      %convert_element_type3A_158 = arith.extui %and3A_157 : i1 to i32
      %cond3A_159 = arith.constant 0 : i32
      %cond3A_160 = arith.cmpi ne, %convert_element_type3A_158, %cond3A_159 : i32
      scf.if %cond3A_160 {
        %add3A_161 = arith.constant 2 : i32
        %add3A_162 = arith.addi %add3A_127, %add3A_161 : i32
        %dma_start3A = arith.constant 0 : i32
        %dma_start3A_163 = tpu.memref_slice %arg8[%add3A_162, %dma_start3A] : memref<40x128xi32, #tpu.memory_space<vmem>> -> memref<1x128xi32, #tpu.memory_space<vmem>>
        %dma_start3A_164 = tpu.memref_squeeze %dma_start3A_163 : memref<1x128xi32, #tpu.memory_space<vmem>> -> memref<128xi32, #tpu.memory_space<vmem>>
        %dma_start3A_165 = arith.constant 0 : i32
        %dma_start3A_166 = arith.constant 0 : i32
        %dma_start3A_167 = tpu.memref_slice %arg2[%dma_start3A_165, %dma_start3A_166] : memref<10000x128xf32, #tpu.memory_space<hbm>> -> memref<10000x128xf32, #tpu.memory_space<hbm>>
        tpu.enqueue_indirect_dma source(%dma_start3A_167 : memref<10000x128xf32, #tpu.memory_space<hbm>>) target(%arg11 : memref<128x128xf32, #tpu.memory_space<vmem>>) offsets(%dma_start3A_164 : memref<128xi32, #tpu.memory_space<vmem>>) semaphore(%arg13 : memref<!tpu.dma_semaphore, #tpu.memory_space<semaphore_mem>>)
      } else {
      }
    }
    %scan3A_39 = arith.constant 20 : i32
    %add3A_40 = arith.constant 40 : i32
    %add3A_41 = arith.addi %mul3A_2, %add3A_40 : i32
    "tpu.region"() ({
      %run_scoped3A = tpu.sem_alloc : memref<!tpu.dma_semaphore, #tpu.memory_space<semaphore_mem>>
      %dma_start3A = arith.constant 0 : i32
      %dma_start3A_121 = tpu.memref_slice %arg3[%add3A_41, %dma_start3A] : memref<2560x128xi32, #tpu.memory_space<hbm>> -> memref<40x128xi32, #tpu.memory_space<hbm>>
      %dma_start3A_122 = arith.constant 0 : i32
      %dma_start3A_123 = tpu.memref_slice %arg3[%add3A_41, %dma_start3A_122] : memref<2560x128xi32, #tpu.memory_space<hbm>> -> memref<40x128xi32, #tpu.memory_space<hbm>>
      tpu.enqueue_dma source(%dma_start3A_123 : memref<40x128xi32, #tpu.memory_space<hbm>>) target(%arg8 : memref<40x128xi32, #tpu.memory_space<vmem>>) target_semaphore(%run_scoped3A : memref<!tpu.dma_semaphore, #tpu.memory_space<semaphore_mem>>)
      %dma_wait3A = arith.constant 0 : i32
      %dma_wait3A_124 = tpu.memref_slice %arg3[%add3A_41, %dma_wait3A] : memref<2560x128xi32, #tpu.memory_space<hbm>> -> memref<40x128xi32, #tpu.memory_space<hbm>>
      %dma_wait3A_125 = arith.constant 0 : i32
      %dma_wait3A_126 = tpu.memref_slice %arg3[%add3A_41, %dma_wait3A_125] : memref<2560x128xi32, #tpu.memory_space<hbm>> -> memref<40x128xi32, #tpu.memory_space<hbm>>
      tpu.wait_dma2 semaphore(%run_scoped3A : memref<!tpu.dma_semaphore, #tpu.memory_space<semaphore_mem>>) src(%dma_wait3A_126 : memref<40x128xi32, #tpu.memory_space<hbm>>) dst(%arg8 : memref<40x128xi32, #tpu.memory_space<vmem>>)
      tpu.yield
    }) : () -> ()
    "tpu.region"() ({
      %run_scoped3A = tpu.sem_alloc : memref<!tpu.dma_semaphore, #tpu.memory_space<semaphore_mem>>
      %dma_start3A = arith.constant 0 : i32
      %dma_start3A_121 = tpu.memref_slice %arg4[%add3A_41, %dma_start3A] : memref<2560x128xi32, #tpu.memory_space<hbm>> -> memref<40x128xi32, #tpu.memory_space<hbm>>
      %dma_start3A_122 = arith.constant 0 : i32
      %dma_start3A_123 = tpu.memref_slice %arg4[%add3A_41, %dma_start3A_122] : memref<2560x128xi32, #tpu.memory_space<hbm>> -> memref<40x128xi32, #tpu.memory_space<hbm>>
      tpu.enqueue_dma source(%dma_start3A_123 : memref<40x128xi32, #tpu.memory_space<hbm>>) target(%arg9 : memref<40x128xi32, #tpu.memory_space<vmem>>) target_semaphore(%run_scoped3A : memref<!tpu.dma_semaphore, #tpu.memory_space<semaphore_mem>>)
      %dma_wait3A = arith.constant 0 : i32
      %dma_wait3A_124 = tpu.memref_slice %arg4[%add3A_41, %dma_wait3A] : memref<2560x128xi32, #tpu.memory_space<hbm>> -> memref<40x128xi32, #tpu.memory_space<hbm>>
      %dma_wait3A_125 = arith.constant 0 : i32
      %dma_wait3A_126 = tpu.memref_slice %arg4[%add3A_41, %dma_wait3A_125] : memref<2560x128xi32, #tpu.memory_space<hbm>> -> memref<40x128xi32, #tpu.memory_space<hbm>>
      tpu.wait_dma2 semaphore(%run_scoped3A : memref<!tpu.dma_semaphore, #tpu.memory_space<semaphore_mem>>) src(%dma_wait3A_126 : memref<40x128xi32, #tpu.memory_space<hbm>>) dst(%arg9 : memref<40x128xi32, #tpu.memory_space<vmem>>)
      tpu.yield
    }) : () -> ()
    %add3A_42 = arith.constant 0 : i32
    %add3A_43 = arith.addi %add3A_41, %add3A_42 : i32
    %lt3A_44 = arith.constant 2500 : i32
    %lt3A_45 = arith.cmpi slt, %add3A_43, %lt3A_44 : i32
    %convert_element_type3A_46 = arith.extui %lt3A_45 : i1 to i32
    %cond3A_47 = arith.constant 0 : i32
    %cond3A_48 = arith.cmpi ne, %convert_element_type3A_46, %cond3A_47 : i32
    scf.if %cond3A_48 {
      %dma_start3A = arith.constant 0 : i32
      %dma_start3A_121 = arith.constant 0 : i32
      %dma_start3A_122 = tpu.memref_slice %arg8[%dma_start3A, %dma_start3A_121] : memref<40x128xi32, #tpu.memory_space<vmem>> -> memref<1x128xi32, #tpu.memory_space<vmem>>
      %dma_start3A_123 = tpu.memref_squeeze %dma_start3A_122 : memref<1x128xi32, #tpu.memory_space<vmem>> -> memref<128xi32, #tpu.memory_space<vmem>>
      %dma_start3A_124 = arith.constant 0 : i32
      %dma_start3A_125 = arith.constant 0 : i32
      %dma_start3A_126 = tpu.memref_slice %arg2[%dma_start3A_124, %dma_start3A_125] : memref<10000x128xf32, #tpu.memory_space<hbm>> -> memref<10000x128xf32, #tpu.memory_space<hbm>>
      tpu.enqueue_indirect_dma source(%dma_start3A_126 : memref<10000x128xf32, #tpu.memory_space<hbm>>) target(%arg10 : memref<128x128xf32, #tpu.memory_space<vmem>>) offsets(%dma_start3A_123 : memref<128xi32, #tpu.memory_space<vmem>>) semaphore(%arg12 : memref<!tpu.dma_semaphore, #tpu.memory_space<semaphore_mem>>)
    } else {
    }
    %add3A_49 = arith.constant 1 : i32
    %add3A_50 = arith.addi %add3A_41, %add3A_49 : i32
    %lt3A_51 = arith.constant 2500 : i32
    %lt3A_52 = arith.cmpi slt, %add3A_50, %lt3A_51 : i32
    %convert_element_type3A_53 = arith.extui %lt3A_52 : i1 to i32
    %cond3A_54 = arith.constant 0 : i32
    %cond3A_55 = arith.cmpi ne, %convert_element_type3A_53, %cond3A_54 : i32
    scf.if %cond3A_55 {
      %dma_start3A = arith.constant 1 : i32
      %dma_start3A_121 = arith.constant 0 : i32
      %dma_start3A_122 = tpu.memref_slice %arg8[%dma_start3A, %dma_start3A_121] : memref<40x128xi32, #tpu.memory_space<vmem>> -> memref<1x128xi32, #tpu.memory_space<vmem>>
      %dma_start3A_123 = tpu.memref_squeeze %dma_start3A_122 : memref<1x128xi32, #tpu.memory_space<vmem>> -> memref<128xi32, #tpu.memory_space<vmem>>
      %dma_start3A_124 = arith.constant 0 : i32
      %dma_start3A_125 = arith.constant 0 : i32
      %dma_start3A_126 = tpu.memref_slice %arg2[%dma_start3A_124, %dma_start3A_125] : memref<10000x128xf32, #tpu.memory_space<hbm>> -> memref<10000x128xf32, #tpu.memory_space<hbm>>
      tpu.enqueue_indirect_dma source(%dma_start3A_126 : memref<10000x128xf32, #tpu.memory_space<hbm>>) target(%arg11 : memref<128x128xf32, #tpu.memory_space<vmem>>) offsets(%dma_start3A_123 : memref<128xi32, #tpu.memory_space<vmem>>) semaphore(%arg13 : memref<!tpu.dma_semaphore, #tpu.memory_space<semaphore_mem>>)
    } else {
    }
    %scan3A_56 = arith.constant 0 : i32
    %scan3A_57 = arith.constant 20 : i32
    %scan3A_58 = arith.addi %scan3A_56, %scan3A_57 : i32
    %scan3A_59 = arith.constant 1 : i32
    scf.for %scan3A_121 = %scan3A_56 to %scan3A_58 step %scan3A_59  : i32 {
      %mul3A_122 = arith.constant 2 : i32
      %mul3A_123 = arith.muli %mul3A_122, %scan3A_121 : i32
      %mul3A_124 = arith.constant 2 : i32
      %mul3A_125 = arith.muli %mul3A_124, %scan3A_121 : i32
      %add3A_126 = arith.constant 1 : i32
      %add3A_127 = arith.addi %mul3A_125, %add3A_126 : i32
      %add3A_128 = arith.addi %add3A_41, %mul3A_123 : i32
      %lt3A_129 = arith.constant 2500 : i32
      %lt3A_130 = arith.cmpi slt, %add3A_128, %lt3A_129 : i32
      %convert_element_type3A_131 = arith.extui %lt3A_130 : i1 to i32
      %cond3A_132 = arith.constant 0 : i32
      %cond3A_133 = arith.cmpi ne, %convert_element_type3A_131, %cond3A_132 : i32
      scf.if %cond3A_133 {
        %dma_wait3A = arith.constant 0 : i32
        %dma_wait3A_161 = tpu.memref_slice %arg8[%mul3A_123, %dma_wait3A] : memref<40x128xi32, #tpu.memory_space<vmem>> -> memref<1x128xi32, #tpu.memory_space<vmem>>
        %dma_wait3A_162 = tpu.memref_squeeze %dma_wait3A_161 : memref<1x128xi32, #tpu.memory_space<vmem>> -> memref<128xi32, #tpu.memory_space<vmem>>
        %dma_wait3A_163 = arith.constant 0 : i32
        %dma_wait3A_164 = arith.constant 0 : i32
        %dma_wait3A_165 = tpu.memref_slice %arg2[%dma_wait3A_163, %dma_wait3A_164] : memref<10000x128xf32, #tpu.memory_space<hbm>> -> memref<10000x128xf32, #tpu.memory_space<hbm>>
        tpu.wait_indirect_dma semaphore(%arg12 : memref<!tpu.dma_semaphore, #tpu.memory_space<semaphore_mem>>) src(%dma_wait3A_165 : memref<10000x128xf32, #tpu.memory_space<hbm>>) dst(%arg10 : memref<128x128xf32, #tpu.memory_space<vmem>>)
        "tpu.region"() ({
          %run_scoped3A = tpu.sem_alloc : memref<!tpu.dma_semaphore, #tpu.memory_space<semaphore_mem>>
          %dma_start3A = arith.constant 0 : i32
          %dma_start3A_166 = tpu.memref_slice %arg9[%mul3A_123, %dma_start3A] : memref<40x128xi32, #tpu.memory_space<vmem>> -> memref<1x128xi32, #tpu.memory_space<vmem>>
          %dma_start3A_167 = tpu.memref_squeeze %dma_start3A_166 : memref<1x128xi32, #tpu.memory_space<vmem>> -> memref<128xi32, #tpu.memory_space<vmem>>
          %dma_start3A_168 = arith.constant 0 : i32
          %dma_start3A_169 = arith.constant 0 : i32
          %dma_start3A_170 = tpu.memref_slice %arg7[%dma_start3A_168, %dma_start3A_169] : memref<10240x128xf32, #tpu.memory_space<vmem_shared>> -> memref<10240x128xf32, #tpu.memory_space<vmem_shared>>
          tpu.enqueue_indirect_dma source(%arg10 : memref<128x128xf32, #tpu.memory_space<vmem>>) target(%dma_start3A_170 : memref<10240x128xf32, #tpu.memory_space<vmem_shared>>) offsets(%dma_start3A_167 : memref<128xi32, #tpu.memory_space<vmem>>) semaphore(%run_scoped3A : memref<!tpu.dma_semaphore, #tpu.memory_space<semaphore_mem>>) {add = true}
          %dma_wait3A_171 = arith.constant 0 : i32
          %dma_wait3A_172 = tpu.memref_slice %arg9[%mul3A_123, %dma_wait3A_171] : memref<40x128xi32, #tpu.memory_space<vmem>> -> memref<1x128xi32, #tpu.memory_space<vmem>>
          %dma_wait3A_173 = tpu.memref_squeeze %dma_wait3A_172 : memref<1x128xi32, #tpu.memory_space<vmem>> -> memref<128xi32, #tpu.memory_space<vmem>>
          %dma_wait3A_174 = arith.constant 0 : i32
          %dma_wait3A_175 = arith.constant 0 : i32
          %dma_wait3A_176 = tpu.memref_slice %arg7[%dma_wait3A_174, %dma_wait3A_175] : memref<10240x128xf32, #tpu.memory_space<vmem_shared>> -> memref<10240x128xf32, #tpu.memory_space<vmem_shared>>
          tpu.wait_indirect_dma semaphore(%run_scoped3A : memref<!tpu.dma_semaphore, #tpu.memory_space<semaphore_mem>>) src(%arg10 : memref<128x128xf32, #tpu.memory_space<vmem>>) dst(%dma_wait3A_176 : memref<10240x128xf32, #tpu.memory_space<vmem_shared>>)
          tpu.yield
        }) : () -> ()
      } else {
      }
      %lt3A_134 = arith.constant 19 : i32
      %lt3A_135 = arith.cmpi slt, %scan3A_121, %lt3A_134 : i32
      %add3A_136 = arith.constant 2 : i32
      %add3A_137 = arith.addi %mul3A_123, %add3A_136 : i32
      %add3A_138 = arith.addi %add3A_41, %add3A_137 : i32
      %lt3A_139 = arith.constant 2500 : i32
      %lt3A_140 = arith.cmpi slt, %add3A_138, %lt3A_139 : i32
      %and3A = arith.andi %lt3A_135, %lt3A_140 : i1
      %convert_element_type3A_141 = arith.extui %and3A : i1 to i32
      %cond3A_142 = arith.constant 0 : i32
      %cond3A_143 = arith.cmpi ne, %convert_element_type3A_141, %cond3A_142 : i32
      scf.if %cond3A_143 {
        %add3A_161 = arith.constant 2 : i32
        %add3A_162 = arith.addi %mul3A_123, %add3A_161 : i32
        %dma_start3A = arith.constant 0 : i32
        %dma_start3A_163 = tpu.memref_slice %arg8[%add3A_162, %dma_start3A] : memref<40x128xi32, #tpu.memory_space<vmem>> -> memref<1x128xi32, #tpu.memory_space<vmem>>
        %dma_start3A_164 = tpu.memref_squeeze %dma_start3A_163 : memref<1x128xi32, #tpu.memory_space<vmem>> -> memref<128xi32, #tpu.memory_space<vmem>>
        %dma_start3A_165 = arith.constant 0 : i32
        %dma_start3A_166 = arith.constant 0 : i32
        %dma_start3A_167 = tpu.memref_slice %arg2[%dma_start3A_165, %dma_start3A_166] : memref<10000x128xf32, #tpu.memory_space<hbm>> -> memref<10000x128xf32, #tpu.memory_space<hbm>>
        tpu.enqueue_indirect_dma source(%dma_start3A_167 : memref<10000x128xf32, #tpu.memory_space<hbm>>) target(%arg10 : memref<128x128xf32, #tpu.memory_space<vmem>>) offsets(%dma_start3A_164 : memref<128xi32, #tpu.memory_space<vmem>>) semaphore(%arg12 : memref<!tpu.dma_semaphore, #tpu.memory_space<semaphore_mem>>)
      } else {
      }
      %add3A_144 = arith.addi %add3A_41, %add3A_127 : i32
      %lt3A_145 = arith.constant 2500 : i32
      %lt3A_146 = arith.cmpi slt, %add3A_144, %lt3A_145 : i32
      %convert_element_type3A_147 = arith.extui %lt3A_146 : i1 to i32
      %cond3A_148 = arith.constant 0 : i32
      %cond3A_149 = arith.cmpi ne, %convert_element_type3A_147, %cond3A_148 : i32
      scf.if %cond3A_149 {
        %dma_wait3A = arith.constant 0 : i32
        %dma_wait3A_161 = tpu.memref_slice %arg8[%add3A_127, %dma_wait3A] : memref<40x128xi32, #tpu.memory_space<vmem>> -> memref<1x128xi32, #tpu.memory_space<vmem>>
        %dma_wait3A_162 = tpu.memref_squeeze %dma_wait3A_161 : memref<1x128xi32, #tpu.memory_space<vmem>> -> memref<128xi32, #tpu.memory_space<vmem>>
        %dma_wait3A_163 = arith.constant 0 : i32
        %dma_wait3A_164 = arith.constant 0 : i32
        %dma_wait3A_165 = tpu.memref_slice %arg2[%dma_wait3A_163, %dma_wait3A_164] : memref<10000x128xf32, #tpu.memory_space<hbm>> -> memref<10000x128xf32, #tpu.memory_space<hbm>>
        tpu.wait_indirect_dma semaphore(%arg13 : memref<!tpu.dma_semaphore, #tpu.memory_space<semaphore_mem>>) src(%dma_wait3A_165 : memref<10000x128xf32, #tpu.memory_space<hbm>>) dst(%arg11 : memref<128x128xf32, #tpu.memory_space<vmem>>)
        "tpu.region"() ({
          %run_scoped3A = tpu.sem_alloc : memref<!tpu.dma_semaphore, #tpu.memory_space<semaphore_mem>>
          %dma_start3A = arith.constant 0 : i32
          %dma_start3A_166 = tpu.memref_slice %arg9[%add3A_127, %dma_start3A] : memref<40x128xi32, #tpu.memory_space<vmem>> -> memref<1x128xi32, #tpu.memory_space<vmem>>
          %dma_start3A_167 = tpu.memref_squeeze %dma_start3A_166 : memref<1x128xi32, #tpu.memory_space<vmem>> -> memref<128xi32, #tpu.memory_space<vmem>>
          %dma_start3A_168 = arith.constant 0 : i32
          %dma_start3A_169 = arith.constant 0 : i32
          %dma_start3A_170 = tpu.memref_slice %arg7[%dma_start3A_168, %dma_start3A_169] : memref<10240x128xf32, #tpu.memory_space<vmem_shared>> -> memref<10240x128xf32, #tpu.memory_space<vmem_shared>>
          tpu.enqueue_indirect_dma source(%arg11 : memref<128x128xf32, #tpu.memory_space<vmem>>) target(%dma_start3A_170 : memref<10240x128xf32, #tpu.memory_space<vmem_shared>>) offsets(%dma_start3A_167 : memref<128xi32, #tpu.memory_space<vmem>>) semaphore(%run_scoped3A : memref<!tpu.dma_semaphore, #tpu.memory_space<semaphore_mem>>) {add = true}
          %dma_wait3A_171 = arith.constant 0 : i32
          %dma_wait3A_172 = tpu.memref_slice %arg9[%add3A_127, %dma_wait3A_171] : memref<40x128xi32, #tpu.memory_space<vmem>> -> memref<1x128xi32, #tpu.memory_space<vmem>>
          %dma_wait3A_173 = tpu.memref_squeeze %dma_wait3A_172 : memref<1x128xi32, #tpu.memory_space<vmem>> -> memref<128xi32, #tpu.memory_space<vmem>>
          %dma_wait3A_174 = arith.constant 0 : i32
          %dma_wait3A_175 = arith.constant 0 : i32
          %dma_wait3A_176 = tpu.memref_slice %arg7[%dma_wait3A_174, %dma_wait3A_175] : memref<10240x128xf32, #tpu.memory_space<vmem_shared>> -> memref<10240x128xf32, #tpu.memory_space<vmem_shared>>
          tpu.wait_indirect_dma semaphore(%run_scoped3A : memref<!tpu.dma_semaphore, #tpu.memory_space<semaphore_mem>>) src(%arg11 : memref<128x128xf32, #tpu.memory_space<vmem>>) dst(%dma_wait3A_176 : memref<10240x128xf32, #tpu.memory_space<vmem_shared>>)
          tpu.yield
        }) : () -> ()
      } else {
      }
      %lt3A_150 = arith.constant 19 : i32
      %lt3A_151 = arith.cmpi slt, %scan3A_121, %lt3A_150 : i32
      %add3A_152 = arith.constant 2 : i32
      %add3A_153 = arith.addi %add3A_127, %add3A_152 : i32
      %add3A_154 = arith.addi %add3A_41, %add3A_153 : i32
      %lt3A_155 = arith.constant 2500 : i32
      %lt3A_156 = arith.cmpi slt, %add3A_154, %lt3A_155 : i32
      %and3A_157 = arith.andi %lt3A_151, %lt3A_156 : i1
      %convert_element_type3A_158 = arith.extui %and3A_157 : i1 to i32
      %cond3A_159 = arith.constant 0 : i32
      %cond3A_160 = arith.cmpi ne, %convert_element_type3A_158, %cond3A_159 : i32
      scf.if %cond3A_160 {
        %add3A_161 = arith.constant 2 : i32
        %add3A_162 = arith.addi %add3A_127, %add3A_161 : i32
        %dma_start3A = arith.constant 0 : i32
        %dma_start3A_163 = tpu.memref_slice %arg8[%add3A_162, %dma_start3A] : memref<40x128xi32, #tpu.memory_space<vmem>> -> memref<1x128xi32, #tpu.memory_space<vmem>>
        %dma_start3A_164 = tpu.memref_squeeze %dma_start3A_163 : memref<1x128xi32, #tpu.memory_space<vmem>> -> memref<128xi32, #tpu.memory_space<vmem>>
        %dma_start3A_165 = arith.constant 0 : i32
        %dma_start3A_166 = arith.constant 0 : i32
        %dma_start3A_167 = tpu.memref_slice %arg2[%dma_start3A_165, %dma_start3A_166] : memref<10000x128xf32, #tpu.memory_space<hbm>> -> memref<10000x128xf32, #tpu.memory_space<hbm>>
        tpu.enqueue_indirect_dma source(%dma_start3A_167 : memref<10000x128xf32, #tpu.memory_space<hbm>>) target(%arg11 : memref<128x128xf32, #tpu.memory_space<vmem>>) offsets(%dma_start3A_164 : memref<128xi32, #tpu.memory_space<vmem>>) semaphore(%arg13 : memref<!tpu.dma_semaphore, #tpu.memory_space<semaphore_mem>>)
      } else {
      }
    }
    %scan3A_60 = arith.constant 20 : i32
    %barrier3A_61 = arith.constant 0 : index
    tpu.barrier barrier_id(%barrier3A_61)
    %add3A_62 = arith.constant 0 : i32
    %add3A_63 = arith.addi %arg1, %add3A_62 : i32
    %lt3A_64 = arith.constant 78 : i32
    %lt3A_65 = arith.cmpi slt, %add3A_63, %lt3A_64 : i32
    %convert_element_type3A_66 = arith.extui %lt3A_65 : i1 to i32
    %cond3A_67 = arith.constant 0 : i32
    %cond3A_68 = arith.cmpi ne, %convert_element_type3A_66, %cond3A_67 : i32
    scf.if %cond3A_68 {
      %mul3A_121 = arith.constant 128 : i32
      %mul3A_122 = arith.muli %add3A_63, %mul3A_121 : i32
      "tpu.region"() ({
        %run_scoped3A = tpu.sem_alloc : memref<!tpu.dma_semaphore, #tpu.memory_space<semaphore_mem>>
        %dma_start3A = arith.constant 0 : i32
        %dma_start3A_125 = tpu.memref_slice %arg7[%mul3A_122, %dma_start3A] : memref<10240x128xf32, #tpu.memory_space<vmem_shared>> -> memref<128x128xf32, #tpu.memory_space<vmem_shared>>
        %dma_start3A_126 = arith.constant 0 : i32
        %dma_start3A_127 = tpu.memref_slice %arg7[%mul3A_122, %dma_start3A_126] : memref<10240x128xf32, #tpu.memory_space<vmem_shared>> -> memref<128x128xf32, #tpu.memory_space<vmem_shared>>
        tpu.enqueue_dma source(%dma_start3A_127 : memref<128x128xf32, #tpu.memory_space<vmem_shared>>) target(%arg10 : memref<128x128xf32, #tpu.memory_space<vmem>>) target_semaphore(%run_scoped3A : memref<!tpu.dma_semaphore, #tpu.memory_space<semaphore_mem>>)
        %dma_wait3A = arith.constant 0 : i32
        %dma_wait3A_128 = tpu.memref_slice %arg7[%mul3A_122, %dma_wait3A] : memref<10240x128xf32, #tpu.memory_space<vmem_shared>> -> memref<128x128xf32, #tpu.memory_space<vmem_shared>>
        %dma_wait3A_129 = arith.constant 0 : i32
        %dma_wait3A_130 = tpu.memref_slice %arg7[%mul3A_122, %dma_wait3A_129] : memref<10240x128xf32, #tpu.memory_space<vmem_shared>> -> memref<128x128xf32, #tpu.memory_space<vmem_shared>>
        tpu.wait_dma2 semaphore(%run_scoped3A : memref<!tpu.dma_semaphore, #tpu.memory_space<semaphore_mem>>) src(%dma_wait3A_130 : memref<128x128xf32, #tpu.memory_space<vmem_shared>>) dst(%arg10 : memref<128x128xf32, #tpu.memory_space<vmem>>)
        tpu.yield
      }) : () -> ()
      %mul3A_123 = arith.constant 128 : i32
      %mul3A_124 = arith.muli %add3A_63, %mul3A_123 : i32
      "tpu.region"() ({
        %run_scoped3A = tpu.sem_alloc : memref<!tpu.dma_semaphore, #tpu.memory_space<semaphore_mem>>
        %dma_start3A = arith.constant 0 : i32
        %dma_start3A_125 = tpu.memref_slice %arg6[%arg0, %mul3A_124, %dma_start3A] : memref<2x10000x128xf32, #tpu.memory_space<hbm>> -> memref<1x128x128xf32, #tpu.memory_space<hbm>>
        %dma_start3A_126 = tpu.memref_squeeze %dma_start3A_125 : memref<1x128x128xf32, #tpu.memory_space<hbm>> -> memref<128x128xf32, #tpu.memory_space<hbm>>
        %dma_start3A_127 = arith.constant 0 : i32
        %dma_start3A_128 = tpu.memref_slice %arg6[%arg0, %mul3A_124, %dma_start3A_127] : memref<2x10000x128xf32, #tpu.memory_space<hbm>> -> memref<1x128x128xf32, #tpu.memory_space<hbm>>
        %dma_start3A_129 = tpu.memref_squeeze %dma_start3A_128 : memref<1x128x128xf32, #tpu.memory_space<hbm>> -> memref<128x128xf32, #tpu.memory_space<hbm>>
        tpu.enqueue_dma source(%arg10 : memref<128x128xf32, #tpu.memory_space<vmem>>) target(%dma_start3A_129 : memref<128x128xf32, #tpu.memory_space<hbm>>) target_semaphore(%run_scoped3A : memref<!tpu.dma_semaphore, #tpu.memory_space<semaphore_mem>>)
        %dma_wait3A = arith.constant 0 : i32
        %dma_wait3A_130 = tpu.memref_slice %arg6[%arg0, %mul3A_124, %dma_wait3A] : memref<2x10000x128xf32, #tpu.memory_space<hbm>> -> memref<1x128x128xf32, #tpu.memory_space<hbm>>
        %dma_wait3A_131 = tpu.memref_squeeze %dma_wait3A_130 : memref<1x128x128xf32, #tpu.memory_space<hbm>> -> memref<128x128xf32, #tpu.memory_space<hbm>>
        %dma_wait3A_132 = arith.constant 0 : i32
        %dma_wait3A_133 = tpu.memref_slice %arg6[%arg0, %mul3A_124, %dma_wait3A_132] : memref<2x10000x128xf32, #tpu.memory_space<hbm>> -> memref<1x128x128xf32, #tpu.memory_space<hbm>>
        %dma_wait3A_134 = tpu.memref_squeeze %dma_wait3A_133 : memref<1x128x128xf32, #tpu.memory_space<hbm>> -> memref<128x128xf32, #tpu.memory_space<hbm>>
        tpu.wait_dma2 semaphore(%run_scoped3A : memref<!tpu.dma_semaphore, #tpu.memory_space<semaphore_mem>>) src(%arg10 : memref<128x128xf32, #tpu.memory_space<vmem>>) dst(%dma_wait3A_134 : memref<128x128xf32, #tpu.memory_space<hbm>>)
        tpu.yield
      }) : () -> ()
    } else {
    }
    %eq3A = arith.constant 78 : i32
    %eq3A_69 = arith.cmpi eq, %add3A_63, %eq3A : i32
    %convert_element_type3A_70 = arith.extui %eq3A_69 : i1 to i32
    %cond3A_71 = arith.constant 0 : i32
    %cond3A_72 = arith.cmpi ne, %convert_element_type3A_70, %cond3A_71 : i32
    scf.if %cond3A_72 {
      "tpu.region"() ({
        %run_scoped3A = tpu.sem_alloc : memref<!tpu.dma_semaphore, #tpu.memory_space<semaphore_mem>>
        %dma_start3A = arith.constant 0 : i32
        %dma_start3A_121 = arith.constant 0 : i32
        %dma_start3A_122 = tpu.memref_slice %arg10[%dma_start3A, %dma_start3A_121] : memref<128x128xf32, #tpu.memory_space<vmem>> -> memref<16x128xf32, #tpu.memory_space<vmem>>
        %dma_start3A_123 = arith.constant 9984 : i32
        %dma_start3A_124 = arith.constant 0 : i32
        %dma_start3A_125 = tpu.memref_slice %arg7[%dma_start3A_123, %dma_start3A_124] : memref<10240x128xf32, #tpu.memory_space<vmem_shared>> -> memref<16x128xf32, #tpu.memory_space<vmem_shared>>
        %dma_start3A_126 = arith.constant 0 : i32
        %dma_start3A_127 = arith.constant 0 : i32
        %dma_start3A_128 = tpu.memref_slice %arg10[%dma_start3A_126, %dma_start3A_127] : memref<128x128xf32, #tpu.memory_space<vmem>> -> memref<16x128xf32, #tpu.memory_space<vmem>>
        %dma_start3A_129 = arith.constant 9984 : i32
        %dma_start3A_130 = arith.constant 0 : i32
        %dma_start3A_131 = tpu.memref_slice %arg7[%dma_start3A_129, %dma_start3A_130] : memref<10240x128xf32, #tpu.memory_space<vmem_shared>> -> memref<16x128xf32, #tpu.memory_space<vmem_shared>>
        tpu.enqueue_dma source(%dma_start3A_131 : memref<16x128xf32, #tpu.memory_space<vmem_shared>>) target(%dma_start3A_128 : memref<16x128xf32, #tpu.memory_space<vmem>>) target_semaphore(%run_scoped3A : memref<!tpu.dma_semaphore, #tpu.memory_space<semaphore_mem>>)
        %dma_wait3A = arith.constant 0 : i32
        %dma_wait3A_132 = arith.constant 0 : i32
        %dma_wait3A_133 = tpu.memref_slice %arg10[%dma_wait3A, %dma_wait3A_132] : memref<128x128xf32, #tpu.memory_space<vmem>> -> memref<16x128xf32, #tpu.memory_space<vmem>>
        %dma_wait3A_134 = arith.constant 9984 : i32
        %dma_wait3A_135 = arith.constant 0 : i32
        %dma_wait3A_136 = tpu.memref_slice %arg7[%dma_wait3A_134, %dma_wait3A_135] : memref<10240x128xf32, #tpu.memory_space<vmem_shared>> -> memref<16x128xf32, #tpu.memory_space<vmem_shared>>
        %dma_wait3A_137 = arith.constant 0 : i32
        %dma_wait3A_138 = arith.constant 0 : i32
        %dma_wait3A_139 = tpu.memref_slice %arg10[%dma_wait3A_137, %dma_wait3A_138] : memref<128x128xf32, #tpu.memory_space<vmem>> -> memref<16x128xf32, #tpu.memory_space<vmem>>
        %dma_wait3A_140 = arith.constant 9984 : i32
        %dma_wait3A_141 = arith.constant 0 : i32
        %dma_wait3A_142 = tpu.memref_slice %arg7[%dma_wait3A_140, %dma_wait3A_141] : memref<10240x128xf32, #tpu.memory_space<vmem_shared>> -> memref<16x128xf32, #tpu.memory_space<vmem_shared>>
        tpu.wait_dma2 semaphore(%run_scoped3A : memref<!tpu.dma_semaphore, #tpu.memory_space<semaphore_mem>>) src(%dma_wait3A_142 : memref<16x128xf32, #tpu.memory_space<vmem_shared>>) dst(%dma_wait3A_139 : memref<16x128xf32, #tpu.memory_space<vmem>>)
        tpu.yield
      }) : () -> ()
      "tpu.region"() ({
        %run_scoped3A = tpu.sem_alloc : memref<!tpu.dma_semaphore, #tpu.memory_space<semaphore_mem>>
        %dma_start3A = arith.constant 0 : i32
        %dma_start3A_121 = arith.constant 0 : i32
        %dma_start3A_122 = tpu.memref_slice %arg10[%dma_start3A, %dma_start3A_121] : memref<128x128xf32, #tpu.memory_space<vmem>> -> memref<16x128xf32, #tpu.memory_space<vmem>>
        %dma_start3A_123 = arith.constant 9984 : i32
        %dma_start3A_124 = arith.constant 0 : i32
        %dma_start3A_125 = tpu.memref_slice %arg6[%arg0, %dma_start3A_123, %dma_start3A_124] : memref<2x10000x128xf32, #tpu.memory_space<hbm>> -> memref<1x16x128xf32, #tpu.memory_space<hbm>>
        %dma_start3A_126 = tpu.memref_squeeze %dma_start3A_125 : memref<1x16x128xf32, #tpu.memory_space<hbm>> -> memref<16x128xf32, #tpu.memory_space<hbm>>
        %dma_start3A_127 = arith.constant 9984 : i32
        %dma_start3A_128 = arith.constant 0 : i32
        %dma_start3A_129 = tpu.memref_slice %arg6[%arg0, %dma_start3A_127, %dma_start3A_128] : memref<2x10000x128xf32, #tpu.memory_space<hbm>> -> memref<1x16x128xf32, #tpu.memory_space<hbm>>
        %dma_start3A_130 = tpu.memref_squeeze %dma_start3A_129 : memref<1x16x128xf32, #tpu.memory_space<hbm>> -> memref<16x128xf32, #tpu.memory_space<hbm>>
        %dma_start3A_131 = arith.constant 0 : i32
        %dma_start3A_132 = arith.constant 0 : i32
        %dma_start3A_133 = tpu.memref_slice %arg10[%dma_start3A_131, %dma_start3A_132] : memref<128x128xf32, #tpu.memory_space<vmem>> -> memref<16x128xf32, #tpu.memory_space<vmem>>
        tpu.enqueue_dma source(%dma_start3A_133 : memref<16x128xf32, #tpu.memory_space<vmem>>) target(%dma_start3A_130 : memref<16x128xf32, #tpu.memory_space<hbm>>) target_semaphore(%run_scoped3A : memref<!tpu.dma_semaphore, #tpu.memory_space<semaphore_mem>>)
        %dma_wait3A = arith.constant 0 : i32
        %dma_wait3A_134 = arith.constant 0 : i32
        %dma_wait3A_135 = tpu.memref_slice %arg10[%dma_wait3A, %dma_wait3A_134] : memref<128x128xf32, #tpu.memory_space<vmem>> -> memref<16x128xf32, #tpu.memory_space<vmem>>
        %dma_wait3A_136 = arith.constant 9984 : i32
        %dma_wait3A_137 = arith.constant 0 : i32
        %dma_wait3A_138 = tpu.memref_slice %arg6[%arg0, %dma_wait3A_136, %dma_wait3A_137] : memref<2x10000x128xf32, #tpu.memory_space<hbm>> -> memref<1x16x128xf32, #tpu.memory_space<hbm>>
        %dma_wait3A_139 = tpu.memref_squeeze %dma_wait3A_138 : memref<1x16x128xf32, #tpu.memory_space<hbm>> -> memref<16x128xf32, #tpu.memory_space<hbm>>
        %dma_wait3A_140 = arith.constant 9984 : i32
        %dma_wait3A_141 = arith.constant 0 : i32
        %dma_wait3A_142 = tpu.memref_slice %arg6[%arg0, %dma_wait3A_140, %dma_wait3A_141] : memref<2x10000x128xf32, #tpu.memory_space<hbm>> -> memref<1x16x128xf32, #tpu.memory_space<hbm>>
        %dma_wait3A_143 = tpu.memref_squeeze %dma_wait3A_142 : memref<1x16x128xf32, #tpu.memory_space<hbm>> -> memref<16x128xf32, #tpu.memory_space<hbm>>
        %dma_wait3A_144 = arith.constant 0 : i32
        %dma_wait3A_145 = arith.constant 0 : i32
        %dma_wait3A_146 = tpu.memref_slice %arg10[%dma_wait3A_144, %dma_wait3A_145] : memref<128x128xf32, #tpu.memory_space<vmem>> -> memref<16x128xf32, #tpu.memory_space<vmem>>
        tpu.wait_dma2 semaphore(%run_scoped3A : memref<!tpu.dma_semaphore, #tpu.memory_space<semaphore_mem>>) src(%dma_wait3A_146 : memref<16x128xf32, #tpu.memory_space<vmem>>) dst(%dma_wait3A_143 : memref<16x128xf32, #tpu.memory_space<hbm>>)
        tpu.yield
      }) : () -> ()
    } else {
    }
    %add3A_73 = arith.constant 16 : i32
    %add3A_74 = arith.addi %arg1, %add3A_73 : i32
    %lt3A_75 = arith.constant 78 : i32
    %lt3A_76 = arith.cmpi slt, %add3A_74, %lt3A_75 : i32
    %convert_element_type3A_77 = arith.extui %lt3A_76 : i1 to i32
    %cond3A_78 = arith.constant 0 : i32
    %cond3A_79 = arith.cmpi ne, %convert_element_type3A_77, %cond3A_78 : i32
    scf.if %cond3A_79 {
      %mul3A_121 = arith.constant 128 : i32
      %mul3A_122 = arith.muli %add3A_74, %mul3A_121 : i32
      "tpu.region"() ({
        %run_scoped3A = tpu.sem_alloc : memref<!tpu.dma_semaphore, #tpu.memory_space<semaphore_mem>>
        %dma_start3A = arith.constant 0 : i32
        %dma_start3A_125 = tpu.memref_slice %arg7[%mul3A_122, %dma_start3A] : memref<10240x128xf32, #tpu.memory_space<vmem_shared>> -> memref<128x128xf32, #tpu.memory_space<vmem_shared>>
        %dma_start3A_126 = arith.constant 0 : i32
        %dma_start3A_127 = tpu.memref_slice %arg7[%mul3A_122, %dma_start3A_126] : memref<10240x128xf32, #tpu.memory_space<vmem_shared>> -> memref<128x128xf32, #tpu.memory_space<vmem_shared>>
        tpu.enqueue_dma source(%dma_start3A_127 : memref<128x128xf32, #tpu.memory_space<vmem_shared>>) target(%arg10 : memref<128x128xf32, #tpu.memory_space<vmem>>) target_semaphore(%run_scoped3A : memref<!tpu.dma_semaphore, #tpu.memory_space<semaphore_mem>>)
        %dma_wait3A = arith.constant 0 : i32
        %dma_wait3A_128 = tpu.memref_slice %arg7[%mul3A_122, %dma_wait3A] : memref<10240x128xf32, #tpu.memory_space<vmem_shared>> -> memref<128x128xf32, #tpu.memory_space<vmem_shared>>
        %dma_wait3A_129 = arith.constant 0 : i32
        %dma_wait3A_130 = tpu.memref_slice %arg7[%mul3A_122, %dma_wait3A_129] : memref<10240x128xf32, #tpu.memory_space<vmem_shared>> -> memref<128x128xf32, #tpu.memory_space<vmem_shared>>
        tpu.wait_dma2 semaphore(%run_scoped3A : memref<!tpu.dma_semaphore, #tpu.memory_space<semaphore_mem>>) src(%dma_wait3A_130 : memref<128x128xf32, #tpu.memory_space<vmem_shared>>) dst(%arg10 : memref<128x128xf32, #tpu.memory_space<vmem>>)
        tpu.yield
      }) : () -> ()
      %mul3A_123 = arith.constant 128 : i32
      %mul3A_124 = arith.muli %add3A_74, %mul3A_123 : i32
      "tpu.region"() ({
        %run_scoped3A = tpu.sem_alloc : memref<!tpu.dma_semaphore, #tpu.memory_space<semaphore_mem>>
        %dma_start3A = arith.constant 0 : i32
        %dma_start3A_125 = tpu.memref_slice %arg6[%arg0, %mul3A_124, %dma_start3A] : memref<2x10000x128xf32, #tpu.memory_space<hbm>> -> memref<1x128x128xf32, #tpu.memory_space<hbm>>
        %dma_start3A_126 = tpu.memref_squeeze %dma_start3A_125 : memref<1x128x128xf32, #tpu.memory_space<hbm>> -> memref<128x128xf32, #tpu.memory_space<hbm>>
        %dma_start3A_127 = arith.constant 0 : i32
        %dma_start3A_128 = tpu.memref_slice %arg6[%arg0, %mul3A_124, %dma_start3A_127] : memref<2x10000x128xf32, #tpu.memory_space<hbm>> -> memref<1x128x128xf32, #tpu.memory_space<hbm>>
        %dma_start3A_129 = tpu.memref_squeeze %dma_start3A_128 : memref<1x128x128xf32, #tpu.memory_space<hbm>> -> memref<128x128xf32, #tpu.memory_space<hbm>>
        tpu.enqueue_dma source(%arg10 : memref<128x128xf32, #tpu.memory_space<vmem>>) target(%dma_start3A_129 : memref<128x128xf32, #tpu.memory_space<hbm>>) target_semaphore(%run_scoped3A : memref<!tpu.dma_semaphore, #tpu.memory_space<semaphore_mem>>)
        %dma_wait3A = arith.constant 0 : i32
        %dma_wait3A_130 = tpu.memref_slice %arg6[%arg0, %mul3A_124, %dma_wait3A] : memref<2x10000x128xf32, #tpu.memory_space<hbm>> -> memref<1x128x128xf32, #tpu.memory_space<hbm>>
        %dma_wait3A_131 = tpu.memref_squeeze %dma_wait3A_130 : memref<1x128x128xf32, #tpu.memory_space<hbm>> -> memref<128x128xf32, #tpu.memory_space<hbm>>
        %dma_wait3A_132 = arith.constant 0 : i32
        %dma_wait3A_133 = tpu.memref_slice %arg6[%arg0, %mul3A_124, %dma_wait3A_132] : memref<2x10000x128xf32, #tpu.memory_space<hbm>> -> memref<1x128x128xf32, #tpu.memory_space<hbm>>
        %dma_wait3A_134 = tpu.memref_squeeze %dma_wait3A_133 : memref<1x128x128xf32, #tpu.memory_space<hbm>> -> memref<128x128xf32, #tpu.memory_space<hbm>>
        tpu.wait_dma2 semaphore(%run_scoped3A : memref<!tpu.dma_semaphore, #tpu.memory_space<semaphore_mem>>) src(%arg10 : memref<128x128xf32, #tpu.memory_space<vmem>>) dst(%dma_wait3A_134 : memref<128x128xf32, #tpu.memory_space<hbm>>)
        tpu.yield
      }) : () -> ()
    } else {
    }
    %eq3A_80 = arith.constant 78 : i32
    %eq3A_81 = arith.cmpi eq, %add3A_74, %eq3A_80 : i32
    %convert_element_type3A_82 = arith.extui %eq3A_81 : i1 to i32
    %cond3A_83 = arith.constant 0 : i32
    %cond3A_84 = arith.cmpi ne, %convert_element_type3A_82, %cond3A_83 : i32
    scf.if %cond3A_84 {
      "tpu.region"() ({
        %run_scoped3A = tpu.sem_alloc : memref<!tpu.dma_semaphore, #tpu.memory_space<semaphore_mem>>
        %dma_start3A = arith.constant 0 : i32
        %dma_start3A_121 = arith.constant 0 : i32
        %dma_start3A_122 = tpu.memref_slice %arg10[%dma_start3A, %dma_start3A_121] : memref<128x128xf32, #tpu.memory_space<vmem>> -> memref<16x128xf32, #tpu.memory_space<vmem>>
        %dma_start3A_123 = arith.constant 9984 : i32
        %dma_start3A_124 = arith.constant 0 : i32
        %dma_start3A_125 = tpu.memref_slice %arg7[%dma_start3A_123, %dma_start3A_124] : memref<10240x128xf32, #tpu.memory_space<vmem_shared>> -> memref<16x128xf32, #tpu.memory_space<vmem_shared>>
        %dma_start3A_126 = arith.constant 0 : i32
        %dma_start3A_127 = arith.constant 0 : i32
        %dma_start3A_128 = tpu.memref_slice %arg10[%dma_start3A_126, %dma_start3A_127] : memref<128x128xf32, #tpu.memory_space<vmem>> -> memref<16x128xf32, #tpu.memory_space<vmem>>
        %dma_start3A_129 = arith.constant 9984 : i32
        %dma_start3A_130 = arith.constant 0 : i32
        %dma_start3A_131 = tpu.memref_slice %arg7[%dma_start3A_129, %dma_start3A_130] : memref<10240x128xf32, #tpu.memory_space<vmem_shared>> -> memref<16x128xf32, #tpu.memory_space<vmem_shared>>
        tpu.enqueue_dma source(%dma_start3A_131 : memref<16x128xf32, #tpu.memory_space<vmem_shared>>) target(%dma_start3A_128 : memref<16x128xf32, #tpu.memory_space<vmem>>) target_semaphore(%run_scoped3A : memref<!tpu.dma_semaphore, #tpu.memory_space<semaphore_mem>>)
        %dma_wait3A = arith.constant 0 : i32
        %dma_wait3A_132 = arith.constant 0 : i32
        %dma_wait3A_133 = tpu.memref_slice %arg10[%dma_wait3A, %dma_wait3A_132] : memref<128x128xf32, #tpu.memory_space<vmem>> -> memref<16x128xf32, #tpu.memory_space<vmem>>
        %dma_wait3A_134 = arith.constant 9984 : i32
        %dma_wait3A_135 = arith.constant 0 : i32
        %dma_wait3A_136 = tpu.memref_slice %arg7[%dma_wait3A_134, %dma_wait3A_135] : memref<10240x128xf32, #tpu.memory_space<vmem_shared>> -> memref<16x128xf32, #tpu.memory_space<vmem_shared>>
        %dma_wait3A_137 = arith.constant 0 : i32
        %dma_wait3A_138 = arith.constant 0 : i32
        %dma_wait3A_139 = tpu.memref_slice %arg10[%dma_wait3A_137, %dma_wait3A_138] : memref<128x128xf32, #tpu.memory_space<vmem>> -> memref<16x128xf32, #tpu.memory_space<vmem>>
        %dma_wait3A_140 = arith.constant 9984 : i32
        %dma_wait3A_141 = arith.constant 0 : i32
        %dma_wait3A_142 = tpu.memref_slice %arg7[%dma_wait3A_140, %dma_wait3A_141] : memref<10240x128xf32, #tpu.memory_space<vmem_shared>> -> memref<16x128xf32, #tpu.memory_space<vmem_shared>>
        tpu.wait_dma2 semaphore(%run_scoped3A : memref<!tpu.dma_semaphore, #tpu.memory_space<semaphore_mem>>) src(%dma_wait3A_142 : memref<16x128xf32, #tpu.memory_space<vmem_shared>>) dst(%dma_wait3A_139 : memref<16x128xf32, #tpu.memory_space<vmem>>)
        tpu.yield
      }) : () -> ()
      "tpu.region"() ({
        %run_scoped3A = tpu.sem_alloc : memref<!tpu.dma_semaphore, #tpu.memory_space<semaphore_mem>>
        %dma_start3A = arith.constant 0 : i32
        %dma_start3A_121 = arith.constant 0 : i32
        %dma_start3A_122 = tpu.memref_slice %arg10[%dma_start3A, %dma_start3A_121] : memref<128x128xf32, #tpu.memory_space<vmem>> -> memref<16x128xf32, #tpu.memory_space<vmem>>
        %dma_start3A_123 = arith.constant 9984 : i32
        %dma_start3A_124 = arith.constant 0 : i32
        %dma_start3A_125 = tpu.memref_slice %arg6[%arg0, %dma_start3A_123, %dma_start3A_124] : memref<2x10000x128xf32, #tpu.memory_space<hbm>> -> memref<1x16x128xf32, #tpu.memory_space<hbm>>
        %dma_start3A_126 = tpu.memref_squeeze %dma_start3A_125 : memref<1x16x128xf32, #tpu.memory_space<hbm>> -> memref<16x128xf32, #tpu.memory_space<hbm>>
        %dma_start3A_127 = arith.constant 9984 : i32
        %dma_start3A_128 = arith.constant 0 : i32
        %dma_start3A_129 = tpu.memref_slice %arg6[%arg0, %dma_start3A_127, %dma_start3A_128] : memref<2x10000x128xf32, #tpu.memory_space<hbm>> -> memref<1x16x128xf32, #tpu.memory_space<hbm>>
        %dma_start3A_130 = tpu.memref_squeeze %dma_start3A_129 : memref<1x16x128xf32, #tpu.memory_space<hbm>> -> memref<16x128xf32, #tpu.memory_space<hbm>>
        %dma_start3A_131 = arith.constant 0 : i32
        %dma_start3A_132 = arith.constant 0 : i32
        %dma_start3A_133 = tpu.memref_slice %arg10[%dma_start3A_131, %dma_start3A_132] : memref<128x128xf32, #tpu.memory_space<vmem>> -> memref<16x128xf32, #tpu.memory_space<vmem>>
        tpu.enqueue_dma source(%dma_start3A_133 : memref<16x128xf32, #tpu.memory_space<vmem>>) target(%dma_start3A_130 : memref<16x128xf32, #tpu.memory_space<hbm>>) target_semaphore(%run_scoped3A : memref<!tpu.dma_semaphore, #tpu.memory_space<semaphore_mem>>)
        %dma_wait3A = arith.constant 0 : i32
        %dma_wait3A_134 = arith.constant 0 : i32
        %dma_wait3A_135 = tpu.memref_slice %arg10[%dma_wait3A, %dma_wait3A_134] : memref<128x128xf32, #tpu.memory_space<vmem>> -> memref<16x128xf32, #tpu.memory_space<vmem>>
        %dma_wait3A_136 = arith.constant 9984 : i32
        %dma_wait3A_137 = arith.constant 0 : i32
        %dma_wait3A_138 = tpu.memref_slice %arg6[%arg0, %dma_wait3A_136, %dma_wait3A_137] : memref<2x10000x128xf32, #tpu.memory_space<hbm>> -> memref<1x16x128xf32, #tpu.memory_space<hbm>>
        %dma_wait3A_139 = tpu.memref_squeeze %dma_wait3A_138 : memref<1x16x128xf32, #tpu.memory_space<hbm>> -> memref<16x128xf32, #tpu.memory_space<hbm>>
        %dma_wait3A_140 = arith.constant 9984 : i32
        %dma_wait3A_141 = arith.constant 0 : i32
        %dma_wait3A_142 = tpu.memref_slice %arg6[%arg0, %dma_wait3A_140, %dma_wait3A_141] : memref<2x10000x128xf32, #tpu.memory_space<hbm>> -> memref<1x16x128xf32, #tpu.memory_space<hbm>>
        %dma_wait3A_143 = tpu.memref_squeeze %dma_wait3A_142 : memref<1x16x128xf32, #tpu.memory_space<hbm>> -> memref<16x128xf32, #tpu.memory_space<hbm>>
        %dma_wait3A_144 = arith.constant 0 : i32
        %dma_wait3A_145 = arith.constant 0 : i32
        %dma_wait3A_146 = tpu.memref_slice %arg10[%dma_wait3A_144, %dma_wait3A_145] : memref<128x128xf32, #tpu.memory_space<vmem>> -> memref<16x128xf32, #tpu.memory_space<vmem>>
        tpu.wait_dma2 semaphore(%run_scoped3A : memref<!tpu.dma_semaphore, #tpu.memory_space<semaphore_mem>>) src(%dma_wait3A_146 : memref<16x128xf32, #tpu.memory_space<vmem>>) dst(%dma_wait3A_143 : memref<16x128xf32, #tpu.memory_space<hbm>>)
        tpu.yield
      }) : () -> ()
    } else {
    }
    %add3A_85 = arith.constant 32 : i32
    %add3A_86 = arith.addi %arg1, %add3A_85 : i32
    %lt3A_87 = arith.constant 78 : i32
    %lt3A_88 = arith.cmpi slt, %add3A_86, %lt3A_87 : i32
    %convert_element_type3A_89 = arith.extui %lt3A_88 : i1 to i32
    %cond3A_90 = arith.constant 0 : i32
    %cond3A_91 = arith.cmpi ne, %convert_element_type3A_89, %cond3A_90 : i32
    scf.if %cond3A_91 {
      %mul3A_121 = arith.constant 128 : i32
      %mul3A_122 = arith.muli %add3A_86, %mul3A_121 : i32
      "tpu.region"() ({
        %run_scoped3A = tpu.sem_alloc : memref<!tpu.dma_semaphore, #tpu.memory_space<semaphore_mem>>
        %dma_start3A = arith.constant 0 : i32
        %dma_start3A_125 = tpu.memref_slice %arg7[%mul3A_122, %dma_start3A] : memref<10240x128xf32, #tpu.memory_space<vmem_shared>> -> memref<128x128xf32, #tpu.memory_space<vmem_shared>>
        %dma_start3A_126 = arith.constant 0 : i32
        %dma_start3A_127 = tpu.memref_slice %arg7[%mul3A_122, %dma_start3A_126] : memref<10240x128xf32, #tpu.memory_space<vmem_shared>> -> memref<128x128xf32, #tpu.memory_space<vmem_shared>>
        tpu.enqueue_dma source(%dma_start3A_127 : memref<128x128xf32, #tpu.memory_space<vmem_shared>>) target(%arg10 : memref<128x128xf32, #tpu.memory_space<vmem>>) target_semaphore(%run_scoped3A : memref<!tpu.dma_semaphore, #tpu.memory_space<semaphore_mem>>)
        %dma_wait3A = arith.constant 0 : i32
        %dma_wait3A_128 = tpu.memref_slice %arg7[%mul3A_122, %dma_wait3A] : memref<10240x128xf32, #tpu.memory_space<vmem_shared>> -> memref<128x128xf32, #tpu.memory_space<vmem_shared>>
        %dma_wait3A_129 = arith.constant 0 : i32
        %dma_wait3A_130 = tpu.memref_slice %arg7[%mul3A_122, %dma_wait3A_129] : memref<10240x128xf32, #tpu.memory_space<vmem_shared>> -> memref<128x128xf32, #tpu.memory_space<vmem_shared>>
        tpu.wait_dma2 semaphore(%run_scoped3A : memref<!tpu.dma_semaphore, #tpu.memory_space<semaphore_mem>>) src(%dma_wait3A_130 : memref<128x128xf32, #tpu.memory_space<vmem_shared>>) dst(%arg10 : memref<128x128xf32, #tpu.memory_space<vmem>>)
        tpu.yield
      }) : () -> ()
      %mul3A_123 = arith.constant 128 : i32
      %mul3A_124 = arith.muli %add3A_86, %mul3A_123 : i32
      "tpu.region"() ({
        %run_scoped3A = tpu.sem_alloc : memref<!tpu.dma_semaphore, #tpu.memory_space<semaphore_mem>>
        %dma_start3A = arith.constant 0 : i32
        %dma_start3A_125 = tpu.memref_slice %arg6[%arg0, %mul3A_124, %dma_start3A] : memref<2x10000x128xf32, #tpu.memory_space<hbm>> -> memref<1x128x128xf32, #tpu.memory_space<hbm>>
        %dma_start3A_126 = tpu.memref_squeeze %dma_start3A_125 : memref<1x128x128xf32, #tpu.memory_space<hbm>> -> memref<128x128xf32, #tpu.memory_space<hbm>>
        %dma_start3A_127 = arith.constant 0 : i32
        %dma_start3A_128 = tpu.memref_slice %arg6[%arg0, %mul3A_124, %dma_start3A_127] : memref<2x10000x128xf32, #tpu.memory_space<hbm>> -> memref<1x128x128xf32, #tpu.memory_space<hbm>>
        %dma_start3A_129 = tpu.memref_squeeze %dma_start3A_128 : memref<1x128x128xf32, #tpu.memory_space<hbm>> -> memref<128x128xf32, #tpu.memory_space<hbm>>
        tpu.enqueue_dma source(%arg10 : memref<128x128xf32, #tpu.memory_space<vmem>>) target(%dma_start3A_129 : memref<128x128xf32, #tpu.memory_space<hbm>>) target_semaphore(%run_scoped3A : memref<!tpu.dma_semaphore, #tpu.memory_space<semaphore_mem>>)
        %dma_wait3A = arith.constant 0 : i32
        %dma_wait3A_130 = tpu.memref_slice %arg6[%arg0, %mul3A_124, %dma_wait3A] : memref<2x10000x128xf32, #tpu.memory_space<hbm>> -> memref<1x128x128xf32, #tpu.memory_space<hbm>>
        %dma_wait3A_131 = tpu.memref_squeeze %dma_wait3A_130 : memref<1x128x128xf32, #tpu.memory_space<hbm>> -> memref<128x128xf32, #tpu.memory_space<hbm>>
        %dma_wait3A_132 = arith.constant 0 : i32
        %dma_wait3A_133 = tpu.memref_slice %arg6[%arg0, %mul3A_124, %dma_wait3A_132] : memref<2x10000x128xf32, #tpu.memory_space<hbm>> -> memref<1x128x128xf32, #tpu.memory_space<hbm>>
        %dma_wait3A_134 = tpu.memref_squeeze %dma_wait3A_133 : memref<1x128x128xf32, #tpu.memory_space<hbm>> -> memref<128x128xf32, #tpu.memory_space<hbm>>
        tpu.wait_dma2 semaphore(%run_scoped3A : memref<!tpu.dma_semaphore, #tpu.memory_space<semaphore_mem>>) src(%arg10 : memref<128x128xf32, #tpu.memory_space<vmem>>) dst(%dma_wait3A_134 : memref<128x128xf32, #tpu.memory_space<hbm>>)
        tpu.yield
      }) : () -> ()
    } else {
    }
    %eq3A_92 = arith.constant 78 : i32
    %eq3A_93 = arith.cmpi eq, %add3A_86, %eq3A_92 : i32
    %convert_element_type3A_94 = arith.extui %eq3A_93 : i1 to i32
    %cond3A_95 = arith.constant 0 : i32
    %cond3A_96 = arith.cmpi ne, %convert_element_type3A_94, %cond3A_95 : i32
    scf.if %cond3A_96 {
      "tpu.region"() ({
        %run_scoped3A = tpu.sem_alloc : memref<!tpu.dma_semaphore, #tpu.memory_space<semaphore_mem>>
        %dma_start3A = arith.constant 0 : i32
        %dma_start3A_121 = arith.constant 0 : i32
        %dma_start3A_122 = tpu.memref_slice %arg10[%dma_start3A, %dma_start3A_121] : memref<128x128xf32, #tpu.memory_space<vmem>> -> memref<16x128xf32, #tpu.memory_space<vmem>>
        %dma_start3A_123 = arith.constant 9984 : i32
        %dma_start3A_124 = arith.constant 0 : i32
        %dma_start3A_125 = tpu.memref_slice %arg7[%dma_start3A_123, %dma_start3A_124] : memref<10240x128xf32, #tpu.memory_space<vmem_shared>> -> memref<16x128xf32, #tpu.memory_space<vmem_shared>>
        %dma_start3A_126 = arith.constant 0 : i32
        %dma_start3A_127 = arith.constant 0 : i32
        %dma_start3A_128 = tpu.memref_slice %arg10[%dma_start3A_126, %dma_start3A_127] : memref<128x128xf32, #tpu.memory_space<vmem>> -> memref<16x128xf32, #tpu.memory_space<vmem>>
        %dma_start3A_129 = arith.constant 9984 : i32
        %dma_start3A_130 = arith.constant 0 : i32
        %dma_start3A_131 = tpu.memref_slice %arg7[%dma_start3A_129, %dma_start3A_130] : memref<10240x128xf32, #tpu.memory_space<vmem_shared>> -> memref<16x128xf32, #tpu.memory_space<vmem_shared>>
        tpu.enqueue_dma source(%dma_start3A_131 : memref<16x128xf32, #tpu.memory_space<vmem_shared>>) target(%dma_start3A_128 : memref<16x128xf32, #tpu.memory_space<vmem>>) target_semaphore(%run_scoped3A : memref<!tpu.dma_semaphore, #tpu.memory_space<semaphore_mem>>)
        %dma_wait3A = arith.constant 0 : i32
        %dma_wait3A_132 = arith.constant 0 : i32
        %dma_wait3A_133 = tpu.memref_slice %arg10[%dma_wait3A, %dma_wait3A_132] : memref<128x128xf32, #tpu.memory_space<vmem>> -> memref<16x128xf32, #tpu.memory_space<vmem>>
        %dma_wait3A_134 = arith.constant 9984 : i32
        %dma_wait3A_135 = arith.constant 0 : i32
        %dma_wait3A_136 = tpu.memref_slice %arg7[%dma_wait3A_134, %dma_wait3A_135] : memref<10240x128xf32, #tpu.memory_space<vmem_shared>> -> memref<16x128xf32, #tpu.memory_space<vmem_shared>>
        %dma_wait3A_137 = arith.constant 0 : i32
        %dma_wait3A_138 = arith.constant 0 : i32
        %dma_wait3A_139 = tpu.memref_slice %arg10[%dma_wait3A_137, %dma_wait3A_138] : memref<128x128xf32, #tpu.memory_space<vmem>> -> memref<16x128xf32, #tpu.memory_space<vmem>>
        %dma_wait3A_140 = arith.constant 9984 : i32
        %dma_wait3A_141 = arith.constant 0 : i32
        %dma_wait3A_142 = tpu.memref_slice %arg7[%dma_wait3A_140, %dma_wait3A_141] : memref<10240x128xf32, #tpu.memory_space<vmem_shared>> -> memref<16x128xf32, #tpu.memory_space<vmem_shared>>
        tpu.wait_dma2 semaphore(%run_scoped3A : memref<!tpu.dma_semaphore, #tpu.memory_space<semaphore_mem>>) src(%dma_wait3A_142 : memref<16x128xf32, #tpu.memory_space<vmem_shared>>) dst(%dma_wait3A_139 : memref<16x128xf32, #tpu.memory_space<vmem>>)
        tpu.yield
      }) : () -> ()
      "tpu.region"() ({
        %run_scoped3A = tpu.sem_alloc : memref<!tpu.dma_semaphore, #tpu.memory_space<semaphore_mem>>
        %dma_start3A = arith.constant 0 : i32
        %dma_start3A_121 = arith.constant 0 : i32
        %dma_start3A_122 = tpu.memref_slice %arg10[%dma_start3A, %dma_start3A_121] : memref<128x128xf32, #tpu.memory_space<vmem>> -> memref<16x128xf32, #tpu.memory_space<vmem>>
        %dma_start3A_123 = arith.constant 9984 : i32
        %dma_start3A_124 = arith.constant 0 : i32
        %dma_start3A_125 = tpu.memref_slice %arg6[%arg0, %dma_start3A_123, %dma_start3A_124] : memref<2x10000x128xf32, #tpu.memory_space<hbm>> -> memref<1x16x128xf32, #tpu.memory_space<hbm>>
        %dma_start3A_126 = tpu.memref_squeeze %dma_start3A_125 : memref<1x16x128xf32, #tpu.memory_space<hbm>> -> memref<16x128xf32, #tpu.memory_space<hbm>>
        %dma_start3A_127 = arith.constant 9984 : i32
        %dma_start3A_128 = arith.constant 0 : i32
        %dma_start3A_129 = tpu.memref_slice %arg6[%arg0, %dma_start3A_127, %dma_start3A_128] : memref<2x10000x128xf32, #tpu.memory_space<hbm>> -> memref<1x16x128xf32, #tpu.memory_space<hbm>>
        %dma_start3A_130 = tpu.memref_squeeze %dma_start3A_129 : memref<1x16x128xf32, #tpu.memory_space<hbm>> -> memref<16x128xf32, #tpu.memory_space<hbm>>
        %dma_start3A_131 = arith.constant 0 : i32
        %dma_start3A_132 = arith.constant 0 : i32
        %dma_start3A_133 = tpu.memref_slice %arg10[%dma_start3A_131, %dma_start3A_132] : memref<128x128xf32, #tpu.memory_space<vmem>> -> memref<16x128xf32, #tpu.memory_space<vmem>>
        tpu.enqueue_dma source(%dma_start3A_133 : memref<16x128xf32, #tpu.memory_space<vmem>>) target(%dma_start3A_130 : memref<16x128xf32, #tpu.memory_space<hbm>>) target_semaphore(%run_scoped3A : memref<!tpu.dma_semaphore, #tpu.memory_space<semaphore_mem>>)
        %dma_wait3A = arith.constant 0 : i32
        %dma_wait3A_134 = arith.constant 0 : i32
        %dma_wait3A_135 = tpu.memref_slice %arg10[%dma_wait3A, %dma_wait3A_134] : memref<128x128xf32, #tpu.memory_space<vmem>> -> memref<16x128xf32, #tpu.memory_space<vmem>>
        %dma_wait3A_136 = arith.constant 9984 : i32
        %dma_wait3A_137 = arith.constant 0 : i32
        %dma_wait3A_138 = tpu.memref_slice %arg6[%arg0, %dma_wait3A_136, %dma_wait3A_137] : memref<2x10000x128xf32, #tpu.memory_space<hbm>> -> memref<1x16x128xf32, #tpu.memory_space<hbm>>
        %dma_wait3A_139 = tpu.memref_squeeze %dma_wait3A_138 : memref<1x16x128xf32, #tpu.memory_space<hbm>> -> memref<16x128xf32, #tpu.memory_space<hbm>>
        %dma_wait3A_140 = arith.constant 9984 : i32
        %dma_wait3A_141 = arith.constant 0 : i32
        %dma_wait3A_142 = tpu.memref_slice %arg6[%arg0, %dma_wait3A_140, %dma_wait3A_141] : memref<2x10000x128xf32, #tpu.memory_space<hbm>> -> memref<1x16x128xf32, #tpu.memory_space<hbm>>
        %dma_wait3A_143 = tpu.memref_squeeze %dma_wait3A_142 : memref<1x16x128xf32, #tpu.memory_space<hbm>> -> memref<16x128xf32, #tpu.memory_space<hbm>>
        %dma_wait3A_144 = arith.constant 0 : i32
        %dma_wait3A_145 = arith.constant 0 : i32
        %dma_wait3A_146 = tpu.memref_slice %arg10[%dma_wait3A_144, %dma_wait3A_145] : memref<128x128xf32, #tpu.memory_space<vmem>> -> memref<16x128xf32, #tpu.memory_space<vmem>>
        tpu.wait_dma2 semaphore(%run_scoped3A : memref<!tpu.dma_semaphore, #tpu.memory_space<semaphore_mem>>) src(%dma_wait3A_146 : memref<16x128xf32, #tpu.memory_space<vmem>>) dst(%dma_wait3A_143 : memref<16x128xf32, #tpu.memory_space<hbm>>)
        tpu.yield
      }) : () -> ()
    } else {
    }
    %add3A_97 = arith.constant 48 : i32
    %add3A_98 = arith.addi %arg1, %add3A_97 : i32
    %lt3A_99 = arith.constant 78 : i32
    %lt3A_100 = arith.cmpi slt, %add3A_98, %lt3A_99 : i32
    %convert_element_type3A_101 = arith.extui %lt3A_100 : i1 to i32
    %cond3A_102 = arith.constant 0 : i32
    %cond3A_103 = arith.cmpi ne, %convert_element_type3A_101, %cond3A_102 : i32
    scf.if %cond3A_103 {
      %mul3A_121 = arith.constant 128 : i32
      %mul3A_122 = arith.muli %add3A_98, %mul3A_121 : i32
      "tpu.region"() ({
        %run_scoped3A = tpu.sem_alloc : memref<!tpu.dma_semaphore, #tpu.memory_space<semaphore_mem>>
        %dma_start3A = arith.constant 0 : i32
        %dma_start3A_125 = tpu.memref_slice %arg7[%mul3A_122, %dma_start3A] : memref<10240x128xf32, #tpu.memory_space<vmem_shared>> -> memref<128x128xf32, #tpu.memory_space<vmem_shared>>
        %dma_start3A_126 = arith.constant 0 : i32
        %dma_start3A_127 = tpu.memref_slice %arg7[%mul3A_122, %dma_start3A_126] : memref<10240x128xf32, #tpu.memory_space<vmem_shared>> -> memref<128x128xf32, #tpu.memory_space<vmem_shared>>
        tpu.enqueue_dma source(%dma_start3A_127 : memref<128x128xf32, #tpu.memory_space<vmem_shared>>) target(%arg10 : memref<128x128xf32, #tpu.memory_space<vmem>>) target_semaphore(%run_scoped3A : memref<!tpu.dma_semaphore, #tpu.memory_space<semaphore_mem>>)
        %dma_wait3A = arith.constant 0 : i32
        %dma_wait3A_128 = tpu.memref_slice %arg7[%mul3A_122, %dma_wait3A] : memref<10240x128xf32, #tpu.memory_space<vmem_shared>> -> memref<128x128xf32, #tpu.memory_space<vmem_shared>>
        %dma_wait3A_129 = arith.constant 0 : i32
        %dma_wait3A_130 = tpu.memref_slice %arg7[%mul3A_122, %dma_wait3A_129] : memref<10240x128xf32, #tpu.memory_space<vmem_shared>> -> memref<128x128xf32, #tpu.memory_space<vmem_shared>>
        tpu.wait_dma2 semaphore(%run_scoped3A : memref<!tpu.dma_semaphore, #tpu.memory_space<semaphore_mem>>) src(%dma_wait3A_130 : memref<128x128xf32, #tpu.memory_space<vmem_shared>>) dst(%arg10 : memref<128x128xf32, #tpu.memory_space<vmem>>)
        tpu.yield
      }) : () -> ()
      %mul3A_123 = arith.constant 128 : i32
      %mul3A_124 = arith.muli %add3A_98, %mul3A_123 : i32
      "tpu.region"() ({
        %run_scoped3A = tpu.sem_alloc : memref<!tpu.dma_semaphore, #tpu.memory_space<semaphore_mem>>
        %dma_start3A = arith.constant 0 : i32
        %dma_start3A_125 = tpu.memref_slice %arg6[%arg0, %mul3A_124, %dma_start3A] : memref<2x10000x128xf32, #tpu.memory_space<hbm>> -> memref<1x128x128xf32, #tpu.memory_space<hbm>>
        %dma_start3A_126 = tpu.memref_squeeze %dma_start3A_125 : memref<1x128x128xf32, #tpu.memory_space<hbm>> -> memref<128x128xf32, #tpu.memory_space<hbm>>
        %dma_start3A_127 = arith.constant 0 : i32
        %dma_start3A_128 = tpu.memref_slice %arg6[%arg0, %mul3A_124, %dma_start3A_127] : memref<2x10000x128xf32, #tpu.memory_space<hbm>> -> memref<1x128x128xf32, #tpu.memory_space<hbm>>
        %dma_start3A_129 = tpu.memref_squeeze %dma_start3A_128 : memref<1x128x128xf32, #tpu.memory_space<hbm>> -> memref<128x128xf32, #tpu.memory_space<hbm>>
        tpu.enqueue_dma source(%arg10 : memref<128x128xf32, #tpu.memory_space<vmem>>) target(%dma_start3A_129 : memref<128x128xf32, #tpu.memory_space<hbm>>) target_semaphore(%run_scoped3A : memref<!tpu.dma_semaphore, #tpu.memory_space<semaphore_mem>>)
        %dma_wait3A = arith.constant 0 : i32
        %dma_wait3A_130 = tpu.memref_slice %arg6[%arg0, %mul3A_124, %dma_wait3A] : memref<2x10000x128xf32, #tpu.memory_space<hbm>> -> memref<1x128x128xf32, #tpu.memory_space<hbm>>
        %dma_wait3A_131 = tpu.memref_squeeze %dma_wait3A_130 : memref<1x128x128xf32, #tpu.memory_space<hbm>> -> memref<128x128xf32, #tpu.memory_space<hbm>>
        %dma_wait3A_132 = arith.constant 0 : i32
        %dma_wait3A_133 = tpu.memref_slice %arg6[%arg0, %mul3A_124, %dma_wait3A_132] : memref<2x10000x128xf32, #tpu.memory_space<hbm>> -> memref<1x128x128xf32, #tpu.memory_space<hbm>>
        %dma_wait3A_134 = tpu.memref_squeeze %dma_wait3A_133 : memref<1x128x128xf32, #tpu.memory_space<hbm>> -> memref<128x128xf32, #tpu.memory_space<hbm>>
        tpu.wait_dma2 semaphore(%run_scoped3A : memref<!tpu.dma_semaphore, #tpu.memory_space<semaphore_mem>>) src(%arg10 : memref<128x128xf32, #tpu.memory_space<vmem>>) dst(%dma_wait3A_134 : memref<128x128xf32, #tpu.memory_space<hbm>>)
        tpu.yield
      }) : () -> ()
    } else {
    }
    %eq3A_104 = arith.constant 78 : i32
    %eq3A_105 = arith.cmpi eq, %add3A_98, %eq3A_104 : i32
    %convert_element_type3A_106 = arith.extui %eq3A_105 : i1 to i32
    %cond3A_107 = arith.constant 0 : i32
    %cond3A_108 = arith.cmpi ne, %convert_element_type3A_106, %cond3A_107 : i32
    scf.if %cond3A_108 {
      "tpu.region"() ({
        %run_scoped3A = tpu.sem_alloc : memref<!tpu.dma_semaphore, #tpu.memory_space<semaphore_mem>>
        %dma_start3A = arith.constant 0 : i32
        %dma_start3A_121 = arith.constant 0 : i32
        %dma_start3A_122 = tpu.memref_slice %arg10[%dma_start3A, %dma_start3A_121] : memref<128x128xf32, #tpu.memory_space<vmem>> -> memref<16x128xf32, #tpu.memory_space<vmem>>
        %dma_start3A_123 = arith.constant 9984 : i32
        %dma_start3A_124 = arith.constant 0 : i32
        %dma_start3A_125 = tpu.memref_slice %arg7[%dma_start3A_123, %dma_start3A_124] : memref<10240x128xf32, #tpu.memory_space<vmem_shared>> -> memref<16x128xf32, #tpu.memory_space<vmem_shared>>
        %dma_start3A_126 = arith.constant 0 : i32
        %dma_start3A_127 = arith.constant 0 : i32
        %dma_start3A_128 = tpu.memref_slice %arg10[%dma_start3A_126, %dma_start3A_127] : memref<128x128xf32, #tpu.memory_space<vmem>> -> memref<16x128xf32, #tpu.memory_space<vmem>>
        %dma_start3A_129 = arith.constant 9984 : i32
        %dma_start3A_130 = arith.constant 0 : i32
        %dma_start3A_131 = tpu.memref_slice %arg7[%dma_start3A_129, %dma_start3A_130] : memref<10240x128xf32, #tpu.memory_space<vmem_shared>> -> memref<16x128xf32, #tpu.memory_space<vmem_shared>>
        tpu.enqueue_dma source(%dma_start3A_131 : memref<16x128xf32, #tpu.memory_space<vmem_shared>>) target(%dma_start3A_128 : memref<16x128xf32, #tpu.memory_space<vmem>>) target_semaphore(%run_scoped3A : memref<!tpu.dma_semaphore, #tpu.memory_space<semaphore_mem>>)
        %dma_wait3A = arith.constant 0 : i32
        %dma_wait3A_132 = arith.constant 0 : i32
        %dma_wait3A_133 = tpu.memref_slice %arg10[%dma_wait3A, %dma_wait3A_132] : memref<128x128xf32, #tpu.memory_space<vmem>> -> memref<16x128xf32, #tpu.memory_space<vmem>>
        %dma_wait3A_134 = arith.constant 9984 : i32
        %dma_wait3A_135 = arith.constant 0 : i32
        %dma_wait3A_136 = tpu.memref_slice %arg7[%dma_wait3A_134, %dma_wait3A_135] : memref<10240x128xf32, #tpu.memory_space<vmem_shared>> -> memref<16x128xf32, #tpu.memory_space<vmem_shared>>
        %dma_wait3A_137 = arith.constant 0 : i32
        %dma_wait3A_138 = arith.constant 0 : i32
        %dma_wait3A_139 = tpu.memref_slice %arg10[%dma_wait3A_137, %dma_wait3A_138] : memref<128x128xf32, #tpu.memory_space<vmem>> -> memref<16x128xf32, #tpu.memory_space<vmem>>
        %dma_wait3A_140 = arith.constant 9984 : i32
        %dma_wait3A_141 = arith.constant 0 : i32
        %dma_wait3A_142 = tpu.memref_slice %arg7[%dma_wait3A_140, %dma_wait3A_141] : memref<10240x128xf32, #tpu.memory_space<vmem_shared>> -> memref<16x128xf32, #tpu.memory_space<vmem_shared>>
        tpu.wait_dma2 semaphore(%run_scoped3A : memref<!tpu.dma_semaphore, #tpu.memory_space<semaphore_mem>>) src(%dma_wait3A_142 : memref<16x128xf32, #tpu.memory_space<vmem_shared>>) dst(%dma_wait3A_139 : memref<16x128xf32, #tpu.memory_space<vmem>>)
        tpu.yield
      }) : () -> ()
      "tpu.region"() ({
        %run_scoped3A = tpu.sem_alloc : memref<!tpu.dma_semaphore, #tpu.memory_space<semaphore_mem>>
        %dma_start3A = arith.constant 0 : i32
        %dma_start3A_121 = arith.constant 0 : i32
        %dma_start3A_122 = tpu.memref_slice %arg10[%dma_start3A, %dma_start3A_121] : memref<128x128xf32, #tpu.memory_space<vmem>> -> memref<16x128xf32, #tpu.memory_space<vmem>>
        %dma_start3A_123 = arith.constant 9984 : i32
        %dma_start3A_124 = arith.constant 0 : i32
        %dma_start3A_125 = tpu.memref_slice %arg6[%arg0, %dma_start3A_123, %dma_start3A_124] : memref<2x10000x128xf32, #tpu.memory_space<hbm>> -> memref<1x16x128xf32, #tpu.memory_space<hbm>>
        %dma_start3A_126 = tpu.memref_squeeze %dma_start3A_125 : memref<1x16x128xf32, #tpu.memory_space<hbm>> -> memref<16x128xf32, #tpu.memory_space<hbm>>
        %dma_start3A_127 = arith.constant 9984 : i32
        %dma_start3A_128 = arith.constant 0 : i32
        %dma_start3A_129 = tpu.memref_slice %arg6[%arg0, %dma_start3A_127, %dma_start3A_128] : memref<2x10000x128xf32, #tpu.memory_space<hbm>> -> memref<1x16x128xf32, #tpu.memory_space<hbm>>
        %dma_start3A_130 = tpu.memref_squeeze %dma_start3A_129 : memref<1x16x128xf32, #tpu.memory_space<hbm>> -> memref<16x128xf32, #tpu.memory_space<hbm>>
        %dma_start3A_131 = arith.constant 0 : i32
        %dma_start3A_132 = arith.constant 0 : i32
        %dma_start3A_133 = tpu.memref_slice %arg10[%dma_start3A_131, %dma_start3A_132] : memref<128x128xf32, #tpu.memory_space<vmem>> -> memref<16x128xf32, #tpu.memory_space<vmem>>
        tpu.enqueue_dma source(%dma_start3A_133 : memref<16x128xf32, #tpu.memory_space<vmem>>) target(%dma_start3A_130 : memref<16x128xf32, #tpu.memory_space<hbm>>) target_semaphore(%run_scoped3A : memref<!tpu.dma_semaphore, #tpu.memory_space<semaphore_mem>>)
        %dma_wait3A = arith.constant 0 : i32
        %dma_wait3A_134 = arith.constant 0 : i32
        %dma_wait3A_135 = tpu.memref_slice %arg10[%dma_wait3A, %dma_wait3A_134] : memref<128x128xf32, #tpu.memory_space<vmem>> -> memref<16x128xf32, #tpu.memory_space<vmem>>
        %dma_wait3A_136 = arith.constant 9984 : i32
        %dma_wait3A_137 = arith.constant 0 : i32
        %dma_wait3A_138 = tpu.memref_slice %arg6[%arg0, %dma_wait3A_136, %dma_wait3A_137] : memref<2x10000x128xf32, #tpu.memory_space<hbm>> -> memref<1x16x128xf32, #tpu.memory_space<hbm>>
        %dma_wait3A_139 = tpu.memref_squeeze %dma_wait3A_138 : memref<1x16x128xf32, #tpu.memory_space<hbm>> -> memref<16x128xf32, #tpu.memory_space<hbm>>
        %dma_wait3A_140 = arith.constant 9984 : i32
        %dma_wait3A_141 = arith.constant 0 : i32
        %dma_wait3A_142 = tpu.memref_slice %arg6[%arg0, %dma_wait3A_140, %dma_wait3A_141] : memref<2x10000x128xf32, #tpu.memory_space<hbm>> -> memref<1x16x128xf32, #tpu.memory_space<hbm>>
        %dma_wait3A_143 = tpu.memref_squeeze %dma_wait3A_142 : memref<1x16x128xf32, #tpu.memory_space<hbm>> -> memref<16x128xf32, #tpu.memory_space<hbm>>
        %dma_wait3A_144 = arith.constant 0 : i32
        %dma_wait3A_145 = arith.constant 0 : i32
        %dma_wait3A_146 = tpu.memref_slice %arg10[%dma_wait3A_144, %dma_wait3A_145] : memref<128x128xf32, #tpu.memory_space<vmem>> -> memref<16x128xf32, #tpu.memory_space<vmem>>
        tpu.wait_dma2 semaphore(%run_scoped3A : memref<!tpu.dma_semaphore, #tpu.memory_space<semaphore_mem>>) src(%dma_wait3A_146 : memref<16x128xf32, #tpu.memory_space<vmem>>) dst(%dma_wait3A_143 : memref<16x128xf32, #tpu.memory_space<hbm>>)
        tpu.yield
      }) : () -> ()
    } else {
    }
    %add3A_109 = arith.constant 64 : i32
    %add3A_110 = arith.addi %arg1, %add3A_109 : i32
    %lt3A_111 = arith.constant 78 : i32
    %lt3A_112 = arith.cmpi slt, %add3A_110, %lt3A_111 : i32
    %convert_element_type3A_113 = arith.extui %lt3A_112 : i1 to i32
    %cond3A_114 = arith.constant 0 : i32
    %cond3A_115 = arith.cmpi ne, %convert_element_type3A_113, %cond3A_114 : i32
    scf.if %cond3A_115 {
      %mul3A_121 = arith.constant 128 : i32
      %mul3A_122 = arith.muli %add3A_110, %mul3A_121 : i32
      "tpu.region"() ({
        %run_scoped3A = tpu.sem_alloc : memref<!tpu.dma_semaphore, #tpu.memory_space<semaphore_mem>>
        %dma_start3A = arith.constant 0 : i32
        %dma_start3A_125 = tpu.memref_slice %arg7[%mul3A_122, %dma_start3A] : memref<10240x128xf32, #tpu.memory_space<vmem_shared>> -> memref<128x128xf32, #tpu.memory_space<vmem_shared>>
        %dma_start3A_126 = arith.constant 0 : i32
        %dma_start3A_127 = tpu.memref_slice %arg7[%mul3A_122, %dma_start3A_126] : memref<10240x128xf32, #tpu.memory_space<vmem_shared>> -> memref<128x128xf32, #tpu.memory_space<vmem_shared>>
        tpu.enqueue_dma source(%dma_start3A_127 : memref<128x128xf32, #tpu.memory_space<vmem_shared>>) target(%arg10 : memref<128x128xf32, #tpu.memory_space<vmem>>) target_semaphore(%run_scoped3A : memref<!tpu.dma_semaphore, #tpu.memory_space<semaphore_mem>>)
        %dma_wait3A = arith.constant 0 : i32
        %dma_wait3A_128 = tpu.memref_slice %arg7[%mul3A_122, %dma_wait3A] : memref<10240x128xf32, #tpu.memory_space<vmem_shared>> -> memref<128x128xf32, #tpu.memory_space<vmem_shared>>
        %dma_wait3A_129 = arith.constant 0 : i32
        %dma_wait3A_130 = tpu.memref_slice %arg7[%mul3A_122, %dma_wait3A_129] : memref<10240x128xf32, #tpu.memory_space<vmem_shared>> -> memref<128x128xf32, #tpu.memory_space<vmem_shared>>
        tpu.wait_dma2 semaphore(%run_scoped3A : memref<!tpu.dma_semaphore, #tpu.memory_space<semaphore_mem>>) src(%dma_wait3A_130 : memref<128x128xf32, #tpu.memory_space<vmem_shared>>) dst(%arg10 : memref<128x128xf32, #tpu.memory_space<vmem>>)
        tpu.yield
      }) : () -> ()
      %mul3A_123 = arith.constant 128 : i32
      %mul3A_124 = arith.muli %add3A_110, %mul3A_123 : i32
      "tpu.region"() ({
        %run_scoped3A = tpu.sem_alloc : memref<!tpu.dma_semaphore, #tpu.memory_space<semaphore_mem>>
        %dma_start3A = arith.constant 0 : i32
        %dma_start3A_125 = tpu.memref_slice %arg6[%arg0, %mul3A_124, %dma_start3A] : memref<2x10000x128xf32, #tpu.memory_space<hbm>> -> memref<1x128x128xf32, #tpu.memory_space<hbm>>
        %dma_start3A_126 = tpu.memref_squeeze %dma_start3A_125 : memref<1x128x128xf32, #tpu.memory_space<hbm>> -> memref<128x128xf32, #tpu.memory_space<hbm>>
        %dma_start3A_127 = arith.constant 0 : i32
        %dma_start3A_128 = tpu.memref_slice %arg6[%arg0, %mul3A_124, %dma_start3A_127] : memref<2x10000x128xf32, #tpu.memory_space<hbm>> -> memref<1x128x128xf32, #tpu.memory_space<hbm>>
        %dma_start3A_129 = tpu.memref_squeeze %dma_start3A_128 : memref<1x128x128xf32, #tpu.memory_space<hbm>> -> memref<128x128xf32, #tpu.memory_space<hbm>>
        tpu.enqueue_dma source(%arg10 : memref<128x128xf32, #tpu.memory_space<vmem>>) target(%dma_start3A_129 : memref<128x128xf32, #tpu.memory_space<hbm>>) target_semaphore(%run_scoped3A : memref<!tpu.dma_semaphore, #tpu.memory_space<semaphore_mem>>)
        %dma_wait3A = arith.constant 0 : i32
        %dma_wait3A_130 = tpu.memref_slice %arg6[%arg0, %mul3A_124, %dma_wait3A] : memref<2x10000x128xf32, #tpu.memory_space<hbm>> -> memref<1x128x128xf32, #tpu.memory_space<hbm>>
        %dma_wait3A_131 = tpu.memref_squeeze %dma_wait3A_130 : memref<1x128x128xf32, #tpu.memory_space<hbm>> -> memref<128x128xf32, #tpu.memory_space<hbm>>
        %dma_wait3A_132 = arith.constant 0 : i32
        %dma_wait3A_133 = tpu.memref_slice %arg6[%arg0, %mul3A_124, %dma_wait3A_132] : memref<2x10000x128xf32, #tpu.memory_space<hbm>> -> memref<1x128x128xf32, #tpu.memory_space<hbm>>
        %dma_wait3A_134 = tpu.memref_squeeze %dma_wait3A_133 : memref<1x128x128xf32, #tpu.memory_space<hbm>> -> memref<128x128xf32, #tpu.memory_space<hbm>>
        tpu.wait_dma2 semaphore(%run_scoped3A : memref<!tpu.dma_semaphore, #tpu.memory_space<semaphore_mem>>) src(%arg10 : memref<128x128xf32, #tpu.memory_space<vmem>>) dst(%dma_wait3A_134 : memref<128x128xf32, #tpu.memory_space<hbm>>)
        tpu.yield
      }) : () -> ()
    } else {
    }
    %eq3A_116 = arith.constant 78 : i32
    %eq3A_117 = arith.cmpi eq, %add3A_110, %eq3A_116 : i32
    %convert_element_type3A_118 = arith.extui %eq3A_117 : i1 to i32
    %cond3A_119 = arith.constant 0 : i32
    %cond3A_120 = arith.cmpi ne, %convert_element_type3A_118, %cond3A_119 : i32
    scf.if %cond3A_120 {
      "tpu.region"() ({
        %run_scoped3A = tpu.sem_alloc : memref<!tpu.dma_semaphore, #tpu.memory_space<semaphore_mem>>
        %dma_start3A = arith.constant 0 : i32
        %dma_start3A_121 = arith.constant 0 : i32
        %dma_start3A_122 = tpu.memref_slice %arg10[%dma_start3A, %dma_start3A_121] : memref<128x128xf32, #tpu.memory_space<vmem>> -> memref<16x128xf32, #tpu.memory_space<vmem>>
        %dma_start3A_123 = arith.constant 9984 : i32
        %dma_start3A_124 = arith.constant 0 : i32
        %dma_start3A_125 = tpu.memref_slice %arg7[%dma_start3A_123, %dma_start3A_124] : memref<10240x128xf32, #tpu.memory_space<vmem_shared>> -> memref<16x128xf32, #tpu.memory_space<vmem_shared>>
        %dma_start3A_126 = arith.constant 0 : i32
        %dma_start3A_127 = arith.constant 0 : i32
        %dma_start3A_128 = tpu.memref_slice %arg10[%dma_start3A_126, %dma_start3A_127] : memref<128x128xf32, #tpu.memory_space<vmem>> -> memref<16x128xf32, #tpu.memory_space<vmem>>
        %dma_start3A_129 = arith.constant 9984 : i32
        %dma_start3A_130 = arith.constant 0 : i32
        %dma_start3A_131 = tpu.memref_slice %arg7[%dma_start3A_129, %dma_start3A_130] : memref<10240x128xf32, #tpu.memory_space<vmem_shared>> -> memref<16x128xf32, #tpu.memory_space<vmem_shared>>
        tpu.enqueue_dma source(%dma_start3A_131 : memref<16x128xf32, #tpu.memory_space<vmem_shared>>) target(%dma_start3A_128 : memref<16x128xf32, #tpu.memory_space<vmem>>) target_semaphore(%run_scoped3A : memref<!tpu.dma_semaphore, #tpu.memory_space<semaphore_mem>>)
        %dma_wait3A = arith.constant 0 : i32
        %dma_wait3A_132 = arith.constant 0 : i32
        %dma_wait3A_133 = tpu.memref_slice %arg10[%dma_wait3A, %dma_wait3A_132] : memref<128x128xf32, #tpu.memory_space<vmem>> -> memref<16x128xf32, #tpu.memory_space<vmem>>
        %dma_wait3A_134 = arith.constant 9984 : i32
        %dma_wait3A_135 = arith.constant 0 : i32
        %dma_wait3A_136 = tpu.memref_slice %arg7[%dma_wait3A_134, %dma_wait3A_135] : memref<10240x128xf32, #tpu.memory_space<vmem_shared>> -> memref<16x128xf32, #tpu.memory_space<vmem_shared>>
        %dma_wait3A_137 = arith.constant 0 : i32
        %dma_wait3A_138 = arith.constant 0 : i32
        %dma_wait3A_139 = tpu.memref_slice %arg10[%dma_wait3A_137, %dma_wait3A_138] : memref<128x128xf32, #tpu.memory_space<vmem>> -> memref<16x128xf32, #tpu.memory_space<vmem>>
        %dma_wait3A_140 = arith.constant 9984 : i32
        %dma_wait3A_141 = arith.constant 0 : i32
        %dma_wait3A_142 = tpu.memref_slice %arg7[%dma_wait3A_140, %dma_wait3A_141] : memref<10240x128xf32, #tpu.memory_space<vmem_shared>> -> memref<16x128xf32, #tpu.memory_space<vmem_shared>>
        tpu.wait_dma2 semaphore(%run_scoped3A : memref<!tpu.dma_semaphore, #tpu.memory_space<semaphore_mem>>) src(%dma_wait3A_142 : memref<16x128xf32, #tpu.memory_space<vmem_shared>>) dst(%dma_wait3A_139 : memref<16x128xf32, #tpu.memory_space<vmem>>)
        tpu.yield
      }) : () -> ()
      "tpu.region"() ({
        %run_scoped3A = tpu.sem_alloc : memref<!tpu.dma_semaphore, #tpu.memory_space<semaphore_mem>>
        %dma_start3A = arith.constant 0 : i32
        %dma_start3A_121 = arith.constant 0 : i32
        %dma_start3A_122 = tpu.memref_slice %arg10[%dma_start3A, %dma_start3A_121] : memref<128x128xf32, #tpu.memory_space<vmem>> -> memref<16x128xf32, #tpu.memory_space<vmem>>
        %dma_start3A_123 = arith.constant 9984 : i32
        %dma_start3A_124 = arith.constant 0 : i32
        %dma_start3A_125 = tpu.memref_slice %arg6[%arg0, %dma_start3A_123, %dma_start3A_124] : memref<2x10000x128xf32, #tpu.memory_space<hbm>> -> memref<1x16x128xf32, #tpu.memory_space<hbm>>
        %dma_start3A_126 = tpu.memref_squeeze %dma_start3A_125 : memref<1x16x128xf32, #tpu.memory_space<hbm>> -> memref<16x128xf32, #tpu.memory_space<hbm>>
        %dma_start3A_127 = arith.constant 9984 : i32
        %dma_start3A_128 = arith.constant 0 : i32
        %dma_start3A_129 = tpu.memref_slice %arg6[%arg0, %dma_start3A_127, %dma_start3A_128] : memref<2x10000x128xf32, #tpu.memory_space<hbm>> -> memref<1x16x128xf32, #tpu.memory_space<hbm>>
        %dma_start3A_130 = tpu.memref_squeeze %dma_start3A_129 : memref<1x16x128xf32, #tpu.memory_space<hbm>> -> memref<16x128xf32, #tpu.memory_space<hbm>>
        %dma_start3A_131 = arith.constant 0 : i32
        %dma_start3A_132 = arith.constant 0 : i32
        %dma_start3A_133 = tpu.memref_slice %arg10[%dma_start3A_131, %dma_start3A_132] : memref<128x128xf32, #tpu.memory_space<vmem>> -> memref<16x128xf32, #tpu.memory_space<vmem>>
        tpu.enqueue_dma source(%dma_start3A_133 : memref<16x128xf32, #tpu.memory_space<vmem>>) target(%dma_start3A_130 : memref<16x128xf32, #tpu.memory_space<hbm>>) target_semaphore(%run_scoped3A : memref<!tpu.dma_semaphore, #tpu.memory_space<semaphore_mem>>)
        %dma_wait3A = arith.constant 0 : i32
        %dma_wait3A_134 = arith.constant 0 : i32
        %dma_wait3A_135 = tpu.memref_slice %arg10[%dma_wait3A, %dma_wait3A_134] : memref<128x128xf32, #tpu.memory_space<vmem>> -> memref<16x128xf32, #tpu.memory_space<vmem>>
        %dma_wait3A_136 = arith.constant 9984 : i32
        %dma_wait3A_137 = arith.constant 0 : i32
        %dma_wait3A_138 = tpu.memref_slice %arg6[%arg0, %dma_wait3A_136, %dma_wait3A_137] : memref<2x10000x128xf32, #tpu.memory_space<hbm>> -> memref<1x16x128xf32, #tpu.memory_space<hbm>>
        %dma_wait3A_139 = tpu.memref_squeeze %dma_wait3A_138 : memref<1x16x128xf32, #tpu.memory_space<hbm>> -> memref<16x128xf32, #tpu.memory_space<hbm>>
        %dma_wait3A_140 = arith.constant 9984 : i32
        %dma_wait3A_141 = arith.constant 0 : i32
        %dma_wait3A_142 = tpu.memref_slice %arg6[%arg0, %dma_wait3A_140, %dma_wait3A_141] : memref<2x10000x128xf32, #tpu.memory_space<hbm>> -> memref<1x16x128xf32, #tpu.memory_space<hbm>>
        %dma_wait3A_143 = tpu.memref_squeeze %dma_wait3A_142 : memref<1x16x128xf32, #tpu.memory_space<hbm>> -> memref<16x128xf32, #tpu.memory_space<hbm>>
        %dma_wait3A_144 = arith.constant 0 : i32
        %dma_wait3A_145 = arith.constant 0 : i32
        %dma_wait3A_146 = tpu.memref_slice %arg10[%dma_wait3A_144, %dma_wait3A_145] : memref<128x128xf32, #tpu.memory_space<vmem>> -> memref<16x128xf32, #tpu.memory_space<vmem>>
        tpu.wait_dma2 semaphore(%run_scoped3A : memref<!tpu.dma_semaphore, #tpu.memory_space<semaphore_mem>>) src(%dma_wait3A_146 : memref<16x128xf32, #tpu.memory_space<vmem>>) dst(%dma_wait3A_143 : memref<16x128xf32, #tpu.memory_space<hbm>>)
        tpu.yield
      }) : () -> ()
    } else {
    }
    return
  }
}

module attributes {stable_mosaic.version = 14 : i64} {
  func.func @_scales_xs_body(%arg0: memref<32x2x80x128xf32, #tpu.memory_space<vmem>>, %arg1: memref<10000x128xf32, #tpu.memory_space<vmem>>, %arg2: memref<10000x128xf32, #tpu.memory_space<vmem>>, %arg3: memref<10000x2xf32, #tpu.memory_space<vmem>>) attributes {dimension_semantics = [], scalar_prefetch = 0 : i64, scratch_operands = 0 : i64, tpu.core_type = #tpu.core_type<tc>} {
    %get3A = arith.constant 0 : index
    %get3A_0 = arith.constant 0 : index
    %get3A_1 = arith.constant 0 : index
    %get3A_2 = arith.constant 0 : index
    %get3A_3 = vector.load %arg0[%get3A, %get3A_0, %get3A_1, %get3A_2] : memref<32x2x80x128xf32, #tpu.memory_space<vmem>>, vector<32x2x80x128xf32>
    %reduce_sum3A = arith.constant dense<0.000000e+00> : vector<2x80x128xf32>
    %reduce_sum3A_4 = vector.multi_reduction <add>, %get3A_3, %reduce_sum3A [0] : vector<32x2x80x128xf32> to vector<2x80x128xf32>
    %reshape3A = vector.shape_cast %reduce_sum3A_4 : vector<2x80x128xf32> to vector<2x10240xf32>
    %slice3A = vector.extract_strided_slice %reshape3A {offsets = [0, 0], sizes = [1, 10000], strides = [1, 1]} : vector<2x10240xf32> to vector<1x10000xf32>
    %squeeze3A = vector.shape_cast %slice3A : vector<1x10000xf32> to vector<10000xf32>
    %slice3A_5 = vector.extract_strided_slice %reshape3A {offsets = [1, 0], sizes = [1, 10000], strides = [1, 1]} : vector<2x10240xf32> to vector<1x10000xf32>
    %squeeze3A_6 = vector.shape_cast %slice3A_5 : vector<1x10000xf32> to vector<10000xf32>
    %max3A = arith.constant 1.000000e+00 : f32
    %max3A_7 = vector.broadcast %max3A : f32 to vector<10000xf32>
    %max3A_8 = arith.maximumf %squeeze3A, %max3A_7 : vector<10000xf32>
    %rsqrt3A = math.rsqrt %max3A_8 : vector<10000xf32>
    %max3A_9 = arith.constant 1.000000e+00 : f32
    %max3A_10 = vector.broadcast %max3A_9 : f32 to vector<10000xf32>
    %max3A_11 = arith.maximumf %squeeze3A_6, %max3A_10 : vector<10000xf32>
    %rsqrt3A_12 = math.rsqrt %max3A_11 : vector<10000xf32>
    %get3A_13 = arith.constant 0 : index
    %get3A_14 = arith.constant 0 : index
    %get3A_15 = vector.load %arg1[%get3A_13, %get3A_14] : memref<10000x128xf32, #tpu.memory_space<vmem>>, vector<10000x128xf32>
    %broadcast_in_dim3A = vector.shape_cast %rsqrt3A : vector<10000xf32> to vector<10000x1xf32>
    %mul3A = vector.broadcast %broadcast_in_dim3A : vector<10000x1xf32> to vector<10000x128xf32>
    %mul3A_16 = arith.mulf %get3A_15, %mul3A : vector<10000x128xf32>
    %swap3A = arith.constant 0 : index
    %swap3A_17 = arith.constant 0 : index
    %swap3A_18 = vector.load %arg2[%swap3A, %swap3A_17] : memref<10000x128xf32, #tpu.memory_space<vmem>>, vector<10000x128xf32>
    tpu.vector_store %arg2[%swap3A, %swap3A_17], %mul3A_16 {strides = array<i32>} : memref<10000x128xf32, #tpu.memory_space<vmem>>, vector<10000x128xf32>,
    %stack3A = vector.shape_cast %rsqrt3A : vector<10000xf32> to vector<10000x1xf32>
    %stack3A_19 = vector.shape_cast %rsqrt3A_12 : vector<10000xf32> to vector<10000x1xf32>
    %stack3A_20 = tpu.concatenate %stack3A, %stack3A_19 in 1 : vector<10000x1xf32>, vector<10000x1xf32> -> vector<10000x2xf32>
    %swap3A_21 = arith.constant 0 : index
    %swap3A_22 = arith.constant 0 : index
    %swap3A_23 = vector.load %arg3[%swap3A_21, %swap3A_22] : memref<10000x2xf32, #tpu.memory_space<vmem>>, vector<10000x2xf32>
    tpu.vector_store %arg3[%swap3A_21, %swap3A_22], %stack3A_20 {strides = array<i32>} : memref<10000x2xf32, #tpu.memory_space<vmem>>, vector<10000x2xf32>,
    return
  }
}

module attributes {stable_mosaic.version = 14 : i64} {
  func.func @_layer1_body(%arg0: memref<2x10000x128xf32, #tpu.memory_space<vmem>>, %arg1: memref<10000x2xf32, #tpu.memory_space<vmem>>, %arg2: memref<128x256xf32, #tpu.memory_space<vmem>>, %arg3: memref<256xf32, #tpu.memory_space<vmem>>, %arg4: memref<256x128xf32, #tpu.memory_space<vmem>>, %arg5: memref<10000x256xf32, #tpu.memory_space<vmem>>, %arg6: memref<10000x128xf32, #tpu.memory_space<vmem>>) attributes {dimension_semantics = [], scalar_prefetch = 0 : i64, scratch_operands = 0 : i64, tpu.core_type = #tpu.core_type<tc>} {
    %get3A = arith.constant 0 : index
    %get3A_0 = arith.constant 1 : index
    %get3A_1 = vector.load %arg1[%get3A, %get3A_0] : memref<10000x2xf32, #tpu.memory_space<vmem>>, vector<10000x1xf32>
    %get3A_2 = arith.constant 0 : index
    %get3A_3 = arith.constant 0 : index
    %get3A_4 = vector.load %arg1[%get3A_2, %get3A_3] : memref<10000x2xf32, #tpu.memory_space<vmem>>, vector<10000x1xf32>
    %get3A_5 = arith.constant 0 : index
    %get3A_6 = arith.constant 0 : index
    %get3A_7 = arith.constant 0 : index
    %get3A_8 = vector.load %arg0[%get3A_5, %get3A_6, %get3A_7] : memref<2x10000x128xf32, #tpu.memory_space<vmem>>, vector<1x10000x128xf32>
    %get3A_9 = vector.shape_cast %get3A_8 : vector<1x10000x128xf32> to vector<10000x128xf32>
    %get3A_10 = arith.constant 1 : index
    %get3A_11 = arith.constant 0 : index
    %get3A_12 = arith.constant 0 : index
    %get3A_13 = vector.load %arg0[%get3A_10, %get3A_11, %get3A_12] : memref<2x10000x128xf32, #tpu.memory_space<vmem>>, vector<1x10000x128xf32>
    %get3A_14 = vector.shape_cast %get3A_13 : vector<1x10000x128xf32> to vector<10000x128xf32>
    %add3A = arith.addf %get3A_9, %get3A_14 : vector<10000x128xf32>
    %mul3A = vector.broadcast %get3A_1 : vector<10000x1xf32> to vector<10000x128xf32>
    %mul3A_15 = arith.mulf %add3A, %mul3A : vector<10000x128xf32>
    %get3A_16 = arith.constant 0 : index
    %get3A_17 = arith.constant 0 : index
    %get3A_18 = vector.load %arg2[%get3A_16, %get3A_17] : memref<128x256xf32, #tpu.memory_space<vmem>>, vector<128x256xf32>
    %dot_general3A = arith.constant dense<0.000000e+00> : vector<10000x256xf32>
    %dot_general3A_19 = tpu.matmul %mul3A_15, %get3A_18, %dot_general3A {dimension_numbers = #tpu.dot_dimension_numbers<[1], [0], [0], [1], [0, 0, 1, 1], [], []>, transpose_lhs_hint = false} : vector<10000x128xf32>, vector<128x256xf32>, vector<10000x256xf32> -> vector<10000x256xf32>
    %get3A_20 = arith.constant 0 : index
    %get3A_21 = vector.load %arg3[%get3A_20] : memref<256xf32, #tpu.memory_space<vmem>>, vector<256xf32>
    %broadcast_in_dim3A = vector.shape_cast %get3A_21 : vector<256xf32> to vector<1x256xf32>
    %add3A_22 = vector.broadcast %broadcast_in_dim3A : vector<1x256xf32> to vector<10000x256xf32>
    %add3A_23 = arith.addf %dot_general3A_19, %add3A_22 : vector<10000x256xf32>
    %max3A = arith.constant 0.000000e+00 : f32
    %max3A_24 = vector.broadcast %max3A : f32 to vector<10000x256xf32>
    %max3A_25 = arith.maximumf %add3A_23, %max3A_24 : vector<10000x256xf32>
    %swap3A = arith.constant 0 : index
    %swap3A_26 = arith.constant 0 : index
    %swap3A_27 = vector.load %arg5[%swap3A, %swap3A_26] : memref<10000x256xf32, #tpu.memory_space<vmem>>, vector<10000x256xf32>
    tpu.vector_store %arg5[%swap3A, %swap3A_26], %max3A_25 {strides = array<i32>} : memref<10000x256xf32, #tpu.memory_space<vmem>>, vector<10000x256xf32>,
    %get3A_28 = arith.constant 0 : index
    %get3A_29 = arith.constant 0 : index
    %get3A_30 = vector.load %arg4[%get3A_28, %get3A_29] : memref<256x128xf32, #tpu.memory_space<vmem>>, vector<256x128xf32>
    %dot_general3A_31 = arith.constant dense<0.000000e+00> : vector<10000x128xf32>
    %dot_general3A_32 = tpu.matmul %max3A_25, %get3A_30, %dot_general3A_31 {dimension_numbers = #tpu.dot_dimension_numbers<[1], [0], [0], [1], [0, 0, 1, 1], [], []>, transpose_lhs_hint = false} : vector<10000x256xf32>, vector<256x128xf32>, vector<10000x128xf32> -> vector<10000x128xf32>
    %mul3A_33 = vector.broadcast %get3A_4 : vector<10000x1xf32> to vector<10000x128xf32>
    %mul3A_34 = arith.mulf %dot_general3A_32, %mul3A_33 : vector<10000x128xf32>
    %swap3A_35 = arith.constant 0 : index
    %swap3A_36 = arith.constant 0 : index
    %swap3A_37 = vector.load %arg6[%swap3A_35, %swap3A_36] : memref<10000x128xf32, #tpu.memory_space<vmem>>, vector<10000x128xf32>
    tpu.vector_store %arg6[%swap3A_35, %swap3A_36], %mul3A_34 {strides = array<i32>} : memref<10000x128xf32, #tpu.memory_space<vmem>>, vector<10000x128xf32>,
    return
  }
}

module attributes {stable_mosaic.version = 14 : i64} {
  func.func @_layer2_body(%arg0: memref<2x10000x128xf32, #tpu.memory_space<vmem>>, %arg1: memref<10000x2xf32, #tpu.memory_space<vmem>>, %arg2: memref<128xf32, #tpu.memory_space<vmem>>, %arg3: memref<10000x128xf32, #tpu.memory_space<vmem>>) attributes {dimension_semantics = [], scalar_prefetch = 0 : i64, scratch_operands = 0 : i64, tpu.core_type = #tpu.core_type<tc>} {
    %get3A = arith.constant 0 : index
    %get3A_0 = arith.constant 1 : index
    %get3A_1 = vector.load %arg1[%get3A, %get3A_0] : memref<10000x2xf32, #tpu.memory_space<vmem>>, vector<10000x1xf32>
    %get3A_2 = arith.constant 0 : index
    %get3A_3 = arith.constant 0 : index
    %get3A_4 = arith.constant 0 : index
    %get3A_5 = vector.load %arg0[%get3A_2, %get3A_3, %get3A_4] : memref<2x10000x128xf32, #tpu.memory_space<vmem>>, vector<1x10000x128xf32>
    %get3A_6 = vector.shape_cast %get3A_5 : vector<1x10000x128xf32> to vector<10000x128xf32>
    %get3A_7 = arith.constant 1 : index
    %get3A_8 = arith.constant 0 : index
    %get3A_9 = arith.constant 0 : index
    %get3A_10 = vector.load %arg0[%get3A_7, %get3A_8, %get3A_9] : memref<2x10000x128xf32, #tpu.memory_space<vmem>>, vector<1x10000x128xf32>
    %get3A_11 = vector.shape_cast %get3A_10 : vector<1x10000x128xf32> to vector<10000x128xf32>
    %add3A = arith.addf %get3A_6, %get3A_11 : vector<10000x128xf32>
    %mul3A = vector.broadcast %get3A_1 : vector<10000x1xf32> to vector<10000x128xf32>
    %mul3A_12 = arith.mulf %add3A, %mul3A : vector<10000x128xf32>
    %get3A_13 = arith.constant 0 : index
    %get3A_14 = vector.load %arg2[%get3A_13] : memref<128xf32, #tpu.memory_space<vmem>>, vector<128xf32>
    %broadcast_in_dim3A = vector.shape_cast %get3A_14 : vector<128xf32> to vector<1x128xf32>
    %add3A_15 = vector.broadcast %broadcast_in_dim3A : vector<1x128xf32> to vector<10000x128xf32>
    %add3A_16 = arith.addf %mul3A_12, %add3A_15 : vector<10000x128xf32>
    %swap3A = arith.constant 0 : index
    %swap3A_17 = arith.constant 0 : index
    %swap3A_18 = vector.load %arg3[%swap3A, %swap3A_17] : memref<10000x128xf32, #tpu.memory_space<vmem>>, vector<10000x128xf32>
    tpu.vector_store %arg3[%swap3A, %swap3A_17], %add3A_16 {strides = array<i32>} : memref<10000x128xf32, #tpu.memory_space<vmem>>, vector<10000x128xf32>,
    return
  }
}

</mosaic_0001>

<sc_bundles>
// kernel: kernel.11.cloned.1.call-start
scs
__scs_entry_jumppad:
0x0: {  	(pc) =	sbr.rel $0x88, $3  }
0x1: {  	(tag) =	ssettag $0x0;
	lr =	simm.s32 $0x1  }
0x2: {  	[smem:$0x3F9B] =	sst lr;
	_ =	strace $0xD0000000  }
0x3: {  	_ = 	snop  }
0x4: {  	_ = 	snop  }
0x5: {  	_ = 	snop  }
0x6: {  	_ = 	snop  }
0x7: {  	_ = 	snop  }
__scs_overlays_trampoline_lowered:
0x8: {  	[smem:$0x3FAA] =	sst s0  }
0x9: {  	[smem:$0x3FAB] =	sst s1  }
0xa: {  	[smem:$0x3FAC] =	sst s2  }
0xb: {  	[smem:$0x3FAD] =	sst s3  }
0xc: {  	[smem:$0x3FAE] =	sst s4  }
0xd: {  	[smem:$0x3FAF] =	sst s5  }
0xe: {  	[smem:$0x3FB0] =	sst s6  }
0xf: {  	[smem:$0x3FB1] =	sst s7  }
0x10: {  	[smem:$0x3FB2] =	sst s8  }
0x11: {  	[smem:$0x3FB3] =	sst s9;
	s0 =	simm.s32 @!p0 $0x0  }
0x12: {  	s1 =	sld [smem:$0x3F99];
	s0 =	simm.s32 @p0 $0x1  }
0x13: {  	[smem:$0x3FB4] =	sst s0;
	s0 =	simm.s32 @!p1 $0x0  }
0x14: {  	s2 =	sld [smem:$0x3F98];
	s0 =	simm.s32 @p1 $0x1  }
0x15: {  	[smem:$0x3FB5] =	sst s0;
	s0 =	simm.s32 @!p2 $0x0  }
0x16: {  	s3 =	sld [smem:$0x3FDB];
	s0 =	simm.s32 @p2 $0x1  }
0x17: {  	s4 =	simm.s32 $0x1BF5;
	[smem:$0x3FB7] =	sst s0  }
0x18: {  	s0 =	sld [smem:$0x3F9A];
	_ =	swait.ge [sflag:s4], $0x0  }
0x19: {  	s7 =	sld [smem:$0x3F9B]  }
0x1a: {  	s8 =	sadd.s32 $0xFFFFE003, lr  }
0x1b: {  	s9 =	sadd.s32 $0xFFFFFEF7, lr;
	s5 =	simm.s32 $0xFFFFFFFF;
	p2 =	slt.u32 s8, $0xFFFFF086  }
0x1c: {  	p1 =	slt.u32 s9, $0xF7A;
	s5 =	simm.s32 @!p2 $0x0  }
0x1d: {  	s5 =	simm.s32 @p1 $0x1;
	p0 =	seq.s32 s7, s2  }
0x1e: {  	s7 =	smul.u32 @!p0 $0xF7A, s2;
	p2 =	seq.s32 @!p0 s5, $0x0  }
0x1f: {  	s9 =	smul.u32 $0xF7A, s1;
	s8 =	simm.s32 @!p0 $0x1BF5;
	p2 =	por !p2, p0  }
0x20: {  	[sflag:s8] =	ssyncset.s32 @!p0 $0xFFFFF086;
	s6 =	sadd.s32 @!p0 s3, s7;
	s7 =	simm.s32 @!p0 $0x108  }
0x21: {  	s3 =	sadd.s32 s3, s9;
	s6 =	sadd.s32 @!p0 $0x88, s6;
	s7 =	simm.s32 @p2 $0x1082  }
0x22: {  	[simem:s7], [sflag:s8] =	dma.local @!p0 [hbm:s6], $0xF7A  }
0x23: {  	s9 =	sor.u32 $0xD0000000, s2;
	s6 =	simm.s32 $0x108;
	_ =	swait.ge @!p0 [sflag:s8], $0x0  }
0x24: {  	s3 =	sadd.s32 $0x88, s3;
	s6 =	simm.s32 @!p1 $0x1082;
	[sflag:s4] =	ssyncset.s32 $0xFFFFF086  }
0x25: {  	[simem:s6], [sflag:s4] =	dma.local [hbm:s3], $0xF7A  }
0x26: {  	[smem:$0x3F9B] =	sst s1;
	(tag) =	ssettag s2;
	_ =	strace s9  }
0x27: {  	s1 =	sld [smem:$0x3FAB]  }
0x28: {  	s2 =	sld [smem:$0x3FAC]  }
0x29: {  	s4 =	sld [smem:$0x3FAE]  }
0x2a: {  	p0 =	seq.s32 s5, $0x0;
	s5 =	sld [smem:$0x3FAF]  }
0x2b: {  	s6 =	sld [smem:$0x3FB0]  }
0x2c: {  	s7 =	sld [smem:$0x3FB1]  }
0x2d: {  	s3 =	simm.s32 $0x108;
	s8 =	sld [smem:$0x3FB2]  }
0x2e: {  	s3 =	simm.s32 @!p0 $0x1082;
	s9 =	sld [smem:$0x3FB3]  }
0x2f: {  	lr =	sadd.s32 s0, s3;
	s0 =	sld [smem:$0x3FAA]  }
0x30: {  	s3 =	sld [smem:$0x3FAD]  }
0x31: {  	[smem:$0x3FB6] =	sst s10  }
0x32: {  	s10 =	sld [smem:$0x3FB4];
	_ =	sdelay $0x3  }
0x33: {  	p0 =	seq.s32 s10, $0x1;
	s10 =	sld [smem:$0x3FB6];
	_ =	sdelay $0x3  }
0x34: {  	[smem:$0x3FB6] =	sst s10  }
0x35: {  	s10 =	sld [smem:$0x3FB5];
	_ =	sdelay $0x3  }
0x36: {  	p1 =	seq.s32 s10, $0x1;
	s10 =	sld [smem:$0x3FB6];
	_ =	sdelay $0x3  }
0x37: {  	[smem:$0x3FB6] =	sst s10  }
0x38: {  	s10 =	sld [smem:$0x3FB7]  }
0x39: {  	_ = 	snop;
	(pc) =	sbr.ind lr, $3  }
0x3a: {  	_ = 	snop  }
0x3b: {  	_ = 	snop  }
0x3c: {  	p2 =	seq.s32 s10, $0x1;
	s10 =	sld [smem:$0x3FB6]  }
0x3d: {  	_ =	shalt  }
0x3e: {  	_ =	shalt  }
0x3f: {  	_ =	shalt  }
0x40: {  	_ =	shalt  }
0x41: {  	_ =	shalt  }
0x42: {  	_ =	shalt  }
0x43: {  	_ =	shalt  }
0x44: {  	_ =	shalt  }
0x45: {  	_ =	shalt  }
0x46: {  	_ =	shalt  }
0x47: {  	_ =	shalt  }
0x48: {  	_ =	shalt  }
0x49: {  	_ =	shalt  }
0x4a: {  	_ =	shalt  }
0x4b: {  	_ =	shalt  }
0x4c: {  	_ =	shalt  }
0x4d: {  	_ =	shalt  }
0x4e: {  	_ =	shalt  }
0x4f: {  	_ =	shalt  }
0x50: {  	_ =	shalt  }
0x51: {  	_ =	shalt  }
0x52: {  	_ =	shalt  }
0x53: {  	_ =	shalt  }
0x54: {  	_ =	shalt  }
0x55: {  	_ =	shalt  }
0x56: {  	_ =	shalt  }
0x57: {  	_ =	shalt  }
0x58: {  	_ =	shalt  }
0x59: {  	_ =	shalt  }
0x5a: {  	_ =	shalt  }
0x5b: {  	_ =	shalt  }
0x5c: {  	_ =	shalt  }
0x5d: {  	_ =	shalt  }
0x5e: {  	_ =	shalt  }
0x5f: {  	_ =	shalt  }
0x60: {  	_ =	shalt  }
0x61: {  	_ =	shalt  }
0x62: {  	_ =	shalt  }
0x63: {  	_ =	shalt  }
0x64: {  	_ =	shalt  }
0x65: {  	_ =	shalt  }
0x66: {  	_ =	shalt  }
0x67: {  	_ =	shalt  }
0x68: {  	_ =	shalt  }
0x69: {  	_ =	shalt  }
0x6a: {  	_ =	shalt  }
0x6b: {  	_ =	shalt  }
0x6c: {  	_ =	shalt  }
0x6d: {  	_ =	shalt  }
0x6e: {  	_ =	shalt  }
0x6f: {  	_ =	shalt  }
0x70: {  	_ =	shalt  }
0x71: {  	_ =	shalt  }
0x72: {  	_ =	shalt  }
0x73: {  	_ =	shalt  }
0x74: {  	_ =	shalt  }
0x75: {  	_ =	shalt  }
0x76: {  	_ =	shalt  }
0x77: {  	_ =	shalt  }
0x78: {  	_ =	shalt  }
0x79: {  	_ =	shalt  }
0x7a: {  	_ =	shalt  }
0x7b: {  	_ =	shalt  }
0x7c: {  	_ =	shalt  }
0x7d: {  	_ =	shalt  }
0x7e: {  	_ =	shalt  }
0x7f: {  	_ =	shalt  }
0x80: {  	_ =	shalt  }
0x81: {  	_ =	shalt  }
0x82: {  	_ =	shalt  }
0x83: {  	_ =	shalt  }
0x84: {  	_ =	shalt  }
0x85: {  	_ =	shalt  }
0x86: {  	_ =	shalt  }
0x87: {  	_ =	shalt  }
.Lfunc_end0:
.L_simem_size_0:
called_computation.1_lowered:
.L_overlay_start_0:
0x88: {  	s2 =	sld [smem:$0x3FD9]  }
0x89: {  	s3 =	sld [smem:$0x3FFE];
	_ =	sdelay $0x1  }
0x8a: {  	s1 =	srdreg.scid  }
0x8b: {  	s0 =	sand.u32 $0x1, s1  }
0x8c: {  	s14 =	sshll.u32 s0, $0xA;
	s2 =	sadd.s32 s3, s2  }
0x8d: {  	s2 =	sadd.s32 s2, s14  }
0x8e: {  	[smem:$0x3FC2] =	sst s2  }
0x8f: {  	_ = 	snop  }
0x90: {  	s2 =	sld [smem:$0x3FD0];
	_ =	sdelay $0x2  }
0x91: {  	s15 =	simm.s32 $0xA;
	s4 =	simm.s32 $0x10  }
0x92: {  	[smem:s4], [sflag:s15] =	dma.local [hbm:s2], $0x1  }
0x93: {  	_ =	swait.eq [sflag:s15], $0x1  }
0x94: {  	[sflag:s15] =	ssyncset.done $0x0  }
0x95: {  	s16 =	sld [smem:$0x10];
	[sflag:s15] =	ssyncadd.s32 $0xFFFFFFFF  }
0x96: {  	s17 =	sld [smem:$0x11];
	(tm) =	ssettm $0x1  }
0x97: {  	s18 =	sld [smem:$0x3FFB];
	_ =	sdelay $0x3  }
0x98: {  	_ =	strace s18  }
0x99: {  	s4 =	sld [smem:$0x3FFC];
	_ =	sdelay $0x3  }
0x9a: {  	_ =	strace s4  }
0x9b: {  	s4 =	sld [smem:$0x3FFD];
	_ =	sdelay $0x3  }
0x9c: {  	_ =	strace s4  }
0x9d: {  	_ =	strace $0x8FFFFFFF  }
0x9e: {  	s19 =	sld [smem:$0x3FDB];
	_ =	sdelay $0x1  }
0x9f: {  	s5 =	simm.s32 $_scs_section_size  }
0xa0: {  	s6 =	simm.s32 $_size__tile_overlayer_lowered;
	s7 =	simm.s32 $_tile_overlayer_lowered  }
0xa1: {  	s22 =	simm.s32 $0x1BFF;
	s21 =	sshll.u32 s7, $0x1;
	s4 =	sadd.s32 s5, s19  }
0xa2: {  	s8 =	simm.s32 $0x0;
	s20 =	sshll.u32 s6, $0x1;
	s6 =	sadd.s32 s21, s4  }
0xa3: {  	[timem:s8], [sflag:s22] =	dma.local [hbm:s6], s20  }
0xa4: {  	_ =	swait.ge [sflag:s22], s20  }
0xa5: {  	s5 =	ssub.s32 $0x0, s20;
	[sflag:s22] =	ssyncset.done $0x0  }
0xa6: {  	[sflag:s22] =	ssyncadd.s32 s5;
	_ =	sdelay $0x1  }
0xa7: {  	s23 =	simm.s32 $0x1B8B  }
0xa8: {  	_ =	swait.ge [sflag:s23], $0x1  }
0xa9: {  	[sflag:s23] =	ssyncset.done $0x0  }
0xaa: {  	s25 =	simm.s32 $0x1B8E;
	s24 =	sld [smem:$0x3FFE];
	[sflag:s23] =	ssyncadd.s32 $0xFFFFFFFF  }
0xab: {  	s26 =	simm.s32 $execute0_lowered;
	[smem:$0x3FD2] =	sst s25  }
0xac: {  	s6 =	sshll.u32 s26, $0x1;
	_ =	strace $0x80000049;
	[dreg:$0x1] =	wrdreg $0xFFFFFFFF  }
0xad: {  	s28 =	simm.s32 $_size_execute0_lowered;
	s4 =	sadd.s32 s4, s6;
	[dreg:$0x0] =	wrdreg $0x0  }
0xae: {  	s6 =	sshll.u32 s28, $0x1;
	[dreg:$0x2] =	wrdreg s4  }
0xaf: {  	[dreg:$0x3] =	wrdreg s6  }
0xb0: {  	[dreg:$0x4] =	wrdreg $0xC0  }
0xb1: {  	_ =	task [dreg:s8], $0x5FFFF  }
0xb2: {  	[dreg:$0x1] =	wrdreg $0xFFFFFFFF  }
0xb3: {  	[dreg:$0x0] =	wrdreg $0x60  }
0xb4: {  	[dreg:$0x2] =	wrdreg s17  }
0xb5: {  	[dreg:$0x3] =	wrdreg s24  }
0xb6: {  	[dreg:$0x4] =	wrdreg s16  }
0xb7: {  	[dreg:$0x5] =	wrdreg $0x0  }
0xb8: {  	[dreg:$0x6] =	wrdreg $0x9  }
0xb9: {  	_ =	task.clear_ibuf [dreg:s8], $0x7FFFF;
	_ =	strace $0x90000049  }
0xba: {  	s29 =	simm.s32 $0x9;
	_ =	strace $0x8000004B  }
0xbb: {  	_ =	swait.ge [sflag:s29], $0x1  }
0xbc: {  	[sflag:s29] =	ssyncadd.s32 $0xFFFFFFFF  }
0xbd: {  	_ =	strace $0x9000004B  }
0xbe: {  	_ =	sfence  }
0xbf: {  	s30 =	sld [smem:$0x0];
	_ =	sdelay $0x2  }
0xc0: {  	s31 =	sshll.u32 s1, $0xD;
	s1 =	sshrl.u32 s1, $0x2  }
0xc1: {  	s3 =	sand.u32 $0x4000, s31;
	s1 =	sadd.s32 s1, s30  }
0xc2: {  	s0 =	sor.u32 s3, s0;
	s1 =	sshll.u32 s1, $0x11  }
0xc3: {  	s0 =	sor.u32 s1, s0  }
0xc4: {  	s0 =	sadd.s32 $0x8F2B, s0  }
0xc5: {  	[sflag:s0] =	ssyncadd.remote.s32 $0x1  }
0xc6: {  	_ =	sfence.sel $0xFFFF  }
0xc7: {  	[dreg:$0x0] =	wrdreg $0xFFFFFFFF;
	(pc) =	sbr.abs _section_cstart, $3  }
0xc8: {  	[dreg:$0x1] =	wrdreg $0xFFFFFFFF  }
0xc9: {  	_ =	task.clear_ibuf [dreg:s8], $0x2FFFF;
	_ =	strace $0x9FFFFFFF  }
0xca: {  	(tm) =	ssettm $0x7FFFFFFF  }
0xcb: {  	_ =	shalt  }
tec
execute0_lowered:
.L_overlay_start_1:
0x0: {  	(tag) =	ssettag $0x1  }
0x1: {  	s1 =	rddreg [dreg:$0x0]  }
0x2: {  	s0 =	rddreg [dreg:$0x1]  }
0x3: {  	s4 =	rddreg [dreg:$0x2]  }
0x4: {  	s2 =	rddreg [dreg:$0x3];
	s3 =	simm.s32 $0x0;
	s5 =	srdreg.scid  }
0x5: {  	s26 =	stileid.u32;
	s28 =	simm.s32 $0x14000;
	s29 =	simm.s32 $0x15400  }
0x6: {  	s30 =	simm.s32 $0x80;
	[smem:$0x7FF] =	sst s3;
	s11 =	sadd.s32 $0xC400, s0  }
0x7: {  	s12 =	sadd.s32 $0x2400, s0;
	s5 =	sand.u32 $0x1, s5;
	s0 =	sadd.s32 $0x16400, s0  }
0x8: {  	s13 =	sshll.u32 s26, $0xE;
	p0 =	sgt.u32 s26, $0xD;
	_ =	strace $0x8000004A  }
0x9: {  	[dreg:$0x5] =	wrdreg s0;
	s25 =	ssub.s32 $0x2, s5;
	s7 =	sshll.u32 s5, $0x4  }
0xa: {  	s16 =	sor.u32 $0x40000, s13;
	s17 =	sor.u32 $0x80000, s13;
	s19 =	smul.u32 $0x138800, s5  }
0xb: {  	s18 =	sor.u32 $0xC0000, s13;
	s20 =	sor.u32 $0x100000, s13;
	s5 =	smul.u32 $0x500, s5  }
0xc: {  	p2 =	sne.s32 @p0 s26, $0xE;
	s6 =	sshrl.u32 s25, $0x1;
	s8 =	sadd.s32 s17, s2  }
0xd: {  	s9 =	sadd.s32 s18, s2;
	s10 =	sadd.s32 s20, s2;
	p2 =	por p2, !p0  }
0xe: {  	s0 =	ssub.s32 s25, s6;
	s25 =	sor.u32 s26, s7;
	s6 =	sadd.s32 s13, s2  }
0xf: {  	s7 =	sadd.s32 s16, s2;
	s13 =	sadd.s32 s13, s19;
	s16 =	sadd.s32 s19, s16  }
0x10: {  	s17 =	sadd.s32 s19, s17;
	s21 =	sadd.s32 s19, s18;
	s24 =	sshrl.u32 s19, $0x3  }
0x11: {  	s14 =	smul.u32 $0x500, s25;
	s13 =	sshrl.u32 s13, $0x3;
	s18 =	sshrl.u32 s21, $0x3  }
0x12: {  	p1 =	seq.s32 s25, $0x1F;
	s25 =	simm.s32 $0x16800;
	s23 =	sadd.s32 s4, s18  }
0x13: {  	s15 =	sadd.s32 s11, s14;
	s31 =	sadd.s32 s12, s14;
	[dreg:$0xd] =	wrdreg s23  }
0x14: {  	s14 =	sadd.s32 $0x280, s14;
	s23 =	smul.u32 $0x50, s26;
	[dreg:$0x6] =	wrdreg s15  }
0x15: {  	s26 =	simm.s32 $0x3;
	[dreg:$0x7] =	wrdreg s31;
	s11 =	sadd.s32 s11, s14  }
0x16: {  	s14 =	sadd.s32 s12, s14;
	s15 =	sadd.s32 s4, s13;
	[dreg:$0x8] =	wrdreg s11  }
0x17: {  	s12 =	sshrl.u32 s17, $0x3;
	s31 =	sadd.s32 s19, s20;
	[dreg:$0x9] =	wrdreg s14  }
0x18: {  	s20 =	sadd.s32 $0x138000, s2;
	[dreg:$0xa] =	wrdreg s15;
	s11 =	sshrl.u32 s16, $0x3  }
0x19: {  	s22 =	sadd.s32 s4, s12;
	s12 =	sshrl.u32 s31, $0x3;
	s23 =	sadd.s32 s23, s5  }
0x1a: {  	s11 =	sadd.s32 s4, s11;
	[dreg:$0xc] =	wrdreg s22;
	s19 =	sadd.s32 s4, s12  }
0x1b: {  	s22 =	smax.u32 s0, $0x1;
	[dreg:$0xb] =	wrdreg s11;
	s11 =	sadd.s32 s4, s24  }
0x1c: {  	s24 =	sadd.s32 $0x28, s23;
	s4 =	simm.s32 $0x0;
	s21 =	sadd.s32 $0x27000, s11  }
.LBB2_1:
0x1d: {  	s0 =	rddreg [dreg:$0x5]  }
0x1e: {  	[tilespmem:s25], [sflag:$0x3] =	stream.linear.gather [hbm4b:s0+s3], $0x4000, $0x38;
	[tilespmem:$0x1E800] =	vst v63  }
0x1f: {  	_ =	swait.ge [sflag:s26], $0x4000  }
0x20: {  	[sflag:s26] =	ssyncset.done $0x0  }
0x21: {  	[sflag:s26] =	ssyncadd.s32 $0xFFFFC000  }
0x22: {  	[spmem:s6] =	stream.linear.scatter [tilespmem:s25], [sflag:$0x3], $0x4000, $0x38;
	[tilespmem:$0x1E800] =	vst v63  }
0x23: {  	_ =	swait.ge [sflag:s26], $0x4000  }
0x24: {  	[sflag:s26] =	ssyncset.done $0x0  }
0x25: {  	[sflag:s26] =	ssyncadd.s32 $0xFFFFC000  }
0x26: {  	[spmem:s7] =	stream.linear.scatter [tilespmem:s25], [sflag:$0x3], $0x4000, $0x38;
	[tilespmem:$0x1E800] =	vst v63  }
0x27: {  	_ =	swait.ge [sflag:s26], $0x4000  }
0x28: {  	[sflag:s26] =	ssyncset.done $0x0  }
0x29: {  	[sflag:s26] =	ssyncadd.s32 $0xFFFFC000  }
0x2a: {  	[spmem:s8] =	stream.linear.scatter [tilespmem:s25], [sflag:$0x3], $0x4000, $0x38;
	[tilespmem:$0x1E800] =	vst v63  }
0x2b: {  	_ =	swait.ge [sflag:s26], $0x4000  }
0x2c: {  	[sflag:s26] =	ssyncset.done $0x0  }
0x2d: {  	[sflag:s26] =	ssyncadd.s32 $0xFFFFC000  }
0x2e: {  	[spmem:s9] =	stream.linear.scatter [tilespmem:s25], [sflag:$0x3], $0x4000, $0x38;
	[tilespmem:$0x1E800] =	vst v63  }
0x2f: {  	_ =	swait.ge [sflag:s26], $0x4000  }
0x30: {  	[sflag:s26] =	ssyncset.done $0x0  }
0x31: {  	[sflag:s26] =	ssyncadd.s32 $0xFFFFC000  }
0x32: {  	[spmem:s10] =	stream.linear.scatter [tilespmem:s25], [sflag:$0x3], $0x4000, $0x38;
	[tilespmem:$0x1E800] =	vst v63  }
0x33: {  	_ =	swait.ge [sflag:s26], $0x4000  }
0x34: {  	[sflag:s26] =	ssyncset.done $0x0  }
0x35: {  	[sflag:s26] =	ssyncadd.s32 $0xFFFFC000  }
0x36: {  	[bflag:$0x0] =	sbarrier.arrive $0xFFFF  }
0x37: {  	s15 =	rddreg [dreg:$0x6]  }
0x38: {  	[tilespmem:s28], [sflag:$0x3] =	stream.linear.gather [hbm4b:s15+s3], $0x1400, $0x38;
	[tilespmem:$0x1E800] =	vst v63  }
0x39: {  	_ =	swait.ge [sflag:s26], $0x1400  }
0x3a: {  	[sflag:s26] =	ssyncset.done $0x0  }
0x3b: {  	s16 =	rddreg [dreg:$0x7];
	[sflag:s26] =	ssyncadd.s32 $0xFFFFEC00  }
0x3c: {  	[tilespmem:s29], [sflag:$0x3] =	stream.linear.gather [hbm4b:s16+s3], $0x1400, $0x38;
	[tilespmem:$0x1E800] =	vst v63  }
0x3d: {  	_ =	swait.ge [sflag:s26], $0x1400  }
0x3e: {  	[sflag:s26] =	ssyncset.done $0x0  }
0x3f: {  	p3 =	sgt.u32 s23, $0x9C3;
	[sflag:s26] =	ssyncadd.s32 $0xFFFFEC00  }
0x40: {  	[tilespmem:s25], [sflag:$0x1] =	stream.indirect.gather [hbm4b:s1+s30], $0x80, s28, s30, $0xb8;
	[tilespmem:$0x1E800] =	vst v63  }
0x41: {  	s17 =	simm.s32 $0x14080;
	s5 =	simm.s32 $0x1A800;
	s0 =	simm.s32 @!p3 $0x1  }
0x42: {  	[tilespmem:s5], [sflag:$0x2] =	stream.indirect.gather [hbm4b:s1+s30], $0x80, s17, s30, $0xb8;
	[tilespmem:$0x1E800] =	vst v63  }
0x43: {  	s31 =	sadd.s32 $0x2, s23;
	_ =	swait.ge @!p3 [sflag:s0], $0x4000  }
0x44: {  	s11 =	simm.s32 @!p3 $0x3;
	s12 =	simm.s32 @!p3 $0x16800;
	[sflag:s0] =	ssyncset.done @!p3 $0x0  }
0x45: {  	s5 =	simm.s32 @!p3 $0x15400;
	[sflag:s0] =	ssyncadd.s32 @!p3 $0xFFFFC000;
	s0 =	simm.s32 @!p3 $0x80  }
0x46: {  	[spmem:s2] =	stream.indirect.scatter.add.f32 @!p3 [tilespmem:s12], [sflag:$0x3], $0x80, s5, s0, $0xb8;
	[tilespmem:$0x1E800] =	vst v63  }
0x47: {  	p4 =	sgt.u32 s31, $0x9C3;
	_ =	swait.ge @!p3 [sflag:s11], $0x4000  }
0x48: {  	s13 =	simm.s32 @!p4 $0x80;
	[sflag:s11] =	ssyncset.done @!p3 $0x0  }
0x49: {  	s5 =	simm.s32 @!p4 $0x16800;
	s12 =	simm.s32 @!p4 $0x14100;
	[sflag:s11] =	ssyncadd.s32 @!p3 $0xFFFFC000  }
0x4a: {  	[tilespmem:s5], [sflag:$0x1] =	stream.indirect.gather @!p4 [hbm4b:s1+s13], $0x80, s12, s13, $0xb8;
	[tilespmem:$0x1E800] =	vst v63  }
0x4b: {  	s5 =	simm.s32 @!p3 $0x2  }
0x4c: {  	_ =	swait.ge @!p3 [sflag:s5], $0x4000  }
0x4d: {  	s18 =	sadd.s32 $0x3, s23;
	[sflag:s5] =	ssyncset.done @!p3 $0x0  }
0x4e: {  	s12 =	simm.s32 @!p3 $0x15480;
	[sflag:s5] =	ssyncadd.s32 @!p3 $0xFFFFC000;
	s5 =	simm.s32 @!p3 $0x1A800  }
0x4f: {  	[spmem:s2] =	stream.indirect.scatter.add.f32 @!p3 [tilespmem:s5], [sflag:$0x3], $0x80, s12, s0, $0xb8;
	[tilespmem:$0x1E800] =	vst v63  }
0x50: {  	p5 =	sgt.u32 s18, $0x9C3;
	_ =	swait.ge @!p3 [sflag:s11], $0x4000  }
0x51: {  	s0 =	simm.s32 $0x400;
	s5 =	simm.s32 @!p5 $0x1A800;
	[sflag:s11] =	ssyncset.done @!p3 $0x0  }
0x52: {  	s12 =	simm.s32 @!p5 $0x80;
	[sflag:s11] =	ssyncadd.s32 @!p3 $0xFFFFC000;
	s11 =	simm.s32 @!p5 $0x14180  }
.LBB2_2:
0x53: {  	[tilespmem:s5], [sflag:$0x2] =	stream.indirect.gather @!p5 [hbm4b:s1+s12], $0x80, s11, s12, $0xb8;
	[tilespmem:$0x1E800] =	vst v63  }
0x54: {  	s5 =	smov.u32 s0;
	s11 =	smov.u32 s31  }
0x55: {  	p3 =	sgt.u32 s31, $0x9C3;
	s0 =	sadd.s32 $0x400, s0  }
0x56: {  	s12 =	simm.s32 @!p3 $0x1;
	s13 =	sshra.s32 @!p3 s5, $0x2;
	p4 =	sne.s32 s0, $0x4C00  }
0x57: {  	s14 =	sadd.s32 @!p3 $0x15400, s13;
	s13 =	sadd.s32 @!p3 $0x15480, s13;
	_ =	swait.ge @!p3 [sflag:s12], $0x4000  }
0x58: {  	s31 =	sadd.s32 $0x2, s31;
	s15 =	simm.s32 @!p3 $0x3;
	[sflag:s12] =	ssyncset.done @!p3 $0x0  }
0x59: {  	s16 =	simm.s32 @!p3 $0x16800;
	[sflag:s12] =	ssyncadd.s32 @!p3 $0xFFFFC000;
	s12 =	simm.s32 @!p3 $0x80  }
0x5a: {  	[spmem:s2] =	stream.indirect.scatter.add.f32 @!p3 [tilespmem:s16], [sflag:$0x3], $0x80, s14, s12, $0xb8;
	[tilespmem:$0x1E800] =	vst v63  }
0x5b: {  	p5 =	sgt.u32 s31, $0x9C3;
	s14 =	simm.s32 @!p3 $0x2;
	_ =	swait.ge @!p3 [sflag:s15], $0x4000  }
0x5c: {  	s17 =	simm.s32 @!p5 $0x16800;
	s16 =	sshra.s32 @!p5 s5, $0x2;
	[sflag:s15] =	ssyncset.done @!p3 $0x0  }
0x5d: {  	s18 =	simm.s32 @!p5 $0x80;
	s16 =	sadd.s32 @!p5 $0x14100, s16;
	[sflag:s15] =	ssyncadd.s32 @!p3 $0xFFFFC000  }
0x5e: {  	[tilespmem:s17], [sflag:$0x1] =	stream.indirect.gather @!p5 [hbm4b:s1+s18], $0x80, s16, s18, $0xb8;
	[tilespmem:$0x1E800] =	vst v63  }
0x5f: {  	_ =	swait.ge @!p3 [sflag:s14], $0x4000  }
0x60: {  	s11 =	sadd.s32 $0x3, s11;
	[sflag:s14] =	ssyncset.done @!p3 $0x0  }
.Ltmp0:
0x61: {  	[sflag:s14] =	ssyncadd.s32 @!p3 $0xFFFFC000;
	s14 =	simm.s32 @!p3 $0x1A800;
	(pc) =	sbr.rel @p4 .LBB2_2-.Ltmp0, $4  }
0x62: {  	[spmem:s2] =	stream.indirect.scatter.add.f32 @!p3 [tilespmem:s14], [sflag:$0x3], $0x80, s13, s12, $0xb8;
	[tilespmem:$0x1E800] =	vst v63  }
0x63: {  	p5 =	sgt.u32 s11, $0x9C3;
	_ =	swait.ge @!p3 [sflag:s15], $0x4000  }
0x64: {  	s11 =	sshra.s32 @!p5 s5, $0x2;
	s5 =	simm.s32 @!p5 $0x1A800;
	[sflag:s15] =	ssyncset.done @!p3 $0x0  }
0x65: {  	s11 =	sadd.s32 @!p5 $0x14180, s11;
	s12 =	simm.s32 @!p5 $0x80;
	[sflag:s15] =	ssyncadd.s32 @!p3 $0xFFFFC000  }
0x66: {  	[tilespmem:s5], [sflag:$0x2] =	stream.indirect.gather @!p5 [hbm4b:s1+s12], $0x80, s11, s12, $0xb8;
	[tilespmem:$0x1E800] =	vst v63  }
0x67: {  	s0 =	simm.s32 @!p1 $0x1  }
0x68: {  	_ =	swait.ge @!p1 [sflag:s0], $0x4000  }
0x69: {  	s5 =	simm.s32 @!p1 $0x16700;
	[sflag:s0] =	ssyncset.done @!p1 $0x0  }
0x6a: {  	s11 =	simm.s32 @!p1 $0x16800;
	[sflag:s0] =	ssyncadd.s32 @!p1 $0xFFFFC000;
	s0 =	simm.s32 @!p1 $0x80  }
0x6b: {  	[spmem:s2] =	stream.indirect.scatter.add.f32 @!p1 [tilespmem:s11], [sflag:$0x3], $0x80, s5, s0, $0xb8;
	[tilespmem:$0x1E800] =	vst v63  }
0x6c: {  	s5 =	simm.s32 @!p1 $0x3  }
0x6d: {  	_ =	swait.ge @!p1 [sflag:s5], $0x4000  }
0x6e: {  	[sflag:s5] =	ssyncset.done @!p1 $0x0  }
0x6f: {  	s12 =	simm.s32 @!p1 $0x2;
	[sflag:s5] =	ssyncadd.s32 @!p1 $0xFFFFC000  }
0x70: {  	_ =	swait.ge @!p1 [sflag:s12], $0x4000  }
0x71: {  	[sflag:s12] =	ssyncset.done @!p1 $0x0  }
0x72: {  	s13 =	simm.s32 @!p1 $0x1A800;
	[sflag:s12] =	ssyncadd.s32 @!p1 $0xFFFFC000;
	s12 =	simm.s32 @!p1 $0x16780  }
0x73: {  	[spmem:s2] =	stream.indirect.scatter.add.f32 @!p1 [tilespmem:s13], [sflag:$0x3], $0x80, s12, s0, $0xb8;
	[tilespmem:$0x1E800] =	vst v63  }
0x74: {  	_ =	swait.ge @!p1 [sflag:s5], $0x4000  }
0x75: {  	[sflag:s5] =	ssyncset.done @!p1 $0x0  }
0x76: {  	s16 =	rddreg [dreg:$0x8];
	[sflag:s5] =	ssyncadd.s32 @!p1 $0xFFFFC000  }
0x77: {  	[tilespmem:s28], [sflag:$0x3] =	stream.linear.gather [hbm4b:s16+s3], $0x1400, $0x38;
	[tilespmem:$0x1E800] =	vst v63  }
0x78: {  	_ =	swait.ge [sflag:s26], $0x1400  }
0x79: {  	[sflag:s26] =	ssyncset.done $0x0  }
0x7a: {  	s17 =	rddreg [dreg:$0x9];
	[sflag:s26] =	ssyncadd.s32 $0xFFFFEC00  }
0x7b: {  	[tilespmem:s29], [sflag:$0x3] =	stream.linear.gather [hbm4b:s17+s3], $0x1400, $0x38;
	[tilespmem:$0x1E800] =	vst v63  }
0x7c: {  	_ =	swait.ge [sflag:s26], $0x1400  }
0x7d: {  	[sflag:s26] =	ssyncset.done $0x0  }
0x7e: {  	s5 =	simm.s32 @!p1 $0x14000;
	[sflag:s26] =	ssyncadd.s32 $0xFFFFEC00  }
0x7f: {  	[tilespmem:s11], [sflag:$0x1] =	stream.indirect.gather @!p1 [hbm4b:s1+s0], $0x80, s5, s0, $0xb8;
	[tilespmem:$0x1E800] =	vst v63  }
0x80: {  	p3 =	sgt.u32 s24, $0x9C3;
	s5 =	simm.s32 @!p1 $0x14080  }
0x81: {  	[tilespmem:s13], [sflag:$0x2] =	stream.indirect.gather @!p1 [hbm4b:s1+s0], $0x80, s5, s0, $0xb8;
	[tilespmem:$0x1E800] =	vst v63  }
0x82: {  	s0 =	simm.s32 @!p3 $0x1  }
0x83: {  	s31 =	sadd.s32 $0x2, s24;
	_ =	swait.ge @!p3 [sflag:s0], $0x4000  }
0x84: {  	s12 =	simm.s32 @!p3 $0x16800;
	s11 =	simm.s32 @!p3 $0x3;
	[sflag:s0] =	ssyncset.done @!p3 $0x0  }
0x85: {  	s5 =	simm.s32 @!p3 $0x15400;
	[sflag:s0] =	ssyncadd.s32 @!p3 $0xFFFFC000;
	s0 =	simm.s32 @!p3 $0x80  }
0x86: {  	[spmem:s2] =	stream.indirect.scatter.add.f32 @!p3 [tilespmem:s12], [sflag:$0x3], $0x80, s5, s0, $0xb8;
	[tilespmem:$0x1E800] =	vst v63  }
0x87: {  	p4 =	sgt.u32 s31, $0x9C3;
	_ =	swait.ge @!p3 [sflag:s11], $0x4000  }
0x88: {  	s14 =	simm.s32 @!p4 $0x80;
	s13 =	simm.s32 @!p4 $0x14100;
	[sflag:s11] =	ssyncset.done @!p3 $0x0  }
0x89: {  	s5 =	simm.s32 @!p3 $0x2;
	s12 =	simm.s32 @!p4 $0x16800;
	[sflag:s11] =	ssyncadd.s32 @!p3 $0xFFFFC000  }
0x8a: {  	[tilespmem:s12], [sflag:$0x1] =	stream.indirect.gather @!p4 [hbm4b:s1+s14], $0x80, s13, s14, $0xb8;
	[tilespmem:$0x1E800] =	vst v63  }
0x8b: {  	_ =	swait.ge @!p3 [sflag:s5], $0x4000  }
0x8c: {  	s18 =	sadd.s32 $0x3, s24;
	[sflag:s5] =	ssyncset.done @!p3 $0x0  }
0x8d: {  	s12 =	simm.s32 @!p3 $0x15480;
	[sflag:s5] =	ssyncadd.s32 @!p3 $0xFFFFC000;
	s5 =	simm.s32 @!p3 $0x1A800  }
0x8e: {  	[spmem:s2] =	stream.indirect.scatter.add.f32 @!p3 [tilespmem:s5], [sflag:$0x3], $0x80, s12, s0, $0xb8;
	[tilespmem:$0x1E800] =	vst v63  }
0x8f: {  	p5 =	sgt.u32 s18, $0x9C3;
	_ =	swait.ge @!p3 [sflag:s11], $0x4000  }
0x90: {  	s0 =	simm.s32 $0x400;
	s5 =	simm.s32 @!p5 $0x1A800;
	[sflag:s11] =	ssyncset.done @!p3 $0x0  }
0x91: {  	s12 =	simm.s32 @!p5 $0x80;
	[sflag:s11] =	ssyncadd.s32 @!p3 $0xFFFFC000;
	s11 =	simm.s32 @!p5 $0x14180  }
.LBB2_4:
0x92: {  	[tilespmem:s5], [sflag:$0x2] =	stream.indirect.gather @!p5 [hbm4b:s1+s12], $0x80, s11, s12, $0xb8;
	[tilespmem:$0x1E800] =	vst v63  }
0x93: {  	s5 =	smov.u32 s0;
	s11 =	smov.u32 s31  }
0x94: {  	p3 =	sgt.u32 s31, $0x9C3;
	s0 =	sadd.s32 $0x400, s0  }
0x95: {  	s12 =	simm.s32 @!p3 $0x1;
	s13 =	sshra.s32 @!p3 s5, $0x2;
	p4 =	sne.s32 s0, $0x4C00  }
0x96: {  	s14 =	sadd.s32 @!p3 $0x15400, s13;
	s13 =	sadd.s32 @!p3 $0x15480, s13;
	_ =	swait.ge @!p3 [sflag:s12], $0x4000  }
0x97: {  	s31 =	sadd.s32 $0x2, s31;
	s15 =	simm.s32 @!p3 $0x3;
	[sflag:s12] =	ssyncset.done @!p3 $0x0  }
0x98: {  	s16 =	simm.s32 @!p3 $0x16800;
	[sflag:s12] =	ssyncadd.s32 @!p3 $0xFFFFC000;
	s12 =	simm.s32 @!p3 $0x80  }
0x99: {  	[spmem:s2] =	stream.indirect.scatter.add.f32 @!p3 [tilespmem:s16], [sflag:$0x3], $0x80, s14, s12, $0xb8;
	[tilespmem:$0x1E800] =	vst v63  }
0x9a: {  	p5 =	sgt.u32 s31, $0x9C3;
	s14 =	simm.s32 @!p3 $0x2;
	_ =	swait.ge @!p3 [sflag:s15], $0x4000  }
0x9b: {  	s17 =	simm.s32 @!p5 $0x16800;
	s16 =	sshra.s32 @!p5 s5, $0x2;
	[sflag:s15] =	ssyncset.done @!p3 $0x0  }
0x9c: {  	s18 =	simm.s32 @!p5 $0x80;
	s16 =	sadd.s32 @!p5 $0x14100, s16;
	[sflag:s15] =	ssyncadd.s32 @!p3 $0xFFFFC000  }
0x9d: {  	[tilespmem:s17], [sflag:$0x1] =	stream.indirect.gather @!p5 [hbm4b:s1+s18], $0x80, s16, s18, $0xb8;
	[tilespmem:$0x1E800] =	vst v63  }
0x9e: {  	_ =	swait.ge @!p3 [sflag:s14], $0x4000  }
0x9f: {  	s11 =	sadd.s32 $0x3, s11;
	[sflag:s14] =	ssyncset.done @!p3 $0x0  }
.Ltmp1:
0xa0: {  	[sflag:s14] =	ssyncadd.s32 @!p3 $0xFFFFC000;
	s14 =	simm.s32 @!p3 $0x1A800;
	(pc) =	sbr.rel @p4 .LBB2_4-.Ltmp1, $4  }
0xa1: {  	[spmem:s2] =	stream.indirect.scatter.add.f32 @!p3 [tilespmem:s14], [sflag:$0x3], $0x80, s13, s12, $0xb8;
	[tilespmem:$0x1E800] =	vst v63  }
0xa2: {  	p5 =	sgt.u32 s11, $0x9C3;
	_ =	swait.ge @!p3 [sflag:s15], $0x4000  }
0xa3: {  	s11 =	sshra.s32 @!p5 s5, $0x2;
	s5 =	simm.s32 @!p5 $0x1A800;
	[sflag:s15] =	ssyncset.done @!p3 $0x0  }
0xa4: {  	s11 =	sadd.s32 @!p5 $0x14180, s11;
	s12 =	simm.s32 @!p5 $0x80;
	[sflag:s15] =	ssyncadd.s32 @!p3 $0xFFFFC000  }
0xa5: {  	[tilespmem:s5], [sflag:$0x2] =	stream.indirect.gather @!p5 [hbm4b:s1+s12], $0x80, s11, s12, $0xb8;
	[tilespmem:$0x1E800] =	vst v63  }
0xa6: {  	s0 =	simm.s32 @!p1 $0x1  }
0xa7: {  	_ =	swait.ge @!p1 [sflag:s0], $0x4000  }
0xa8: {  	s5 =	simm.s32 @!p1 $0x16700;
	[sflag:s0] =	ssyncset.done @!p1 $0x0  }
0xa9: {  	s11 =	simm.s32 @!p1 $0x16800;
	[sflag:s0] =	ssyncadd.s32 @!p1 $0xFFFFC000;
	s0 =	simm.s32 @!p1 $0x80  }
0xaa: {  	[spmem:s2] =	stream.indirect.scatter.add.f32 @!p1 [tilespmem:s11], [sflag:$0x3], $0x80, s5, s0, $0xb8;
	[tilespmem:$0x1E800] =	vst v63  }
0xab: {  	s5 =	simm.s32 @!p1 $0x3  }
0xac: {  	_ =	swait.ge @!p1 [sflag:s5], $0x4000  }
0xad: {  	[sflag:s5] =	ssyncset.done @!p1 $0x0  }
0xae: {  	s11 =	simm.s32 @!p1 $0x2;
	[sflag:s5] =	ssyncadd.s32 @!p1 $0xFFFFC000  }
0xaf: {  	_ =	swait.ge @!p1 [sflag:s11], $0x4000  }
0xb0: {  	[sflag:s11] =	ssyncset.done @!p1 $0x0  }
0xb1: {  	s12 =	simm.s32 @!p1 $0x1A800;
	[sflag:s11] =	ssyncadd.s32 @!p1 $0xFFFFC000;
	s11 =	simm.s32 @!p1 $0x16780  }
0xb2: {  	[spmem:s2] =	stream.indirect.scatter.add.f32 @!p1 [tilespmem:s12], [sflag:$0x3], $0x80, s11, s0, $0xb8;
	[tilespmem:$0x1E800] =	vst v63  }
0xb3: {  	_ =	swait.ge @!p1 [sflag:s5], $0x4000  }
0xb4: {  	[sflag:s5] =	ssyncset.done @!p1 $0x0  }
0xb5: {  	[sflag:s5] =	ssyncadd.s32 @!p1 $0xFFFFC000  }
0xb6: {  	[bflag:$0x0] =	sbarrier.arrive $0xFFFF  }
0xb7: {  	[tilespmem:s25], [sflag:$0x3] =	stream.linear.gather [spmem:s6], $0x4000, $0x38;
	[tilespmem:$0x1E800] =	vst v63  }
0xb8: {  	_ =	swait.ge [sflag:s26], $0x4000  }
0xb9: {  	[sflag:s26] =	ssyncset.done $0x0  }
0xba: {  	s16 =	rddreg [dreg:$0xa];
	[sflag:s26] =	ssyncadd.s32 $0xFFFFC000  }
0xbb: {  	[hbm4b:s16+s3] =	stream.linear.scatter [tilespmem:s25], [sflag:$0x3], $0x4000, $0x38;
	[tilespmem:$0x1E800] =	vst v63  }
0xbc: {  	_ =	swait.ge [sflag:s26], $0x4000  }
0xbd: {  	[sflag:s26] =	ssyncset.done $0x0  }
0xbe: {  	[sflag:s26] =	ssyncadd.s32 $0xFFFFC000  }
0xbf: {  	[tilespmem:s25], [sflag:$0x3] =	stream.linear.gather [spmem:s7], $0x4000, $0x38;
	[tilespmem:$0x1E800] =	vst v63  }
0xc0: {  	_ =	swait.ge [sflag:s26], $0x4000  }
0xc1: {  	[sflag:s26] =	ssyncset.done $0x0  }
0xc2: {  	s17 =	rddreg [dreg:$0xb];
	[sflag:s26] =	ssyncadd.s32 $0xFFFFC000  }
0xc3: {  	[hbm4b:s17+s3] =	stream.linear.scatter [tilespmem:s25], [sflag:$0x3], $0x4000, $0x38;
	[tilespmem:$0x1E800] =	vst v63  }
0xc4: {  	_ =	swait.ge [sflag:s26], $0x4000  }
0xc5: {  	[sflag:s26] =	ssyncset.done $0x0  }
0xc6: {  	[sflag:s26] =	ssyncadd.s32 $0xFFFFC000  }
0xc7: {  	[tilespmem:s25], [sflag:$0x3] =	stream.linear.gather [spmem:s8], $0x4000, $0x38;
	[tilespmem:$0x1E800] =	vst v63  }
0xc8: {  	_ =	swait.ge [sflag:s26], $0x4000  }
0xc9: {  	[sflag:s26] =	ssyncset.done $0x0  }
0xca: {  	s18 =	rddreg [dreg:$0xc];
	[sflag:s26] =	ssyncadd.s32 $0xFFFFC000  }
0xcb: {  	[hbm4b:s18+s3] =	stream.linear.scatter [tilespmem:s25], [sflag:$0x3], $0x4000, $0x38;
	[tilespmem:$0x1E800] =	vst v63  }
0xcc: {  	_ =	swait.ge [sflag:s26], $0x4000  }
0xcd: {  	[sflag:s26] =	ssyncset.done $0x0  }
0xce: {  	[sflag:s26] =	ssyncadd.s32 $0xFFFFC000  }
0xcf: {  	[tilespmem:s25], [sflag:$0x3] =	stream.linear.gather [spmem:s9], $0x4000, $0x38;
	[tilespmem:$0x1E800] =	vst v63  }
0xd0: {  	_ =	swait.ge [sflag:s26], $0x4000  }
0xd1: {  	[sflag:s26] =	ssyncset.done $0x0  }
0xd2: {  	s31 =	rddreg [dreg:$0xd];
	[sflag:s26] =	ssyncadd.s32 $0xFFFFC000  }
0xd3: {  	[hbm4b:s31+s3] =	stream.linear.scatter [tilespmem:s25], [sflag:$0x3], $0x4000, $0x38;
	[tilespmem:$0x1E800] =	vst v63  }
0xd4: {  	_ =	swait.ge [sflag:s26], $0x4000  }
0xd5: {  	[sflag:s26] =	ssyncset.done $0x0  }
0xd6: {  	s0 =	simm.s32 @!p2 $0x16800;
	s5 =	simm.s32 @!p2 $0x3;
	[sflag:s26] =	ssyncadd.s32 $0xFFFFC000  }
0xd7: {  	[tilespmem:s0], [sflag:$0x3] =	stream.linear.gather @!p2 [spmem:s20], $0x800, $0x38;
	[tilespmem:$0x1E800] =	vst v63  }
0xd8: {  	_ =	swait.ge @!p2 [sflag:s5], $0x800  }
0xd9: {  	[sflag:s5] =	ssyncset.done @!p2 $0x0  }
0xda: {  	s11 =	simm.s32 @!p2 $0x0;
	[sflag:s5] =	ssyncadd.s32 @!p2 $0xFFFFF800  }
0xdb: {  	[hbm4b:s21+s11] =	stream.linear.scatter @!p2 [tilespmem:s0], [sflag:$0x3], $0x800, $0x38;
	[tilespmem:$0x1E800] =	vst v63  }
0xdc: {  	_ =	swait.ge @!p2 [sflag:s5], $0x800  }
0xdd: {  	[sflag:s5] =	ssyncset.done @!p2 $0x0  }
0xde: {  	s0 =	simm.s32 @!p0 $0x16800;
	[sflag:s5] =	ssyncadd.s32 @!p2 $0xFFFFF800;
	s5 =	simm.s32 @!p0 $0x3  }
0xdf: {  	[tilespmem:s0], [sflag:$0x3] =	stream.linear.gather @!p0 [spmem:s10], $0x4000, $0x38;
	[tilespmem:$0x1E800] =	vst v63  }
0xe0: {  	s4 =	sadd.s32 $0x1, s4;
	_ =	swait.ge @!p0 [sflag:s5], $0x4000  }
0xe1: {  	p3 =	sne.s32 s4, s22;
	[sflag:s5] =	ssyncset.done @!p0 $0x0  }
.Ltmp2:
0xe2: {  	s11 =	simm.s32 @!p0 $0x0;
	[sflag:s5] =	ssyncadd.s32 @!p0 $0xFFFFC000;
	(pc) =	sbr.rel @p3 .LBB2_1-.Ltmp2, $4  }
0xe3: {  	[hbm4b:s19+s11] =	stream.linear.scatter @!p0 [tilespmem:s0], [sflag:$0x3], $0x4000, $0x38;
	[tilespmem:$0x1E800] =	vst v63  }
0xe4: {  	_ =	swait.ge @!p0 [sflag:s5], $0x4000  }
0xe5: {  	[sflag:s5] =	ssyncset.done @!p0 $0x0  }
0xe6: {  	[sflag:s5] =	ssyncadd.s32 @!p0 $0xFFFFC000  }
0xe7: {  	_ =	sfence.sel $0x180000  }
0xe8: {  	[bflag:$0x0] =	sbarrier.arrive $0xFFFF  }
0xe9: {  	_ =	strace $0x9000004A  }
0xea: {  	s0 =	stileid.u32;
	[bflag:$0x2] =	sbarrier.arrive $0xFFFF  }
0xeb: {  	p0 =	sne.s32 s0, $0x0;
	s0 =	rddreg [dreg:$0x4]  }
0xec: {  	s0 =	sadd.s32 @!p0 $0x100000, s0  }
0xed: {  	[sflag:s0] =	ssyncadd.tile.s32 @!p0 $0x1;
	_ =	shalt  }
.Lfunc_end2:
_tile_overlayer_lowered:
.L_overlay_start_2:
0xee: {  	(tag) =	ssettag $0x2  }
0xef: {  	s0 =	rddreg [dreg:$0x0];
	s2 =	stileid.u32  }
0xf0: {  	s1 =	rddreg [dreg:$0x1];
	p0 =	sne.s32 s2, $0x0  }
0xf1: {  	s3 =	rddreg [dreg:$0x2];
	[bflag:$0x3] =	sbarrier.arrive $0xFFFF;
	s2 =	simm.s32 @!p0 $0x1C03  }
0xf2: {  	[timem:s3], [sflag:s2] =	dma.local @!p0 [hbm:s0], s1  }
0xf3: {  	s0 =	simm.s32 @!p0 $0x3  }
0xf4: {  	_ =	swait.ge @!p0 [sflag:s0], s1  }
0xf5: {  	s1 =	ssub.s32 @!p0 $0x0, s1;
	[sflag:s0] =	ssyncset.done @!p0 $0x0  }
0xf6: {  	[sflag:s0] =	ssyncadd.s32 @!p0 s1  }
0xf7: {  	[bflag:$0x3] =	sbarrier.arrive $0xFFFF  }
0xf8: {  	_ =	shalt  }

// kernel: kernel.14.cloned.1.call-start
scs
__scs_entry_jumppad:
0x0: {  	(pc) =	sbr.rel $0x88, $3  }
0x1: {  	(tag) =	ssettag $0x0;
	lr =	simm.s32 $0x1  }
0x2: {  	[smem:$0x3F9B] =	sst lr;
	_ =	strace $0xD0000000  }
0x3: {  	_ = 	snop  }
0x4: {  	_ = 	snop  }
0x5: {  	_ = 	snop  }
0x6: {  	_ = 	snop  }
0x7: {  	_ = 	snop  }
__scs_overlays_trampoline_lowered:
0x8: {  	[smem:$0x3FAA] =	sst s0  }
0x9: {  	[smem:$0x3FAB] =	sst s1  }
0xa: {  	[smem:$0x3FAC] =	sst s2  }
0xb: {  	[smem:$0x3FAD] =	sst s3  }
0xc: {  	[smem:$0x3FAE] =	sst s4  }
0xd: {  	[smem:$0x3FAF] =	sst s5  }
0xe: {  	[smem:$0x3FB0] =	sst s6  }
0xf: {  	[smem:$0x3FB1] =	sst s7  }
0x10: {  	[smem:$0x3FB2] =	sst s8  }
0x11: {  	[smem:$0x3FB3] =	sst s9;
	s0 =	simm.s32 @!p0 $0x0  }
0x12: {  	s1 =	sld [smem:$0x3F99];
	s0 =	simm.s32 @p0 $0x1  }
0x13: {  	[smem:$0x3FB4] =	sst s0;
	s0 =	simm.s32 @!p1 $0x0  }
0x14: {  	s2 =	sld [smem:$0x3F98];
	s0 =	simm.s32 @p1 $0x1  }
0x15: {  	[smem:$0x3FB5] =	sst s0;
	s0 =	simm.s32 @!p2 $0x0  }
0x16: {  	s3 =	sld [smem:$0x3FDB];
	s0 =	simm.s32 @p2 $0x1  }
0x17: {  	s4 =	simm.s32 $0x1BF5;
	[smem:$0x3FB7] =	sst s0  }
0x18: {  	s0 =	sld [smem:$0x3F9A];
	_ =	swait.ge [sflag:s4], $0x0  }
0x19: {  	s7 =	sld [smem:$0x3F9B]  }
0x1a: {  	s8 =	sadd.s32 $0xFFFFE003, lr  }
0x1b: {  	s9 =	sadd.s32 $0xFFFFFEF7, lr;
	s5 =	simm.s32 $0xFFFFFFFF;
	p2 =	slt.u32 s8, $0xFFFFF086  }
0x1c: {  	p1 =	slt.u32 s9, $0xF7A;
	s5 =	simm.s32 @!p2 $0x0  }
0x1d: {  	s5 =	simm.s32 @p1 $0x1;
	p0 =	seq.s32 s7, s2  }
0x1e: {  	s7 =	smul.u32 @!p0 $0xF7A, s2;
	p2 =	seq.s32 @!p0 s5, $0x0  }
0x1f: {  	s9 =	smul.u32 $0xF7A, s1;
	s8 =	simm.s32 @!p0 $0x1BF5;
	p2 =	por !p2, p0  }
0x20: {  	[sflag:s8] =	ssyncset.s32 @!p0 $0xFFFFF086;
	s6 =	sadd.s32 @!p0 s3, s7;
	s7 =	simm.s32 @!p0 $0x108  }
0x21: {  	s3 =	sadd.s32 s3, s9;
	s6 =	sadd.s32 @!p0 $0x88, s6;
	s7 =	simm.s32 @p2 $0x1082  }
0x22: {  	[simem:s7], [sflag:s8] =	dma.local @!p0 [hbm:s6], $0xF7A  }
0x23: {  	s9 =	sor.u32 $0xD0000000, s2;
	s6 =	simm.s32 $0x108;
	_ =	swait.ge @!p0 [sflag:s8], $0x0  }
0x24: {  	s3 =	sadd.s32 $0x88, s3;
	s6 =	simm.s32 @!p1 $0x1082;
	[sflag:s4] =	ssyncset.s32 $0xFFFFF086  }
0x25: {  	[simem:s6], [sflag:s4] =	dma.local [hbm:s3], $0xF7A  }
0x26: {  	[smem:$0x3F9B] =	sst s1;
	(tag) =	ssettag s2;
	_ =	strace s9  }
0x27: {  	s1 =	sld [smem:$0x3FAB]  }
0x28: {  	s2 =	sld [smem:$0x3FAC]  }
0x29: {  	s4 =	sld [smem:$0x3FAE]  }
0x2a: {  	p0 =	seq.s32 s5, $0x0;
	s5 =	sld [smem:$0x3FAF]  }
0x2b: {  	s6 =	sld [smem:$0x3FB0]  }
0x2c: {  	s7 =	sld [smem:$0x3FB1]  }
0x2d: {  	s3 =	simm.s32 $0x108;
	s8 =	sld [smem:$0x3FB2]  }
0x2e: {  	s3 =	simm.s32 @!p0 $0x1082;
	s9 =	sld [smem:$0x3FB3]  }
0x2f: {  	lr =	sadd.s32 s0, s3;
	s0 =	sld [smem:$0x3FAA]  }
0x30: {  	s3 =	sld [smem:$0x3FAD]  }
0x31: {  	[smem:$0x3FB6] =	sst s10  }
0x32: {  	s10 =	sld [smem:$0x3FB4];
	_ =	sdelay $0x3  }
0x33: {  	p0 =	seq.s32 s10, $0x1;
	s10 =	sld [smem:$0x3FB6];
	_ =	sdelay $0x3  }
0x34: {  	[smem:$0x3FB6] =	sst s10  }
0x35: {  	s10 =	sld [smem:$0x3FB5];
	_ =	sdelay $0x3  }
0x36: {  	p1 =	seq.s32 s10, $0x1;
	s10 =	sld [smem:$0x3FB6];
	_ =	sdelay $0x3  }
0x37: {  	[smem:$0x3FB6] =	sst s10  }
0x38: {  	s10 =	sld [smem:$0x3FB7]  }
0x39: {  	_ = 	snop;
	(pc) =	sbr.ind lr, $3  }
0x3a: {  	_ = 	snop  }
0x3b: {  	_ = 	snop  }
0x3c: {  	p2 =	seq.s32 s10, $0x1;
	s10 =	sld [smem:$0x3FB6]  }
0x3d: {  	_ =	shalt  }
0x3e: {  	_ =	shalt  }
0x3f: {  	_ =	shalt  }
0x40: {  	_ =	shalt  }
0x41: {  	_ =	shalt  }
0x42: {  	_ =	shalt  }
0x43: {  	_ =	shalt  }
0x44: {  	_ =	shalt  }
0x45: {  	_ =	shalt  }
0x46: {  	_ =	shalt  }
0x47: {  	_ =	shalt  }
0x48: {  	_ =	shalt  }
0x49: {  	_ =	shalt  }
0x4a: {  	_ =	shalt  }
0x4b: {  	_ =	shalt  }
0x4c: {  	_ =	shalt  }
0x4d: {  	_ =	shalt  }
0x4e: {  	_ =	shalt  }
0x4f: {  	_ =	shalt  }
0x50: {  	_ =	shalt  }
0x51: {  	_ =	shalt  }
0x52: {  	_ =	shalt  }
0x53: {  	_ =	shalt  }
0x54: {  	_ =	shalt  }
0x55: {  	_ =	shalt  }
0x56: {  	_ =	shalt  }
0x57: {  	_ =	shalt  }
0x58: {  	_ =	shalt  }
0x59: {  	_ =	shalt  }
0x5a: {  	_ =	shalt  }
0x5b: {  	_ =	shalt  }
0x5c: {  	_ =	shalt  }
0x5d: {  	_ =	shalt  }
0x5e: {  	_ =	shalt  }
0x5f: {  	_ =	shalt  }
0x60: {  	_ =	shalt  }
0x61: {  	_ =	shalt  }
0x62: {  	_ =	shalt  }
0x63: {  	_ =	shalt  }
0x64: {  	_ =	shalt  }
0x65: {  	_ =	shalt  }
0x66: {  	_ =	shalt  }
0x67: {  	_ =	shalt  }
0x68: {  	_ =	shalt  }
0x69: {  	_ =	shalt  }
0x6a: {  	_ =	shalt  }
0x6b: {  	_ =	shalt  }
0x6c: {  	_ =	shalt  }
0x6d: {  	_ =	shalt  }
0x6e: {  	_ =	shalt  }
0x6f: {  	_ =	shalt  }
0x70: {  	_ =	shalt  }
0x71: {  	_ =	shalt  }
0x72: {  	_ =	shalt  }
0x73: {  	_ =	shalt  }
0x74: {  	_ =	shalt  }
0x75: {  	_ =	shalt  }
0x76: {  	_ =	shalt  }
0x77: {  	_ =	shalt  }
0x78: {  	_ =	shalt  }
0x79: {  	_ =	shalt  }
0x7a: {  	_ =	shalt  }
0x7b: {  	_ =	shalt  }
0x7c: {  	_ =	shalt  }
0x7d: {  	_ =	shalt  }
0x7e: {  	_ =	shalt  }
0x7f: {  	_ =	shalt  }
0x80: {  	_ =	shalt  }
0x81: {  	_ =	shalt  }
0x82: {  	_ =	shalt  }
0x83: {  	_ =	shalt  }
0x84: {  	_ =	shalt  }
0x85: {  	_ =	shalt  }
0x86: {  	_ =	shalt  }
0x87: {  	_ =	shalt  }
.Lfunc_end0:
.L_simem_size_0:
called_computation.2_lowered:
.L_overlay_start_0:
0x88: {  	s2 =	sld [smem:$0x3FD9]  }
0x89: {  	s3 =	sld [smem:$0x3FFE];
	_ =	sdelay $0x1  }
0x8a: {  	s1 =	srdreg.scid  }
0x8b: {  	s0 =	sand.u32 $0x1, s1  }
0x8c: {  	s14 =	sshll.u32 s0, $0xA;
	s2 =	sadd.s32 s3, s2  }
0x8d: {  	s2 =	sadd.s32 s2, s14  }
0x8e: {  	[smem:$0x3FC2] =	sst s2  }
0x8f: {  	_ = 	snop  }
0x90: {  	s2 =	sld [smem:$0x3FD0];
	_ =	sdelay $0x2  }
0x91: {  	s15 =	simm.s32 $0xA;
	s4 =	simm.s32 $0x10  }
0x92: {  	[smem:s4], [sflag:s15] =	dma.local [hbm:s2], $0x1  }
0x93: {  	_ =	swait.eq [sflag:s15], $0x1  }
0x94: {  	[sflag:s15] =	ssyncset.done $0x0  }
0x95: {  	[sflag:s15] =	ssyncadd.s32 $0xFFFFFFFF  }
0x96: {  	s16 =	sld [smem:$0x11];
	(tm) =	ssettm $0x1  }
0x97: {  	s17 =	sld [smem:$0x3FFB];
	_ =	sdelay $0x3  }
0x98: {  	_ =	strace s17  }
0x99: {  	s3 =	sld [smem:$0x3FFC];
	_ =	sdelay $0x3  }
0x9a: {  	_ =	strace s3  }
0x9b: {  	s3 =	sld [smem:$0x3FFD];
	_ =	sdelay $0x3  }
0x9c: {  	_ =	strace s3  }
0x9d: {  	_ =	strace $0x8FFFFFFF  }
0x9e: {  	s18 =	sld [smem:$0x3FDB];
	_ =	sdelay $0x1  }
0x9f: {  	s19 =	simm.s32 $_scs_section_size  }
0xa0: {  	s5 =	simm.s32 $_size__tile_overlayer_lowered;
	s6 =	simm.s32 $_tile_overlayer_lowered  }
0xa1: {  	s22 =	simm.s32 $0x1BFF;
	s21 =	sshll.u32 s6, $0x1;
	s3 =	sadd.s32 s19, s18  }
0xa2: {  	s7 =	simm.s32 $0x0;
	s20 =	sshll.u32 s5, $0x1;
	s5 =	sadd.s32 s21, s3  }
0xa3: {  	[timem:s7], [sflag:s22] =	dma.local [hbm:s5], s20  }
0xa4: {  	_ =	swait.ge [sflag:s22], s20  }
0xa5: {  	s4 =	ssub.s32 $0x0, s20;
	[sflag:s22] =	ssyncset.done $0x0  }
0xa6: {  	[sflag:s22] =	ssyncadd.s32 s4;
	_ =	sdelay $0x1  }
0xa7: {  	s23 =	simm.s32 $0x1B8B  }
0xa8: {  	_ =	swait.ge [sflag:s23], $0x1  }
0xa9: {  	[sflag:s23] =	ssyncset.done $0x0  }
0xaa: {  	s25 =	simm.s32 $0x1B8E;
	s24 =	sld [smem:$0x3FFE];
	[sflag:s23] =	ssyncadd.s32 $0xFFFFFFFF  }
0xab: {  	s26 =	simm.s32 $execute0_lowered;
	[smem:$0x3FD2] =	sst s25  }
0xac: {  	s5 =	sshll.u32 s26, $0x1;
	_ =	strace $0x8000004C;
	[dreg:$0x1] =	wrdreg $0xFFFFFFFF  }
0xad: {  	s28 =	simm.s32 $_size_execute0_lowered;
	s3 =	sadd.s32 s3, s5;
	[dreg:$0x0] =	wrdreg $0x0  }
0xae: {  	s5 =	sshll.u32 s28, $0x1;
	[dreg:$0x2] =	wrdreg s3  }
0xaf: {  	[dreg:$0x3] =	wrdreg s5  }
0xb0: {  	[dreg:$0x4] =	wrdreg $0xC0  }
0xb1: {  	_ =	task [dreg:s7], $0x5FFFF  }
0xb2: {  	[dreg:$0x1] =	wrdreg $0xFFFFFFFF  }
0xb3: {  	[dreg:$0x0] =	wrdreg $0x60  }
0xb4: {  	[dreg:$0x2] =	wrdreg s16  }
0xb5: {  	[dreg:$0x3] =	wrdreg s24  }
0xb6: {  	[dreg:$0x4] =	wrdreg $0x0  }
0xb7: {  	[dreg:$0x5] =	wrdreg $0x9  }
0xb8: {  	_ =	task.clear_ibuf [dreg:s7], $0x6FFFF;
	_ =	strace $0x9000004C  }
0xb9: {  	s29 =	simm.s32 $0x9;
	_ =	strace $0x8000004E  }
0xba: {  	_ =	swait.ge [sflag:s29], $0x1  }
0xbb: {  	[sflag:s29] =	ssyncadd.s32 $0xFFFFFFFF  }
0xbc: {  	_ =	strace $0x9000004E  }
0xbd: {  	_ =	sfence  }
0xbe: {  	s30 =	sld [smem:$0x0];
	_ =	sdelay $0x2  }
0xbf: {  	s31 =	sshll.u32 s1, $0xD;
	s1 =	sshrl.u32 s1, $0x2  }
0xc0: {  	s3 =	sand.u32 $0x4000, s31;
	s1 =	sadd.s32 s1, s30  }
0xc1: {  	s0 =	sor.u32 s3, s0;
	s1 =	sshll.u32 s1, $0x11  }
0xc2: {  	s0 =	sor.u32 s1, s0  }
0xc3: {  	s0 =	sadd.s32 $0x8F2B, s0  }
0xc4: {  	[sflag:s0] =	ssyncadd.remote.s32 $0x1  }
0xc5: {  	_ =	sfence.sel $0xFFFF  }
0xc6: {  	[dreg:$0x0] =	wrdreg $0xFFFFFFFF;
	(pc) =	sbr.abs _section_cstart, $3  }
0xc7: {  	[dreg:$0x1] =	wrdreg $0xFFFFFFFF  }
0xc8: {  	_ =	task.clear_ibuf [dreg:s7], $0x2FFFF;
	_ =	strace $0x9FFFFFFF  }
0xc9: {  	(tm) =	ssettm $0x7FFFFFFF  }
tec
execute0_lowered:
.L_overlay_start_1:
0x0: {  	(tag) =	ssettag $0x1  }
0x1: {  	s1 =	rddreg [dreg:$0x0]  }
0x2: {  	s0 =	rddreg [dreg:$0x1]  }
0x3: {  	s2 =	rddreg [dreg:$0x2]  }
0x4: {  	s3 =	simm.s32 $0x0;
	s5 =	srdreg.scid;
	s15 =	stileid.u32  }
0x5: {  	s28 =	simm.s32 $0x14000;
	s29 =	simm.s32 $0x15400;
	s30 =	simm.s32 $0x80  }
0x6: {  	[smem:$0x7FF] =	sst s3;
	s4 =	sadd.s32 $0xC400, s0;
	s11 =	sadd.s32 $0x2400, s0  }
0x7: {  	s6 =	sadd.s32 $0x16400, s0;
	s5 =	sand.u32 $0x1, s5;
	s0 =	sadd.s32 $0x16C00, s0  }
0x8: {  	s12 =	sshll.u32 s15, $0xE;
	p0 =	sgt.u32 s15, $0xD;
	_ =	strace $0x8000004D  }
0x9: {  	[dreg:$0x4] =	wrdreg s6;
	s25 =	ssub.s32 $0x2, s5;
	s8 =	sshll.u32 s5, $0x4  }
0xa: {  	s16 =	sor.u32 $0x40000, s12;
	s6 =	sadd.s32 s12, s2;
	s17 =	sor.u32 $0x80000, s12  }
0xb: {  	s18 =	sor.u32 $0xC0000, s12;
	s19 =	smul.u32 $0x138800, s5;
	s20 =	sor.u32 $0x100000, s12  }
0xc: {  	s5 =	smul.u32 $0x500, s5;
	p2 =	sne.s32 @p0 s15, $0xE;
	s7 =	sshrl.u32 s25, $0x1  }
0xd: {  	s9 =	sadd.s32 s18, s2;
	s10 =	sadd.s32 s20, s2;
	p2 =	por p2, !p0  }
0xe: {  	s22 =	ssub.s32 s25, s7;
	s25 =	sor.u32 s15, s8;
	s7 =	sadd.s32 s16, s2  }
0xf: {  	s8 =	sadd.s32 s17, s2;
	s12 =	sadd.s32 s12, s19;
	s16 =	sadd.s32 s19, s16  }
0x10: {  	s17 =	sadd.s32 s19, s17;
	s18 =	sadd.s32 s19, s18;
	s13 =	smul.u32 $0x500, s25  }
0x11: {  	s24 =	sshrl.u32 s19, $0x3;
	s12 =	sshrl.u32 s12, $0x3;
	s22 =	smax.u32 s22, $0x1  }
0x12: {  	p1 =	seq.s32 s25, $0x1F;
	s25 =	simm.s32 $0x16800;
	s14 =	sadd.s32 s4, s13  }
0x13: {  	s26 =	sadd.s32 s11, s13;
	s31 =	sadd.s32 $0x280, s13;
	[dreg:$0x5] =	wrdreg s14  }
0x14: {  	[dreg:$0x6] =	wrdreg s26;
	s4 =	sadd.s32 s4, s31;
	s13 =	sadd.s32 s11, s31  }
0x15: {  	s14 =	sadd.s32 s0, s12;
	s11 =	sshrl.u32 s17, $0x3;
	[dreg:$0x7] =	wrdreg s4  }
0x16: {  	s12 =	sshrl.u32 s18, $0x3;
	s26 =	sadd.s32 s19, s20;
	[dreg:$0x8] =	wrdreg s13  }
0x17: {  	s31 =	smul.u32 $0x50, s15;
	s20 =	sadd.s32 $0x138000, s2;
	[dreg:$0x9] =	wrdreg s14  }
0x18: {  	s4 =	sshrl.u32 s16, $0x3;
	s21 =	sadd.s32 s0, s11;
	s23 =	sadd.s32 s0, s12  }
0x19: {  	s11 =	sshrl.u32 s26, $0x3;
	s26 =	simm.s32 $0x3;
	[dreg:$0xb] =	wrdreg s21  }
0x1a: {  	s4 =	sadd.s32 s0, s4;
	[dreg:$0xc] =	wrdreg s23;
	s19 =	sadd.s32 s0, s11  }
0x1b: {  	s23 =	sadd.s32 s31, s5;
	[dreg:$0xa] =	wrdreg s4;
	s4 =	sadd.s32 s0, s24  }
0x1c: {  	s24 =	sadd.s32 $0x28, s23;
	s21 =	sadd.s32 $0x27000, s4;
	s4 =	simm.s32 $0x0  }
.LBB2_1:
0x1d: {  	s0 =	rddreg [dreg:$0x4]  }
0x1e: {  	[tilespmem:s25], [sflag:$0x3] =	stream.linear.gather [hbm4b:s0+s3], $0x4000, $0x38;
	[tilespmem:$0x1E800] =	vst v63  }
0x1f: {  	_ =	swait.ge [sflag:s26], $0x4000  }
0x20: {  	[sflag:s26] =	ssyncset.done $0x0  }
0x21: {  	[sflag:s26] =	ssyncadd.s32 $0xFFFFC000  }
0x22: {  	[spmem:s6] =	stream.linear.scatter [tilespmem:s25], [sflag:$0x3], $0x4000, $0x38;
	[tilespmem:$0x1E800] =	vst v63  }
0x23: {  	_ =	swait.ge [sflag:s26], $0x4000  }
0x24: {  	[sflag:s26] =	ssyncset.done $0x0  }
0x25: {  	[sflag:s26] =	ssyncadd.s32 $0xFFFFC000  }
0x26: {  	[spmem:s7] =	stream.linear.scatter [tilespmem:s25], [sflag:$0x3], $0x4000, $0x38;
	[tilespmem:$0x1E800] =	vst v63  }
0x27: {  	_ =	swait.ge [sflag:s26], $0x4000  }
0x28: {  	[sflag:s26] =	ssyncset.done $0x0  }
0x29: {  	[sflag:s26] =	ssyncadd.s32 $0xFFFFC000  }
0x2a: {  	[spmem:s8] =	stream.linear.scatter [tilespmem:s25], [sflag:$0x3], $0x4000, $0x38;
	[tilespmem:$0x1E800] =	vst v63  }
0x2b: {  	_ =	swait.ge [sflag:s26], $0x4000  }
0x2c: {  	[sflag:s26] =	ssyncset.done $0x0  }
0x2d: {  	[sflag:s26] =	ssyncadd.s32 $0xFFFFC000  }
0x2e: {  	[spmem:s9] =	stream.linear.scatter [tilespmem:s25], [sflag:$0x3], $0x4000, $0x38;
	[tilespmem:$0x1E800] =	vst v63  }
0x2f: {  	_ =	swait.ge [sflag:s26], $0x4000  }
0x30: {  	[sflag:s26] =	ssyncset.done $0x0  }
0x31: {  	[sflag:s26] =	ssyncadd.s32 $0xFFFFC000  }
0x32: {  	[spmem:s10] =	stream.linear.scatter [tilespmem:s25], [sflag:$0x3], $0x4000, $0x38;
	[tilespmem:$0x1E800] =	vst v63  }
0x33: {  	_ =	swait.ge [sflag:s26], $0x4000  }
0x34: {  	[sflag:s26] =	ssyncset.done $0x0  }
0x35: {  	[sflag:s26] =	ssyncadd.s32 $0xFFFFC000  }
0x36: {  	[bflag:$0x0] =	sbarrier.arrive $0xFFFF  }
0x37: {  	s15 =	rddreg [dreg:$0x5]  }
0x38: {  	[tilespmem:s28], [sflag:$0x3] =	stream.linear.gather [hbm4b:s15+s3], $0x1400, $0x38;
	[tilespmem:$0x1E800] =	vst v63  }
0x39: {  	_ =	swait.ge [sflag:s26], $0x1400  }
0x3a: {  	[sflag:s26] =	ssyncset.done $0x0  }
0x3b: {  	s16 =	rddreg [dreg:$0x6];
	[sflag:s26] =	ssyncadd.s32 $0xFFFFEC00  }
0x3c: {  	[tilespmem:s29], [sflag:$0x3] =	stream.linear.gather [hbm4b:s16+s3], $0x1400, $0x38;
	[tilespmem:$0x1E800] =	vst v63  }
0x3d: {  	_ =	swait.ge [sflag:s26], $0x1400  }
0x3e: {  	[sflag:s26] =	ssyncset.done $0x0  }
0x3f: {  	p3 =	sgt.u32 s23, $0x9C3;
	[sflag:s26] =	ssyncadd.s32 $0xFFFFEC00  }
0x40: {  	[tilespmem:s25], [sflag:$0x1] =	stream.indirect.gather [hbm4b:s1+s30], $0x80, s28, s30, $0xb8;
	[tilespmem:$0x1E800] =	vst v63  }
0x41: {  	s17 =	simm.s32 $0x14080;
	s5 =	simm.s32 $0x1A800;
	s0 =	simm.s32 @!p3 $0x1  }
0x42: {  	[tilespmem:s5], [sflag:$0x2] =	stream.indirect.gather [hbm4b:s1+s30], $0x80, s17, s30, $0xb8;
	[tilespmem:$0x1E800] =	vst v63  }
0x43: {  	s31 =	sadd.s32 $0x2, s23;
	_ =	swait.ge @!p3 [sflag:s0], $0x4000  }
0x44: {  	s11 =	simm.s32 @!p3 $0x3;
	s12 =	simm.s32 @!p3 $0x16800;
	[sflag:s0] =	ssyncset.done @!p3 $0x0  }
0x45: {  	s5 =	simm.s32 @!p3 $0x15400;
	[sflag:s0] =	ssyncadd.s32 @!p3 $0xFFFFC000;
	s0 =	simm.s32 @!p3 $0x80  }
0x46: {  	[spmem:s2] =	stream.indirect.scatter.add.f32 @!p3 [tilespmem:s12], [sflag:$0x3], $0x80, s5, s0, $0xb8;
	[tilespmem:$0x1E800] =	vst v63  }
0x47: {  	p4 =	sgt.u32 s31, $0x9C3;
	_ =	swait.ge @!p3 [sflag:s11], $0x4000  }
0x48: {  	s13 =	simm.s32 @!p4 $0x80;
	[sflag:s11] =	ssyncset.done @!p3 $0x0  }
0x49: {  	s5 =	simm.s32 @!p4 $0x16800;
	s12 =	simm.s32 @!p4 $0x14100;
	[sflag:s11] =	ssyncadd.s32 @!p3 $0xFFFFC000  }
0x4a: {  	[tilespmem:s5], [sflag:$0x1] =	stream.indirect.gather @!p4 [hbm4b:s1+s13], $0x80, s12, s13, $0xb8;
	[tilespmem:$0x1E800] =	vst v63  }
0x4b: {  	s5 =	simm.s32 @!p3 $0x2  }
0x4c: {  	_ =	swait.ge @!p3 [sflag:s5], $0x4000  }
0x4d: {  	s18 =	sadd.s32 $0x3, s23;
	[sflag:s5] =	ssyncset.done @!p3 $0x0  }
0x4e: {  	s12 =	simm.s32 @!p3 $0x15480;
	[sflag:s5] =	ssyncadd.s32 @!p3 $0xFFFFC000;
	s5 =	simm.s32 @!p3 $0x1A800  }
0x4f: {  	[spmem:s2] =	stream.indirect.scatter.add.f32 @!p3 [tilespmem:s5], [sflag:$0x3], $0x80, s12, s0, $0xb8;
	[tilespmem:$0x1E800] =	vst v63  }
0x50: {  	p5 =	sgt.u32 s18, $0x9C3;
	_ =	swait.ge @!p3 [sflag:s11], $0x4000  }
0x51: {  	s0 =	simm.s32 $0x400;
	s5 =	simm.s32 @!p5 $0x1A800;
	[sflag:s11] =	ssyncset.done @!p3 $0x0  }
0x52: {  	s12 =	simm.s32 @!p5 $0x80;
	[sflag:s11] =	ssyncadd.s32 @!p3 $0xFFFFC000;
	s11 =	simm.s32 @!p5 $0x14180  }
.LBB2_2:
0x53: {  	[tilespmem:s5], [sflag:$0x2] =	stream.indirect.gather @!p5 [hbm4b:s1+s12], $0x80, s11, s12, $0xb8;
	[tilespmem:$0x1E800] =	vst v63  }
0x54: {  	s5 =	smov.u32 s0;
	s11 =	smov.u32 s31  }
0x55: {  	p3 =	sgt.u32 s31, $0x9C3;
	s0 =	sadd.s32 $0x400, s0  }
0x56: {  	s12 =	simm.s32 @!p3 $0x1;
	s13 =	sshra.s32 @!p3 s5, $0x2;
	p4 =	sne.s32 s0, $0x4C00  }
0x57: {  	s14 =	sadd.s32 @!p3 $0x15400, s13;
	s13 =	sadd.s32 @!p3 $0x15480, s13;
	_ =	swait.ge @!p3 [sflag:s12], $0x4000  }
0x58: {  	s31 =	sadd.s32 $0x2, s31;
	s15 =	simm.s32 @!p3 $0x3;
	[sflag:s12] =	ssyncset.done @!p3 $0x0  }
0x59: {  	s16 =	simm.s32 @!p3 $0x16800;
	[sflag:s12] =	ssyncadd.s32 @!p3 $0xFFFFC000;
	s12 =	simm.s32 @!p3 $0x80  }
0x5a: {  	[spmem:s2] =	stream.indirect.scatter.add.f32 @!p3 [tilespmem:s16], [sflag:$0x3], $0x80, s14, s12, $0xb8;
	[tilespmem:$0x1E800] =	vst v63  }
0x5b: {  	p5 =	sgt.u32 s31, $0x9C3;
	s14 =	simm.s32 @!p3 $0x2;
	_ =	swait.ge @!p3 [sflag:s15], $0x4000  }
0x5c: {  	s17 =	simm.s32 @!p5 $0x16800;
	s16 =	sshra.s32 @!p5 s5, $0x2;
	[sflag:s15] =	ssyncset.done @!p3 $0x0  }
0x5d: {  	s18 =	simm.s32 @!p5 $0x80;
	s16 =	sadd.s32 @!p5 $0x14100, s16;
	[sflag:s15] =	ssyncadd.s32 @!p3 $0xFFFFC000  }
0x5e: {  	[tilespmem:s17], [sflag:$0x1] =	stream.indirect.gather @!p5 [hbm4b:s1+s18], $0x80, s16, s18, $0xb8;
	[tilespmem:$0x1E800] =	vst v63  }
0x5f: {  	_ =	swait.ge @!p3 [sflag:s14], $0x4000  }
0x60: {  	s11 =	sadd.s32 $0x3, s11;
	[sflag:s14] =	ssyncset.done @!p3 $0x0  }
.Ltmp0:
0x61: {  	[sflag:s14] =	ssyncadd.s32 @!p3 $0xFFFFC000;
	s14 =	simm.s32 @!p3 $0x1A800;
	(pc) =	sbr.rel @p4 .LBB2_2-.Ltmp0, $4  }
0x62: {  	[spmem:s2] =	stream.indirect.scatter.add.f32 @!p3 [tilespmem:s14], [sflag:$0x3], $0x80, s13, s12, $0xb8;
	[tilespmem:$0x1E800] =	vst v63  }
0x63: {  	p5 =	sgt.u32 s11, $0x9C3;
	_ =	swait.ge @!p3 [sflag:s15], $0x4000  }
0x64: {  	s11 =	sshra.s32 @!p5 s5, $0x2;
	s5 =	simm.s32 @!p5 $0x1A800;
	[sflag:s15] =	ssyncset.done @!p3 $0x0  }
0x65: {  	s11 =	sadd.s32 @!p5 $0x14180, s11;
	s12 =	simm.s32 @!p5 $0x80;
	[sflag:s15] =	ssyncadd.s32 @!p3 $0xFFFFC000  }
0x66: {  	[tilespmem:s5], [sflag:$0x2] =	stream.indirect.gather @!p5 [hbm4b:s1+s12], $0x80, s11, s12, $0xb8;
	[tilespmem:$0x1E800] =	vst v63  }
0x67: {  	s0 =	simm.s32 @!p1 $0x1  }
0x68: {  	_ =	swait.ge @!p1 [sflag:s0], $0x4000  }
0x69: {  	s5 =	simm.s32 @!p1 $0x16700;
	[sflag:s0] =	ssyncset.done @!p1 $0x0  }
0x6a: {  	s11 =	simm.s32 @!p1 $0x16800;
	[sflag:s0] =	ssyncadd.s32 @!p1 $0xFFFFC000;
	s0 =	simm.s32 @!p1 $0x80  }
0x6b: {  	[spmem:s2] =	stream.indirect.scatter.add.f32 @!p1 [tilespmem:s11], [sflag:$0x3], $0x80, s5, s0, $0xb8;
	[tilespmem:$0x1E800] =	vst v63  }
0x6c: {  	s5 =	simm.s32 @!p1 $0x3  }
0x6d: {  	_ =	swait.ge @!p1 [sflag:s5], $0x4000  }
0x6e: {  	[sflag:s5] =	ssyncset.done @!p1 $0x0  }
0x6f: {  	s12 =	simm.s32 @!p1 $0x2;
	[sflag:s5] =	ssyncadd.s32 @!p1 $0xFFFFC000  }
0x70: {  	_ =	swait.ge @!p1 [sflag:s12], $0x4000  }
0x71: {  	[sflag:s12] =	ssyncset.done @!p1 $0x0  }
0x72: {  	s13 =	simm.s32 @!p1 $0x1A800;
	[sflag:s12] =	ssyncadd.s32 @!p1 $0xFFFFC000;
	s12 =	simm.s32 @!p1 $0x16780  }
0x73: {  	[spmem:s2] =	stream.indirect.scatter.add.f32 @!p1 [tilespmem:s13], [sflag:$0x3], $0x80, s12, s0, $0xb8;
	[tilespmem:$0x1E800] =	vst v63  }
0x74: {  	_ =	swait.ge @!p1 [sflag:s5], $0x4000  }
0x75: {  	[sflag:s5] =	ssyncset.done @!p1 $0x0  }
0x76: {  	s16 =	rddreg [dreg:$0x7];
	[sflag:s5] =	ssyncadd.s32 @!p1 $0xFFFFC000  }
0x77: {  	[tilespmem:s28], [sflag:$0x3] =	stream.linear.gather [hbm4b:s16+s3], $0x1400, $0x38;
	[tilespmem:$0x1E800] =	vst v63  }
0x78: {  	_ =	swait.ge [sflag:s26], $0x1400  }
0x79: {  	[sflag:s26] =	ssyncset.done $0x0  }
0x7a: {  	s17 =	rddreg [dreg:$0x8];
	[sflag:s26] =	ssyncadd.s32 $0xFFFFEC00  }
0x7b: {  	[tilespmem:s29], [sflag:$0x3] =	stream.linear.gather [hbm4b:s17+s3], $0x1400, $0x38;
	[tilespmem:$0x1E800] =	vst v63  }
0x7c: {  	_ =	swait.ge [sflag:s26], $0x1400  }
0x7d: {  	[sflag:s26] =	ssyncset.done $0x0  }
0x7e: {  	s5 =	simm.s32 @!p1 $0x14000;
	[sflag:s26] =	ssyncadd.s32 $0xFFFFEC00  }
0x7f: {  	[tilespmem:s11], [sflag:$0x1] =	stream.indirect.gather @!p1 [hbm4b:s1+s0], $0x80, s5, s0, $0xb8;
	[tilespmem:$0x1E800] =	vst v63  }
0x80: {  	p3 =	sgt.u32 s24, $0x9C3;
	s5 =	simm.s32 @!p1 $0x14080  }
0x81: {  	[tilespmem:s13], [sflag:$0x2] =	stream.indirect.gather @!p1 [hbm4b:s1+s0], $0x80, s5, s0, $0xb8;
	[tilespmem:$0x1E800] =	vst v63  }
0x82: {  	s0 =	simm.s32 @!p3 $0x1  }
0x83: {  	s31 =	sadd.s32 $0x2, s24;
	_ =	swait.ge @!p3 [sflag:s0], $0x4000  }
0x84: {  	s12 =	simm.s32 @!p3 $0x16800;
	s11 =	simm.s32 @!p3 $0x3;
	[sflag:s0] =	ssyncset.done @!p3 $0x0  }
0x85: {  	s5 =	simm.s32 @!p3 $0x15400;
	[sflag:s0] =	ssyncadd.s32 @!p3 $0xFFFFC000;
	s0 =	simm.s32 @!p3 $0x80  }
0x86: {  	[spmem:s2] =	stream.indirect.scatter.add.f32 @!p3 [tilespmem:s12], [sflag:$0x3], $0x80, s5, s0, $0xb8;
	[tilespmem:$0x1E800] =	vst v63  }
0x87: {  	p4 =	sgt.u32 s31, $0x9C3;
	_ =	swait.ge @!p3 [sflag:s11], $0x4000  }
0x88: {  	s14 =	simm.s32 @!p4 $0x80;
	s13 =	simm.s32 @!p4 $0x14100;
	[sflag:s11] =	ssyncset.done @!p3 $0x0  }
0x89: {  	s5 =	simm.s32 @!p3 $0x2;
	s12 =	simm.s32 @!p4 $0x16800;
	[sflag:s11] =	ssyncadd.s32 @!p3 $0xFFFFC000  }
0x8a: {  	[tilespmem:s12], [sflag:$0x1] =	stream.indirect.gather @!p4 [hbm4b:s1+s14], $0x80, s13, s14, $0xb8;
	[tilespmem:$0x1E800] =	vst v63  }
0x8b: {  	_ =	swait.ge @!p3 [sflag:s5], $0x4000  }
0x8c: {  	s18 =	sadd.s32 $0x3, s24;
	[sflag:s5] =	ssyncset.done @!p3 $0x0  }
0x8d: {  	s12 =	simm.s32 @!p3 $0x15480;
	[sflag:s5] =	ssyncadd.s32 @!p3 $0xFFFFC000;
	s5 =	simm.s32 @!p3 $0x1A800  }
0x8e: {  	[spmem:s2] =	stream.indirect.scatter.add.f32 @!p3 [tilespmem:s5], [sflag:$0x3], $0x80, s12, s0, $0xb8;
	[tilespmem:$0x1E800] =	vst v63  }
0x8f: {  	p5 =	sgt.u32 s18, $0x9C3;
	_ =	swait.ge @!p3 [sflag:s11], $0x4000  }
0x90: {  	s0 =	simm.s32 $0x400;
	s5 =	simm.s32 @!p5 $0x1A800;
	[sflag:s11] =	ssyncset.done @!p3 $0x0  }
0x91: {  	s12 =	simm.s32 @!p5 $0x80;
	[sflag:s11] =	ssyncadd.s32 @!p3 $0xFFFFC000;
	s11 =	simm.s32 @!p5 $0x14180  }
.LBB2_4:
0x92: {  	[tilespmem:s5], [sflag:$0x2] =	stream.indirect.gather @!p5 [hbm4b:s1+s12], $0x80, s11, s12, $0xb8;
	[tilespmem:$0x1E800] =	vst v63  }
0x93: {  	s5 =	smov.u32 s0;
	s11 =	smov.u32 s31  }
0x94: {  	p3 =	sgt.u32 s31, $0x9C3;
	s0 =	sadd.s32 $0x400, s0  }
0x95: {  	s12 =	simm.s32 @!p3 $0x1;
	s13 =	sshra.s32 @!p3 s5, $0x2;
	p4 =	sne.s32 s0, $0x4C00  }
0x96: {  	s14 =	sadd.s32 @!p3 $0x15400, s13;
	s13 =	sadd.s32 @!p3 $0x15480, s13;
	_ =	swait.ge @!p3 [sflag:s12], $0x4000  }
0x97: {  	s31 =	sadd.s32 $0x2, s31;
	s15 =	simm.s32 @!p3 $0x3;
	[sflag:s12] =	ssyncset.done @!p3 $0x0  }
0x98: {  	s16 =	simm.s32 @!p3 $0x16800;
	[sflag:s12] =	ssyncadd.s32 @!p3 $0xFFFFC000;
	s12 =	simm.s32 @!p3 $0x80  }
0x99: {  	[spmem:s2] =	stream.indirect.scatter.add.f32 @!p3 [tilespmem:s16], [sflag:$0x3], $0x80, s14, s12, $0xb8;
	[tilespmem:$0x1E800] =	vst v63  }
0x9a: {  	p5 =	sgt.u32 s31, $0x9C3;
	s14 =	simm.s32 @!p3 $0x2;
	_ =	swait.ge @!p3 [sflag:s15], $0x4000  }
0x9b: {  	s17 =	simm.s32 @!p5 $0x16800;
	s16 =	sshra.s32 @!p5 s5, $0x2;
	[sflag:s15] =	ssyncset.done @!p3 $0x0  }
0x9c: {  	s18 =	simm.s32 @!p5 $0x80;
	s16 =	sadd.s32 @!p5 $0x14100, s16;
	[sflag:s15] =	ssyncadd.s32 @!p3 $0xFFFFC000  }
0x9d: {  	[tilespmem:s17], [sflag:$0x1] =	stream.indirect.gather @!p5 [hbm4b:s1+s18], $0x80, s16, s18, $0xb8;
	[tilespmem:$0x1E800] =	vst v63  }
0x9e: {  	_ =	swait.ge @!p3 [sflag:s14], $0x4000  }
0x9f: {  	s11 =	sadd.s32 $0x3, s11;
	[sflag:s14] =	ssyncset.done @!p3 $0x0  }
.Ltmp1:
0xa0: {  	[sflag:s14] =	ssyncadd.s32 @!p3 $0xFFFFC000;
	s14 =	simm.s32 @!p3 $0x1A800;
	(pc) =	sbr.rel @p4 .LBB2_4-.Ltmp1, $4  }
0xa1: {  	[spmem:s2] =	stream.indirect.scatter.add.f32 @!p3 [tilespmem:s14], [sflag:$0x3], $0x80, s13, s12, $0xb8;
	[tilespmem:$0x1E800] =	vst v63  }
0xa2: {  	p5 =	sgt.u32 s11, $0x9C3;
	_ =	swait.ge @!p3 [sflag:s15], $0x4000  }
0xa3: {  	s11 =	sshra.s32 @!p5 s5, $0x2;
	s5 =	simm.s32 @!p5 $0x1A800;
	[sflag:s15] =	ssyncset.done @!p3 $0x0  }
0xa4: {  	s11 =	sadd.s32 @!p5 $0x14180, s11;
	s12 =	simm.s32 @!p5 $0x80;
	[sflag:s15] =	ssyncadd.s32 @!p3 $0xFFFFC000  }
0xa5: {  	[tilespmem:s5], [sflag:$0x2] =	stream.indirect.gather @!p5 [hbm4b:s1+s12], $0x80, s11, s12, $0xb8;
	[tilespmem:$0x1E800] =	vst v63  }
0xa6: {  	s0 =	simm.s32 @!p1 $0x1  }
0xa7: {  	_ =	swait.ge @!p1 [sflag:s0], $0x4000  }
0xa8: {  	s5 =	simm.s32 @!p1 $0x16700;
	[sflag:s0] =	ssyncset.done @!p1 $0x0  }
0xa9: {  	s11 =	simm.s32 @!p1 $0x16800;
	[sflag:s0] =	ssyncadd.s32 @!p1 $0xFFFFC000;
	s0 =	simm.s32 @!p1 $0x80  }
0xaa: {  	[spmem:s2] =	stream.indirect.scatter.add.f32 @!p1 [tilespmem:s11], [sflag:$0x3], $0x80, s5, s0, $0xb8;
	[tilespmem:$0x1E800] =	vst v63  }
0xab: {  	s5 =	simm.s32 @!p1 $0x3  }
0xac: {  	_ =	swait.ge @!p1 [sflag:s5], $0x4000  }
0xad: {  	[sflag:s5] =	ssyncset.done @!p1 $0x0  }
0xae: {  	s11 =	simm.s32 @!p1 $0x2;
	[sflag:s5] =	ssyncadd.s32 @!p1 $0xFFFFC000  }
0xaf: {  	_ =	swait.ge @!p1 [sflag:s11], $0x4000  }
0xb0: {  	[sflag:s11] =	ssyncset.done @!p1 $0x0  }
0xb1: {  	s12 =	simm.s32 @!p1 $0x1A800;
	[sflag:s11] =	ssyncadd.s32 @!p1 $0xFFFFC000;
	s11 =	simm.s32 @!p1 $0x16780  }
0xb2: {  	[spmem:s2] =	stream.indirect.scatter.add.f32 @!p1 [tilespmem:s12], [sflag:$0x3], $0x80, s11, s0, $0xb8;
	[tilespmem:$0x1E800] =	vst v63  }
0xb3: {  	_ =	swait.ge @!p1 [sflag:s5], $0x4000  }
0xb4: {  	[sflag:s5] =	ssyncset.done @!p1 $0x0  }
0xb5: {  	[sflag:s5] =	ssyncadd.s32 @!p1 $0xFFFFC000  }
0xb6: {  	[bflag:$0x0] =	sbarrier.arrive $0xFFFF  }
0xb7: {  	[tilespmem:s25], [sflag:$0x3] =	stream.linear.gather [spmem:s6], $0x4000, $0x38;
	[tilespmem:$0x1E800] =	vst v63  }
0xb8: {  	_ =	swait.ge [sflag:s26], $0x4000  }
0xb9: {  	[sflag:s26] =	ssyncset.done $0x0  }
0xba: {  	s16 =	rddreg [dreg:$0x9];
	[sflag:s26] =	ssyncadd.s32 $0xFFFFC000  }
0xbb: {  	[hbm4b:s16+s3] =	stream.linear.scatter [tilespmem:s25], [sflag:$0x3], $0x4000, $0x38;
	[tilespmem:$0x1E800] =	vst v63  }
0xbc: {  	_ =	swait.ge [sflag:s26], $0x4000  }
0xbd: {  	[sflag:s26] =	ssyncset.done $0x0  }
0xbe: {  	[sflag:s26] =	ssyncadd.s32 $0xFFFFC000  }
0xbf: {  	[tilespmem:s25], [sflag:$0x3] =	stream.linear.gather [spmem:s7], $0x4000, $0x38;
	[tilespmem:$0x1E800] =	vst v63  }
0xc0: {  	_ =	swait.ge [sflag:s26], $0x4000  }
0xc1: {  	[sflag:s26] =	ssyncset.done $0x0  }
0xc2: {  	s17 =	rddreg [dreg:$0xa];
	[sflag:s26] =	ssyncadd.s32 $0xFFFFC000  }
0xc3: {  	[hbm4b:s17+s3] =	stream.linear.scatter [tilespmem:s25], [sflag:$0x3], $0x4000, $0x38;
	[tilespmem:$0x1E800] =	vst v63  }
0xc4: {  	_ =	swait.ge [sflag:s26], $0x4000  }
0xc5: {  	[sflag:s26] =	ssyncset.done $0x0  }
0xc6: {  	[sflag:s26] =	ssyncadd.s32 $0xFFFFC000  }
0xc7: {  	[tilespmem:s25], [sflag:$0x3] =	stream.linear.gather [spmem:s8], $0x4000, $0x38;
	[tilespmem:$0x1E800] =	vst v63  }
0xc8: {  	_ =	swait.ge [sflag:s26], $0x4000  }
0xc9: {  	[sflag:s26] =	ssyncset.done $0x0  }
0xca: {  	s18 =	rddreg [dreg:$0xb];
	[sflag:s26] =	ssyncadd.s32 $0xFFFFC000  }
0xcb: {  	[hbm4b:s18+s3] =	stream.linear.scatter [tilespmem:s25], [sflag:$0x3], $0x4000, $0x38;
	[tilespmem:$0x1E800] =	vst v63  }
0xcc: {  	_ =	swait.ge [sflag:s26], $0x4000  }
0xcd: {  	[sflag:s26] =	ssyncset.done $0x0  }
0xce: {  	[sflag:s26] =	ssyncadd.s32 $0xFFFFC000  }
0xcf: {  	[tilespmem:s25], [sflag:$0x3] =	stream.linear.gather [spmem:s9], $0x4000, $0x38;
	[tilespmem:$0x1E800] =	vst v63  }
0xd0: {  	_ =	swait.ge [sflag:s26], $0x4000  }
0xd1: {  	[sflag:s26] =	ssyncset.done $0x0  }
0xd2: {  	s31 =	rddreg [dreg:$0xc];
	[sflag:s26] =	ssyncadd.s32 $0xFFFFC000  }
0xd3: {  	[hbm4b:s31+s3] =	stream.linear.scatter [tilespmem:s25], [sflag:$0x3], $0x4000, $0x38;
	[tilespmem:$0x1E800] =	vst v63  }
0xd4: {  	_ =	swait.ge [sflag:s26], $0x4000  }
0xd5: {  	[sflag:s26] =	ssyncset.done $0x0  }
0xd6: {  	s0 =	simm.s32 @!p2 $0x16800;
	s5 =	simm.s32 @!p2 $0x3;
	[sflag:s26] =	ssyncadd.s32 $0xFFFFC000  }
0xd7: {  	[tilespmem:s0], [sflag:$0x3] =	stream.linear.gather @!p2 [spmem:s20], $0x800, $0x38;
	[tilespmem:$0x1E800] =	vst v63  }
0xd8: {  	_ =	swait.ge @!p2 [sflag:s5], $0x800  }
0xd9: {  	[sflag:s5] =	ssyncset.done @!p2 $0x0  }
0xda: {  	s11 =	simm.s32 @!p2 $0x0;
	[sflag:s5] =	ssyncadd.s32 @!p2 $0xFFFFF800  }
0xdb: {  	[hbm4b:s21+s11] =	stream.linear.scatter @!p2 [tilespmem:s0], [sflag:$0x3], $0x800, $0x38;
	[tilespmem:$0x1E800] =	vst v63  }
0xdc: {  	_ =	swait.ge @!p2 [sflag:s5], $0x800  }
0xdd: {  	[sflag:s5] =	ssyncset.done @!p2 $0x0  }
0xde: {  	s0 =	simm.s32 @!p0 $0x16800;
	[sflag:s5] =	ssyncadd.s32 @!p2 $0xFFFFF800;
	s5 =	simm.s32 @!p0 $0x3  }
0xdf: {  	[tilespmem:s0], [sflag:$0x3] =	stream.linear.gather @!p0 [spmem:s10], $0x4000, $0x38;
	[tilespmem:$0x1E800] =	vst v63  }
0xe0: {  	s4 =	sadd.s32 $0x1, s4;
	_ =	swait.ge @!p0 [sflag:s5], $0x4000  }
0xe1: {  	p3 =	sne.s32 s4, s22;
	[sflag:s5] =	ssyncset.done @!p0 $0x0  }
.Ltmp2:
0xe2: {  	s11 =	simm.s32 @!p0 $0x0;
	[sflag:s5] =	ssyncadd.s32 @!p0 $0xFFFFC000;
	(pc) =	sbr.rel @p3 .LBB2_1-.Ltmp2, $4  }
0xe3: {  	[hbm4b:s19+s11] =	stream.linear.scatter @!p0 [tilespmem:s0], [sflag:$0x3], $0x4000, $0x38;
	[tilespmem:$0x1E800] =	vst v63  }
0xe4: {  	_ =	swait.ge @!p0 [sflag:s5], $0x4000  }
0xe5: {  	[sflag:s5] =	ssyncset.done @!p0 $0x0  }
0xe6: {  	[sflag:s5] =	ssyncadd.s32 @!p0 $0xFFFFC000  }
0xe7: {  	_ =	sfence.sel $0x180000  }
0xe8: {  	[bflag:$0x0] =	sbarrier.arrive $0xFFFF  }
0xe9: {  	_ =	strace $0x9000004D  }
0xea: {  	s0 =	stileid.u32;
	[bflag:$0x2] =	sbarrier.arrive $0xFFFF  }
0xeb: {  	p0 =	sne.s32 s0, $0x0;
	s0 =	rddreg [dreg:$0x3]  }
0xec: {  	s0 =	sadd.s32 @!p0 $0x100000, s0  }
0xed: {  	[sflag:s0] =	ssyncadd.tile.s32 @!p0 $0x1;
	_ =	shalt  }
.Lfunc_end2:
_tile_overlayer_lowered:
.L_overlay_start_2:
0xee: {  	(tag) =	ssettag $0x2  }
0xef: {  	s0 =	rddreg [dreg:$0x0];
	s2 =	stileid.u32  }
0xf0: {  	s1 =	rddreg [dreg:$0x1];
	p0 =	sne.s32 s2, $0x0  }
0xf1: {  	s3 =	rddreg [dreg:$0x2];
	[bflag:$0x3] =	sbarrier.arrive $0xFFFF;
	s2 =	simm.s32 @!p0 $0x1C03  }
0xf2: {  	[timem:s3], [sflag:s2] =	dma.local @!p0 [hbm:s0], s1  }
0xf3: {  	s0 =	simm.s32 @!p0 $0x3  }
0xf4: {  	_ =	swait.ge @!p0 [sflag:s0], s1  }
0xf5: {  	s1 =	ssub.s32 @!p0 $0x0, s1;
	[sflag:s0] =	ssyncset.done @!p0 $0x0  }
0xf6: {  	[sflag:s0] =	ssyncadd.s32 @!p0 s1  }
0xf7: {  	[bflag:$0x3] =	sbarrier.arrive $0xFFFF  }
0xf8: {  	_ =	shalt  }

// kernel: kernel.8.cloned.1.call-start
scs
__scs_entry_jumppad:
0x0: {  	(pc) =	sbr.rel $0x88, $3  }
0x1: {  	(tag) =	ssettag $0x0;
	lr =	simm.s32 $0x1  }
0x2: {  	[smem:$0x3F9B] =	sst lr;
	_ =	strace $0xD0000000  }
0x3: {  	_ = 	snop  }
0x4: {  	_ = 	snop  }
0x5: {  	_ = 	snop  }
0x6: {  	_ = 	snop  }
0x7: {  	_ = 	snop  }
__scs_overlays_trampoline_lowered:
0x8: {  	[smem:$0x3FAA] =	sst s0  }
0x9: {  	[smem:$0x3FAB] =	sst s1  }
0xa: {  	[smem:$0x3FAC] =	sst s2  }
0xb: {  	[smem:$0x3FAD] =	sst s3  }
0xc: {  	[smem:$0x3FAE] =	sst s4  }
0xd: {  	[smem:$0x3FAF] =	sst s5  }
0xe: {  	[smem:$0x3FB0] =	sst s6  }
0xf: {  	[smem:$0x3FB1] =	sst s7  }
0x10: {  	[smem:$0x3FB2] =	sst s8  }
0x11: {  	[smem:$0x3FB3] =	sst s9;
	s0 =	simm.s32 @!p0 $0x0  }
0x12: {  	s1 =	sld [smem:$0x3F99];
	s0 =	simm.s32 @p0 $0x1  }
0x13: {  	[smem:$0x3FB4] =	sst s0;
	s0 =	simm.s32 @!p1 $0x0  }
0x14: {  	s2 =	sld [smem:$0x3F98];
	s0 =	simm.s32 @p1 $0x1  }
0x15: {  	[smem:$0x3FB5] =	sst s0;
	s0 =	simm.s32 @!p2 $0x0  }
0x16: {  	s3 =	sld [smem:$0x3FDB];
	s0 =	simm.s32 @p2 $0x1  }
0x17: {  	s4 =	simm.s32 $0x1BF5;
	[smem:$0x3FB7] =	sst s0  }
0x18: {  	s0 =	sld [smem:$0x3F9A];
	_ =	swait.ge [sflag:s4], $0x0  }
0x19: {  	s7 =	sld [smem:$0x3F9B]  }
0x1a: {  	s8 =	sadd.s32 $0xFFFFE003, lr  }
0x1b: {  	s9 =	sadd.s32 $0xFFFFFEF7, lr;
	s5 =	simm.s32 $0xFFFFFFFF;
	p2 =	slt.u32 s8, $0xFFFFF086  }
0x1c: {  	p1 =	slt.u32 s9, $0xF7A;
	s5 =	simm.s32 @!p2 $0x0  }
0x1d: {  	s5 =	simm.s32 @p1 $0x1;
	p0 =	seq.s32 s7, s2  }
0x1e: {  	s7 =	smul.u32 @!p0 $0xF7A, s2;
	p2 =	seq.s32 @!p0 s5, $0x0  }
0x1f: {  	s9 =	smul.u32 $0xF7A, s1;
	s8 =	simm.s32 @!p0 $0x1BF5;
	p2 =	por !p2, p0  }
0x20: {  	[sflag:s8] =	ssyncset.s32 @!p0 $0xFFFFF086;
	s6 =	sadd.s32 @!p0 s3, s7;
	s7 =	simm.s32 @!p0 $0x108  }
0x21: {  	s3 =	sadd.s32 s3, s9;
	s6 =	sadd.s32 @!p0 $0x88, s6;
	s7 =	simm.s32 @p2 $0x1082  }
0x22: {  	[simem:s7], [sflag:s8] =	dma.local @!p0 [hbm:s6], $0xF7A  }
0x23: {  	s9 =	sor.u32 $0xD0000000, s2;
	s6 =	simm.s32 $0x108;
	_ =	swait.ge @!p0 [sflag:s8], $0x0  }
0x24: {  	s3 =	sadd.s32 $0x88, s3;
	s6 =	simm.s32 @!p1 $0x1082;
	[sflag:s4] =	ssyncset.s32 $0xFFFFF086  }
0x25: {  	[simem:s6], [sflag:s4] =	dma.local [hbm:s3], $0xF7A  }
0x26: {  	[smem:$0x3F9B] =	sst s1;
	(tag) =	ssettag s2;
	_ =	strace s9  }
0x27: {  	s1 =	sld [smem:$0x3FAB]  }
0x28: {  	s2 =	sld [smem:$0x3FAC]  }
0x29: {  	s4 =	sld [smem:$0x3FAE]  }
0x2a: {  	p0 =	seq.s32 s5, $0x0;
	s5 =	sld [smem:$0x3FAF]  }
0x2b: {  	s6 =	sld [smem:$0x3FB0]  }
0x2c: {  	s7 =	sld [smem:$0x3FB1]  }
0x2d: {  	s3 =	simm.s32 $0x108;
	s8 =	sld [smem:$0x3FB2]  }
0x2e: {  	s3 =	simm.s32 @!p0 $0x1082;
	s9 =	sld [smem:$0x3FB3]  }
0x2f: {  	lr =	sadd.s32 s0, s3;
	s0 =	sld [smem:$0x3FAA]  }
0x30: {  	s3 =	sld [smem:$0x3FAD]  }
0x31: {  	[smem:$0x3FB6] =	sst s10  }
0x32: {  	s10 =	sld [smem:$0x3FB4];
	_ =	sdelay $0x3  }
0x33: {  	p0 =	seq.s32 s10, $0x1;
	s10 =	sld [smem:$0x3FB6];
	_ =	sdelay $0x3  }
0x34: {  	[smem:$0x3FB6] =	sst s10  }
0x35: {  	s10 =	sld [smem:$0x3FB5];
	_ =	sdelay $0x3  }
0x36: {  	p1 =	seq.s32 s10, $0x1;
	s10 =	sld [smem:$0x3FB6];
	_ =	sdelay $0x3  }
0x37: {  	[smem:$0x3FB6] =	sst s10  }
0x38: {  	s10 =	sld [smem:$0x3FB7]  }
0x39: {  	_ = 	snop;
	(pc) =	sbr.ind lr, $3  }
0x3a: {  	_ = 	snop  }
0x3b: {  	_ = 	snop  }
0x3c: {  	p2 =	seq.s32 s10, $0x1;
	s10 =	sld [smem:$0x3FB6]  }
0x3d: {  	_ =	shalt  }
0x3e: {  	_ =	shalt  }
0x3f: {  	_ =	shalt  }
0x40: {  	_ =	shalt  }
0x41: {  	_ =	shalt  }
0x42: {  	_ =	shalt  }
0x43: {  	_ =	shalt  }
0x44: {  	_ =	shalt  }
0x45: {  	_ =	shalt  }
0x46: {  	_ =	shalt  }
0x47: {  	_ =	shalt  }
0x48: {  	_ =	shalt  }
0x49: {  	_ =	shalt  }
0x4a: {  	_ =	shalt  }
0x4b: {  	_ =	shalt  }
0x4c: {  	_ =	shalt  }
0x4d: {  	_ =	shalt  }
0x4e: {  	_ =	shalt  }
0x4f: {  	_ =	shalt  }
0x50: {  	_ =	shalt  }
0x51: {  	_ =	shalt  }
0x52: {  	_ =	shalt  }
0x53: {  	_ =	shalt  }
0x54: {  	_ =	shalt  }
0x55: {  	_ =	shalt  }
0x56: {  	_ =	shalt  }
0x57: {  	_ =	shalt  }
0x58: {  	_ =	shalt  }
0x59: {  	_ =	shalt  }
0x5a: {  	_ =	shalt  }
0x5b: {  	_ =	shalt  }
0x5c: {  	_ =	shalt  }
0x5d: {  	_ =	shalt  }
0x5e: {  	_ =	shalt  }
0x5f: {  	_ =	shalt  }
0x60: {  	_ =	shalt  }
0x61: {  	_ =	shalt  }
0x62: {  	_ =	shalt  }
0x63: {  	_ =	shalt  }
0x64: {  	_ =	shalt  }
0x65: {  	_ =	shalt  }
0x66: {  	_ =	shalt  }
0x67: {  	_ =	shalt  }
0x68: {  	_ =	shalt  }
0x69: {  	_ =	shalt  }
0x6a: {  	_ =	shalt  }
0x6b: {  	_ =	shalt  }
0x6c: {  	_ =	shalt  }
0x6d: {  	_ =	shalt  }
0x6e: {  	_ =	shalt  }
0x6f: {  	_ =	shalt  }
0x70: {  	_ =	shalt  }
0x71: {  	_ =	shalt  }
0x72: {  	_ =	shalt  }
0x73: {  	_ =	shalt  }
0x74: {  	_ =	shalt  }
0x75: {  	_ =	shalt  }
0x76: {  	_ =	shalt  }
0x77: {  	_ =	shalt  }
0x78: {  	_ =	shalt  }
0x79: {  	_ =	shalt  }
0x7a: {  	_ =	shalt  }
0x7b: {  	_ =	shalt  }
0x7c: {  	_ =	shalt  }
0x7d: {  	_ =	shalt  }
0x7e: {  	_ =	shalt  }
0x7f: {  	_ =	shalt  }
0x80: {  	_ =	shalt  }
0x81: {  	_ =	shalt  }
0x82: {  	_ =	shalt  }
0x83: {  	_ =	shalt  }
0x84: {  	_ =	shalt  }
0x85: {  	_ =	shalt  }
0x86: {  	_ =	shalt  }
0x87: {  	_ =	shalt  }
.Lfunc_end0:
.L_simem_size_0:
called_computation_lowered:
.L_overlay_start_0:
0x88: {  	s2 =	sld [smem:$0x3FD9]  }
0x89: {  	s3 =	sld [smem:$0x3FFE];
	_ =	sdelay $0x1  }
0x8a: {  	s1 =	srdreg.scid  }
0x8b: {  	s0 =	sand.u32 $0x1, s1  }
0x8c: {  	s14 =	sshll.u32 s0, $0xA;
	s2 =	sadd.s32 s3, s2  }
0x8d: {  	s2 =	sadd.s32 s2, s14  }
0x8e: {  	[smem:$0x3FC2] =	sst s2  }
0x8f: {  	_ = 	snop  }
0x90: {  	s2 =	sld [smem:$0x3FD0];
	_ =	sdelay $0x2  }
0x91: {  	s15 =	simm.s32 $0xA;
	s4 =	simm.s32 $0x10  }
0x92: {  	[smem:s4], [sflag:s15] =	dma.local [hbm:s2], $0x1  }
0x93: {  	_ =	swait.eq [sflag:s15], $0x1  }
0x94: {  	[sflag:s15] =	ssyncset.done $0x0  }
0x95: {  	[sflag:s15] =	ssyncadd.s32 $0xFFFFFFFF  }
0x96: {  	s16 =	sld [smem:$0x11];
	(tm) =	ssettm $0x1  }
0x97: {  	s17 =	sld [smem:$0x3FFB];
	_ =	sdelay $0x3  }
0x98: {  	_ =	strace s17  }
0x99: {  	s3 =	sld [smem:$0x3FFC];
	_ =	sdelay $0x3  }
0x9a: {  	_ =	strace s3  }
0x9b: {  	s3 =	sld [smem:$0x3FFD];
	_ =	sdelay $0x3  }
0x9c: {  	_ =	strace s3  }
0x9d: {  	_ =	strace $0x8FFFFFFF  }
0x9e: {  	s18 =	sld [smem:$0x3FDB];
	_ =	sdelay $0x1  }
0x9f: {  	s19 =	simm.s32 $_scs_section_size  }
0xa0: {  	s5 =	simm.s32 $_size__tile_overlayer_lowered;
	s6 =	simm.s32 $_tile_overlayer_lowered  }
0xa1: {  	s22 =	simm.s32 $0x1BFF;
	s21 =	sshll.u32 s6, $0x1;
	s3 =	sadd.s32 s19, s18  }
0xa2: {  	s7 =	simm.s32 $0x0;
	s20 =	sshll.u32 s5, $0x1;
	s5 =	sadd.s32 s21, s3  }
0xa3: {  	[timem:s7], [sflag:s22] =	dma.local [hbm:s5], s20  }
0xa4: {  	_ =	swait.ge [sflag:s22], s20  }
0xa5: {  	s4 =	ssub.s32 $0x0, s20;
	[sflag:s22] =	ssyncset.done $0x0  }
0xa6: {  	[sflag:s22] =	ssyncadd.s32 s4;
	_ =	sdelay $0x1  }
0xa7: {  	s23 =	simm.s32 $0x1B8B  }
0xa8: {  	_ =	swait.ge [sflag:s23], $0x1  }
0xa9: {  	[sflag:s23] =	ssyncset.done $0x0  }
0xaa: {  	s25 =	simm.s32 $0x1B8E;
	s24 =	sld [smem:$0x3FFE];
	[sflag:s23] =	ssyncadd.s32 $0xFFFFFFFF  }
0xab: {  	s26 =	simm.s32 $execute0_lowered;
	[smem:$0x3FD2] =	sst s25  }
0xac: {  	s5 =	sshll.u32 s26, $0x1;
	_ =	strace $0x80000046;
	[dreg:$0x1] =	wrdreg $0xFFFFFFFF  }
0xad: {  	s28 =	simm.s32 $_size_execute0_lowered;
	s3 =	sadd.s32 s3, s5;
	[dreg:$0x0] =	wrdreg $0x0  }
0xae: {  	s5 =	sshll.u32 s28, $0x1;
	[dreg:$0x2] =	wrdreg s3  }
0xaf: {  	[dreg:$0x3] =	wrdreg s5  }
0xb0: {  	[dreg:$0x4] =	wrdreg $0xC0  }
0xb1: {  	_ =	task [dreg:s7], $0x5FFFF  }
0xb2: {  	[dreg:$0x1] =	wrdreg $0xFFFFFFFF  }
0xb3: {  	[dreg:$0x0] =	wrdreg $0x60  }
0xb4: {  	[dreg:$0x2] =	wrdreg s24  }
0xb5: {  	[dreg:$0x3] =	wrdreg s16  }
0xb6: {  	[dreg:$0x4] =	wrdreg $0x9  }
0xb7: {  	_ =	task.clear_ibuf [dreg:s7], $0x5FFFF;
	_ =	strace $0x90000046  }
0xb8: {  	s29 =	simm.s32 $0x9;
	_ =	strace $0x80000048  }
0xb9: {  	_ =	swait.ge [sflag:s29], $0x1  }
0xba: {  	[sflag:s29] =	ssyncadd.s32 $0xFFFFFFFF  }
0xbb: {  	_ =	strace $0x90000048  }
0xbc: {  	_ =	sfence  }
0xbd: {  	s30 =	sld [smem:$0x0];
	_ =	sdelay $0x2  }
0xbe: {  	s31 =	sshll.u32 s1, $0xD;
	s1 =	sshrl.u32 s1, $0x2  }
0xbf: {  	s3 =	sand.u32 $0x4000, s31;
	s1 =	sadd.s32 s1, s30  }
0xc0: {  	s0 =	sor.u32 s3, s0;
	s1 =	sshll.u32 s1, $0x11  }
0xc1: {  	s0 =	sor.u32 s1, s0  }
0xc2: {  	s0 =	sadd.s32 $0x8F2B, s0  }
0xc3: {  	[sflag:s0] =	ssyncadd.remote.s32 $0x1  }
0xc4: {  	_ =	sfence.sel $0xFFFF  }
0xc5: {  	[dreg:$0x0] =	wrdreg $0xFFFFFFFF;
	(pc) =	sbr.abs _section_cstart, $3  }
0xc6: {  	[dreg:$0x1] =	wrdreg $0xFFFFFFFF  }
0xc7: {  	_ =	task.clear_ibuf [dreg:s7], $0x2FFFF;
	_ =	strace $0x9FFFFFFF  }
0xc8: {  	(tm) =	ssettm $0x7FFFFFFF  }
0xc9: {  	_ =	shalt  }
tec
execute0_lowered:
.L_overlay_start_1:
0x0: {  	(tag) =	ssettag $0x1  }
0x1: {  	s0 =	srdreg.scid;
	s4 =	rddreg [dreg:$0x0]  }
0x2: {  	s5 =	rddreg [dreg:$0x1];
	s3 =	sand.u32 $0x1, s0  }
0x3: {  	s2 =	simm.s32 $0x0;
	s0 =	stileid.u32;
	s1 =	sshll.u32 s3, $0x4  }
0x4: {  	s11 =	simm.s32 $0x7800;
	s9 =	smul.u32 $0x500, s3;
	s6 =	sor.u32 s0, s1  }
0x5: {  	s12 =	simm.s32 $0x2800;
	s13 =	simm.s32 $0x0;
	s7 =	smul.u32 $0x500, s6  }
0x6: {  	[smem:$0x7FF] =	sst s2;
	s8 =	ssub.s32 $0x2, s3;
	s6 =	smul.u32 $0x5000, s6  }
0x7: {  	s10 =	smul.u32 $0x50, s0;
	s1 =	rddreg [dreg:$0x2];
	_ =	strace $0x80000047  }
0x8: {  	s30 =	sshrl.u32 s8, $0x1;
	s7 =	sadd.s32 s7, s4;
	s31 =	sshrl.u32 s6, $0x3  }
0x9: {  	s8 =	ssub.s32 s8, s30;
	s3 =	sadd.s32 $0xC400, s7;
	s4 =	sadd.s32 s5, s31  }
0xa: {  	s5 =	sadd.s32 $0x2400, s7;
	s7 =	smax.u32 s8, $0x1;
	s8 =	sadd.s32 s10, s9  }
0xb: {  	v0 =	vimm.f32 $0.0e+00;
	s9 =	simm.s32 $0x5000;
	s10 =	simm.s32 $0x1;
	s6 =	sadd.s32 $0x500, s4  }
.LBB2_1:
0xc: {  	s14 =	simm.s32 $0x0;
	s15 =	simm.s32 $0x200  }
.LBB2_2:
0xd: {  	p0 =	sne.s32 s15, $0x9E00;
	[tilespmem:s14+$0x2870] =	vst v0  }
0xe: {  	[tilespmem:s14+$0x0] =	vst v0  }
0xf: {  	[tilespmem:s14+$0x2800] =	vst v0  }
0x10: {  	[tilespmem:s14+$0x10] =	vst v0  }
0x11: {  	[tilespmem:s14+$0x2810] =	vst v0  }
0x12: {  	[tilespmem:s14+$0x20] =	vst v0  }
0x13: {  	[tilespmem:s14+$0x2820] =	vst v0  }
0x14: {  	[tilespmem:s14+$0x30] =	vst v0  }
0x15: {  	[tilespmem:s14+$0x2830] =	vst v0  }
0x16: {  	[tilespmem:s14+$0x40] =	vst v0  }
0x17: {  	[tilespmem:s14+$0x2840] =	vst v0  }
.Ltmp0:
0x18: {  	[tilespmem:s14+$0x50] =	vst v0;
	(pc) =	sbr.rel @p0 .LBB2_2-.Ltmp0, $4  }
0x19: {  	[tilespmem:s14+$0x2850] =	vst v0  }
0x1a: {  	[tilespmem:s14+$0x60] =	vst v0  }
0x1b: {  	[tilespmem:s14+$0x2860] =	vst v0  }
0x1c: {  	[tilespmem:s14+$0x70] =	vst v0;
	s14 =	sshra.s32 s15, $0x2;
	s15 =	sadd.s32 $0x200, s15  }
0x1d: {  	[tilespmem:s14+$0x2870] =	vst v0  }
0x1e: {  	[tilespmem:s14+$0x0] =	vst v0  }
0x1f: {  	[tilespmem:s14+$0x2800] =	vst v0  }
0x20: {  	[tilespmem:s14+$0x10] =	vst v0  }
0x21: {  	[tilespmem:s14+$0x2810] =	vst v0  }
0x22: {  	[tilespmem:s14+$0x20] =	vst v0  }
0x23: {  	[tilespmem:s14+$0x2820] =	vst v0  }
0x24: {  	[tilespmem:s14+$0x30] =	vst v0  }
0x25: {  	[tilespmem:s14+$0x2830] =	vst v0  }
0x26: {  	[tilespmem:s14+$0x40] =	vst v0  }
0x27: {  	[tilespmem:s14+$0x2840] =	vst v0  }
0x28: {  	[tilespmem:s14+$0x50] =	vst v0  }
0x29: {  	[tilespmem:s14+$0x2850] =	vst v0  }
0x2a: {  	[tilespmem:s14+$0x60] =	vst v0  }
0x2b: {  	[tilespmem:s14+$0x2860] =	vst v0  }
0x2c: {  	[tilespmem:s14+$0x70] =	vst v0;
	s14 =	simm.s32 $0x0  }
0x2d: {  	[tilespmem:s9], [sflag:$0x1] =	stream.linear.gather [hbm4b:s3+s14], $0x2800, $0x38;
	[tilespmem:$0xA000] =	vst v63  }
0x2e: {  	_ =	swait.ge [sflag:s10], $0x2800  }
0x2f: {  	[sflag:s10] =	ssyncset.done $0x0  }
0x30: {  	[sflag:s10] =	ssyncadd.s32 $0xFFFFD800  }
0x31: {  	[tilespmem:s11], [sflag:$0x1] =	stream.linear.gather [hbm4b:s5+s14], $0x2800, $0x38;
	[tilespmem:$0xA000] =	vst v63  }
0x32: {  	_ =	swait.ge [sflag:s10], $0x2800  }
0x33: {  	[sflag:s10] =	ssyncset.done $0x0  }
0x34: {  	s15 =	smov.u32 s8;
	[sflag:s10] =	ssyncadd.s32 $0xFFFFD800  }
.LBB2_4:
0x35: {  	p0 =	sgt.u32 s15, $0x9C3  }
0x36: {  	s16 =	sshra.s32 @!p0 s14, $0x2  }
0x37: {  	v1 =	vld @!p0 [tilespmem:s16+$0x5000]  }
0x38: {  	v2 =	vld @!p0 [tilespmem:s16+$0x7800];
	_ =	sdelay $0x5  }
0x39: {  	v3 =	vimm.f32 @!p0 $1.000000000e+00;
	s17 =	simm.s32 @!p0 $0x0  }
0x3a: {  	s18 =	simm.s32 @!p0 $0x2800;
	[tilespmem:v1+s17+$0x0] =	vst.idx.add.f32.msk @!p0 $0xffff, v3  }
0x3b: {  	[tilespmem:v2+s18+$0x0] =	vst.idx.add.f32.msk @!p0 $0xffff, v3  }
0x3c: {  	v1 =	vld @!p0 [tilespmem:s16+$0x5010]  }
0x3d: {  	v2 =	vld @!p0 [tilespmem:s16+$0x7810];
	_ =	sdelay $0x6  }
0x3e: {  	[tilespmem:v1+s17+$0x0] =	vst.idx.add.f32.msk @!p0 $0xffff, v3  }
0x3f: {  	[tilespmem:v2+s18+$0x0] =	vst.idx.add.f32.msk @!p0 $0xffff, v3  }
0x40: {  	v1 =	vld @!p0 [tilespmem:s16+$0x5020]  }
0x41: {  	v2 =	vld @!p0 [tilespmem:s16+$0x7820];
	_ =	sdelay $0x6  }
0x42: {  	[tilespmem:v1+s17+$0x0] =	vst.idx.add.f32.msk @!p0 $0xffff, v3  }
0x43: {  	[tilespmem:v2+s18+$0x0] =	vst.idx.add.f32.msk @!p0 $0xffff, v3  }
0x44: {  	v1 =	vld @!p0 [tilespmem:s16+$0x5030]  }
0x45: {  	v2 =	vld @!p0 [tilespmem:s16+$0x7830];
	_ =	sdelay $0x6  }
0x46: {  	[tilespmem:v1+s17+$0x0] =	vst.idx.add.f32.msk @!p0 $0xffff, v3  }
0x47: {  	[tilespmem:v2+s18+$0x0] =	vst.idx.add.f32.msk @!p0 $0xffff, v3  }
0x48: {  	v1 =	vld @!p0 [tilespmem:s16+$0x5040]  }
0x49: {  	v2 =	vld @!p0 [tilespmem:s16+$0x7840];
	_ =	sdelay $0x6  }
0x4a: {  	[tilespmem:v1+s17+$0x0] =	vst.idx.add.f32.msk @!p0 $0xffff, v3  }
0x4b: {  	[tilespmem:v2+s18+$0x0] =	vst.idx.add.f32.msk @!p0 $0xffff, v3  }
0x4c: {  	v1 =	vld @!p0 [tilespmem:s16+$0x5050]  }
0x4d: {  	v2 =	vld @!p0 [tilespmem:s16+$0x7850];
	_ =	sdelay $0x6  }
0x4e: {  	[tilespmem:v1+s17+$0x0] =	vst.idx.add.f32.msk @!p0 $0xffff, v3  }
0x4f: {  	[tilespmem:v2+s18+$0x0] =	vst.idx.add.f32.msk @!p0 $0xffff, v3  }
0x50: {  	v1 =	vld @!p0 [tilespmem:s16+$0x5060]  }
0x51: {  	v2 =	vld @!p0 [tilespmem:s16+$0x7860];
	_ =	sdelay $0x6  }
0x52: {  	[tilespmem:v1+s17+$0x0] =	vst.idx.add.f32.msk @!p0 $0xffff, v3  }
0x53: {  	[tilespmem:v2+s18+$0x0] =	vst.idx.add.f32.msk @!p0 $0xffff, v3  }
0x54: {  	v1 =	vld @!p0 [tilespmem:s16+$0x5070]  }
0x55: {  	v2 =	vld @!p0 [tilespmem:s16+$0x7870];
	_ =	sdelay $0x1  }
0x56: {  	s14 =	sadd.s32 $0x200, s14  }
0x57: {  	p1 =	sne.s32 s14, $0xA000  }
.Ltmp1:
0x58: {  	_ = 	snop;
	(pc) =	sbr.rel @p1 .LBB2_4-.Ltmp1, $3  }
0x59: {  	_ =	sdelay $0x1  }
0x5a: {  	[tilespmem:v1+s17+$0x0] =	vst.idx.add.f32.msk @!p0 $0xffff, v3  }
0x5b: {  	s15 =	sadd.s32 $0x1, s15;
	[tilespmem:v2+s18+$0x0] =	vst.idx.add.f32.msk @!p0 $0xffff, v3  }
0x5c: {  	[hbm4b:s4+s2] =	stream.linear.scatter [tilespmem:s2], [sflag:$0x1], $0x2800, $0x38;
	[tilespmem:$0xA000] =	vst v63  }
0x5d: {  	s13 =	sadd.s32 $0x1, s13;
	_ =	swait.ge [sflag:s10], $0x2800  }
0x5e: {  	p0 =	sne.s32 s13, s7;
	[sflag:s10] =	ssyncset.done $0x0  }
.Ltmp2:
0x5f: {  	[sflag:s10] =	ssyncadd.s32 $0xFFFFD800;
	(pc) =	sbr.rel @p0 .LBB2_1-.Ltmp2, $4  }
0x60: {  	[hbm4b:s6+s2] =	stream.linear.scatter [tilespmem:s12], [sflag:$0x1], $0x2800, $0x38;
	[tilespmem:$0xA000] =	vst v63  }
0x61: {  	_ =	swait.ge [sflag:s10], $0x2800  }
0x62: {  	[sflag:s10] =	ssyncset.done $0x0  }
0x63: {  	[sflag:s10] =	ssyncadd.s32 $0xFFFFD800  }
0x64: {  	_ =	sfence.sel $0x180000  }
0x65: {  	[bflag:$0x0] =	sbarrier.arrive $0xFFFF  }
0x66: {  	p0 =	sne.s32 s0, $0x0;
	_ =	strace $0x90000047  }
0x67: {  	s0 =	sadd.s32 @!p0 $0x100000, s1;
	[bflag:$0x2] =	sbarrier.arrive $0xFFFF  }
0x68: {  	[sflag:s0] =	ssyncadd.tile.s32 @!p0 $0x1;
	_ =	shalt  }
.Lfunc_end2:
_tile_overlayer_lowered:
.L_overlay_start_2:
0x69: {  	(tag) =	ssettag $0x2  }
0x6a: {  	s0 =	rddreg [dreg:$0x0];
	s2 =	stileid.u32  }
0x6b: {  	s1 =	rddreg [dreg:$0x1];
	p0 =	sne.s32 s2, $0x0  }
0x6c: {  	s3 =	rddreg [dreg:$0x2];
	[bflag:$0x3] =	sbarrier.arrive $0xFFFF;
	s2 =	simm.s32 @!p0 $0x1C01  }
0x6d: {  	[timem:s3], [sflag:s2] =	dma.local @!p0 [hbm:s0], s1  }
0x6e: {  	s0 =	simm.s32 @!p0 $0x1  }
0x6f: {  	_ =	swait.ge @!p0 [sflag:s0], s1  }
0x70: {  	s1 =	ssub.s32 @!p0 $0x0, s1;
	[sflag:s0] =	ssyncset.done @!p0 $0x0  }
0x71: {  	[sflag:s0] =	ssyncadd.s32 @!p0 s1  }
0x72: {  	[bflag:$0x3] =	sbarrier.arrive $0xFFFF  }
0x73: {  	_ =	shalt  }

</sc_bundles>
